<compile_context>
chip_gen: v7x
topology: tpu7x:2x2x1
jax: 0.10.2.dev20260603
libtpu: 0.0.44.dev20260713+nightly
codegen_flags: <defaults>
</compile_context>

<pallas_src>
import functools

import jax
import jax.numpy as jnp
from jax import lax
from jax.experimental import pallas as pl
from jax.experimental.pallas import tpu as pltpu
from jax.experimental.pallas import tpu_sc as plsc

FEAT = 512
BATCH = 16384
NC, NS, L = 2, 16, 16
NW = NC * NS
BPW = BATCH // NW
C = 16
NCHUNK = BPW // C
NSLOT = 4
NGROUP = NCHUNK // NSLOT


def _sc_body(mu_hbm, lv_hbm, lab_hbm, fcw_hbm, out_hbm, idx_v,
             g0, m0, l0, g1, m1, l1, g2, m2, l2, g3, m3, l3,
             acc_v, sem0, sem1, sem2, sem3):
    wid = lax.axis_index("s") * NC + lax.axis_index("c")
    base = wid * BPW
    pltpu.sync_copy(lab_hbm.at[pl.ds(base, BPW)], idx_v)

    def issue(k, g, m, l, sem):
        row0 = base + k * C
        pltpu.async_copy(fcw_hbm.at[idx_v.at[pl.ds(k * C, C)]], g, sem)
        pltpu.async_copy(mu_hbm.at[pl.ds(row0, C)], m, sem)
        pltpu.async_copy(lv_hbm.at[pl.ds(row0, C)], l, sem)

    def drain(k, g, m, l, sem):
        row0 = base + k * C
        pltpu.make_async_copy(fcw_hbm.at[idx_v.at[pl.ds(k * C, C)]], g, sem).wait()
        pltpu.make_async_copy(mu_hbm.at[pl.ds(row0, C)], m, sem).wait()
        pltpu.make_async_copy(lv_hbm.at[pl.ds(row0, C)], l, sem).wait()

    def consume(g_v, mu_v, lv_v, acc):
        def row(r, acc):
            af, av = acc
            for c in range(FEAT // L):
                sl = pl.ds(c * L, L)
                g = g_v[r, sl]
                m = mu_v[r, sl]
                v = lv_v[r, sl]
                d = g - m
                af = af + (d * d) * jnp.exp(-v)
                av = av + v
            return af, av

        return lax.fori_loop(0, C, row, acc)

    slots = ((g0, m0, l0, sem0), (g1, m1, l1, sem1),
             (g2, m2, l2, sem2), (g3, m3, l3, sem3))

    for j in range(NSLOT):
        issue(j, *slots[j])

    def group(gi, acc):
        not_last = gi < NGROUP - 1
        for j in range(NSLOT):
            k = gi * NSLOT + j
            drain(k, *slots[j])
            acc = consume(*slots[j][:3], acc)

            @pl.when(not_last)
            def _(k=k, j=j):
                issue(k + NSLOT, *slots[j])

        return acc

    zero = jnp.zeros((L,), jnp.float32)
    af, av = lax.fori_loop(0, NGROUP, group, (zero, zero))

    acc_v[...] = af + av
    pltpu.sync_copy(acc_v, out_hbm.at[wid])


def kernel(mu, logvar, labels, fc_weights):
    labels = labels.astype(jnp.int32)
    mesh = plsc.VectorSubcoreMesh(
        core_axis_name="c", subcore_axis_name="s",
        num_cores=NC, num_subcores=NS)
    buf = lambda: pltpu.VMEM((C, FEAT), jnp.float32)
    partials = pl.kernel(
        _sc_body,
        out_type=jax.ShapeDtypeStruct((NW, L), jnp.float32),
        mesh=mesh,
        scratch_types=[
            pltpu.VMEM((BPW,), jnp.int32),
            buf(), buf(), buf(), buf(), buf(), buf(),
            buf(), buf(), buf(), buf(), buf(), buf(),
            pltpu.VMEM((L,), jnp.float32),
            pltpu.SemaphoreType.DMA,
            pltpu.SemaphoreType.DMA,
            pltpu.SemaphoreType.DMA,
            pltpu.SemaphoreType.DMA,
        ],
    )(mu, logvar, labels, fc_weights)
    return jnp.sum(partials) / (2.0 * BATCH)

# --- scband reference (transcript-rebuilt; emitter-appended) ---
"""Pipeline reference for scband-reg-loss-86517821214079 (READ-ONLY COPY).

The authoritative reference and input builder live on the scoring server;
editing this copy changes nothing except your own understanding.
"""

import jax, jax.numpy as jnp
import numpy as np

FEAT_DIM = 512
CLASSNUM = 85742
BATCH = 16384

def setup_inputs(seed: int = 0) -> dict:
    key = jax.random.key(seed)
    k1, k2, k3, k4 = jax.random.split(key, 4)
    mu = jax.random.normal(k1, (BATCH, FEAT_DIM), dtype=jnp.float32)
    logvar = jax.random.normal(k2, (BATCH, FEAT_DIM), dtype=jnp.float32)
    labels = jax.random.randint(k3, (BATCH,), 0, CLASSNUM, dtype=jnp.int64 if jax.config.jax_enable_x64 else jnp.int32)
    fc_weights = jax.random.normal(k4, (CLASSNUM, FEAT_DIM), dtype=jnp.float32)
    return {"mu": mu, "logvar": logvar, "labels": labels, "fc_weights": fc_weights}

def reference(mu, logvar, labels, fc_weights):
    # gather center rows for each sample's label
    centers = jnp.take(fc_weights, labels, axis=0)
    fit_loss = jnp.square(centers - mu) / (1e-10 + jnp.exp(logvar))
    reg_loss = (fit_loss + logvar) / 2.0
    reg_loss = jnp.mean(jnp.sum(reg_loss, axis=1))
    return reg_loss

if __name__ == "__main__":
    import jax
    _d = setup_inputs()
    print(jax.jit(kernel)(*tuple(_d.values())))

</pallas_src>

<mosaic_0001>
#map = affine_map<(d0, d1) -> (0, 0)>
#map1 = affine_map<(d0, d1) -> (0)>
module attributes {stable_mosaic.version = 14 : i64} {
  func.func @_sc_body(%arg0: i32, %arg1: i32, %arg2: memref<16384x512xf32, #tpu.memory_space<hbm>>, %arg3: memref<16384x512xf32, #tpu.memory_space<hbm>>, %arg4: memref<16384xi32, #tpu.memory_space<hbm>>, %arg5: memref<85742x512xf32, #tpu.memory_space<hbm>>, %arg6: memref<32x16xf32, #tpu.memory_space<hbm>>, %arg7: memref<512xi32, #tpu.memory_space<vmem>>, %arg8: memref<16x512xf32, #tpu.memory_space<vmem>>, %arg9: memref<16x512xf32, #tpu.memory_space<vmem>>, %arg10: memref<16x512xf32, #tpu.memory_space<vmem>>, %arg11: memref<16x512xf32, #tpu.memory_space<vmem>>, %arg12: memref<16x512xf32, #tpu.memory_space<vmem>>, %arg13: memref<16x512xf32, #tpu.memory_space<vmem>>, %arg14: memref<16x512xf32, #tpu.memory_space<vmem>>, %arg15: memref<16x512xf32, #tpu.memory_space<vmem>>, %arg16: memref<16x512xf32, #tpu.memory_space<vmem>>, %arg17: memref<16x512xf32, #tpu.memory_space<vmem>>, %arg18: memref<16x512xf32, #tpu.memory_space<vmem>>, %arg19: memref<16x512xf32, #tpu.memory_space<vmem>>, %arg20: memref<16xf32, #tpu.memory_space<vmem>>, %arg21: memref<!tpu.dma_semaphore, #tpu.memory_space<semaphore_mem>>, %arg22: memref<!tpu.dma_semaphore, #tpu.memory_space<semaphore_mem>>, %arg23: memref<!tpu.dma_semaphore, #tpu.memory_space<semaphore_mem>>, %arg24: memref<!tpu.dma_semaphore, #tpu.memory_space<semaphore_mem>>) attributes {dimension_semantics = [#tpu.dimension_semantics<core_parallel>, #tpu.dimension_semantics<subcore_parallel>], iteration_bounds = array<i64: 2, 16>, scalar_prefetch = 0 : i64, scratch_operands = 18 : i64, tpu.core_type = #tpu.core_type<sc_vector_subcore>, window_params = [{transform_indices = #map}, {transform_indices = #map}, {transform_indices = #map1}, {transform_indices = #map}, {transform_indices = #map}]} {
    %mul3A = arith.constant 2 : i32
    %mul3A_0 = arith.muli %arg1, %mul3A : i32
    %add3A = arith.addi %mul3A_0, %arg0 : i32
    %mul3A_1 = arith.constant 512 : i32
    %mul3A_2 = arith.muli %add3A, %mul3A_1 : i32
    "tpu.region"() ({
      %run_scoped3A = tpu.sem_alloc : memref<!tpu.dma_semaphore, #tpu.memory_space<semaphore_mem>>
      %dma_start3A_72 = tpu.memref_slice %arg4[%mul3A_2] : memref<16384xi32, #tpu.memory_space<hbm>> -> memref<512xi32, #tpu.memory_space<hbm>>
      %dma_start3A_73 = tpu.memref_slice %arg4[%mul3A_2] : memref<16384xi32, #tpu.memory_space<hbm>> -> memref<512xi32, #tpu.memory_space<hbm>>
      tpu.enqueue_dma source(%dma_start3A_73 : memref<512xi32, #tpu.memory_space<hbm>>) target(%arg7 : memref<512xi32, #tpu.memory_space<vmem>>) target_semaphore(%run_scoped3A : memref<!tpu.dma_semaphore, #tpu.memory_space<semaphore_mem>>)
      %dma_wait3A = tpu.memref_slice %arg4[%mul3A_2] : memref<16384xi32, #tpu.memory_space<hbm>> -> memref<512xi32, #tpu.memory_space<hbm>>
      %dma_wait3A_74 = tpu.memref_slice %arg4[%mul3A_2] : memref<16384xi32, #tpu.memory_space<hbm>> -> memref<512xi32, #tpu.memory_space<hbm>>
      tpu.wait_dma2 semaphore(%run_scoped3A : memref<!tpu.dma_semaphore, #tpu.memory_space<semaphore_mem>>) src(%dma_wait3A_74 : memref<512xi32, #tpu.memory_space<hbm>>) dst(%arg7 : memref<512xi32, #tpu.memory_space<vmem>>)
      tpu.yield
    }) : () -> ()
    %add3A_3 = arith.constant 0 : i32
    %add3A_4 = arith.addi %mul3A_2, %add3A_3 : i32
    %dma_start3A = arith.constant 0 : i32
    %dma_start3A_5 = tpu.memref_slice %arg7[%dma_start3A] : memref<512xi32, #tpu.memory_space<vmem>> -> memref<16xi32, #tpu.memory_space<vmem>>
    %dma_start3A_6 = arith.constant 0 : i32
    %dma_start3A_7 = arith.constant 0 : i32
    %dma_start3A_8 = tpu.memref_slice %arg5[%dma_start3A_6, %dma_start3A_7] : memref<85742x512xf32, #tpu.memory_space<hbm>> -> memref<85742x512xf32, #tpu.memory_space<hbm>>
    tpu.enqueue_indirect_dma source(%dma_start3A_8 : memref<85742x512xf32, #tpu.memory_space<hbm>>) target(%arg8 : memref<16x512xf32, #tpu.memory_space<vmem>>) offsets(%dma_start3A_5 : memref<16xi32, #tpu.memory_space<vmem>>) semaphore(%arg21 : memref<!tpu.dma_semaphore, #tpu.memory_space<semaphore_mem>>)
    %dma_start3A_9 = arith.constant 0 : i32
    %dma_start3A_10 = tpu.memref_slice %arg2[%add3A_4, %dma_start3A_9] : memref<16384x512xf32, #tpu.memory_space<hbm>> -> memref<16x512xf32, #tpu.memory_space<hbm>>
    %dma_start3A_11 = arith.constant 0 : i32
    %dma_start3A_12 = tpu.memref_slice %arg2[%add3A_4, %dma_start3A_11] : memref<16384x512xf32, #tpu.memory_space<hbm>> -> memref<16x512xf32, #tpu.memory_space<hbm>>
    tpu.enqueue_dma source(%dma_start3A_12 : memref<16x512xf32, #tpu.memory_space<hbm>>) target(%arg9 : memref<16x512xf32, #tpu.memory_space<vmem>>) target_semaphore(%arg21 : memref<!tpu.dma_semaphore, #tpu.memory_space<semaphore_mem>>)
    %dma_start3A_13 = arith.constant 0 : i32
    %dma_start3A_14 = tpu.memref_slice %arg3[%add3A_4, %dma_start3A_13] : memref<16384x512xf32, #tpu.memory_space<hbm>> -> memref<16x512xf32, #tpu.memory_space<hbm>>
    %dma_start3A_15 = arith.constant 0 : i32
    %dma_start3A_16 = tpu.memref_slice %arg3[%add3A_4, %dma_start3A_15] : memref<16384x512xf32, #tpu.memory_space<hbm>> -> memref<16x512xf32, #tpu.memory_space<hbm>>
    tpu.enqueue_dma source(%dma_start3A_16 : memref<16x512xf32, #tpu.memory_space<hbm>>) target(%arg10 : memref<16x512xf32, #tpu.memory_space<vmem>>) target_semaphore(%arg21 : memref<!tpu.dma_semaphore, #tpu.memory_space<semaphore_mem>>)
    %add3A_17 = arith.constant 16 : i32
    %add3A_18 = arith.addi %mul3A_2, %add3A_17 : i32
    %dma_start3A_19 = arith.constant 16 : i32
    %dma_start3A_20 = tpu.memref_slice %arg7[%dma_start3A_19] : memref<512xi32, #tpu.memory_space<vmem>> -> memref<16xi32, #tpu.memory_space<vmem>>
    %dma_start3A_21 = arith.constant 0 : i32
    %dma_start3A_22 = arith.constant 0 : i32
    %dma_start3A_23 = tpu.memref_slice %arg5[%dma_start3A_21, %dma_start3A_22] : memref<85742x512xf32, #tpu.memory_space<hbm>> -> memref<85742x512xf32, #tpu.memory_space<hbm>>
    tpu.enqueue_indirect_dma source(%dma_start3A_23 : memref<85742x512xf32, #tpu.memory_space<hbm>>) target(%arg11 : memref<16x512xf32, #tpu.memory_space<vmem>>) offsets(%dma_start3A_20 : memref<16xi32, #tpu.memory_space<vmem>>) semaphore(%arg22 : memref<!tpu.dma_semaphore, #tpu.memory_space<semaphore_mem>>)
    %dma_start3A_24 = arith.constant 0 : i32
    %dma_start3A_25 = tpu.memref_slice %arg2[%add3A_18, %dma_start3A_24] : memref<16384x512xf32, #tpu.memory_space<hbm>> -> memref<16x512xf32, #tpu.memory_space<hbm>>
    %dma_start3A_26 = arith.constant 0 : i32
    %dma_start3A_27 = tpu.memref_slice %arg2[%add3A_18, %dma_start3A_26] : memref<16384x512xf32, #tpu.memory_space<hbm>> -> memref<16x512xf32, #tpu.memory_space<hbm>>
    tpu.enqueue_dma source(%dma_start3A_27 : memref<16x512xf32, #tpu.memory_space<hbm>>) target(%arg12 : memref<16x512xf32, #tpu.memory_space<vmem>>) target_semaphore(%arg22 : memref<!tpu.dma_semaphore, #tpu.memory_space<semaphore_mem>>)
    %dma_start3A_28 = arith.constant 0 : i32
    %dma_start3A_29 = tpu.memref_slice %arg3[%add3A_18, %dma_start3A_28] : memref<16384x512xf32, #tpu.memory_space<hbm>> -> memref<16x512xf32, #tpu.memory_space<hbm>>
    %dma_start3A_30 = arith.constant 0 : i32
    %dma_start3A_31 = tpu.memref_slice %arg3[%add3A_18, %dma_start3A_30] : memref<16384x512xf32, #tpu.memory_space<hbm>> -> memref<16x512xf32, #tpu.memory_space<hbm>>
    tpu.enqueue_dma source(%dma_start3A_31 : memref<16x512xf32, #tpu.memory_space<hbm>>) target(%arg13 : memref<16x512xf32, #tpu.memory_space<vmem>>) target_semaphore(%arg22 : memref<!tpu.dma_semaphore, #tpu.memory_space<semaphore_mem>>)
    %add3A_32 = arith.constant 32 : i32
    %add3A_33 = arith.addi %mul3A_2, %add3A_32 : i32
    %dma_start3A_34 = arith.constant 32 : i32
    %dma_start3A_35 = tpu.memref_slice %arg7[%dma_start3A_34] : memref<512xi32, #tpu.memory_space<vmem>> -> memref<16xi32, #tpu.memory_space<vmem>>
    %dma_start3A_36 = arith.constant 0 : i32
    %dma_start3A_37 = arith.constant 0 : i32
    %dma_start3A_38 = tpu.memref_slice %arg5[%dma_start3A_36, %dma_start3A_37] : memref<85742x512xf32, #tpu.memory_space<hbm>> -> memref<85742x512xf32, #tpu.memory_space<hbm>>
    tpu.enqueue_indirect_dma source(%dma_start3A_38 : memref<85742x512xf32, #tpu.memory_space<hbm>>) target(%arg14 : memref<16x512xf32, #tpu.memory_space<vmem>>) offsets(%dma_start3A_35 : memref<16xi32, #tpu.memory_space<vmem>>) semaphore(%arg23 : memref<!tpu.dma_semaphore, #tpu.memory_space<semaphore_mem>>)
    %dma_start3A_39 = arith.constant 0 : i32
    %dma_start3A_40 = tpu.memref_slice %arg2[%add3A_33, %dma_start3A_39] : memref<16384x512xf32, #tpu.memory_space<hbm>> -> memref<16x512xf32, #tpu.memory_space<hbm>>
    %dma_start3A_41 = arith.constant 0 : i32
    %dma_start3A_42 = tpu.memref_slice %arg2[%add3A_33, %dma_start3A_41] : memref<16384x512xf32, #tpu.memory_space<hbm>> -> memref<16x512xf32, #tpu.memory_space<hbm>>
    tpu.enqueue_dma source(%dma_start3A_42 : memref<16x512xf32, #tpu.memory_space<hbm>>) target(%arg15 : memref<16x512xf32, #tpu.memory_space<vmem>>) target_semaphore(%arg23 : memref<!tpu.dma_semaphore, #tpu.memory_space<semaphore_mem>>)
    %dma_start3A_43 = arith.constant 0 : i32
    %dma_start3A_44 = tpu.memref_slice %arg3[%add3A_33, %dma_start3A_43] : memref<16384x512xf32, #tpu.memory_space<hbm>> -> memref<16x512xf32, #tpu.memory_space<hbm>>
    %dma_start3A_45 = arith.constant 0 : i32
    %dma_start3A_46 = tpu.memref_slice %arg3[%add3A_33, %dma_start3A_45] : memref<16384x512xf32, #tpu.memory_space<hbm>> -> memref<16x512xf32, #tpu.memory_space<hbm>>
    tpu.enqueue_dma source(%dma_start3A_46 : memref<16x512xf32, #tpu.memory_space<hbm>>) target(%arg16 : memref<16x512xf32, #tpu.memory_space<vmem>>) target_semaphore(%arg23 : memref<!tpu.dma_semaphore, #tpu.memory_space<semaphore_mem>>)
    %add3A_47 = arith.constant 48 : i32
    %add3A_48 = arith.addi %mul3A_2, %add3A_47 : i32
    %dma_start3A_49 = arith.constant 48 : i32
    %dma_start3A_50 = tpu.memref_slice %arg7[%dma_start3A_49] : memref<512xi32, #tpu.memory_space<vmem>> -> memref<16xi32, #tpu.memory_space<vmem>>
    %dma_start3A_51 = arith.constant 0 : i32
    %dma_start3A_52 = arith.constant 0 : i32
    %dma_start3A_53 = tpu.memref_slice %arg5[%dma_start3A_51, %dma_start3A_52] : memref<85742x512xf32, #tpu.memory_space<hbm>> -> memref<85742x512xf32, #tpu.memory_space<hbm>>
    tpu.enqueue_indirect_dma source(%dma_start3A_53 : memref<85742x512xf32, #tpu.memory_space<hbm>>) target(%arg17 : memref<16x512xf32, #tpu.memory_space<vmem>>) offsets(%dma_start3A_50 : memref<16xi32, #tpu.memory_space<vmem>>) semaphore(%arg24 : memref<!tpu.dma_semaphore, #tpu.memory_space<semaphore_mem>>)
    %dma_start3A_54 = arith.constant 0 : i32
    %dma_start3A_55 = tpu.memref_slice %arg2[%add3A_48, %dma_start3A_54] : memref<16384x512xf32, #tpu.memory_space<hbm>> -> memref<16x512xf32, #tpu.memory_space<hbm>>
    %dma_start3A_56 = arith.constant 0 : i32
    %dma_start3A_57 = tpu.memref_slice %arg2[%add3A_48, %dma_start3A_56] : memref<16384x512xf32, #tpu.memory_space<hbm>> -> memref<16x512xf32, #tpu.memory_space<hbm>>
    tpu.enqueue_dma source(%dma_start3A_57 : memref<16x512xf32, #tpu.memory_space<hbm>>) target(%arg18 : memref<16x512xf32, #tpu.memory_space<vmem>>) target_semaphore(%arg24 : memref<!tpu.dma_semaphore, #tpu.memory_space<semaphore_mem>>)
    %dma_start3A_58 = arith.constant 0 : i32
    %dma_start3A_59 = tpu.memref_slice %arg3[%add3A_48, %dma_start3A_58] : memref<16384x512xf32, #tpu.memory_space<hbm>> -> memref<16x512xf32, #tpu.memory_space<hbm>>
    %dma_start3A_60 = arith.constant 0 : i32
    %dma_start3A_61 = tpu.memref_slice %arg3[%add3A_48, %dma_start3A_60] : memref<16384x512xf32, #tpu.memory_space<hbm>> -> memref<16x512xf32, #tpu.memory_space<hbm>>
    tpu.enqueue_dma source(%dma_start3A_61 : memref<16x512xf32, #tpu.memory_space<hbm>>) target(%arg19 : memref<16x512xf32, #tpu.memory_space<vmem>>) target_semaphore(%arg24 : memref<!tpu.dma_semaphore, #tpu.memory_space<semaphore_mem>>)
    %broadcast_in_dim3A = arith.constant 0.000000e+00 : f32
    %broadcast_in_dim3A_62 = vector.broadcast %broadcast_in_dim3A : f32 to vector<16xf32>
    %scan3A = arith.constant 0 : i32
    %scan3A_63 = arith.constant 8 : i32
    %scan3A_64 = arith.addi %scan3A, %scan3A_63 : i32
    %scan3A_65 = arith.constant 1 : i32
    %scan3A_66:2 = scf.for %scan3A_72 = %scan3A to %scan3A_64 step %scan3A_65 iter_args(%scan3A_73 = %broadcast_in_dim3A_62, %scan3A_74 = %broadcast_in_dim3A_62) -> (vector<16xf32>, vector<16xf32>)  : i32 {
      %lt3A = arith.constant 7 : i32
      %lt3A_75 = arith.cmpi slt, %scan3A_72, %lt3A : i32
      %mul3A_76 = arith.constant 4 : i32
      %mul3A_77 = arith.muli %scan3A_72, %mul3A_76 : i32
      %add3A_78 = arith.constant 0 : i32
      %add3A_79 = arith.addi %mul3A_77, %add3A_78 : i32
      %mul3A_80 = arith.constant 16 : i32
      %mul3A_81 = arith.muli %add3A_79, %mul3A_80 : i32
      %add3A_82 = arith.addi %mul3A_2, %mul3A_81 : i32
      %mul3A_83 = arith.constant 16 : i32
      %mul3A_84 = arith.muli %add3A_79, %mul3A_83 : i32
      %dma_wait3A = tpu.memref_slice %arg7[%mul3A_84] : memref<512xi32, #tpu.memory_space<vmem>> -> memref<16xi32, #tpu.memory_space<vmem>>
      %dma_wait3A_85 = arith.constant 0 : i32
      %dma_wait3A_86 = arith.constant 0 : i32
      %dma_wait3A_87 = tpu.memref_slice %arg5[%dma_wait3A_85, %dma_wait3A_86] : memref<85742x512xf32, #tpu.memory_space<hbm>> -> memref<85742x512xf32, #tpu.memory_space<hbm>>
      tpu.wait_indirect_dma semaphore(%arg21 : memref<!tpu.dma_semaphore, #tpu.memory_space<semaphore_mem>>) src(%dma_wait3A_87 : memref<85742x512xf32, #tpu.memory_space<hbm>>) dst(%arg8 : memref<16x512xf32, #tpu.memory_space<vmem>>)
      %dma_wait3A_88 = arith.constant 0 : i32
      %dma_wait3A_89 = tpu.memref_slice %arg2[%add3A_82, %dma_wait3A_88] : memref<16384x512xf32, #tpu.memory_space<hbm>> -> memref<16x512xf32, #tpu.memory_space<hbm>>
      %dma_wait3A_90 = arith.constant 0 : i32
      %dma_wait3A_91 = tpu.memref_slice %arg2[%add3A_82, %dma_wait3A_90] : memref<16384x512xf32, #tpu.memory_space<hbm>> -> memref<16x512xf32, #tpu.memory_space<hbm>>
      tpu.wait_dma2 semaphore(%arg21 : memref<!tpu.dma_semaphore, #tpu.memory_space<semaphore_mem>>) src(%dma_wait3A_91 : memref<16x512xf32, #tpu.memory_space<hbm>>) dst(%arg9 : memref<16x512xf32, #tpu.memory_space<vmem>>)
      %dma_wait3A_92 = arith.constant 0 : i32
      %dma_wait3A_93 = tpu.memref_slice %arg3[%add3A_82, %dma_wait3A_92] : memref<16384x512xf32, #tpu.memory_space<hbm>> -> memref<16x512xf32, #tpu.memory_space<hbm>>
      %dma_wait3A_94 = arith.constant 0 : i32
      %dma_wait3A_95 = tpu.memref_slice %arg3[%add3A_82, %dma_wait3A_94] : memref<16384x512xf32, #tpu.memory_space<hbm>> -> memref<16x512xf32, #tpu.memory_space<hbm>>
      tpu.wait_dma2 semaphore(%arg21 : memref<!tpu.dma_semaphore, #tpu.memory_space<semaphore_mem>>) src(%dma_wait3A_95 : memref<16x512xf32, #tpu.memory_space<hbm>>) dst(%arg10 : memref<16x512xf32, #tpu.memory_space<vmem>>)
      %scan3A_96 = arith.constant 0 : i32
      %scan3A_97 = arith.constant 16 : i32
      %scan3A_98 = arith.addi %scan3A_96, %scan3A_97 : i32
      %scan3A_99 = arith.constant 1 : i32
      %scan3A_100:2 = scf.for %scan3A_193 = %scan3A_96 to %scan3A_98 step %scan3A_99 iter_args(%scan3A_194 = %scan3A_73, %scan3A_195 = %scan3A_74) -> (vector<16xf32>, vector<16xf32>)  : i32 {
        %get3A = arith.index_cast %scan3A_193 : i32 to index
        %get3A_196 = arith.constant 0 : index
        %get3A_197 = tpu.vector_load %arg8[%get3A, %get3A_196] {strides = array<i32>} : memref<16x512xf32, #tpu.memory_space<vmem>>, vector<1x16xf32>,
        %get3A_198 = vector.shape_cast %get3A_197 : vector<1x16xf32> to vector<16xf32>
        %get3A_199 = arith.index_cast %scan3A_193 : i32 to index
        %get3A_200 = arith.constant 0 : index
        %get3A_201 = tpu.vector_load %arg9[%get3A_199, %get3A_200] {strides = array<i32>} : memref<16x512xf32, #tpu.memory_space<vmem>>, vector<1x16xf32>,
        %get3A_202 = vector.shape_cast %get3A_201 : vector<1x16xf32> to vector<16xf32>
        %get3A_203 = arith.index_cast %scan3A_193 : i32 to index
        %get3A_204 = arith.constant 0 : index
        %get3A_205 = tpu.vector_load %arg10[%get3A_203, %get3A_204] {strides = array<i32>} : memref<16x512xf32, #tpu.memory_space<vmem>>, vector<1x16xf32>,
        %get3A_206 = vector.shape_cast %get3A_205 : vector<1x16xf32> to vector<16xf32>
        %sub3A = arith.subf %get3A_198, %get3A_202 : vector<16xf32>
        %mul3A_207 = arith.mulf %sub3A, %sub3A : vector<16xf32>
        %neg3A = arith.constant 0.000000e+00 : f32
        %neg3A_208 = vector.broadcast %neg3A : f32 to vector<16xf32>
        %neg3A_209 = arith.subf %neg3A_208, %get3A_206 : vector<16xf32>
        %exp3A = math.exp %neg3A_209 : vector<16xf32>
        %mul3A_210 = arith.mulf %mul3A_207, %exp3A : vector<16xf32>
        %add3A_211 = arith.addf %scan3A_194, %mul3A_210 : vector<16xf32>
        %add3A_212 = arith.addf %scan3A_195, %get3A_206 : vector<16xf32>
        %get3A_213 = arith.index_cast %scan3A_193 : i32 to index
        %get3A_214 = arith.constant 16 : index
        %get3A_215 = tpu.vector_load %arg8[%get3A_213, %get3A_214] {strides = array<i32>} : memref<16x512xf32, #tpu.memory_space<vmem>>, vector<1x16xf32>,
        %get3A_216 = vector.shape_cast %get3A_215 : vector<1x16xf32> to vector<16xf32>
        %get3A_217 = arith.index_cast %scan3A_193 : i32 to index
        %get3A_218 = arith.constant 16 : index
        %get3A_219 = tpu.vector_load %arg9[%get3A_217, %get3A_218] {strides = array<i32>} : memref<16x512xf32, #tpu.memory_space<vmem>>, vector<1x16xf32>,
        %get3A_220 = vector.shape_cast %get3A_219 : vector<1x16xf32> to vector<16xf32>
        %get3A_221 = arith.index_cast %scan3A_193 : i32 to index
        %get3A_222 = arith.constant 16 : index
        %get3A_223 = tpu.vector_load %arg10[%get3A_221, %get3A_222] {strides = array<i32>} : memref<16x512xf32, #tpu.memory_space<vmem>>, vector<1x16xf32>,
        %get3A_224 = vector.shape_cast %get3A_223 : vector<1x16xf32> to vector<16xf32>
        %sub3A_225 = arith.subf %get3A_216, %get3A_220 : vector<16xf32>
        %mul3A_226 = arith.mulf %sub3A_225, %sub3A_225 : vector<16xf32>
        %neg3A_227 = arith.constant 0.000000e+00 : f32
        %neg3A_228 = vector.broadcast %neg3A_227 : f32 to vector<16xf32>
        %neg3A_229 = arith.subf %neg3A_228, %get3A_224 : vector<16xf32>
        %exp3A_230 = math.exp %neg3A_229 : vector<16xf32>
        %mul3A_231 = arith.mulf %mul3A_226, %exp3A_230 : vector<16xf32>
        %add3A_232 = arith.addf %add3A_211, %mul3A_231 : vector<16xf32>
        %add3A_233 = arith.addf %add3A_212, %get3A_224 : vector<16xf32>
        %get3A_234 = arith.index_cast %scan3A_193 : i32 to index
        %get3A_235 = arith.constant 32 : index
        %get3A_236 = tpu.vector_load %arg8[%get3A_234, %get3A_235] {strides = array<i32>} : memref<16x512xf32, #tpu.memory_space<vmem>>, vector<1x16xf32>,
        %get3A_237 = vector.shape_cast %get3A_236 : vector<1x16xf32> to vector<16xf32>
        %get3A_238 = arith.index_cast %scan3A_193 : i32 to index
        %get3A_239 = arith.constant 32 : index
        %get3A_240 = tpu.vector_load %arg9[%get3A_238, %get3A_239] {strides = array<i32>} : memref<16x512xf32, #tpu.memory_space<vmem>>, vector<1x16xf32>,
        %get3A_241 = vector.shape_cast %get3A_240 : vector<1x16xf32> to vector<16xf32>
        %get3A_242 = arith.index_cast %scan3A_193 : i32 to index
        %get3A_243 = arith.constant 32 : index
        %get3A_244 = tpu.vector_load %arg10[%get3A_242, %get3A_243] {strides = array<i32>} : memref<16x512xf32, #tpu.memory_space<vmem>>, vector<1x16xf32>,
        %get3A_245 = vector.shape_cast %get3A_244 : vector<1x16xf32> to vector<16xf32>
        %sub3A_246 = arith.subf %get3A_237, %get3A_241 : vector<16xf32>
        %mul3A_247 = arith.mulf %sub3A_246, %sub3A_246 : vector<16xf32>
        %neg3A_248 = arith.constant 0.000000e+00 : f32
        %neg3A_249 = vector.broadcast %neg3A_248 : f32 to vector<16xf32>
        %neg3A_250 = arith.subf %neg3A_249, %get3A_245 : vector<16xf32>
        %exp3A_251 = math.exp %neg3A_250 : vector<16xf32>
        %mul3A_252 = arith.mulf %mul3A_247, %exp3A_251 : vector<16xf32>
        %add3A_253 = arith.addf %add3A_232, %mul3A_252 : vector<16xf32>
        %add3A_254 = arith.addf %add3A_233, %get3A_245 : vector<16xf32>
        %get3A_255 = arith.index_cast %scan3A_193 : i32 to index
        %get3A_256 = arith.constant 48 : index
        %get3A_257 = tpu.vector_load %arg8[%get3A_255, %get3A_256] {strides = array<i32>} : memref<16x512xf32, #tpu.memory_space<vmem>>, vector<1x16xf32>,
        %get3A_258 = vector.shape_cast %get3A_257 : vector<1x16xf32> to vector<16xf32>
        %get3A_259 = arith.index_cast %scan3A_193 : i32 to index
        %get3A_260 = arith.constant 48 : index
        %get3A_261 = tpu.vector_load %arg9[%get3A_259, %get3A_260] {strides = array<i32>} : memref<16x512xf32, #tpu.memory_space<vmem>>, vector<1x16xf32>,
        %get3A_262 = vector.shape_cast %get3A_261 : vector<1x16xf32> to vector<16xf32>
        %get3A_263 = arith.index_cast %scan3A_193 : i32 to index
        %get3A_264 = arith.constant 48 : index
        %get3A_265 = tpu.vector_load %arg10[%get3A_263, %get3A_264] {strides = array<i32>} : memref<16x512xf32, #tpu.memory_space<vmem>>, vector<1x16xf32>,
        %get3A_266 = vector.shape_cast %get3A_265 : vector<1x16xf32> to vector<16xf32>
        %sub3A_267 = arith.subf %get3A_258, %get3A_262 : vector<16xf32>
        %mul3A_268 = arith.mulf %sub3A_267, %sub3A_267 : vector<16xf32>
        %neg3A_269 = arith.constant 0.000000e+00 : f32
        %neg3A_270 = vector.broadcast %neg3A_269 : f32 to vector<16xf32>
        %neg3A_271 = arith.subf %neg3A_270, %get3A_266 : vector<16xf32>
        %exp3A_272 = math.exp %neg3A_271 : vector<16xf32>
        %mul3A_273 = arith.mulf %mul3A_268, %exp3A_272 : vector<16xf32>
        %add3A_274 = arith.addf %add3A_253, %mul3A_273 : vector<16xf32>
        %add3A_275 = arith.addf %add3A_254, %get3A_266 : vector<16xf32>
        %get3A_276 = arith.index_cast %scan3A_193 : i32 to index
        %get3A_277 = arith.constant 64 : index
        %get3A_278 = tpu.vector_load %arg8[%get3A_276, %get3A_277] {strides = array<i32>} : memref<16x512xf32, #tpu.memory_space<vmem>>, vector<1x16xf32>,
        %get3A_279 = vector.shape_cast %get3A_278 : vector<1x16xf32> to vector<16xf32>
        %get3A_280 = arith.index_cast %scan3A_193 : i32 to index
        %get3A_281 = arith.constant 64 : index
        %get3A_282 = tpu.vector_load %arg9[%get3A_280, %get3A_281] {strides = array<i32>} : memref<16x512xf32, #tpu.memory_space<vmem>>, vector<1x16xf32>,
        %get3A_283 = vector.shape_cast %get3A_282 : vector<1x16xf32> to vector<16xf32>
        %get3A_284 = arith.index_cast %scan3A_193 : i32 to index
        %get3A_285 = arith.constant 64 : index
        %get3A_286 = tpu.vector_load %arg10[%get3A_284, %get3A_285] {strides = array<i32>} : memref<16x512xf32, #tpu.memory_space<vmem>>, vector<1x16xf32>,
        %get3A_287 = vector.shape_cast %get3A_286 : vector<1x16xf32> to vector<16xf32>
        %sub3A_288 = arith.subf %get3A_279, %get3A_283 : vector<16xf32>
        %mul3A_289 = arith.mulf %sub3A_288, %sub3A_288 : vector<16xf32>
        %neg3A_290 = arith.constant 0.000000e+00 : f32
        %neg3A_291 = vector.broadcast %neg3A_290 : f32 to vector<16xf32>
        %neg3A_292 = arith.subf %neg3A_291, %get3A_287 : vector<16xf32>
        %exp3A_293 = math.exp %neg3A_292 : vector<16xf32>
        %mul3A_294 = arith.mulf %mul3A_289, %exp3A_293 : vector<16xf32>
        %add3A_295 = arith.addf %add3A_274, %mul3A_294 : vector<16xf32>
        %add3A_296 = arith.addf %add3A_275, %get3A_287 : vector<16xf32>
        %get3A_297 = arith.index_cast %scan3A_193 : i32 to index
        %get3A_298 = arith.constant 80 : index
        %get3A_299 = tpu.vector_load %arg8[%get3A_297, %get3A_298] {strides = array<i32>} : memref<16x512xf32, #tpu.memory_space<vmem>>, vector<1x16xf32>,
        %get3A_300 = vector.shape_cast %get3A_299 : vector<1x16xf32> to vector<16xf32>
        %get3A_301 = arith.index_cast %scan3A_193 : i32 to index
        %get3A_302 = arith.constant 80 : index
        %get3A_303 = tpu.vector_load %arg9[%get3A_301, %get3A_302] {strides = array<i32>} : memref<16x512xf32, #tpu.memory_space<vmem>>, vector<1x16xf32>,
        %get3A_304 = vector.shape_cast %get3A_303 : vector<1x16xf32> to vector<16xf32>
        %get3A_305 = arith.index_cast %scan3A_193 : i32 to index
        %get3A_306 = arith.constant 80 : index
        %get3A_307 = tpu.vector_load %arg10[%get3A_305, %get3A_306] {strides = array<i32>} : memref<16x512xf32, #tpu.memory_space<vmem>>, vector<1x16xf32>,
        %get3A_308 = vector.shape_cast %get3A_307 : vector<1x16xf32> to vector<16xf32>
        %sub3A_309 = arith.subf %get3A_300, %get3A_304 : vector<16xf32>
        %mul3A_310 = arith.mulf %sub3A_309, %sub3A_309 : vector<16xf32>
        %neg3A_311 = arith.constant 0.000000e+00 : f32
        %neg3A_312 = vector.broadcast %neg3A_311 : f32 to vector<16xf32>
        %neg3A_313 = arith.subf %neg3A_312, %get3A_308 : vector<16xf32>
        %exp3A_314 = math.exp %neg3A_313 : vector<16xf32>
        %mul3A_315 = arith.mulf %mul3A_310, %exp3A_314 : vector<16xf32>
        %add3A_316 = arith.addf %add3A_295, %mul3A_315 : vector<16xf32>
        %add3A_317 = arith.addf %add3A_296, %get3A_308 : vector<16xf32>
        %get3A_318 = arith.index_cast %scan3A_193 : i32 to index
        %get3A_319 = arith.constant 96 : index
        %get3A_320 = tpu.vector_load %arg8[%get3A_318, %get3A_319] {strides = array<i32>} : memref<16x512xf32, #tpu.memory_space<vmem>>, vector<1x16xf32>,
        %get3A_321 = vector.shape_cast %get3A_320 : vector<1x16xf32> to vector<16xf32>
        %get3A_322 = arith.index_cast %scan3A_193 : i32 to index
        %get3A_323 = arith.constant 96 : index
        %get3A_324 = tpu.vector_load %arg9[%get3A_322, %get3A_323] {strides = array<i32>} : memref<16x512xf32, #tpu.memory_space<vmem>>, vector<1x16xf32>,
        %get3A_325 = vector.shape_cast %get3A_324 : vector<1x16xf32> to vector<16xf32>
        %get3A_326 = arith.index_cast %scan3A_193 : i32 to index
        %get3A_327 = arith.constant 96 : index
        %get3A_328 = tpu.vector_load %arg10[%get3A_326, %get3A_327] {strides = array<i32>} : memref<16x512xf32, #tpu.memory_space<vmem>>, vector<1x16xf32>,
        %get3A_329 = vector.shape_cast %get3A_328 : vector<1x16xf32> to vector<16xf32>
        %sub3A_330 = arith.subf %get3A_321, %get3A_325 : vector<16xf32>
        %mul3A_331 = arith.mulf %sub3A_330, %sub3A_330 : vector<16xf32>
        %neg3A_332 = arith.constant 0.000000e+00 : f32
        %neg3A_333 = vector.broadcast %neg3A_332 : f32 to vector<16xf32>
        %neg3A_334 = arith.subf %neg3A_333, %get3A_329 : vector<16xf32>
        %exp3A_335 = math.exp %neg3A_334 : vector<16xf32>
        %mul3A_336 = arith.mulf %mul3A_331, %exp3A_335 : vector<16xf32>
        %add3A_337 = arith.addf %add3A_316, %mul3A_336 : vector<16xf32>
        %add3A_338 = arith.addf %add3A_317, %get3A_329 : vector<16xf32>
        %get3A_339 = arith.index_cast %scan3A_193 : i32 to index
        %get3A_340 = arith.constant 112 : index
        %get3A_341 = tpu.vector_load %arg8[%get3A_339, %get3A_340] {strides = array<i32>} : memref<16x512xf32, #tpu.memory_space<vmem>>, vector<1x16xf32>,
        %get3A_342 = vector.shape_cast %get3A_341 : vector<1x16xf32> to vector<16xf32>
        %get3A_343 = arith.index_cast %scan3A_193 : i32 to index
        %get3A_344 = arith.constant 112 : index
        %get3A_345 = tpu.vector_load %arg9[%get3A_343, %get3A_344] {strides = array<i32>} : memref<16x512xf32, #tpu.memory_space<vmem>>, vector<1x16xf32>,
        %get3A_346 = vector.shape_cast %get3A_345 : vector<1x16xf32> to vector<16xf32>
        %get3A_347 = arith.index_cast %scan3A_193 : i32 to index
        %get3A_348 = arith.constant 112 : index
        %get3A_349 = tpu.vector_load %arg10[%get3A_347, %get3A_348] {strides = array<i32>} : memref<16x512xf32, #tpu.memory_space<vmem>>, vector<1x16xf32>,
        %get3A_350 = vector.shape_cast %get3A_349 : vector<1x16xf32> to vector<16xf32>
        %sub3A_351 = arith.subf %get3A_342, %get3A_346 : vector<16xf32>
        %mul3A_352 = arith.mulf %sub3A_351, %sub3A_351 : vector<16xf32>
        %neg3A_353 = arith.constant 0.000000e+00 : f32
        %neg3A_354 = vector.broadcast %neg3A_353 : f32 to vector<16xf32>
        %neg3A_355 = arith.subf %neg3A_354, %get3A_350 : vector<16xf32>
        %exp3A_356 = math.exp %neg3A_355 : vector<16xf32>
        %mul3A_357 = arith.mulf %mul3A_352, %exp3A_356 : vector<16xf32>
        %add3A_358 = arith.addf %add3A_337, %mul3A_357 : vector<16xf32>
        %add3A_359 = arith.addf %add3A_338, %get3A_350 : vector<16xf32>
        %get3A_360 = arith.index_cast %scan3A_193 : i32 to index
        %get3A_361 = arith.constant 128 : index
        %get3A_362 = tpu.vector_load %arg8[%get3A_360, %get3A_361] {strides = array<i32>} : memref<16x512xf32, #tpu.memory_space<vmem>>, vector<1x16xf32>,
        %get3A_363 = vector.shape_cast %get3A_362 : vector<1x16xf32> to vector<16xf32>
        %get3A_364 = arith.index_cast %scan3A_193 : i32 to index
        %get3A_365 = arith.constant 128 : index
        %get3A_366 = tpu.vector_load %arg9[%get3A_364, %get3A_365] {strides = array<i32>} : memref<16x512xf32, #tpu.memory_space<vmem>>, vector<1x16xf32>,
        %get3A_367 = vector.shape_cast %get3A_366 : vector<1x16xf32> to vector<16xf32>
        %get3A_368 = arith.index_cast %scan3A_193 : i32 to index
        %get3A_369 = arith.constant 128 : index
        %get3A_370 = tpu.vector_load %arg10[%get3A_368, %get3A_369] {strides = array<i32>} : memref<16x512xf32, #tpu.memory_space<vmem>>, vector<1x16xf32>,
        %get3A_371 = vector.shape_cast %get3A_370 : vector<1x16xf32> to vector<16xf32>
        %sub3A_372 = arith.subf %get3A_363, %get3A_367 : vector<16xf32>
        %mul3A_373 = arith.mulf %sub3A_372, %sub3A_372 : vector<16xf32>
        %neg3A_374 = arith.constant 0.000000e+00 : f32
        %neg3A_375 = vector.broadcast %neg3A_374 : f32 to vector<16xf32>
        %neg3A_376 = arith.subf %neg3A_375, %get3A_371 : vector<16xf32>
        %exp3A_377 = math.exp %neg3A_376 : vector<16xf32>
        %mul3A_378 = arith.mulf %mul3A_373, %exp3A_377 : vector<16xf32>
        %add3A_379 = arith.addf %add3A_358, %mul3A_378 : vector<16xf32>
        %add3A_380 = arith.addf %add3A_359, %get3A_371 : vector<16xf32>
        %get3A_381 = arith.index_cast %scan3A_193 : i32 to index
        %get3A_382 = arith.constant 144 : index
        %get3A_383 = tpu.vector_load %arg8[%get3A_381, %get3A_382] {strides = array<i32>} : memref<16x512xf32, #tpu.memory_space<vmem>>, vector<1x16xf32>,
        %get3A_384 = vector.shape_cast %get3A_383 : vector<1x16xf32> to vector<16xf32>
        %get3A_385 = arith.index_cast %scan3A_193 : i32 to index
        %get3A_386 = arith.constant 144 : index
        %get3A_387 = tpu.vector_load %arg9[%get3A_385, %get3A_386] {strides = array<i32>} : memref<16x512xf32, #tpu.memory_space<vmem>>, vector<1x16xf32>,
        %get3A_388 = vector.shape_cast %get3A_387 : vector<1x16xf32> to vector<16xf32>
        %get3A_389 = arith.index_cast %scan3A_193 : i32 to index
        %get3A_390 = arith.constant 144 : index
        %get3A_391 = tpu.vector_load %arg10[%get3A_389, %get3A_390] {strides = array<i32>} : memref<16x512xf32, #tpu.memory_space<vmem>>, vector<1x16xf32>,
        %get3A_392 = vector.shape_cast %get3A_391 : vector<1x16xf32> to vector<16xf32>
        %sub3A_393 = arith.subf %get3A_384, %get3A_388 : vector<16xf32>
        %mul3A_394 = arith.mulf %sub3A_393, %sub3A_393 : vector<16xf32>
        %neg3A_395 = arith.constant 0.000000e+00 : f32
        %neg3A_396 = vector.broadcast %neg3A_395 : f32 to vector<16xf32>
        %neg3A_397 = arith.subf %neg3A_396, %get3A_392 : vector<16xf32>
        %exp3A_398 = math.exp %neg3A_397 : vector<16xf32>
        %mul3A_399 = arith.mulf %mul3A_394, %exp3A_398 : vector<16xf32>
        %add3A_400 = arith.addf %add3A_379, %mul3A_399 : vector<16xf32>
        %add3A_401 = arith.addf %add3A_380, %get3A_392 : vector<16xf32>
        %get3A_402 = arith.index_cast %scan3A_193 : i32 to index
        %get3A_403 = arith.constant 160 : index
        %get3A_404 = tpu.vector_load %arg8[%get3A_402, %get3A_403] {strides = array<i32>} : memref<16x512xf32, #tpu.memory_space<vmem>>, vector<1x16xf32>,
        %get3A_405 = vector.shape_cast %get3A_404 : vector<1x16xf32> to vector<16xf32>
        %get3A_406 = arith.index_cast %scan3A_193 : i32 to index
        %get3A_407 = arith.constant 160 : index
        %get3A_408 = tpu.vector_load %arg9[%get3A_406, %get3A_407] {strides = array<i32>} : memref<16x512xf32, #tpu.memory_space<vmem>>, vector<1x16xf32>,
        %get3A_409 = vector.shape_cast %get3A_408 : vector<1x16xf32> to vector<16xf32>
        %get3A_410 = arith.index_cast %scan3A_193 : i32 to index
        %get3A_411 = arith.constant 160 : index
        %get3A_412 = tpu.vector_load %arg10[%get3A_410, %get3A_411] {strides = array<i32>} : memref<16x512xf32, #tpu.memory_space<vmem>>, vector<1x16xf32>,
        %get3A_413 = vector.shape_cast %get3A_412 : vector<1x16xf32> to vector<16xf32>
        %sub3A_414 = arith.subf %get3A_405, %get3A_409 : vector<16xf32>
        %mul3A_415 = arith.mulf %sub3A_414, %sub3A_414 : vector<16xf32>
        %neg3A_416 = arith.constant 0.000000e+00 : f32
        %neg3A_417 = vector.broadcast %neg3A_416 : f32 to vector<16xf32>
        %neg3A_418 = arith.subf %neg3A_417, %get3A_413 : vector<16xf32>
        %exp3A_419 = math.exp %neg3A_418 : vector<16xf32>
        %mul3A_420 = arith.mulf %mul3A_415, %exp3A_419 : vector<16xf32>
        %add3A_421 = arith.addf %add3A_400, %mul3A_420 : vector<16xf32>
        %add3A_422 = arith.addf %add3A_401, %get3A_413 : vector<16xf32>
        %get3A_423 = arith.index_cast %scan3A_193 : i32 to index
        %get3A_424 = arith.constant 176 : index
        %get3A_425 = tpu.vector_load %arg8[%get3A_423, %get3A_424] {strides = array<i32>} : memref<16x512xf32, #tpu.memory_space<vmem>>, vector<1x16xf32>,
        %get3A_426 = vector.shape_cast %get3A_425 : vector<1x16xf32> to vector<16xf32>
        %get3A_427 = arith.index_cast %scan3A_193 : i32 to index
        %get3A_428 = arith.constant 176 : index
        %get3A_429 = tpu.vector_load %arg9[%get3A_427, %get3A_428] {strides = array<i32>} : memref<16x512xf32, #tpu.memory_space<vmem>>, vector<1x16xf32>,
        %get3A_430 = vector.shape_cast %get3A_429 : vector<1x16xf32> to vector<16xf32>
        %get3A_431 = arith.index_cast %scan3A_193 : i32 to index
        %get3A_432 = arith.constant 176 : index
        %get3A_433 = tpu.vector_load %arg10[%get3A_431, %get3A_432] {strides = array<i32>} : memref<16x512xf32, #tpu.memory_space<vmem>>, vector<1x16xf32>,
        %get3A_434 = vector.shape_cast %get3A_433 : vector<1x16xf32> to vector<16xf32>
        %sub3A_435 = arith.subf %get3A_426, %get3A_430 : vector<16xf32>
        %mul3A_436 = arith.mulf %sub3A_435, %sub3A_435 : vector<16xf32>
        %neg3A_437 = arith.constant 0.000000e+00 : f32
        %neg3A_438 = vector.broadcast %neg3A_437 : f32 to vector<16xf32>
        %neg3A_439 = arith.subf %neg3A_438, %get3A_434 : vector<16xf32>
        %exp3A_440 = math.exp %neg3A_439 : vector<16xf32>
        %mul3A_441 = arith.mulf %mul3A_436, %exp3A_440 : vector<16xf32>
        %add3A_442 = arith.addf %add3A_421, %mul3A_441 : vector<16xf32>
        %add3A_443 = arith.addf %add3A_422, %get3A_434 : vector<16xf32>
        %get3A_444 = arith.index_cast %scan3A_193 : i32 to index
        %get3A_445 = arith.constant 192 : index
        %get3A_446 = tpu.vector_load %arg8[%get3A_444, %get3A_445] {strides = array<i32>} : memref<16x512xf32, #tpu.memory_space<vmem>>, vector<1x16xf32>,
        %get3A_447 = vector.shape_cast %get3A_446 : vector<1x16xf32> to vector<16xf32>
        %get3A_448 = arith.index_cast %scan3A_193 : i32 to index
        %get3A_449 = arith.constant 192 : index
        %get3A_450 = tpu.vector_load %arg9[%get3A_448, %get3A_449] {strides = array<i32>} : memref<16x512xf32, #tpu.memory_space<vmem>>, vector<1x16xf32>,
        %get3A_451 = vector.shape_cast %get3A_450 : vector<1x16xf32> to vector<16xf32>
        %get3A_452 = arith.index_cast %scan3A_193 : i32 to index
        %get3A_453 = arith.constant 192 : index
        %get3A_454 = tpu.vector_load %arg10[%get3A_452, %get3A_453] {strides = array<i32>} : memref<16x512xf32, #tpu.memory_space<vmem>>, vector<1x16xf32>,
        %get3A_455 = vector.shape_cast %get3A_454 : vector<1x16xf32> to vector<16xf32>
        %sub3A_456 = arith.subf %get3A_447, %get3A_451 : vector<16xf32>
        %mul3A_457 = arith.mulf %sub3A_456, %sub3A_456 : vector<16xf32>
        %neg3A_458 = arith.constant 0.000000e+00 : f32
        %neg3A_459 = vector.broadcast %neg3A_458 : f32 to vector<16xf32>
        %neg3A_460 = arith.subf %neg3A_459, %get3A_455 : vector<16xf32>
        %exp3A_461 = math.exp %neg3A_460 : vector<16xf32>
        %mul3A_462 = arith.mulf %mul3A_457, %exp3A_461 : vector<16xf32>
        %add3A_463 = arith.addf %add3A_442, %mul3A_462 : vector<16xf32>
        %add3A_464 = arith.addf %add3A_443, %get3A_455 : vector<16xf32>
        %get3A_465 = arith.index_cast %scan3A_193 : i32 to index
        %get3A_466 = arith.constant 208 : index
        %get3A_467 = tpu.vector_load %arg8[%get3A_465, %get3A_466] {strides = array<i32>} : memref<16x512xf32, #tpu.memory_space<vmem>>, vector<1x16xf32>,
        %get3A_468 = vector.shape_cast %get3A_467 : vector<1x16xf32> to vector<16xf32>
        %get3A_469 = arith.index_cast %scan3A_193 : i32 to index
        %get3A_470 = arith.constant 208 : index
        %get3A_471 = tpu.vector_load %arg9[%get3A_469, %get3A_470] {strides = array<i32>} : memref<16x512xf32, #tpu.memory_space<vmem>>, vector<1x16xf32>,
        %get3A_472 = vector.shape_cast %get3A_471 : vector<1x16xf32> to vector<16xf32>
        %get3A_473 = arith.index_cast %scan3A_193 : i32 to index
        %get3A_474 = arith.constant 208 : index
        %get3A_475 = tpu.vector_load %arg10[%get3A_473, %get3A_474] {strides = array<i32>} : memref<16x512xf32, #tpu.memory_space<vmem>>, vector<1x16xf32>,
        %get3A_476 = vector.shape_cast %get3A_475 : vector<1x16xf32> to vector<16xf32>
        %sub3A_477 = arith.subf %get3A_468, %get3A_472 : vector<16xf32>
        %mul3A_478 = arith.mulf %sub3A_477, %sub3A_477 : vector<16xf32>
        %neg3A_479 = arith.constant 0.000000e+00 : f32
        %neg3A_480 = vector.broadcast %neg3A_479 : f32 to vector<16xf32>
        %neg3A_481 = arith.subf %neg3A_480, %get3A_476 : vector<16xf32>
        %exp3A_482 = math.exp %neg3A_481 : vector<16xf32>
        %mul3A_483 = arith.mulf %mul3A_478, %exp3A_482 : vector<16xf32>
        %add3A_484 = arith.addf %add3A_463, %mul3A_483 : vector<16xf32>
        %add3A_485 = arith.addf %add3A_464, %get3A_476 : vector<16xf32>
        %get3A_486 = arith.index_cast %scan3A_193 : i32 to index
        %get3A_487 = arith.constant 224 : index
        %get3A_488 = tpu.vector_load %arg8[%get3A_486, %get3A_487] {strides = array<i32>} : memref<16x512xf32, #tpu.memory_space<vmem>>, vector<1x16xf32>,
        %get3A_489 = vector.shape_cast %get3A_488 : vector<1x16xf32> to vector<16xf32>
        %get3A_490 = arith.index_cast %scan3A_193 : i32 to index
        %get3A_491 = arith.constant 224 : index
        %get3A_492 = tpu.vector_load %arg9[%get3A_490, %get3A_491] {strides = array<i32>} : memref<16x512xf32, #tpu.memory_space<vmem>>, vector<1x16xf32>,
        %get3A_493 = vector.shape_cast %get3A_492 : vector<1x16xf32> to vector<16xf32>
        %get3A_494 = arith.index_cast %scan3A_193 : i32 to index
        %get3A_495 = arith.constant 224 : index
        %get3A_496 = tpu.vector_load %arg10[%get3A_494, %get3A_495] {strides = array<i32>} : memref<16x512xf32, #tpu.memory_space<vmem>>, vector<1x16xf32>,
        %get3A_497 = vector.shape_cast %get3A_496 : vector<1x16xf32> to vector<16xf32>
        %sub3A_498 = arith.subf %get3A_489, %get3A_493 : vector<16xf32>
        %mul3A_499 = arith.mulf %sub3A_498, %sub3A_498 : vector<16xf32>
        %neg3A_500 = arith.constant 0.000000e+00 : f32
        %neg3A_501 = vector.broadcast %neg3A_500 : f32 to vector<16xf32>
        %neg3A_502 = arith.subf %neg3A_501, %get3A_497 : vector<16xf32>
        %exp3A_503 = math.exp %neg3A_502 : vector<16xf32>
        %mul3A_504 = arith.mulf %mul3A_499, %exp3A_503 : vector<16xf32>
        %add3A_505 = arith.addf %add3A_484, %mul3A_504 : vector<16xf32>
        %add3A_506 = arith.addf %add3A_485, %get3A_497 : vector<16xf32>
        %get3A_507 = arith.index_cast %scan3A_193 : i32 to index
        %get3A_508 = arith.constant 240 : index
        %get3A_509 = tpu.vector_load %arg8[%get3A_507, %get3A_508] {strides = array<i32>} : memref<16x512xf32, #tpu.memory_space<vmem>>, vector<1x16xf32>,
        %get3A_510 = vector.shape_cast %get3A_509 : vector<1x16xf32> to vector<16xf32>
        %get3A_511 = arith.index_cast %scan3A_193 : i32 to index
        %get3A_512 = arith.constant 240 : index
        %get3A_513 = tpu.vector_load %arg9[%get3A_511, %get3A_512] {strides = array<i32>} : memref<16x512xf32, #tpu.memory_space<vmem>>, vector<1x16xf32>,
        %get3A_514 = vector.shape_cast %get3A_513 : vector<1x16xf32> to vector<16xf32>
        %get3A_515 = arith.index_cast %scan3A_193 : i32 to index
        %get3A_516 = arith.constant 240 : index
        %get3A_517 = tpu.vector_load %arg10[%get3A_515, %get3A_516] {strides = array<i32>} : memref<16x512xf32, #tpu.memory_space<vmem>>, vector<1x16xf32>,
        %get3A_518 = vector.shape_cast %get3A_517 : vector<1x16xf32> to vector<16xf32>
        %sub3A_519 = arith.subf %get3A_510, %get3A_514 : vector<16xf32>
        %mul3A_520 = arith.mulf %sub3A_519, %sub3A_519 : vector<16xf32>
        %neg3A_521 = arith.constant 0.000000e+00 : f32
        %neg3A_522 = vector.broadcast %neg3A_521 : f32 to vector<16xf32>
        %neg3A_523 = arith.subf %neg3A_522, %get3A_518 : vector<16xf32>
        %exp3A_524 = math.exp %neg3A_523 : vector<16xf32>
        %mul3A_525 = arith.mulf %mul3A_520, %exp3A_524 : vector<16xf32>
        %add3A_526 = arith.addf %add3A_505, %mul3A_525 : vector<16xf32>
        %add3A_527 = arith.addf %add3A_506, %get3A_518 : vector<16xf32>
        %get3A_528 = arith.index_cast %scan3A_193 : i32 to index
        %get3A_529 = arith.constant 256 : index
        %get3A_530 = tpu.vector_load %arg8[%get3A_528, %get3A_529] {strides = array<i32>} : memref<16x512xf32, #tpu.memory_space<vmem>>, vector<1x16xf32>,
        %get3A_531 = vector.shape_cast %get3A_530 : vector<1x16xf32> to vector<16xf32>
        %get3A_532 = arith.index_cast %scan3A_193 : i32 to index
        %get3A_533 = arith.constant 256 : index
        %get3A_534 = tpu.vector_load %arg9[%get3A_532, %get3A_533] {strides = array<i32>} : memref<16x512xf32, #tpu.memory_space<vmem>>, vector<1x16xf32>,
        %get3A_535 = vector.shape_cast %get3A_534 : vector<1x16xf32> to vector<16xf32>
        %get3A_536 = arith.index_cast %scan3A_193 : i32 to index
        %get3A_537 = arith.constant 256 : index
        %get3A_538 = tpu.vector_load %arg10[%get3A_536, %get3A_537] {strides = array<i32>} : memref<16x512xf32, #tpu.memory_space<vmem>>, vector<1x16xf32>,
        %get3A_539 = vector.shape_cast %get3A_538 : vector<1x16xf32> to vector<16xf32>
        %sub3A_540 = arith.subf %get3A_531, %get3A_535 : vector<16xf32>
        %mul3A_541 = arith.mulf %sub3A_540, %sub3A_540 : vector<16xf32>
        %neg3A_542 = arith.constant 0.000000e+00 : f32
        %neg3A_543 = vector.broadcast %neg3A_542 : f32 to vector<16xf32>
        %neg3A_544 = arith.subf %neg3A_543, %get3A_539 : vector<16xf32>
        %exp3A_545 = math.exp %neg3A_544 : vector<16xf32>
        %mul3A_546 = arith.mulf %mul3A_541, %exp3A_545 : vector<16xf32>
        %add3A_547 = arith.addf %add3A_526, %mul3A_546 : vector<16xf32>
        %add3A_548 = arith.addf %add3A_527, %get3A_539 : vector<16xf32>
        %get3A_549 = arith.index_cast %scan3A_193 : i32 to index
        %get3A_550 = arith.constant 272 : index
        %get3A_551 = tpu.vector_load %arg8[%get3A_549, %get3A_550] {strides = array<i32>} : memref<16x512xf32, #tpu.memory_space<vmem>>, vector<1x16xf32>,
        %get3A_552 = vector.shape_cast %get3A_551 : vector<1x16xf32> to vector<16xf32>
        %get3A_553 = arith.index_cast %scan3A_193 : i32 to index
        %get3A_554 = arith.constant 272 : index
        %get3A_555 = tpu.vector_load %arg9[%get3A_553, %get3A_554] {strides = array<i32>} : memref<16x512xf32, #tpu.memory_space<vmem>>, vector<1x16xf32>,
        %get3A_556 = vector.shape_cast %get3A_555 : vector<1x16xf32> to vector<16xf32>
        %get3A_557 = arith.index_cast %scan3A_193 : i32 to index
        %get3A_558 = arith.constant 272 : index
        %get3A_559 = tpu.vector_load %arg10[%get3A_557, %get3A_558] {strides = array<i32>} : memref<16x512xf32, #tpu.memory_space<vmem>>, vector<1x16xf32>,
        %get3A_560 = vector.shape_cast %get3A_559 : vector<1x16xf32> to vector<16xf32>
        %sub3A_561 = arith.subf %get3A_552, %get3A_556 : vector<16xf32>
        %mul3A_562 = arith.mulf %sub3A_561, %sub3A_561 : vector<16xf32>
        %neg3A_563 = arith.constant 0.000000e+00 : f32
        %neg3A_564 = vector.broadcast %neg3A_563 : f32 to vector<16xf32>
        %neg3A_565 = arith.subf %neg3A_564, %get3A_560 : vector<16xf32>
        %exp3A_566 = math.exp %neg3A_565 : vector<16xf32>
        %mul3A_567 = arith.mulf %mul3A_562, %exp3A_566 : vector<16xf32>
        %add3A_568 = arith.addf %add3A_547, %mul3A_567 : vector<16xf32>
        %add3A_569 = arith.addf %add3A_548, %get3A_560 : vector<16xf32>
        %get3A_570 = arith.index_cast %scan3A_193 : i32 to index
        %get3A_571 = arith.constant 288 : index
        %get3A_572 = tpu.vector_load %arg8[%get3A_570, %get3A_571] {strides = array<i32>} : memref<16x512xf32, #tpu.memory_space<vmem>>, vector<1x16xf32>,
        %get3A_573 = vector.shape_cast %get3A_572 : vector<1x16xf32> to vector<16xf32>
        %get3A_574 = arith.index_cast %scan3A_193 : i32 to index
        %get3A_575 = arith.constant 288 : index
        %get3A_576 = tpu.vector_load %arg9[%get3A_574, %get3A_575] {strides = array<i32>} : memref<16x512xf32, #tpu.memory_space<vmem>>, vector<1x16xf32>,
        %get3A_577 = vector.shape_cast %get3A_576 : vector<1x16xf32> to vector<16xf32>
        %get3A_578 = arith.index_cast %scan3A_193 : i32 to index
        %get3A_579 = arith.constant 288 : index
        %get3A_580 = tpu.vector_load %arg10[%get3A_578, %get3A_579] {strides = array<i32>} : memref<16x512xf32, #tpu.memory_space<vmem>>, vector<1x16xf32>,
        %get3A_581 = vector.shape_cast %get3A_580 : vector<1x16xf32> to vector<16xf32>
        %sub3A_582 = arith.subf %get3A_573, %get3A_577 : vector<16xf32>
        %mul3A_583 = arith.mulf %sub3A_582, %sub3A_582 : vector<16xf32>
        %neg3A_584 = arith.constant 0.000000e+00 : f32
        %neg3A_585 = vector.broadcast %neg3A_584 : f32 to vector<16xf32>
        %neg3A_586 = arith.subf %neg3A_585, %get3A_581 : vector<16xf32>
        %exp3A_587 = math.exp %neg3A_586 : vector<16xf32>
        %mul3A_588 = arith.mulf %mul3A_583, %exp3A_587 : vector<16xf32>
        %add3A_589 = arith.addf %add3A_568, %mul3A_588 : vector<16xf32>
        %add3A_590 = arith.addf %add3A_569, %get3A_581 : vector<16xf32>
        %get3A_591 = arith.index_cast %scan3A_193 : i32 to index
        %get3A_592 = arith.constant 304 : index
        %get3A_593 = tpu.vector_load %arg8[%get3A_591, %get3A_592] {strides = array<i32>} : memref<16x512xf32, #tpu.memory_space<vmem>>, vector<1x16xf32>,
        %get3A_594 = vector.shape_cast %get3A_593 : vector<1x16xf32> to vector<16xf32>
        %get3A_595 = arith.index_cast %scan3A_193 : i32 to index
        %get3A_596 = arith.constant 304 : index
        %get3A_597 = tpu.vector_load %arg9[%get3A_595, %get3A_596] {strides = array<i32>} : memref<16x512xf32, #tpu.memory_space<vmem>>, vector<1x16xf32>,
        %get3A_598 = vector.shape_cast %get3A_597 : vector<1x16xf32> to vector<16xf32>
        %get3A_599 = arith.index_cast %scan3A_193 : i32 to index
        %get3A_600 = arith.constant 304 : index
        %get3A_601 = tpu.vector_load %arg10[%get3A_599, %get3A_600] {strides = array<i32>} : memref<16x512xf32, #tpu.memory_space<vmem>>, vector<1x16xf32>,
        %get3A_602 = vector.shape_cast %get3A_601 : vector<1x16xf32> to vector<16xf32>
        %sub3A_603 = arith.subf %get3A_594, %get3A_598 : vector<16xf32>
        %mul3A_604 = arith.mulf %sub3A_603, %sub3A_603 : vector<16xf32>
        %neg3A_605 = arith.constant 0.000000e+00 : f32
        %neg3A_606 = vector.broadcast %neg3A_605 : f32 to vector<16xf32>
        %neg3A_607 = arith.subf %neg3A_606, %get3A_602 : vector<16xf32>
        %exp3A_608 = math.exp %neg3A_607 : vector<16xf32>
        %mul3A_609 = arith.mulf %mul3A_604, %exp3A_608 : vector<16xf32>
        %add3A_610 = arith.addf %add3A_589, %mul3A_609 : vector<16xf32>
        %add3A_611 = arith.addf %add3A_590, %get3A_602 : vector<16xf32>
        %get3A_612 = arith.index_cast %scan3A_193 : i32 to index
        %get3A_613 = arith.constant 320 : index
        %get3A_614 = tpu.vector_load %arg8[%get3A_612, %get3A_613] {strides = array<i32>} : memref<16x512xf32, #tpu.memory_space<vmem>>, vector<1x16xf32>,
        %get3A_615 = vector.shape_cast %get3A_614 : vector<1x16xf32> to vector<16xf32>
        %get3A_616 = arith.index_cast %scan3A_193 : i32 to index
        %get3A_617 = arith.constant 320 : index
        %get3A_618 = tpu.vector_load %arg9[%get3A_616, %get3A_617] {strides = array<i32>} : memref<16x512xf32, #tpu.memory_space<vmem>>, vector<1x16xf32>,
        %get3A_619 = vector.shape_cast %get3A_618 : vector<1x16xf32> to vector<16xf32>
        %get3A_620 = arith.index_cast %scan3A_193 : i32 to index
        %get3A_621 = arith.constant 320 : index
        %get3A_622 = tpu.vector_load %arg10[%get3A_620, %get3A_621] {strides = array<i32>} : memref<16x512xf32, #tpu.memory_space<vmem>>, vector<1x16xf32>,
        %get3A_623 = vector.shape_cast %get3A_622 : vector<1x16xf32> to vector<16xf32>
        %sub3A_624 = arith.subf %get3A_615, %get3A_619 : vector<16xf32>
        %mul3A_625 = arith.mulf %sub3A_624, %sub3A_624 : vector<16xf32>
        %neg3A_626 = arith.constant 0.000000e+00 : f32
        %neg3A_627 = vector.broadcast %neg3A_626 : f32 to vector<16xf32>
        %neg3A_628 = arith.subf %neg3A_627, %get3A_623 : vector<16xf32>
        %exp3A_629 = math.exp %neg3A_628 : vector<16xf32>
        %mul3A_630 = arith.mulf %mul3A_625, %exp3A_629 : vector<16xf32>
        %add3A_631 = arith.addf %add3A_610, %mul3A_630 : vector<16xf32>
        %add3A_632 = arith.addf %add3A_611, %get3A_623 : vector<16xf32>
        %get3A_633 = arith.index_cast %scan3A_193 : i32 to index
        %get3A_634 = arith.constant 336 : index
        %get3A_635 = tpu.vector_load %arg8[%get3A_633, %get3A_634] {strides = array<i32>} : memref<16x512xf32, #tpu.memory_space<vmem>>, vector<1x16xf32>,
        %get3A_636 = vector.shape_cast %get3A_635 : vector<1x16xf32> to vector<16xf32>
        %get3A_637 = arith.index_cast %scan3A_193 : i32 to index
        %get3A_638 = arith.constant 336 : index
        %get3A_639 = tpu.vector_load %arg9[%get3A_637, %get3A_638] {strides = array<i32>} : memref<16x512xf32, #tpu.memory_space<vmem>>, vector<1x16xf32>,
        %get3A_640 = vector.shape_cast %get3A_639 : vector<1x16xf32> to vector<16xf32>
        %get3A_641 = arith.index_cast %scan3A_193 : i32 to index
        %get3A_642 = arith.constant 336 : index
        %get3A_643 = tpu.vector_load %arg10[%get3A_641, %get3A_642] {strides = array<i32>} : memref<16x512xf32, #tpu.memory_space<vmem>>, vector<1x16xf32>,
        %get3A_644 = vector.shape_cast %get3A_643 : vector<1x16xf32> to vector<16xf32>
        %sub3A_645 = arith.subf %get3A_636, %get3A_640 : vector<16xf32>
        %mul3A_646 = arith.mulf %sub3A_645, %sub3A_645 : vector<16xf32>
        %neg3A_647 = arith.constant 0.000000e+00 : f32
        %neg3A_648 = vector.broadcast %neg3A_647 : f32 to vector<16xf32>
        %neg3A_649 = arith.subf %neg3A_648, %get3A_644 : vector<16xf32>
        %exp3A_650 = math.exp %neg3A_649 : vector<16xf32>
        %mul3A_651 = arith.mulf %mul3A_646, %exp3A_650 : vector<16xf32>
        %add3A_652 = arith.addf %add3A_631, %mul3A_651 : vector<16xf32>
        %add3A_653 = arith.addf %add3A_632, %get3A_644 : vector<16xf32>
        %get3A_654 = arith.index_cast %scan3A_193 : i32 to index
        %get3A_655 = arith.constant 352 : index
        %get3A_656 = tpu.vector_load %arg8[%get3A_654, %get3A_655] {strides = array<i32>} : memref<16x512xf32, #tpu.memory_space<vmem>>, vector<1x16xf32>,
        %get3A_657 = vector.shape_cast %get3A_656 : vector<1x16xf32> to vector<16xf32>
        %get3A_658 = arith.index_cast %scan3A_193 : i32 to index
        %get3A_659 = arith.constant 352 : index
        %get3A_660 = tpu.vector_load %arg9[%get3A_658, %get3A_659] {strides = array<i32>} : memref<16x512xf32, #tpu.memory_space<vmem>>, vector<1x16xf32>,
        %get3A_661 = vector.shape_cast %get3A_660 : vector<1x16xf32> to vector<16xf32>
        %get3A_662 = arith.index_cast %scan3A_193 : i32 to index
        %get3A_663 = arith.constant 352 : index
        %get3A_664 = tpu.vector_load %arg10[%get3A_662, %get3A_663] {strides = array<i32>} : memref<16x512xf32, #tpu.memory_space<vmem>>, vector<1x16xf32>,
        %get3A_665 = vector.shape_cast %get3A_664 : vector<1x16xf32> to vector<16xf32>
        %sub3A_666 = arith.subf %get3A_657, %get3A_661 : vector<16xf32>
        %mul3A_667 = arith.mulf %sub3A_666, %sub3A_666 : vector<16xf32>
        %neg3A_668 = arith.constant 0.000000e+00 : f32
        %neg3A_669 = vector.broadcast %neg3A_668 : f32 to vector<16xf32>
        %neg3A_670 = arith.subf %neg3A_669, %get3A_665 : vector<16xf32>
        %exp3A_671 = math.exp %neg3A_670 : vector<16xf32>
        %mul3A_672 = arith.mulf %mul3A_667, %exp3A_671 : vector<16xf32>
        %add3A_673 = arith.addf %add3A_652, %mul3A_672 : vector<16xf32>
        %add3A_674 = arith.addf %add3A_653, %get3A_665 : vector<16xf32>
        %get3A_675 = arith.index_cast %scan3A_193 : i32 to index
        %get3A_676 = arith.constant 368 : index
        %get3A_677 = tpu.vector_load %arg8[%get3A_675, %get3A_676] {strides = array<i32>} : memref<16x512xf32, #tpu.memory_space<vmem>>, vector<1x16xf32>,
        %get3A_678 = vector.shape_cast %get3A_677 : vector<1x16xf32> to vector<16xf32>
        %get3A_679 = arith.index_cast %scan3A_193 : i32 to index
        %get3A_680 = arith.constant 368 : index
        %get3A_681 = tpu.vector_load %arg9[%get3A_679, %get3A_680] {strides = array<i32>} : memref<16x512xf32, #tpu.memory_space<vmem>>, vector<1x16xf32>,
        %get3A_682 = vector.shape_cast %get3A_681 : vector<1x16xf32> to vector<16xf32>
        %get3A_683 = arith.index_cast %scan3A_193 : i32 to index
        %get3A_684 = arith.constant 368 : index
        %get3A_685 = tpu.vector_load %arg10[%get3A_683, %get3A_684] {strides = array<i32>} : memref<16x512xf32, #tpu.memory_space<vmem>>, vector<1x16xf32>,
        %get3A_686 = vector.shape_cast %get3A_685 : vector<1x16xf32> to vector<16xf32>
        %sub3A_687 = arith.subf %get3A_678, %get3A_682 : vector<16xf32>
        %mul3A_688 = arith.mulf %sub3A_687, %sub3A_687 : vector<16xf32>
        %neg3A_689 = arith.constant 0.000000e+00 : f32
        %neg3A_690 = vector.broadcast %neg3A_689 : f32 to vector<16xf32>
        %neg3A_691 = arith.subf %neg3A_690, %get3A_686 : vector<16xf32>
        %exp3A_692 = math.exp %neg3A_691 : vector<16xf32>
        %mul3A_693 = arith.mulf %mul3A_688, %exp3A_692 : vector<16xf32>
        %add3A_694 = arith.addf %add3A_673, %mul3A_693 : vector<16xf32>
        %add3A_695 = arith.addf %add3A_674, %get3A_686 : vector<16xf32>
        %get3A_696 = arith.index_cast %scan3A_193 : i32 to index
        %get3A_697 = arith.constant 384 : index
        %get3A_698 = tpu.vector_load %arg8[%get3A_696, %get3A_697] {strides = array<i32>} : memref<16x512xf32, #tpu.memory_space<vmem>>, vector<1x16xf32>,
        %get3A_699 = vector.shape_cast %get3A_698 : vector<1x16xf32> to vector<16xf32>
        %get3A_700 = arith.index_cast %scan3A_193 : i32 to index
        %get3A_701 = arith.constant 384 : index
        %get3A_702 = tpu.vector_load %arg9[%get3A_700, %get3A_701] {strides = array<i32>} : memref<16x512xf32, #tpu.memory_space<vmem>>, vector<1x16xf32>,
        %get3A_703 = vector.shape_cast %get3A_702 : vector<1x16xf32> to vector<16xf32>
        %get3A_704 = arith.index_cast %scan3A_193 : i32 to index
        %get3A_705 = arith.constant 384 : index
        %get3A_706 = tpu.vector_load %arg10[%get3A_704, %get3A_705] {strides = array<i32>} : memref<16x512xf32, #tpu.memory_space<vmem>>, vector<1x16xf32>,
        %get3A_707 = vector.shape_cast %get3A_706 : vector<1x16xf32> to vector<16xf32>
        %sub3A_708 = arith.subf %get3A_699, %get3A_703 : vector<16xf32>
        %mul3A_709 = arith.mulf %sub3A_708, %sub3A_708 : vector<16xf32>
        %neg3A_710 = arith.constant 0.000000e+00 : f32
        %neg3A_711 = vector.broadcast %neg3A_710 : f32 to vector<16xf32>
        %neg3A_712 = arith.subf %neg3A_711, %get3A_707 : vector<16xf32>
        %exp3A_713 = math.exp %neg3A_712 : vector<16xf32>
        %mul3A_714 = arith.mulf %mul3A_709, %exp3A_713 : vector<16xf32>
        %add3A_715 = arith.addf %add3A_694, %mul3A_714 : vector<16xf32>
        %add3A_716 = arith.addf %add3A_695, %get3A_707 : vector<16xf32>
        %get3A_717 = arith.index_cast %scan3A_193 : i32 to index
        %get3A_718 = arith.constant 400 : index
        %get3A_719 = tpu.vector_load %arg8[%get3A_717, %get3A_718] {strides = array<i32>} : memref<16x512xf32, #tpu.memory_space<vmem>>, vector<1x16xf32>,
        %get3A_720 = vector.shape_cast %get3A_719 : vector<1x16xf32> to vector<16xf32>
        %get3A_721 = arith.index_cast %scan3A_193 : i32 to index
        %get3A_722 = arith.constant 400 : index
        %get3A_723 = tpu.vector_load %arg9[%get3A_721, %get3A_722] {strides = array<i32>} : memref<16x512xf32, #tpu.memory_space<vmem>>, vector<1x16xf32>,
        %get3A_724 = vector.shape_cast %get3A_723 : vector<1x16xf32> to vector<16xf32>
        %get3A_725 = arith.index_cast %scan3A_193 : i32 to index
        %get3A_726 = arith.constant 400 : index
        %get3A_727 = tpu.vector_load %arg10[%get3A_725, %get3A_726] {strides = array<i32>} : memref<16x512xf32, #tpu.memory_space<vmem>>, vector<1x16xf32>,
        %get3A_728 = vector.shape_cast %get3A_727 : vector<1x16xf32> to vector<16xf32>
        %sub3A_729 = arith.subf %get3A_720, %get3A_724 : vector<16xf32>
        %mul3A_730 = arith.mulf %sub3A_729, %sub3A_729 : vector<16xf32>
        %neg3A_731 = arith.constant 0.000000e+00 : f32
        %neg3A_732 = vector.broadcast %neg3A_731 : f32 to vector<16xf32>
        %neg3A_733 = arith.subf %neg3A_732, %get3A_728 : vector<16xf32>
        %exp3A_734 = math.exp %neg3A_733 : vector<16xf32>
        %mul3A_735 = arith.mulf %mul3A_730, %exp3A_734 : vector<16xf32>
        %add3A_736 = arith.addf %add3A_715, %mul3A_735 : vector<16xf32>
        %add3A_737 = arith.addf %add3A_716, %get3A_728 : vector<16xf32>
        %get3A_738 = arith.index_cast %scan3A_193 : i32 to index
        %get3A_739 = arith.constant 416 : index
        %get3A_740 = tpu.vector_load %arg8[%get3A_738, %get3A_739] {strides = array<i32>} : memref<16x512xf32, #tpu.memory_space<vmem>>, vector<1x16xf32>,
        %get3A_741 = vector.shape_cast %get3A_740 : vector<1x16xf32> to vector<16xf32>
        %get3A_742 = arith.index_cast %scan3A_193 : i32 to index
        %get3A_743 = arith.constant 416 : index
        %get3A_744 = tpu.vector_load %arg9[%get3A_742, %get3A_743] {strides = array<i32>} : memref<16x512xf32, #tpu.memory_space<vmem>>, vector<1x16xf32>,
        %get3A_745 = vector.shape_cast %get3A_744 : vector<1x16xf32> to vector<16xf32>
        %get3A_746 = arith.index_cast %scan3A_193 : i32 to index
        %get3A_747 = arith.constant 416 : index
        %get3A_748 = tpu.vector_load %arg10[%get3A_746, %get3A_747] {strides = array<i32>} : memref<16x512xf32, #tpu.memory_space<vmem>>, vector<1x16xf32>,
        %get3A_749 = vector.shape_cast %get3A_748 : vector<1x16xf32> to vector<16xf32>
        %sub3A_750 = arith.subf %get3A_741, %get3A_745 : vector<16xf32>
        %mul3A_751 = arith.mulf %sub3A_750, %sub3A_750 : vector<16xf32>
        %neg3A_752 = arith.constant 0.000000e+00 : f32
        %neg3A_753 = vector.broadcast %neg3A_752 : f32 to vector<16xf32>
        %neg3A_754 = arith.subf %neg3A_753, %get3A_749 : vector<16xf32>
        %exp3A_755 = math.exp %neg3A_754 : vector<16xf32>
        %mul3A_756 = arith.mulf %mul3A_751, %exp3A_755 : vector<16xf32>
        %add3A_757 = arith.addf %add3A_736, %mul3A_756 : vector<16xf32>
        %add3A_758 = arith.addf %add3A_737, %get3A_749 : vector<16xf32>
        %get3A_759 = arith.index_cast %scan3A_193 : i32 to index
        %get3A_760 = arith.constant 432 : index
        %get3A_761 = tpu.vector_load %arg8[%get3A_759, %get3A_760] {strides = array<i32>} : memref<16x512xf32, #tpu.memory_space<vmem>>, vector<1x16xf32>,
        %get3A_762 = vector.shape_cast %get3A_761 : vector<1x16xf32> to vector<16xf32>
        %get3A_763 = arith.index_cast %scan3A_193 : i32 to index
        %get3A_764 = arith.constant 432 : index
        %get3A_765 = tpu.vector_load %arg9[%get3A_763, %get3A_764] {strides = array<i32>} : memref<16x512xf32, #tpu.memory_space<vmem>>, vector<1x16xf32>,
        %get3A_766 = vector.shape_cast %get3A_765 : vector<1x16xf32> to vector<16xf32>
        %get3A_767 = arith.index_cast %scan3A_193 : i32 to index
        %get3A_768 = arith.constant 432 : index
        %get3A_769 = tpu.vector_load %arg10[%get3A_767, %get3A_768] {strides = array<i32>} : memref<16x512xf32, #tpu.memory_space<vmem>>, vector<1x16xf32>,
        %get3A_770 = vector.shape_cast %get3A_769 : vector<1x16xf32> to vector<16xf32>
        %sub3A_771 = arith.subf %get3A_762, %get3A_766 : vector<16xf32>
        %mul3A_772 = arith.mulf %sub3A_771, %sub3A_771 : vector<16xf32>
        %neg3A_773 = arith.constant 0.000000e+00 : f32
        %neg3A_774 = vector.broadcast %neg3A_773 : f32 to vector<16xf32>
        %neg3A_775 = arith.subf %neg3A_774, %get3A_770 : vector<16xf32>
        %exp3A_776 = math.exp %neg3A_775 : vector<16xf32>
        %mul3A_777 = arith.mulf %mul3A_772, %exp3A_776 : vector<16xf32>
        %add3A_778 = arith.addf %add3A_757, %mul3A_777 : vector<16xf32>
        %add3A_779 = arith.addf %add3A_758, %get3A_770 : vector<16xf32>
        %get3A_780 = arith.index_cast %scan3A_193 : i32 to index
        %get3A_781 = arith.constant 448 : index
        %get3A_782 = tpu.vector_load %arg8[%get3A_780, %get3A_781] {strides = array<i32>} : memref<16x512xf32, #tpu.memory_space<vmem>>, vector<1x16xf32>,
        %get3A_783 = vector.shape_cast %get3A_782 : vector<1x16xf32> to vector<16xf32>
        %get3A_784 = arith.index_cast %scan3A_193 : i32 to index
        %get3A_785 = arith.constant 448 : index
        %get3A_786 = tpu.vector_load %arg9[%get3A_784, %get3A_785] {strides = array<i32>} : memref<16x512xf32, #tpu.memory_space<vmem>>, vector<1x16xf32>,
        %get3A_787 = vector.shape_cast %get3A_786 : vector<1x16xf32> to vector<16xf32>
        %get3A_788 = arith.index_cast %scan3A_193 : i32 to index
        %get3A_789 = arith.constant 448 : index
        %get3A_790 = tpu.vector_load %arg10[%get3A_788, %get3A_789] {strides = array<i32>} : memref<16x512xf32, #tpu.memory_space<vmem>>, vector<1x16xf32>,
        %get3A_791 = vector.shape_cast %get3A_790 : vector<1x16xf32> to vector<16xf32>
        %sub3A_792 = arith.subf %get3A_783, %get3A_787 : vector<16xf32>
        %mul3A_793 = arith.mulf %sub3A_792, %sub3A_792 : vector<16xf32>
        %neg3A_794 = arith.constant 0.000000e+00 : f32
        %neg3A_795 = vector.broadcast %neg3A_794 : f32 to vector<16xf32>
        %neg3A_796 = arith.subf %neg3A_795, %get3A_791 : vector<16xf32>
        %exp3A_797 = math.exp %neg3A_796 : vector<16xf32>
        %mul3A_798 = arith.mulf %mul3A_793, %exp3A_797 : vector<16xf32>
        %add3A_799 = arith.addf %add3A_778, %mul3A_798 : vector<16xf32>
        %add3A_800 = arith.addf %add3A_779, %get3A_791 : vector<16xf32>
        %get3A_801 = arith.index_cast %scan3A_193 : i32 to index
        %get3A_802 = arith.constant 464 : index
        %get3A_803 = tpu.vector_load %arg8[%get3A_801, %get3A_802] {strides = array<i32>} : memref<16x512xf32, #tpu.memory_space<vmem>>, vector<1x16xf32>,
        %get3A_804 = vector.shape_cast %get3A_803 : vector<1x16xf32> to vector<16xf32>
        %get3A_805 = arith.index_cast %scan3A_193 : i32 to index
        %get3A_806 = arith.constant 464 : index
        %get3A_807 = tpu.vector_load %arg9[%get3A_805, %get3A_806] {strides = array<i32>} : memref<16x512xf32, #tpu.memory_space<vmem>>, vector<1x16xf32>,
        %get3A_808 = vector.shape_cast %get3A_807 : vector<1x16xf32> to vector<16xf32>
        %get3A_809 = arith.index_cast %scan3A_193 : i32 to index
        %get3A_810 = arith.constant 464 : index
        %get3A_811 = tpu.vector_load %arg10[%get3A_809, %get3A_810] {strides = array<i32>} : memref<16x512xf32, #tpu.memory_space<vmem>>, vector<1x16xf32>,
        %get3A_812 = vector.shape_cast %get3A_811 : vector<1x16xf32> to vector<16xf32>
        %sub3A_813 = arith.subf %get3A_804, %get3A_808 : vector<16xf32>
        %mul3A_814 = arith.mulf %sub3A_813, %sub3A_813 : vector<16xf32>
        %neg3A_815 = arith.constant 0.000000e+00 : f32
        %neg3A_816 = vector.broadcast %neg3A_815 : f32 to vector<16xf32>
        %neg3A_817 = arith.subf %neg3A_816, %get3A_812 : vector<16xf32>
        %exp3A_818 = math.exp %neg3A_817 : vector<16xf32>
        %mul3A_819 = arith.mulf %mul3A_814, %exp3A_818 : vector<16xf32>
        %add3A_820 = arith.addf %add3A_799, %mul3A_819 : vector<16xf32>
        %add3A_821 = arith.addf %add3A_800, %get3A_812 : vector<16xf32>
        %get3A_822 = arith.index_cast %scan3A_193 : i32 to index
        %get3A_823 = arith.constant 480 : index
        %get3A_824 = tpu.vector_load %arg8[%get3A_822, %get3A_823] {strides = array<i32>} : memref<16x512xf32, #tpu.memory_space<vmem>>, vector<1x16xf32>,
        %get3A_825 = vector.shape_cast %get3A_824 : vector<1x16xf32> to vector<16xf32>
        %get3A_826 = arith.index_cast %scan3A_193 : i32 to index
        %get3A_827 = arith.constant 480 : index
        %get3A_828 = tpu.vector_load %arg9[%get3A_826, %get3A_827] {strides = array<i32>} : memref<16x512xf32, #tpu.memory_space<vmem>>, vector<1x16xf32>,
        %get3A_829 = vector.shape_cast %get3A_828 : vector<1x16xf32> to vector<16xf32>
        %get3A_830 = arith.index_cast %scan3A_193 : i32 to index
        %get3A_831 = arith.constant 480 : index
        %get3A_832 = tpu.vector_load %arg10[%get3A_830, %get3A_831] {strides = array<i32>} : memref<16x512xf32, #tpu.memory_space<vmem>>, vector<1x16xf32>,
        %get3A_833 = vector.shape_cast %get3A_832 : vector<1x16xf32> to vector<16xf32>
        %sub3A_834 = arith.subf %get3A_825, %get3A_829 : vector<16xf32>
        %mul3A_835 = arith.mulf %sub3A_834, %sub3A_834 : vector<16xf32>
        %neg3A_836 = arith.constant 0.000000e+00 : f32
        %neg3A_837 = vector.broadcast %neg3A_836 : f32 to vector<16xf32>
        %neg3A_838 = arith.subf %neg3A_837, %get3A_833 : vector<16xf32>
        %exp3A_839 = math.exp %neg3A_838 : vector<16xf32>
        %mul3A_840 = arith.mulf %mul3A_835, %exp3A_839 : vector<16xf32>
        %add3A_841 = arith.addf %add3A_820, %mul3A_840 : vector<16xf32>
        %add3A_842 = arith.addf %add3A_821, %get3A_833 : vector<16xf32>
        %get3A_843 = arith.index_cast %scan3A_193 : i32 to index
        %get3A_844 = arith.constant 496 : index
        %get3A_845 = tpu.vector_load %arg8[%get3A_843, %get3A_844] {strides = array<i32>} : memref<16x512xf32, #tpu.memory_space<vmem>>, vector<1x16xf32>,
        %get3A_846 = vector.shape_cast %get3A_845 : vector<1x16xf32> to vector<16xf32>
        %get3A_847 = arith.index_cast %scan3A_193 : i32 to index
        %get3A_848 = arith.constant 496 : index
        %get3A_849 = tpu.vector_load %arg9[%get3A_847, %get3A_848] {strides = array<i32>} : memref<16x512xf32, #tpu.memory_space<vmem>>, vector<1x16xf32>,
        %get3A_850 = vector.shape_cast %get3A_849 : vector<1x16xf32> to vector<16xf32>
        %get3A_851 = arith.index_cast %scan3A_193 : i32 to index
        %get3A_852 = arith.constant 496 : index
        %get3A_853 = tpu.vector_load %arg10[%get3A_851, %get3A_852] {strides = array<i32>} : memref<16x512xf32, #tpu.memory_space<vmem>>, vector<1x16xf32>,
        %get3A_854 = vector.shape_cast %get3A_853 : vector<1x16xf32> to vector<16xf32>
        %sub3A_855 = arith.subf %get3A_846, %get3A_850 : vector<16xf32>
        %mul3A_856 = arith.mulf %sub3A_855, %sub3A_855 : vector<16xf32>
        %neg3A_857 = arith.constant 0.000000e+00 : f32
        %neg3A_858 = vector.broadcast %neg3A_857 : f32 to vector<16xf32>
        %neg3A_859 = arith.subf %neg3A_858, %get3A_854 : vector<16xf32>
        %exp3A_860 = math.exp %neg3A_859 : vector<16xf32>
        %mul3A_861 = arith.mulf %mul3A_856, %exp3A_860 : vector<16xf32>
        %add3A_862 = arith.addf %add3A_841, %mul3A_861 : vector<16xf32>
        %add3A_863 = arith.addf %add3A_842, %get3A_854 : vector<16xf32>
        scf.yield %add3A_862, %add3A_863 : vector<16xf32>, vector<16xf32>
      }
      %scan3A_101 = arith.constant 16 : i32
      %convert_element_type3A = arith.extui %lt3A_75 : i1 to i32
      %cond3A = arith.constant 0 : i32
      %cond3A_102 = arith.cmpi ne, %convert_element_type3A, %cond3A : i32
      scf.if %cond3A_102 {
        %add3A_193 = arith.constant 4 : i32
        %add3A_194 = arith.addi %add3A_79, %add3A_193 : i32
        %mul3A_195 = arith.constant 16 : i32
        %mul3A_196 = arith.muli %add3A_194, %mul3A_195 : i32
        %add3A_197 = arith.addi %mul3A_2, %mul3A_196 : i32
        %mul3A_198 = arith.constant 16 : i32
        %mul3A_199 = arith.muli %add3A_194, %mul3A_198 : i32
        %dma_start3A_200 = tpu.memref_slice %arg7[%mul3A_199] : memref<512xi32, #tpu.memory_space<vmem>> -> memref<16xi32, #tpu.memory_space<vmem>>
        %dma_start3A_201 = arith.constant 0 : i32
        %dma_start3A_202 = arith.constant 0 : i32
        %dma_start3A_203 = tpu.memref_slice %arg5[%dma_start3A_201, %dma_start3A_202] : memref<85742x512xf32, #tpu.memory_space<hbm>> -> memref<85742x512xf32, #tpu.memory_space<hbm>>
        tpu.enqueue_indirect_dma source(%dma_start3A_203 : memref<85742x512xf32, #tpu.memory_space<hbm>>) target(%arg8 : memref<16x512xf32, #tpu.memory_space<vmem>>) offsets(%dma_start3A_200 : memref<16xi32, #tpu.memory_space<vmem>>) semaphore(%arg21 : memref<!tpu.dma_semaphore, #tpu.memory_space<semaphore_mem>>)
        %dma_start3A_204 = arith.constant 0 : i32
        %dma_start3A_205 = tpu.memref_slice %arg2[%add3A_197, %dma_start3A_204] : memref<16384x512xf32, #tpu.memory_space<hbm>> -> memref<16x512xf32, #tpu.memory_space<hbm>>
        %dma_start3A_206 = arith.constant 0 : i32
        %dma_start3A_207 = tpu.memref_slice %arg2[%add3A_197, %dma_start3A_206] : memref<16384x512xf32, #tpu.memory_space<hbm>> -> memref<16x512xf32, #tpu.memory_space<hbm>>
        tpu.enqueue_dma source(%dma_start3A_207 : memref<16x512xf32, #tpu.memory_space<hbm>>) target(%arg9 : memref<16x512xf32, #tpu.memory_space<vmem>>) target_semaphore(%arg21 : memref<!tpu.dma_semaphore, #tpu.memory_space<semaphore_mem>>)
        %dma_start3A_208 = arith.constant 0 : i32
        %dma_start3A_209 = tpu.memref_slice %arg3[%add3A_197, %dma_start3A_208] : memref<16384x512xf32, #tpu.memory_space<hbm>> -> memref<16x512xf32, #tpu.memory_space<hbm>>
        %dma_start3A_210 = arith.constant 0 : i32
        %dma_start3A_211 = tpu.memref_slice %arg3[%add3A_197, %dma_start3A_210] : memref<16384x512xf32, #tpu.memory_space<hbm>> -> memref<16x512xf32, #tpu.memory_space<hbm>>
        tpu.enqueue_dma source(%dma_start3A_211 : memref<16x512xf32, #tpu.memory_space<hbm>>) target(%arg10 : memref<16x512xf32, #tpu.memory_space<vmem>>) target_semaphore(%arg21 : memref<!tpu.dma_semaphore, #tpu.memory_space<semaphore_mem>>)
      } else {
      }
      %mul3A_103 = arith.constant 4 : i32
      %mul3A_104 = arith.muli %scan3A_72, %mul3A_103 : i32
      %add3A_105 = arith.constant 1 : i32
      %add3A_106 = arith.addi %mul3A_104, %add3A_105 : i32
      %mul3A_107 = arith.constant 16 : i32
      %mul3A_108 = arith.muli %add3A_106, %mul3A_107 : i32
      %add3A_109 = arith.addi %mul3A_2, %mul3A_108 : i32
      %mul3A_110 = arith.constant 16 : i32
      %mul3A_111 = arith.muli %add3A_106, %mul3A_110 : i32
      %dma_wait3A_112 = tpu.memref_slice %arg7[%mul3A_111] : memref<512xi32, #tpu.memory_space<vmem>> -> memref<16xi32, #tpu.memory_space<vmem>>
      %dma_wait3A_113 = arith.constant 0 : i32
      %dma_wait3A_114 = arith.constant 0 : i32
      %dma_wait3A_115 = tpu.memref_slice %arg5[%dma_wait3A_113, %dma_wait3A_114] : memref<85742x512xf32, #tpu.memory_space<hbm>> -> memref<85742x512xf32, #tpu.memory_space<hbm>>
      tpu.wait_indirect_dma semaphore(%arg22 : memref<!tpu.dma_semaphore, #tpu.memory_space<semaphore_mem>>) src(%dma_wait3A_115 : memref<85742x512xf32, #tpu.memory_space<hbm>>) dst(%arg11 : memref<16x512xf32, #tpu.memory_space<vmem>>)
      %dma_wait3A_116 = arith.constant 0 : i32
      %dma_wait3A_117 = tpu.memref_slice %arg2[%add3A_109, %dma_wait3A_116] : memref<16384x512xf32, #tpu.memory_space<hbm>> -> memref<16x512xf32, #tpu.memory_space<hbm>>
      %dma_wait3A_118 = arith.constant 0 : i32
      %dma_wait3A_119 = tpu.memref_slice %arg2[%add3A_109, %dma_wait3A_118] : memref<16384x512xf32, #tpu.memory_space<hbm>> -> memref<16x512xf32, #tpu.memory_space<hbm>>
      tpu.wait_dma2 semaphore(%arg22 : memref<!tpu.dma_semaphore, #tpu.memory_space<semaphore_mem>>) src(%dma_wait3A_119 : memref<16x512xf32, #tpu.memory_space<hbm>>) dst(%arg12 : memref<16x512xf32, #tpu.memory_space<vmem>>)
      %dma_wait3A_120 = arith.constant 0 : i32
      %dma_wait3A_121 = tpu.memref_slice %arg3[%add3A_109, %dma_wait3A_120] : memref<16384x512xf32, #tpu.memory_space<hbm>> -> memref<16x512xf32, #tpu.memory_space<hbm>>
      %dma_wait3A_122 = arith.constant 0 : i32
      %dma_wait3A_123 = tpu.memref_slice %arg3[%add3A_109, %dma_wait3A_122] : memref<16384x512xf32, #tpu.memory_space<hbm>> -> memref<16x512xf32, #tpu.memory_space<hbm>>
      tpu.wait_dma2 semaphore(%arg22 : memref<!tpu.dma_semaphore, #tpu.memory_space<semaphore_mem>>) src(%dma_wait3A_123 : memref<16x512xf32, #tpu.memory_space<hbm>>) dst(%arg13 : memref<16x512xf32, #tpu.memory_space<vmem>>)
      %scan3A_124 = arith.constant 0 : i32
      %scan3A_125 = arith.constant 16 : i32
      %scan3A_126 = arith.addi %scan3A_124, %scan3A_125 : i32
      %scan3A_127 = arith.constant 1 : i32
      %scan3A_128:2 = scf.for %scan3A_193 = %scan3A_124 to %scan3A_126 step %scan3A_127 iter_args(%scan3A_194 = %scan3A_100#0, %scan3A_195 = %scan3A_100#1) -> (vector<16xf32>, vector<16xf32>)  : i32 {
        %get3A = arith.index_cast %scan3A_193 : i32 to index
        %get3A_196 = arith.constant 0 : index
        %get3A_197 = tpu.vector_load %arg11[%get3A, %get3A_196] {strides = array<i32>} : memref<16x512xf32, #tpu.memory_space<vmem>>, vector<1x16xf32>,
        %get3A_198 = vector.shape_cast %get3A_197 : vector<1x16xf32> to vector<16xf32>
        %get3A_199 = arith.index_cast %scan3A_193 : i32 to index
        %get3A_200 = arith.constant 0 : index
        %get3A_201 = tpu.vector_load %arg12[%get3A_199, %get3A_200] {strides = array<i32>} : memref<16x512xf32, #tpu.memory_space<vmem>>, vector<1x16xf32>,
        %get3A_202 = vector.shape_cast %get3A_201 : vector<1x16xf32> to vector<16xf32>
        %get3A_203 = arith.index_cast %scan3A_193 : i32 to index
        %get3A_204 = arith.constant 0 : index
        %get3A_205 = tpu.vector_load %arg13[%get3A_203, %get3A_204] {strides = array<i32>} : memref<16x512xf32, #tpu.memory_space<vmem>>, vector<1x16xf32>,
        %get3A_206 = vector.shape_cast %get3A_205 : vector<1x16xf32> to vector<16xf32>
        %sub3A = arith.subf %get3A_198, %get3A_202 : vector<16xf32>
        %mul3A_207 = arith.mulf %sub3A, %sub3A : vector<16xf32>
        %neg3A = arith.constant 0.000000e+00 : f32
        %neg3A_208 = vector.broadcast %neg3A : f32 to vector<16xf32>
        %neg3A_209 = arith.subf %neg3A_208, %get3A_206 : vector<16xf32>
        %exp3A = math.exp %neg3A_209 : vector<16xf32>
        %mul3A_210 = arith.mulf %mul3A_207, %exp3A : vector<16xf32>
        %add3A_211 = arith.addf %scan3A_194, %mul3A_210 : vector<16xf32>
        %add3A_212 = arith.addf %scan3A_195, %get3A_206 : vector<16xf32>
        %get3A_213 = arith.index_cast %scan3A_193 : i32 to index
        %get3A_214 = arith.constant 16 : index
        %get3A_215 = tpu.vector_load %arg11[%get3A_213, %get3A_214] {strides = array<i32>} : memref<16x512xf32, #tpu.memory_space<vmem>>, vector<1x16xf32>,
        %get3A_216 = vector.shape_cast %get3A_215 : vector<1x16xf32> to vector<16xf32>
        %get3A_217 = arith.index_cast %scan3A_193 : i32 to index
        %get3A_218 = arith.constant 16 : index
        %get3A_219 = tpu.vector_load %arg12[%get3A_217, %get3A_218] {strides = array<i32>} : memref<16x512xf32, #tpu.memory_space<vmem>>, vector<1x16xf32>,
        %get3A_220 = vector.shape_cast %get3A_219 : vector<1x16xf32> to vector<16xf32>
        %get3A_221 = arith.index_cast %scan3A_193 : i32 to index
        %get3A_222 = arith.constant 16 : index
        %get3A_223 = tpu.vector_load %arg13[%get3A_221, %get3A_222] {strides = array<i32>} : memref<16x512xf32, #tpu.memory_space<vmem>>, vector<1x16xf32>,
        %get3A_224 = vector.shape_cast %get3A_223 : vector<1x16xf32> to vector<16xf32>
        %sub3A_225 = arith.subf %get3A_216, %get3A_220 : vector<16xf32>
        %mul3A_226 = arith.mulf %sub3A_225, %sub3A_225 : vector<16xf32>
        %neg3A_227 = arith.constant 0.000000e+00 : f32
        %neg3A_228 = vector.broadcast %neg3A_227 : f32 to vector<16xf32>
        %neg3A_229 = arith.subf %neg3A_228, %get3A_224 : vector<16xf32>
        %exp3A_230 = math.exp %neg3A_229 : vector<16xf32>
        %mul3A_231 = arith.mulf %mul3A_226, %exp3A_230 : vector<16xf32>
        %add3A_232 = arith.addf %add3A_211, %mul3A_231 : vector<16xf32>
        %add3A_233 = arith.addf %add3A_212, %get3A_224 : vector<16xf32>
        %get3A_234 = arith.index_cast %scan3A_193 : i32 to index
        %get3A_235 = arith.constant 32 : index
        %get3A_236 = tpu.vector_load %arg11[%get3A_234, %get3A_235] {strides = array<i32>} : memref<16x512xf32, #tpu.memory_space<vmem>>, vector<1x16xf32>,
        %get3A_237 = vector.shape_cast %get3A_236 : vector<1x16xf32> to vector<16xf32>
        %get3A_238 = arith.index_cast %scan3A_193 : i32 to index
        %get3A_239 = arith.constant 32 : index
        %get3A_240 = tpu.vector_load %arg12[%get3A_238, %get3A_239] {strides = array<i32>} : memref<16x512xf32, #tpu.memory_space<vmem>>, vector<1x16xf32>,
        %get3A_241 = vector.shape_cast %get3A_240 : vector<1x16xf32> to vector<16xf32>
        %get3A_242 = arith.index_cast %scan3A_193 : i32 to index
        %get3A_243 = arith.constant 32 : index
        %get3A_244 = tpu.vector_load %arg13[%get3A_242, %get3A_243] {strides = array<i32>} : memref<16x512xf32, #tpu.memory_space<vmem>>, vector<1x16xf32>,
        %get3A_245 = vector.shape_cast %get3A_244 : vector<1x16xf32> to vector<16xf32>
        %sub3A_246 = arith.subf %get3A_237, %get3A_241 : vector<16xf32>
        %mul3A_247 = arith.mulf %sub3A_246, %sub3A_246 : vector<16xf32>
        %neg3A_248 = arith.constant 0.000000e+00 : f32
        %neg3A_249 = vector.broadcast %neg3A_248 : f32 to vector<16xf32>
        %neg3A_250 = arith.subf %neg3A_249, %get3A_245 : vector<16xf32>
        %exp3A_251 = math.exp %neg3A_250 : vector<16xf32>
        %mul3A_252 = arith.mulf %mul3A_247, %exp3A_251 : vector<16xf32>
        %add3A_253 = arith.addf %add3A_232, %mul3A_252 : vector<16xf32>
        %add3A_254 = arith.addf %add3A_233, %get3A_245 : vector<16xf32>
        %get3A_255 = arith.index_cast %scan3A_193 : i32 to index
        %get3A_256 = arith.constant 48 : index
        %get3A_257 = tpu.vector_load %arg11[%get3A_255, %get3A_256] {strides = array<i32>} : memref<16x512xf32, #tpu.memory_space<vmem>>, vector<1x16xf32>,
        %get3A_258 = vector.shape_cast %get3A_257 : vector<1x16xf32> to vector<16xf32>
        %get3A_259 = arith.index_cast %scan3A_193 : i32 to index
        %get3A_260 = arith.constant 48 : index
        %get3A_261 = tpu.vector_load %arg12[%get3A_259, %get3A_260] {strides = array<i32>} : memref<16x512xf32, #tpu.memory_space<vmem>>, vector<1x16xf32>,
        %get3A_262 = vector.shape_cast %get3A_261 : vector<1x16xf32> to vector<16xf32>
        %get3A_263 = arith.index_cast %scan3A_193 : i32 to index
        %get3A_264 = arith.constant 48 : index
        %get3A_265 = tpu.vector_load %arg13[%get3A_263, %get3A_264] {strides = array<i32>} : memref<16x512xf32, #tpu.memory_space<vmem>>, vector<1x16xf32>,
        %get3A_266 = vector.shape_cast %get3A_265 : vector<1x16xf32> to vector<16xf32>
        %sub3A_267 = arith.subf %get3A_258, %get3A_262 : vector<16xf32>
        %mul3A_268 = arith.mulf %sub3A_267, %sub3A_267 : vector<16xf32>
        %neg3A_269 = arith.constant 0.000000e+00 : f32
        %neg3A_270 = vector.broadcast %neg3A_269 : f32 to vector<16xf32>
        %neg3A_271 = arith.subf %neg3A_270, %get3A_266 : vector<16xf32>
        %exp3A_272 = math.exp %neg3A_271 : vector<16xf32>
        %mul3A_273 = arith.mulf %mul3A_268, %exp3A_272 : vector<16xf32>
        %add3A_274 = arith.addf %add3A_253, %mul3A_273 : vector<16xf32>
        %add3A_275 = arith.addf %add3A_254, %get3A_266 : vector<16xf32>
        %get3A_276 = arith.index_cast %scan3A_193 : i32 to index
        %get3A_277 = arith.constant 64 : index
        %get3A_278 = tpu.vector_load %arg11[%get3A_276, %get3A_277] {strides = array<i32>} : memref<16x512xf32, #tpu.memory_space<vmem>>, vector<1x16xf32>,
        %get3A_279 = vector.shape_cast %get3A_278 : vector<1x16xf32> to vector<16xf32>
        %get3A_280 = arith.index_cast %scan3A_193 : i32 to index
        %get3A_281 = arith.constant 64 : index
        %get3A_282 = tpu.vector_load %arg12[%get3A_280, %get3A_281] {strides = array<i32>} : memref<16x512xf32, #tpu.memory_space<vmem>>, vector<1x16xf32>,
        %get3A_283 = vector.shape_cast %get3A_282 : vector<1x16xf32> to vector<16xf32>
        %get3A_284 = arith.index_cast %scan3A_193 : i32 to index
        %get3A_285 = arith.constant 64 : index
        %get3A_286 = tpu.vector_load %arg13[%get3A_284, %get3A_285] {strides = array<i32>} : memref<16x512xf32, #tpu.memory_space<vmem>>, vector<1x16xf32>,
        %get3A_287 = vector.shape_cast %get3A_286 : vector<1x16xf32> to vector<16xf32>
        %sub3A_288 = arith.subf %get3A_279, %get3A_283 : vector<16xf32>
        %mul3A_289 = arith.mulf %sub3A_288, %sub3A_288 : vector<16xf32>
        %neg3A_290 = arith.constant 0.000000e+00 : f32
        %neg3A_291 = vector.broadcast %neg3A_290 : f32 to vector<16xf32>
        %neg3A_292 = arith.subf %neg3A_291, %get3A_287 : vector<16xf32>
        %exp3A_293 = math.exp %neg3A_292 : vector<16xf32>
        %mul3A_294 = arith.mulf %mul3A_289, %exp3A_293 : vector<16xf32>
        %add3A_295 = arith.addf %add3A_274, %mul3A_294 : vector<16xf32>
        %add3A_296 = arith.addf %add3A_275, %get3A_287 : vector<16xf32>
        %get3A_297 = arith.index_cast %scan3A_193 : i32 to index
        %get3A_298 = arith.constant 80 : index
        %get3A_299 = tpu.vector_load %arg11[%get3A_297, %get3A_298] {strides = array<i32>} : memref<16x512xf32, #tpu.memory_space<vmem>>, vector<1x16xf32>,
        %get3A_300 = vector.shape_cast %get3A_299 : vector<1x16xf32> to vector<16xf32>
        %get3A_301 = arith.index_cast %scan3A_193 : i32 to index
        %get3A_302 = arith.constant 80 : index
        %get3A_303 = tpu.vector_load %arg12[%get3A_301, %get3A_302] {strides = array<i32>} : memref<16x512xf32, #tpu.memory_space<vmem>>, vector<1x16xf32>,
        %get3A_304 = vector.shape_cast %get3A_303 : vector<1x16xf32> to vector<16xf32>
        %get3A_305 = arith.index_cast %scan3A_193 : i32 to index
        %get3A_306 = arith.constant 80 : index
        %get3A_307 = tpu.vector_load %arg13[%get3A_305, %get3A_306] {strides = array<i32>} : memref<16x512xf32, #tpu.memory_space<vmem>>, vector<1x16xf32>,
        %get3A_308 = vector.shape_cast %get3A_307 : vector<1x16xf32> to vector<16xf32>
        %sub3A_309 = arith.subf %get3A_300, %get3A_304 : vector<16xf32>
        %mul3A_310 = arith.mulf %sub3A_309, %sub3A_309 : vector<16xf32>
        %neg3A_311 = arith.constant 0.000000e+00 : f32
        %neg3A_312 = vector.broadcast %neg3A_311 : f32 to vector<16xf32>
        %neg3A_313 = arith.subf %neg3A_312, %get3A_308 : vector<16xf32>
        %exp3A_314 = math.exp %neg3A_313 : vector<16xf32>
        %mul3A_315 = arith.mulf %mul3A_310, %exp3A_314 : vector<16xf32>
        %add3A_316 = arith.addf %add3A_295, %mul3A_315 : vector<16xf32>
        %add3A_317 = arith.addf %add3A_296, %get3A_308 : vector<16xf32>
        %get3A_318 = arith.index_cast %scan3A_193 : i32 to index
        %get3A_319 = arith.constant 96 : index
        %get3A_320 = tpu.vector_load %arg11[%get3A_318, %get3A_319] {strides = array<i32>} : memref<16x512xf32, #tpu.memory_space<vmem>>, vector<1x16xf32>,
        %get3A_321 = vector.shape_cast %get3A_320 : vector<1x16xf32> to vector<16xf32>
        %get3A_322 = arith.index_cast %scan3A_193 : i32 to index
        %get3A_323 = arith.constant 96 : index
        %get3A_324 = tpu.vector_load %arg12[%get3A_322, %get3A_323] {strides = array<i32>} : memref<16x512xf32, #tpu.memory_space<vmem>>, vector<1x16xf32>,
        %get3A_325 = vector.shape_cast %get3A_324 : vector<1x16xf32> to vector<16xf32>
        %get3A_326 = arith.index_cast %scan3A_193 : i32 to index
        %get3A_327 = arith.constant 96 : index
        %get3A_328 = tpu.vector_load %arg13[%get3A_326, %get3A_327] {strides = array<i32>} : memref<16x512xf32, #tpu.memory_space<vmem>>, vector<1x16xf32>,
        %get3A_329 = vector.shape_cast %get3A_328 : vector<1x16xf32> to vector<16xf32>
        %sub3A_330 = arith.subf %get3A_321, %get3A_325 : vector<16xf32>
        %mul3A_331 = arith.mulf %sub3A_330, %sub3A_330 : vector<16xf32>
        %neg3A_332 = arith.constant 0.000000e+00 : f32
        %neg3A_333 = vector.broadcast %neg3A_332 : f32 to vector<16xf32>
        %neg3A_334 = arith.subf %neg3A_333, %get3A_329 : vector<16xf32>
        %exp3A_335 = math.exp %neg3A_334 : vector<16xf32>
        %mul3A_336 = arith.mulf %mul3A_331, %exp3A_335 : vector<16xf32>
        %add3A_337 = arith.addf %add3A_316, %mul3A_336 : vector<16xf32>
        %add3A_338 = arith.addf %add3A_317, %get3A_329 : vector<16xf32>
        %get3A_339 = arith.index_cast %scan3A_193 : i32 to index
        %get3A_340 = arith.constant 112 : index
        %get3A_341 = tpu.vector_load %arg11[%get3A_339, %get3A_340] {strides = array<i32>} : memref<16x512xf32, #tpu.memory_space<vmem>>, vector<1x16xf32>,
        %get3A_342 = vector.shape_cast %get3A_341 : vector<1x16xf32> to vector<16xf32>
        %get3A_343 = arith.index_cast %scan3A_193 : i32 to index
        %get3A_344 = arith.constant 112 : index
        %get3A_345 = tpu.vector_load %arg12[%get3A_343, %get3A_344] {strides = array<i32>} : memref<16x512xf32, #tpu.memory_space<vmem>>, vector<1x16xf32>,
        %get3A_346 = vector.shape_cast %get3A_345 : vector<1x16xf32> to vector<16xf32>
        %get3A_347 = arith.index_cast %scan3A_193 : i32 to index
        %get3A_348 = arith.constant 112 : index
        %get3A_349 = tpu.vector_load %arg13[%get3A_347, %get3A_348] {strides = array<i32>} : memref<16x512xf32, #tpu.memory_space<vmem>>, vector<1x16xf32>,
        %get3A_350 = vector.shape_cast %get3A_349 : vector<1x16xf32> to vector<16xf32>
        %sub3A_351 = arith.subf %get3A_342, %get3A_346 : vector<16xf32>
        %mul3A_352 = arith.mulf %sub3A_351, %sub3A_351 : vector<16xf32>
        %neg3A_353 = arith.constant 0.000000e+00 : f32
        %neg3A_354 = vector.broadcast %neg3A_353 : f32 to vector<16xf32>
        %neg3A_355 = arith.subf %neg3A_354, %get3A_350 : vector<16xf32>
        %exp3A_356 = math.exp %neg3A_355 : vector<16xf32>
        %mul3A_357 = arith.mulf %mul3A_352, %exp3A_356 : vector<16xf32>
        %add3A_358 = arith.addf %add3A_337, %mul3A_357 : vector<16xf32>
        %add3A_359 = arith.addf %add3A_338, %get3A_350 : vector<16xf32>
        %get3A_360 = arith.index_cast %scan3A_193 : i32 to index
        %get3A_361 = arith.constant 128 : index
        %get3A_362 = tpu.vector_load %arg11[%get3A_360, %get3A_361] {strides = array<i32>} : memref<16x512xf32, #tpu.memory_space<vmem>>, vector<1x16xf32>,
        %get3A_363 = vector.shape_cast %get3A_362 : vector<1x16xf32> to vector<16xf32>
        %get3A_364 = arith.index_cast %scan3A_193 : i32 to index
        %get3A_365 = arith.constant 128 : index
        %get3A_366 = tpu.vector_load %arg12[%get3A_364, %get3A_365] {strides = array<i32>} : memref<16x512xf32, #tpu.memory_space<vmem>>, vector<1x16xf32>,
        %get3A_367 = vector.shape_cast %get3A_366 : vector<1x16xf32> to vector<16xf32>
        %get3A_368 = arith.index_cast %scan3A_193 : i32 to index
        %get3A_369 = arith.constant 128 : index
        %get3A_370 = tpu.vector_load %arg13[%get3A_368, %get3A_369] {strides = array<i32>} : memref<16x512xf32, #tpu.memory_space<vmem>>, vector<1x16xf32>,
        %get3A_371 = vector.shape_cast %get3A_370 : vector<1x16xf32> to vector<16xf32>
        %sub3A_372 = arith.subf %get3A_363, %get3A_367 : vector<16xf32>
        %mul3A_373 = arith.mulf %sub3A_372, %sub3A_372 : vector<16xf32>
        %neg3A_374 = arith.constant 0.000000e+00 : f32
        %neg3A_375 = vector.broadcast %neg3A_374 : f32 to vector<16xf32>
        %neg3A_376 = arith.subf %neg3A_375, %get3A_371 : vector<16xf32>
        %exp3A_377 = math.exp %neg3A_376 : vector<16xf32>
        %mul3A_378 = arith.mulf %mul3A_373, %exp3A_377 : vector<16xf32>
        %add3A_379 = arith.addf %add3A_358, %mul3A_378 : vector<16xf32>
        %add3A_380 = arith.addf %add3A_359, %get3A_371 : vector<16xf32>
        %get3A_381 = arith.index_cast %scan3A_193 : i32 to index
        %get3A_382 = arith.constant 144 : index
        %get3A_383 = tpu.vector_load %arg11[%get3A_381, %get3A_382] {strides = array<i32>} : memref<16x512xf32, #tpu.memory_space<vmem>>, vector<1x16xf32>,
        %get3A_384 = vector.shape_cast %get3A_383 : vector<1x16xf32> to vector<16xf32>
        %get3A_385 = arith.index_cast %scan3A_193 : i32 to index
        %get3A_386 = arith.constant 144 : index
        %get3A_387 = tpu.vector_load %arg12[%get3A_385, %get3A_386] {strides = array<i32>} : memref<16x512xf32, #tpu.memory_space<vmem>>, vector<1x16xf32>,
        %get3A_388 = vector.shape_cast %get3A_387 : vector<1x16xf32> to vector<16xf32>
        %get3A_389 = arith.index_cast %scan3A_193 : i32 to index
        %get3A_390 = arith.constant 144 : index
        %get3A_391 = tpu.vector_load %arg13[%get3A_389, %get3A_390] {strides = array<i32>} : memref<16x512xf32, #tpu.memory_space<vmem>>, vector<1x16xf32>,
        %get3A_392 = vector.shape_cast %get3A_391 : vector<1x16xf32> to vector<16xf32>
        %sub3A_393 = arith.subf %get3A_384, %get3A_388 : vector<16xf32>
        %mul3A_394 = arith.mulf %sub3A_393, %sub3A_393 : vector<16xf32>
        %neg3A_395 = arith.constant 0.000000e+00 : f32
        %neg3A_396 = vector.broadcast %neg3A_395 : f32 to vector<16xf32>
        %neg3A_397 = arith.subf %neg3A_396, %get3A_392 : vector<16xf32>
        %exp3A_398 = math.exp %neg3A_397 : vector<16xf32>
        %mul3A_399 = arith.mulf %mul3A_394, %exp3A_398 : vector<16xf32>
        %add3A_400 = arith.addf %add3A_379, %mul3A_399 : vector<16xf32>
        %add3A_401 = arith.addf %add3A_380, %get3A_392 : vector<16xf32>
        %get3A_402 = arith.index_cast %scan3A_193 : i32 to index
        %get3A_403 = arith.constant 160 : index
        %get3A_404 = tpu.vector_load %arg11[%get3A_402, %get3A_403] {strides = array<i32>} : memref<16x512xf32, #tpu.memory_space<vmem>>, vector<1x16xf32>,
        %get3A_405 = vector.shape_cast %get3A_404 : vector<1x16xf32> to vector<16xf32>
        %get3A_406 = arith.index_cast %scan3A_193 : i32 to index
        %get3A_407 = arith.constant 160 : index
        %get3A_408 = tpu.vector_load %arg12[%get3A_406, %get3A_407] {strides = array<i32>} : memref<16x512xf32, #tpu.memory_space<vmem>>, vector<1x16xf32>,
        %get3A_409 = vector.shape_cast %get3A_408 : vector<1x16xf32> to vector<16xf32>
        %get3A_410 = arith.index_cast %scan3A_193 : i32 to index
        %get3A_411 = arith.constant 160 : index
        %get3A_412 = tpu.vector_load %arg13[%get3A_410, %get3A_411] {strides = array<i32>} : memref<16x512xf32, #tpu.memory_space<vmem>>, vector<1x16xf32>,
        %get3A_413 = vector.shape_cast %get3A_412 : vector<1x16xf32> to vector<16xf32>
        %sub3A_414 = arith.subf %get3A_405, %get3A_409 : vector<16xf32>
        %mul3A_415 = arith.mulf %sub3A_414, %sub3A_414 : vector<16xf32>
        %neg3A_416 = arith.constant 0.000000e+00 : f32
        %neg3A_417 = vector.broadcast %neg3A_416 : f32 to vector<16xf32>
        %neg3A_418 = arith.subf %neg3A_417, %get3A_413 : vector<16xf32>
        %exp3A_419 = math.exp %neg3A_418 : vector<16xf32>
        %mul3A_420 = arith.mulf %mul3A_415, %exp3A_419 : vector<16xf32>
        %add3A_421 = arith.addf %add3A_400, %mul3A_420 : vector<16xf32>
        %add3A_422 = arith.addf %add3A_401, %get3A_413 : vector<16xf32>
        %get3A_423 = arith.index_cast %scan3A_193 : i32 to index
        %get3A_424 = arith.constant 176 : index
        %get3A_425 = tpu.vector_load %arg11[%get3A_423, %get3A_424] {strides = array<i32>} : memref<16x512xf32, #tpu.memory_space<vmem>>, vector<1x16xf32>,
        %get3A_426 = vector.shape_cast %get3A_425 : vector<1x16xf32> to vector<16xf32>
        %get3A_427 = arith.index_cast %scan3A_193 : i32 to index
        %get3A_428 = arith.constant 176 : index
        %get3A_429 = tpu.vector_load %arg12[%get3A_427, %get3A_428] {strides = array<i32>} : memref<16x512xf32, #tpu.memory_space<vmem>>, vector<1x16xf32>,
        %get3A_430 = vector.shape_cast %get3A_429 : vector<1x16xf32> to vector<16xf32>
        %get3A_431 = arith.index_cast %scan3A_193 : i32 to index
        %get3A_432 = arith.constant 176 : index
        %get3A_433 = tpu.vector_load %arg13[%get3A_431, %get3A_432] {strides = array<i32>} : memref<16x512xf32, #tpu.memory_space<vmem>>, vector<1x16xf32>,
        %get3A_434 = vector.shape_cast %get3A_433 : vector<1x16xf32> to vector<16xf32>
        %sub3A_435 = arith.subf %get3A_426, %get3A_430 : vector<16xf32>
        %mul3A_436 = arith.mulf %sub3A_435, %sub3A_435 : vector<16xf32>
        %neg3A_437 = arith.constant 0.000000e+00 : f32
        %neg3A_438 = vector.broadcast %neg3A_437 : f32 to vector<16xf32>
        %neg3A_439 = arith.subf %neg3A_438, %get3A_434 : vector<16xf32>
        %exp3A_440 = math.exp %neg3A_439 : vector<16xf32>
        %mul3A_441 = arith.mulf %mul3A_436, %exp3A_440 : vector<16xf32>
        %add3A_442 = arith.addf %add3A_421, %mul3A_441 : vector<16xf32>
        %add3A_443 = arith.addf %add3A_422, %get3A_434 : vector<16xf32>
        %get3A_444 = arith.index_cast %scan3A_193 : i32 to index
        %get3A_445 = arith.constant 192 : index
        %get3A_446 = tpu.vector_load %arg11[%get3A_444, %get3A_445] {strides = array<i32>} : memref<16x512xf32, #tpu.memory_space<vmem>>, vector<1x16xf32>,
        %get3A_447 = vector.shape_cast %get3A_446 : vector<1x16xf32> to vector<16xf32>
        %get3A_448 = arith.index_cast %scan3A_193 : i32 to index
        %get3A_449 = arith.constant 192 : index
        %get3A_450 = tpu.vector_load %arg12[%get3A_448, %get3A_449] {strides = array<i32>} : memref<16x512xf32, #tpu.memory_space<vmem>>, vector<1x16xf32>,
        %get3A_451 = vector.shape_cast %get3A_450 : vector<1x16xf32> to vector<16xf32>
        %get3A_452 = arith.index_cast %scan3A_193 : i32 to index
        %get3A_453 = arith.constant 192 : index
        %get3A_454 = tpu.vector_load %arg13[%get3A_452, %get3A_453] {strides = array<i32>} : memref<16x512xf32, #tpu.memory_space<vmem>>, vector<1x16xf32>,
        %get3A_455 = vector.shape_cast %get3A_454 : vector<1x16xf32> to vector<16xf32>
        %sub3A_456 = arith.subf %get3A_447, %get3A_451 : vector<16xf32>
        %mul3A_457 = arith.mulf %sub3A_456, %sub3A_456 : vector<16xf32>
        %neg3A_458 = arith.constant 0.000000e+00 : f32
        %neg3A_459 = vector.broadcast %neg3A_458 : f32 to vector<16xf32>
        %neg3A_460 = arith.subf %neg3A_459, %get3A_455 : vector<16xf32>
        %exp3A_461 = math.exp %neg3A_460 : vector<16xf32>
        %mul3A_462 = arith.mulf %mul3A_457, %exp3A_461 : vector<16xf32>
        %add3A_463 = arith.addf %add3A_442, %mul3A_462 : vector<16xf32>
        %add3A_464 = arith.addf %add3A_443, %get3A_455 : vector<16xf32>
        %get3A_465 = arith.index_cast %scan3A_193 : i32 to index
        %get3A_466 = arith.constant 208 : index
        %get3A_467 = tpu.vector_load %arg11[%get3A_465, %get3A_466] {strides = array<i32>} : memref<16x512xf32, #tpu.memory_space<vmem>>, vector<1x16xf32>,
        %get3A_468 = vector.shape_cast %get3A_467 : vector<1x16xf32> to vector<16xf32>
        %get3A_469 = arith.index_cast %scan3A_193 : i32 to index
        %get3A_470 = arith.constant 208 : index
        %get3A_471 = tpu.vector_load %arg12[%get3A_469, %get3A_470] {strides = array<i32>} : memref<16x512xf32, #tpu.memory_space<vmem>>, vector<1x16xf32>,
        %get3A_472 = vector.shape_cast %get3A_471 : vector<1x16xf32> to vector<16xf32>
        %get3A_473 = arith.index_cast %scan3A_193 : i32 to index
        %get3A_474 = arith.constant 208 : index
        %get3A_475 = tpu.vector_load %arg13[%get3A_473, %get3A_474] {strides = array<i32>} : memref<16x512xf32, #tpu.memory_space<vmem>>, vector<1x16xf32>,
        %get3A_476 = vector.shape_cast %get3A_475 : vector<1x16xf32> to vector<16xf32>
        %sub3A_477 = arith.subf %get3A_468, %get3A_472 : vector<16xf32>
        %mul3A_478 = arith.mulf %sub3A_477, %sub3A_477 : vector<16xf32>
        %neg3A_479 = arith.constant 0.000000e+00 : f32
        %neg3A_480 = vector.broadcast %neg3A_479 : f32 to vector<16xf32>
        %neg3A_481 = arith.subf %neg3A_480, %get3A_476 : vector<16xf32>
        %exp3A_482 = math.exp %neg3A_481 : vector<16xf32>
        %mul3A_483 = arith.mulf %mul3A_478, %exp3A_482 : vector<16xf32>
        %add3A_484 = arith.addf %add3A_463, %mul3A_483 : vector<16xf32>
        %add3A_485 = arith.addf %add3A_464, %get3A_476 : vector<16xf32>
        %get3A_486 = arith.index_cast %scan3A_193 : i32 to index
        %get3A_487 = arith.constant 224 : index
        %get3A_488 = tpu.vector_load %arg11[%get3A_486, %get3A_487] {strides = array<i32>} : memref<16x512xf32, #tpu.memory_space<vmem>>, vector<1x16xf32>,
        %get3A_489 = vector.shape_cast %get3A_488 : vector<1x16xf32> to vector<16xf32>
        %get3A_490 = arith.index_cast %scan3A_193 : i32 to index
        %get3A_491 = arith.constant 224 : index
        %get3A_492 = tpu.vector_load %arg12[%get3A_490, %get3A_491] {strides = array<i32>} : memref<16x512xf32, #tpu.memory_space<vmem>>, vector<1x16xf32>,
        %get3A_493 = vector.shape_cast %get3A_492 : vector<1x16xf32> to vector<16xf32>
        %get3A_494 = arith.index_cast %scan3A_193 : i32 to index
        %get3A_495 = arith.constant 224 : index
        %get3A_496 = tpu.vector_load %arg13[%get3A_494, %get3A_495] {strides = array<i32>} : memref<16x512xf32, #tpu.memory_space<vmem>>, vector<1x16xf32>,
        %get3A_497 = vector.shape_cast %get3A_496 : vector<1x16xf32> to vector<16xf32>
        %sub3A_498 = arith.subf %get3A_489, %get3A_493 : vector<16xf32>
        %mul3A_499 = arith.mulf %sub3A_498, %sub3A_498 : vector<16xf32>
        %neg3A_500 = arith.constant 0.000000e+00 : f32
        %neg3A_501 = vector.broadcast %neg3A_500 : f32 to vector<16xf32>
        %neg3A_502 = arith.subf %neg3A_501, %get3A_497 : vector<16xf32>
        %exp3A_503 = math.exp %neg3A_502 : vector<16xf32>
        %mul3A_504 = arith.mulf %mul3A_499, %exp3A_503 : vector<16xf32>
        %add3A_505 = arith.addf %add3A_484, %mul3A_504 : vector<16xf32>
        %add3A_506 = arith.addf %add3A_485, %get3A_497 : vector<16xf32>
        %get3A_507 = arith.index_cast %scan3A_193 : i32 to index
        %get3A_508 = arith.constant 240 : index
        %get3A_509 = tpu.vector_load %arg11[%get3A_507, %get3A_508] {strides = array<i32>} : memref<16x512xf32, #tpu.memory_space<vmem>>, vector<1x16xf32>,
        %get3A_510 = vector.shape_cast %get3A_509 : vector<1x16xf32> to vector<16xf32>
        %get3A_511 = arith.index_cast %scan3A_193 : i32 to index
        %get3A_512 = arith.constant 240 : index
        %get3A_513 = tpu.vector_load %arg12[%get3A_511, %get3A_512] {strides = array<i32>} : memref<16x512xf32, #tpu.memory_space<vmem>>, vector<1x16xf32>,
        %get3A_514 = vector.shape_cast %get3A_513 : vector<1x16xf32> to vector<16xf32>
        %get3A_515 = arith.index_cast %scan3A_193 : i32 to index
        %get3A_516 = arith.constant 240 : index
        %get3A_517 = tpu.vector_load %arg13[%get3A_515, %get3A_516] {strides = array<i32>} : memref<16x512xf32, #tpu.memory_space<vmem>>, vector<1x16xf32>,
        %get3A_518 = vector.shape_cast %get3A_517 : vector<1x16xf32> to vector<16xf32>
        %sub3A_519 = arith.subf %get3A_510, %get3A_514 : vector<16xf32>
        %mul3A_520 = arith.mulf %sub3A_519, %sub3A_519 : vector<16xf32>
        %neg3A_521 = arith.constant 0.000000e+00 : f32
        %neg3A_522 = vector.broadcast %neg3A_521 : f32 to vector<16xf32>
        %neg3A_523 = arith.subf %neg3A_522, %get3A_518 : vector<16xf32>
        %exp3A_524 = math.exp %neg3A_523 : vector<16xf32>
        %mul3A_525 = arith.mulf %mul3A_520, %exp3A_524 : vector<16xf32>
        %add3A_526 = arith.addf %add3A_505, %mul3A_525 : vector<16xf32>
        %add3A_527 = arith.addf %add3A_506, %get3A_518 : vector<16xf32>
        %get3A_528 = arith.index_cast %scan3A_193 : i32 to index
        %get3A_529 = arith.constant 256 : index
        %get3A_530 = tpu.vector_load %arg11[%get3A_528, %get3A_529] {strides = array<i32>} : memref<16x512xf32, #tpu.memory_space<vmem>>, vector<1x16xf32>,
        %get3A_531 = vector.shape_cast %get3A_530 : vector<1x16xf32> to vector<16xf32>
        %get3A_532 = arith.index_cast %scan3A_193 : i32 to index
        %get3A_533 = arith.constant 256 : index
        %get3A_534 = tpu.vector_load %arg12[%get3A_532, %get3A_533] {strides = array<i32>} : memref<16x512xf32, #tpu.memory_space<vmem>>, vector<1x16xf32>,
        %get3A_535 = vector.shape_cast %get3A_534 : vector<1x16xf32> to vector<16xf32>
        %get3A_536 = arith.index_cast %scan3A_193 : i32 to index
        %get3A_537 = arith.constant 256 : index
        %get3A_538 = tpu.vector_load %arg13[%get3A_536, %get3A_537] {strides = array<i32>} : memref<16x512xf32, #tpu.memory_space<vmem>>, vector<1x16xf32>,
        %get3A_539 = vector.shape_cast %get3A_538 : vector<1x16xf32> to vector<16xf32>
        %sub3A_540 = arith.subf %get3A_531, %get3A_535 : vector<16xf32>
        %mul3A_541 = arith.mulf %sub3A_540, %sub3A_540 : vector<16xf32>
        %neg3A_542 = arith.constant 0.000000e+00 : f32
        %neg3A_543 = vector.broadcast %neg3A_542 : f32 to vector<16xf32>
        %neg3A_544 = arith.subf %neg3A_543, %get3A_539 : vector<16xf32>
        %exp3A_545 = math.exp %neg3A_544 : vector<16xf32>
        %mul3A_546 = arith.mulf %mul3A_541, %exp3A_545 : vector<16xf32>
        %add3A_547 = arith.addf %add3A_526, %mul3A_546 : vector<16xf32>
        %add3A_548 = arith.addf %add3A_527, %get3A_539 : vector<16xf32>
        %get3A_549 = arith.index_cast %scan3A_193 : i32 to index
        %get3A_550 = arith.constant 272 : index
        %get3A_551 = tpu.vector_load %arg11[%get3A_549, %get3A_550] {strides = array<i32>} : memref<16x512xf32, #tpu.memory_space<vmem>>, vector<1x16xf32>,
        %get3A_552 = vector.shape_cast %get3A_551 : vector<1x16xf32> to vector<16xf32>
        %get3A_553 = arith.index_cast %scan3A_193 : i32 to index
        %get3A_554 = arith.constant 272 : index
        %get3A_555 = tpu.vector_load %arg12[%get3A_553, %get3A_554] {strides = array<i32>} : memref<16x512xf32, #tpu.memory_space<vmem>>, vector<1x16xf32>,
        %get3A_556 = vector.shape_cast %get3A_555 : vector<1x16xf32> to vector<16xf32>
        %get3A_557 = arith.index_cast %scan3A_193 : i32 to index
        %get3A_558 = arith.constant 272 : index
        %get3A_559 = tpu.vector_load %arg13[%get3A_557, %get3A_558] {strides = array<i32>} : memref<16x512xf32, #tpu.memory_space<vmem>>, vector<1x16xf32>,
        %get3A_560 = vector.shape_cast %get3A_559 : vector<1x16xf32> to vector<16xf32>
        %sub3A_561 = arith.subf %get3A_552, %get3A_556 : vector<16xf32>
        %mul3A_562 = arith.mulf %sub3A_561, %sub3A_561 : vector<16xf32>
        %neg3A_563 = arith.constant 0.000000e+00 : f32
        %neg3A_564 = vector.broadcast %neg3A_563 : f32 to vector<16xf32>
        %neg3A_565 = arith.subf %neg3A_564, %get3A_560 : vector<16xf32>
        %exp3A_566 = math.exp %neg3A_565 : vector<16xf32>
        %mul3A_567 = arith.mulf %mul3A_562, %exp3A_566 : vector<16xf32>
        %add3A_568 = arith.addf %add3A_547, %mul3A_567 : vector<16xf32>
        %add3A_569 = arith.addf %add3A_548, %get3A_560 : vector<16xf32>
        %get3A_570 = arith.index_cast %scan3A_193 : i32 to index
        %get3A_571 = arith.constant 288 : index
        %get3A_572 = tpu.vector_load %arg11[%get3A_570, %get3A_571] {strides = array<i32>} : memref<16x512xf32, #tpu.memory_space<vmem>>, vector<1x16xf32>,
        %get3A_573 = vector.shape_cast %get3A_572 : vector<1x16xf32> to vector<16xf32>
        %get3A_574 = arith.index_cast %scan3A_193 : i32 to index
        %get3A_575 = arith.constant 288 : index
        %get3A_576 = tpu.vector_load %arg12[%get3A_574, %get3A_575] {strides = array<i32>} : memref<16x512xf32, #tpu.memory_space<vmem>>, vector<1x16xf32>,
        %get3A_577 = vector.shape_cast %get3A_576 : vector<1x16xf32> to vector<16xf32>
        %get3A_578 = arith.index_cast %scan3A_193 : i32 to index
        %get3A_579 = arith.constant 288 : index
        %get3A_580 = tpu.vector_load %arg13[%get3A_578, %get3A_579] {strides = array<i32>} : memref<16x512xf32, #tpu.memory_space<vmem>>, vector<1x16xf32>,
        %get3A_581 = vector.shape_cast %get3A_580 : vector<1x16xf32> to vector<16xf32>
        %sub3A_582 = arith.subf %get3A_573, %get3A_577 : vector<16xf32>
        %mul3A_583 = arith.mulf %sub3A_582, %sub3A_582 : vector<16xf32>
        %neg3A_584 = arith.constant 0.000000e+00 : f32
        %neg3A_585 = vector.broadcast %neg3A_584 : f32 to vector<16xf32>
        %neg3A_586 = arith.subf %neg3A_585, %get3A_581 : vector<16xf32>
        %exp3A_587 = math.exp %neg3A_586 : vector<16xf32>
        %mul3A_588 = arith.mulf %mul3A_583, %exp3A_587 : vector<16xf32>
        %add3A_589 = arith.addf %add3A_568, %mul3A_588 : vector<16xf32>
        %add3A_590 = arith.addf %add3A_569, %get3A_581 : vector<16xf32>
        %get3A_591 = arith.index_cast %scan3A_193 : i32 to index
        %get3A_592 = arith.constant 304 : index
        %get3A_593 = tpu.vector_load %arg11[%get3A_591, %get3A_592] {strides = array<i32>} : memref<16x512xf32, #tpu.memory_space<vmem>>, vector<1x16xf32>,
        %get3A_594 = vector.shape_cast %get3A_593 : vector<1x16xf32> to vector<16xf32>
        %get3A_595 = arith.index_cast %scan3A_193 : i32 to index
        %get3A_596 = arith.constant 304 : index
        %get3A_597 = tpu.vector_load %arg12[%get3A_595, %get3A_596] {strides = array<i32>} : memref<16x512xf32, #tpu.memory_space<vmem>>, vector<1x16xf32>,
        %get3A_598 = vector.shape_cast %get3A_597 : vector<1x16xf32> to vector<16xf32>
        %get3A_599 = arith.index_cast %scan3A_193 : i32 to index
        %get3A_600 = arith.constant 304 : index
        %get3A_601 = tpu.vector_load %arg13[%get3A_599, %get3A_600] {strides = array<i32>} : memref<16x512xf32, #tpu.memory_space<vmem>>, vector<1x16xf32>,
        %get3A_602 = vector.shape_cast %get3A_601 : vector<1x16xf32> to vector<16xf32>
        %sub3A_603 = arith.subf %get3A_594, %get3A_598 : vector<16xf32>
        %mul3A_604 = arith.mulf %sub3A_603, %sub3A_603 : vector<16xf32>
        %neg3A_605 = arith.constant 0.000000e+00 : f32
        %neg3A_606 = vector.broadcast %neg3A_605 : f32 to vector<16xf32>
        %neg3A_607 = arith.subf %neg3A_606, %get3A_602 : vector<16xf32>
        %exp3A_608 = math.exp %neg3A_607 : vector<16xf32>
        %mul3A_609 = arith.mulf %mul3A_604, %exp3A_608 : vector<16xf32>
        %add3A_610 = arith.addf %add3A_589, %mul3A_609 : vector<16xf32>
        %add3A_611 = arith.addf %add3A_590, %get3A_602 : vector<16xf32>
        %get3A_612 = arith.index_cast %scan3A_193 : i32 to index
        %get3A_613 = arith.constant 320 : index
        %get3A_614 = tpu.vector_load %arg11[%get3A_612, %get3A_613] {strides = array<i32>} : memref<16x512xf32, #tpu.memory_space<vmem>>, vector<1x16xf32>,
        %get3A_615 = vector.shape_cast %get3A_614 : vector<1x16xf32> to vector<16xf32>
        %get3A_616 = arith.index_cast %scan3A_193 : i32 to index
        %get3A_617 = arith.constant 320 : index
        %get3A_618 = tpu.vector_load %arg12[%get3A_616, %get3A_617] {strides = array<i32>} : memref<16x512xf32, #tpu.memory_space<vmem>>, vector<1x16xf32>,
        %get3A_619 = vector.shape_cast %get3A_618 : vector<1x16xf32> to vector<16xf32>
        %get3A_620 = arith.index_cast %scan3A_193 : i32 to index
        %get3A_621 = arith.constant 320 : index
        %get3A_622 = tpu.vector_load %arg13[%get3A_620, %get3A_621] {strides = array<i32>} : memref<16x512xf32, #tpu.memory_space<vmem>>, vector<1x16xf32>,
        %get3A_623 = vector.shape_cast %get3A_622 : vector<1x16xf32> to vector<16xf32>
        %sub3A_624 = arith.subf %get3A_615, %get3A_619 : vector<16xf32>
        %mul3A_625 = arith.mulf %sub3A_624, %sub3A_624 : vector<16xf32>
        %neg3A_626 = arith.constant 0.000000e+00 : f32
        %neg3A_627 = vector.broadcast %neg3A_626 : f32 to vector<16xf32>
        %neg3A_628 = arith.subf %neg3A_627, %get3A_623 : vector<16xf32>
        %exp3A_629 = math.exp %neg3A_628 : vector<16xf32>
        %mul3A_630 = arith.mulf %mul3A_625, %exp3A_629 : vector<16xf32>
        %add3A_631 = arith.addf %add3A_610, %mul3A_630 : vector<16xf32>
        %add3A_632 = arith.addf %add3A_611, %get3A_623 : vector<16xf32>
        %get3A_633 = arith.index_cast %scan3A_193 : i32 to index
        %get3A_634 = arith.constant 336 : index
        %get3A_635 = tpu.vector_load %arg11[%get3A_633, %get3A_634] {strides = array<i32>} : memref<16x512xf32, #tpu.memory_space<vmem>>, vector<1x16xf32>,
        %get3A_636 = vector.shape_cast %get3A_635 : vector<1x16xf32> to vector<16xf32>
        %get3A_637 = arith.index_cast %scan3A_193 : i32 to index
        %get3A_638 = arith.constant 336 : index
        %get3A_639 = tpu.vector_load %arg12[%get3A_637, %get3A_638] {strides = array<i32>} : memref<16x512xf32, #tpu.memory_space<vmem>>, vector<1x16xf32>,
        %get3A_640 = vector.shape_cast %get3A_639 : vector<1x16xf32> to vector<16xf32>
        %get3A_641 = arith.index_cast %scan3A_193 : i32 to index
        %get3A_642 = arith.constant 336 : index
        %get3A_643 = tpu.vector_load %arg13[%get3A_641, %get3A_642] {strides = array<i32>} : memref<16x512xf32, #tpu.memory_space<vmem>>, vector<1x16xf32>,
        %get3A_644 = vector.shape_cast %get3A_643 : vector<1x16xf32> to vector<16xf32>
        %sub3A_645 = arith.subf %get3A_636, %get3A_640 : vector<16xf32>
        %mul3A_646 = arith.mulf %sub3A_645, %sub3A_645 : vector<16xf32>
        %neg3A_647 = arith.constant 0.000000e+00 : f32
        %neg3A_648 = vector.broadcast %neg3A_647 : f32 to vector<16xf32>
        %neg3A_649 = arith.subf %neg3A_648, %get3A_644 : vector<16xf32>
        %exp3A_650 = math.exp %neg3A_649 : vector<16xf32>
        %mul3A_651 = arith.mulf %mul3A_646, %exp3A_650 : vector<16xf32>
        %add3A_652 = arith.addf %add3A_631, %mul3A_651 : vector<16xf32>
        %add3A_653 = arith.addf %add3A_632, %get3A_644 : vector<16xf32>
        %get3A_654 = arith.index_cast %scan3A_193 : i32 to index
        %get3A_655 = arith.constant 352 : index
        %get3A_656 = tpu.vector_load %arg11[%get3A_654, %get3A_655] {strides = array<i32>} : memref<16x512xf32, #tpu.memory_space<vmem>>, vector<1x16xf32>,
        %get3A_657 = vector.shape_cast %get3A_656 : vector<1x16xf32> to vector<16xf32>
        %get3A_658 = arith.index_cast %scan3A_193 : i32 to index
        %get3A_659 = arith.constant 352 : index
        %get3A_660 = tpu.vector_load %arg12[%get3A_658, %get3A_659] {strides = array<i32>} : memref<16x512xf32, #tpu.memory_space<vmem>>, vector<1x16xf32>,
        %get3A_661 = vector.shape_cast %get3A_660 : vector<1x16xf32> to vector<16xf32>
        %get3A_662 = arith.index_cast %scan3A_193 : i32 to index
        %get3A_663 = arith.constant 352 : index
        %get3A_664 = tpu.vector_load %arg13[%get3A_662, %get3A_663] {strides = array<i32>} : memref<16x512xf32, #tpu.memory_space<vmem>>, vector<1x16xf32>,
        %get3A_665 = vector.shape_cast %get3A_664 : vector<1x16xf32> to vector<16xf32>
        %sub3A_666 = arith.subf %get3A_657, %get3A_661 : vector<16xf32>
        %mul3A_667 = arith.mulf %sub3A_666, %sub3A_666 : vector<16xf32>
        %neg3A_668 = arith.constant 0.000000e+00 : f32
        %neg3A_669 = vector.broadcast %neg3A_668 : f32 to vector<16xf32>
        %neg3A_670 = arith.subf %neg3A_669, %get3A_665 : vector<16xf32>
        %exp3A_671 = math.exp %neg3A_670 : vector<16xf32>
        %mul3A_672 = arith.mulf %mul3A_667, %exp3A_671 : vector<16xf32>
        %add3A_673 = arith.addf %add3A_652, %mul3A_672 : vector<16xf32>
        %add3A_674 = arith.addf %add3A_653, %get3A_665 : vector<16xf32>
        %get3A_675 = arith.index_cast %scan3A_193 : i32 to index
        %get3A_676 = arith.constant 368 : index
        %get3A_677 = tpu.vector_load %arg11[%get3A_675, %get3A_676] {strides = array<i32>} : memref<16x512xf32, #tpu.memory_space<vmem>>, vector<1x16xf32>,
        %get3A_678 = vector.shape_cast %get3A_677 : vector<1x16xf32> to vector<16xf32>
        %get3A_679 = arith.index_cast %scan3A_193 : i32 to index
        %get3A_680 = arith.constant 368 : index
        %get3A_681 = tpu.vector_load %arg12[%get3A_679, %get3A_680] {strides = array<i32>} : memref<16x512xf32, #tpu.memory_space<vmem>>, vector<1x16xf32>,
        %get3A_682 = vector.shape_cast %get3A_681 : vector<1x16xf32> to vector<16xf32>
        %get3A_683 = arith.index_cast %scan3A_193 : i32 to index
        %get3A_684 = arith.constant 368 : index
        %get3A_685 = tpu.vector_load %arg13[%get3A_683, %get3A_684] {strides = array<i32>} : memref<16x512xf32, #tpu.memory_space<vmem>>, vector<1x16xf32>,
        %get3A_686 = vector.shape_cast %get3A_685 : vector<1x16xf32> to vector<16xf32>
        %sub3A_687 = arith.subf %get3A_678, %get3A_682 : vector<16xf32>
        %mul3A_688 = arith.mulf %sub3A_687, %sub3A_687 : vector<16xf32>
        %neg3A_689 = arith.constant 0.000000e+00 : f32
        %neg3A_690 = vector.broadcast %neg3A_689 : f32 to vector<16xf32>
        %neg3A_691 = arith.subf %neg3A_690, %get3A_686 : vector<16xf32>
        %exp3A_692 = math.exp %neg3A_691 : vector<16xf32>
        %mul3A_693 = arith.mulf %mul3A_688, %exp3A_692 : vector<16xf32>
        %add3A_694 = arith.addf %add3A_673, %mul3A_693 : vector<16xf32>
        %add3A_695 = arith.addf %add3A_674, %get3A_686 : vector<16xf32>
        %get3A_696 = arith.index_cast %scan3A_193 : i32 to index
        %get3A_697 = arith.constant 384 : index
        %get3A_698 = tpu.vector_load %arg11[%get3A_696, %get3A_697] {strides = array<i32>} : memref<16x512xf32, #tpu.memory_space<vmem>>, vector<1x16xf32>,
        %get3A_699 = vector.shape_cast %get3A_698 : vector<1x16xf32> to vector<16xf32>
        %get3A_700 = arith.index_cast %scan3A_193 : i32 to index
        %get3A_701 = arith.constant 384 : index
        %get3A_702 = tpu.vector_load %arg12[%get3A_700, %get3A_701] {strides = array<i32>} : memref<16x512xf32, #tpu.memory_space<vmem>>, vector<1x16xf32>,
        %get3A_703 = vector.shape_cast %get3A_702 : vector<1x16xf32> to vector<16xf32>
        %get3A_704 = arith.index_cast %scan3A_193 : i32 to index
        %get3A_705 = arith.constant 384 : index
        %get3A_706 = tpu.vector_load %arg13[%get3A_704, %get3A_705] {strides = array<i32>} : memref<16x512xf32, #tpu.memory_space<vmem>>, vector<1x16xf32>,
        %get3A_707 = vector.shape_cast %get3A_706 : vector<1x16xf32> to vector<16xf32>
        %sub3A_708 = arith.subf %get3A_699, %get3A_703 : vector<16xf32>
        %mul3A_709 = arith.mulf %sub3A_708, %sub3A_708 : vector<16xf32>
        %neg3A_710 = arith.constant 0.000000e+00 : f32
        %neg3A_711 = vector.broadcast %neg3A_710 : f32 to vector<16xf32>
        %neg3A_712 = arith.subf %neg3A_711, %get3A_707 : vector<16xf32>
        %exp3A_713 = math.exp %neg3A_712 : vector<16xf32>
        %mul3A_714 = arith.mulf %mul3A_709, %exp3A_713 : vector<16xf32>
        %add3A_715 = arith.addf %add3A_694, %mul3A_714 : vector<16xf32>
        %add3A_716 = arith.addf %add3A_695, %get3A_707 : vector<16xf32>
        %get3A_717 = arith.index_cast %scan3A_193 : i32 to index
        %get3A_718 = arith.constant 400 : index
        %get3A_719 = tpu.vector_load %arg11[%get3A_717, %get3A_718] {strides = array<i32>} : memref<16x512xf32, #tpu.memory_space<vmem>>, vector<1x16xf32>,
        %get3A_720 = vector.shape_cast %get3A_719 : vector<1x16xf32> to vector<16xf32>
        %get3A_721 = arith.index_cast %scan3A_193 : i32 to index
        %get3A_722 = arith.constant 400 : index
        %get3A_723 = tpu.vector_load %arg12[%get3A_721, %get3A_722] {strides = array<i32>} : memref<16x512xf32, #tpu.memory_space<vmem>>, vector<1x16xf32>,
        %get3A_724 = vector.shape_cast %get3A_723 : vector<1x16xf32> to vector<16xf32>
        %get3A_725 = arith.index_cast %scan3A_193 : i32 to index
        %get3A_726 = arith.constant 400 : index
        %get3A_727 = tpu.vector_load %arg13[%get3A_725, %get3A_726] {strides = array<i32>} : memref<16x512xf32, #tpu.memory_space<vmem>>, vector<1x16xf32>,
        %get3A_728 = vector.shape_cast %get3A_727 : vector<1x16xf32> to vector<16xf32>
        %sub3A_729 = arith.subf %get3A_720, %get3A_724 : vector<16xf32>
        %mul3A_730 = arith.mulf %sub3A_729, %sub3A_729 : vector<16xf32>
        %neg3A_731 = arith.constant 0.000000e+00 : f32
        %neg3A_732 = vector.broadcast %neg3A_731 : f32 to vector<16xf32>
        %neg3A_733 = arith.subf %neg3A_732, %get3A_728 : vector<16xf32>
        %exp3A_734 = math.exp %neg3A_733 : vector<16xf32>
        %mul3A_735 = arith.mulf %mul3A_730, %exp3A_734 : vector<16xf32>
        %add3A_736 = arith.addf %add3A_715, %mul3A_735 : vector<16xf32>
        %add3A_737 = arith.addf %add3A_716, %get3A_728 : vector<16xf32>
        %get3A_738 = arith.index_cast %scan3A_193 : i32 to index
        %get3A_739 = arith.constant 416 : index
        %get3A_740 = tpu.vector_load %arg11[%get3A_738, %get3A_739] {strides = array<i32>} : memref<16x512xf32, #tpu.memory_space<vmem>>, vector<1x16xf32>,
        %get3A_741 = vector.shape_cast %get3A_740 : vector<1x16xf32> to vector<16xf32>
        %get3A_742 = arith.index_cast %scan3A_193 : i32 to index
        %get3A_743 = arith.constant 416 : index
        %get3A_744 = tpu.vector_load %arg12[%get3A_742, %get3A_743] {strides = array<i32>} : memref<16x512xf32, #tpu.memory_space<vmem>>, vector<1x16xf32>,
        %get3A_745 = vector.shape_cast %get3A_744 : vector<1x16xf32> to vector<16xf32>
        %get3A_746 = arith.index_cast %scan3A_193 : i32 to index
        %get3A_747 = arith.constant 416 : index
        %get3A_748 = tpu.vector_load %arg13[%get3A_746, %get3A_747] {strides = array<i32>} : memref<16x512xf32, #tpu.memory_space<vmem>>, vector<1x16xf32>,
        %get3A_749 = vector.shape_cast %get3A_748 : vector<1x16xf32> to vector<16xf32>
        %sub3A_750 = arith.subf %get3A_741, %get3A_745 : vector<16xf32>
        %mul3A_751 = arith.mulf %sub3A_750, %sub3A_750 : vector<16xf32>
        %neg3A_752 = arith.constant 0.000000e+00 : f32
        %neg3A_753 = vector.broadcast %neg3A_752 : f32 to vector<16xf32>
        %neg3A_754 = arith.subf %neg3A_753, %get3A_749 : vector<16xf32>
        %exp3A_755 = math.exp %neg3A_754 : vector<16xf32>
        %mul3A_756 = arith.mulf %mul3A_751, %exp3A_755 : vector<16xf32>
        %add3A_757 = arith.addf %add3A_736, %mul3A_756 : vector<16xf32>
        %add3A_758 = arith.addf %add3A_737, %get3A_749 : vector<16xf32>
        %get3A_759 = arith.index_cast %scan3A_193 : i32 to index
        %get3A_760 = arith.constant 432 : index
        %get3A_761 = tpu.vector_load %arg11[%get3A_759, %get3A_760] {strides = array<i32>} : memref<16x512xf32, #tpu.memory_space<vmem>>, vector<1x16xf32>,
        %get3A_762 = vector.shape_cast %get3A_761 : vector<1x16xf32> to vector<16xf32>
        %get3A_763 = arith.index_cast %scan3A_193 : i32 to index
        %get3A_764 = arith.constant 432 : index
        %get3A_765 = tpu.vector_load %arg12[%get3A_763, %get3A_764] {strides = array<i32>} : memref<16x512xf32, #tpu.memory_space<vmem>>, vector<1x16xf32>,
        %get3A_766 = vector.shape_cast %get3A_765 : vector<1x16xf32> to vector<16xf32>
        %get3A_767 = arith.index_cast %scan3A_193 : i32 to index
        %get3A_768 = arith.constant 432 : index
        %get3A_769 = tpu.vector_load %arg13[%get3A_767, %get3A_768] {strides = array<i32>} : memref<16x512xf32, #tpu.memory_space<vmem>>, vector<1x16xf32>,
        %get3A_770 = vector.shape_cast %get3A_769 : vector<1x16xf32> to vector<16xf32>
        %sub3A_771 = arith.subf %get3A_762, %get3A_766 : vector<16xf32>
        %mul3A_772 = arith.mulf %sub3A_771, %sub3A_771 : vector<16xf32>
        %neg3A_773 = arith.constant 0.000000e+00 : f32
        %neg3A_774 = vector.broadcast %neg3A_773 : f32 to vector<16xf32>
        %neg3A_775 = arith.subf %neg3A_774, %get3A_770 : vector<16xf32>
        %exp3A_776 = math.exp %neg3A_775 : vector<16xf32>
        %mul3A_777 = arith.mulf %mul3A_772, %exp3A_776 : vector<16xf32>
        %add3A_778 = arith.addf %add3A_757, %mul3A_777 : vector<16xf32>
        %add3A_779 = arith.addf %add3A_758, %get3A_770 : vector<16xf32>
        %get3A_780 = arith.index_cast %scan3A_193 : i32 to index
        %get3A_781 = arith.constant 448 : index
        %get3A_782 = tpu.vector_load %arg11[%get3A_780, %get3A_781] {strides = array<i32>} : memref<16x512xf32, #tpu.memory_space<vmem>>, vector<1x16xf32>,
        %get3A_783 = vector.shape_cast %get3A_782 : vector<1x16xf32> to vector<16xf32>
        %get3A_784 = arith.index_cast %scan3A_193 : i32 to index
        %get3A_785 = arith.constant 448 : index
        %get3A_786 = tpu.vector_load %arg12[%get3A_784, %get3A_785] {strides = array<i32>} : memref<16x512xf32, #tpu.memory_space<vmem>>, vector<1x16xf32>,
        %get3A_787 = vector.shape_cast %get3A_786 : vector<1x16xf32> to vector<16xf32>
        %get3A_788 = arith.index_cast %scan3A_193 : i32 to index
        %get3A_789 = arith.constant 448 : index
        %get3A_790 = tpu.vector_load %arg13[%get3A_788, %get3A_789] {strides = array<i32>} : memref<16x512xf32, #tpu.memory_space<vmem>>, vector<1x16xf32>,
        %get3A_791 = vector.shape_cast %get3A_790 : vector<1x16xf32> to vector<16xf32>
        %sub3A_792 = arith.subf %get3A_783, %get3A_787 : vector<16xf32>
        %mul3A_793 = arith.mulf %sub3A_792, %sub3A_792 : vector<16xf32>
        %neg3A_794 = arith.constant 0.000000e+00 : f32
        %neg3A_795 = vector.broadcast %neg3A_794 : f32 to vector<16xf32>
        %neg3A_796 = arith.subf %neg3A_795, %get3A_791 : vector<16xf32>
        %exp3A_797 = math.exp %neg3A_796 : vector<16xf32>
        %mul3A_798 = arith.mulf %mul3A_793, %exp3A_797 : vector<16xf32>
        %add3A_799 = arith.addf %add3A_778, %mul3A_798 : vector<16xf32>
        %add3A_800 = arith.addf %add3A_779, %get3A_791 : vector<16xf32>
        %get3A_801 = arith.index_cast %scan3A_193 : i32 to index
        %get3A_802 = arith.constant 464 : index
        %get3A_803 = tpu.vector_load %arg11[%get3A_801, %get3A_802] {strides = array<i32>} : memref<16x512xf32, #tpu.memory_space<vmem>>, vector<1x16xf32>,
        %get3A_804 = vector.shape_cast %get3A_803 : vector<1x16xf32> to vector<16xf32>
        %get3A_805 = arith.index_cast %scan3A_193 : i32 to index
        %get3A_806 = arith.constant 464 : index
        %get3A_807 = tpu.vector_load %arg12[%get3A_805, %get3A_806] {strides = array<i32>} : memref<16x512xf32, #tpu.memory_space<vmem>>, vector<1x16xf32>,
        %get3A_808 = vector.shape_cast %get3A_807 : vector<1x16xf32> to vector<16xf32>
        %get3A_809 = arith.index_cast %scan3A_193 : i32 to index
        %get3A_810 = arith.constant 464 : index
        %get3A_811 = tpu.vector_load %arg13[%get3A_809, %get3A_810] {strides = array<i32>} : memref<16x512xf32, #tpu.memory_space<vmem>>, vector<1x16xf32>,
        %get3A_812 = vector.shape_cast %get3A_811 : vector<1x16xf32> to vector<16xf32>
        %sub3A_813 = arith.subf %get3A_804, %get3A_808 : vector<16xf32>
        %mul3A_814 = arith.mulf %sub3A_813, %sub3A_813 : vector<16xf32>
        %neg3A_815 = arith.constant 0.000000e+00 : f32
        %neg3A_816 = vector.broadcast %neg3A_815 : f32 to vector<16xf32>
        %neg3A_817 = arith.subf %neg3A_816, %get3A_812 : vector<16xf32>
        %exp3A_818 = math.exp %neg3A_817 : vector<16xf32>
        %mul3A_819 = arith.mulf %mul3A_814, %exp3A_818 : vector<16xf32>
        %add3A_820 = arith.addf %add3A_799, %mul3A_819 : vector<16xf32>
        %add3A_821 = arith.addf %add3A_800, %get3A_812 : vector<16xf32>
        %get3A_822 = arith.index_cast %scan3A_193 : i32 to index
        %get3A_823 = arith.constant 480 : index
        %get3A_824 = tpu.vector_load %arg11[%get3A_822, %get3A_823] {strides = array<i32>} : memref<16x512xf32, #tpu.memory_space<vmem>>, vector<1x16xf32>,
        %get3A_825 = vector.shape_cast %get3A_824 : vector<1x16xf32> to vector<16xf32>
        %get3A_826 = arith.index_cast %scan3A_193 : i32 to index
        %get3A_827 = arith.constant 480 : index
        %get3A_828 = tpu.vector_load %arg12[%get3A_826, %get3A_827] {strides = array<i32>} : memref<16x512xf32, #tpu.memory_space<vmem>>, vector<1x16xf32>,
        %get3A_829 = vector.shape_cast %get3A_828 : vector<1x16xf32> to vector<16xf32>
        %get3A_830 = arith.index_cast %scan3A_193 : i32 to index
        %get3A_831 = arith.constant 480 : index
        %get3A_832 = tpu.vector_load %arg13[%get3A_830, %get3A_831] {strides = array<i32>} : memref<16x512xf32, #tpu.memory_space<vmem>>, vector<1x16xf32>,
        %get3A_833 = vector.shape_cast %get3A_832 : vector<1x16xf32> to vector<16xf32>
        %sub3A_834 = arith.subf %get3A_825, %get3A_829 : vector<16xf32>
        %mul3A_835 = arith.mulf %sub3A_834, %sub3A_834 : vector<16xf32>
        %neg3A_836 = arith.constant 0.000000e+00 : f32
        %neg3A_837 = vector.broadcast %neg3A_836 : f32 to vector<16xf32>
        %neg3A_838 = arith.subf %neg3A_837, %get3A_833 : vector<16xf32>
        %exp3A_839 = math.exp %neg3A_838 : vector<16xf32>
        %mul3A_840 = arith.mulf %mul3A_835, %exp3A_839 : vector<16xf32>
        %add3A_841 = arith.addf %add3A_820, %mul3A_840 : vector<16xf32>
        %add3A_842 = arith.addf %add3A_821, %get3A_833 : vector<16xf32>
        %get3A_843 = arith.index_cast %scan3A_193 : i32 to index
        %get3A_844 = arith.constant 496 : index
        %get3A_845 = tpu.vector_load %arg11[%get3A_843, %get3A_844] {strides = array<i32>} : memref<16x512xf32, #tpu.memory_space<vmem>>, vector<1x16xf32>,
        %get3A_846 = vector.shape_cast %get3A_845 : vector<1x16xf32> to vector<16xf32>
        %get3A_847 = arith.index_cast %scan3A_193 : i32 to index
        %get3A_848 = arith.constant 496 : index
        %get3A_849 = tpu.vector_load %arg12[%get3A_847, %get3A_848] {strides = array<i32>} : memref<16x512xf32, #tpu.memory_space<vmem>>, vector<1x16xf32>,
        %get3A_850 = vector.shape_cast %get3A_849 : vector<1x16xf32> to vector<16xf32>
        %get3A_851 = arith.index_cast %scan3A_193 : i32 to index
        %get3A_852 = arith.constant 496 : index
        %get3A_853 = tpu.vector_load %arg13[%get3A_851, %get3A_852] {strides = array<i32>} : memref<16x512xf32, #tpu.memory_space<vmem>>, vector<1x16xf32>,
        %get3A_854 = vector.shape_cast %get3A_853 : vector<1x16xf32> to vector<16xf32>
        %sub3A_855 = arith.subf %get3A_846, %get3A_850 : vector<16xf32>
        %mul3A_856 = arith.mulf %sub3A_855, %sub3A_855 : vector<16xf32>
        %neg3A_857 = arith.constant 0.000000e+00 : f32
        %neg3A_858 = vector.broadcast %neg3A_857 : f32 to vector<16xf32>
        %neg3A_859 = arith.subf %neg3A_858, %get3A_854 : vector<16xf32>
        %exp3A_860 = math.exp %neg3A_859 : vector<16xf32>
        %mul3A_861 = arith.mulf %mul3A_856, %exp3A_860 : vector<16xf32>
        %add3A_862 = arith.addf %add3A_841, %mul3A_861 : vector<16xf32>
        %add3A_863 = arith.addf %add3A_842, %get3A_854 : vector<16xf32>
        scf.yield %add3A_862, %add3A_863 : vector<16xf32>, vector<16xf32>
      }
      %scan3A_129 = arith.constant 16 : i32
      %convert_element_type3A_130 = arith.extui %lt3A_75 : i1 to i32
      %cond3A_131 = arith.constant 0 : i32
      %cond3A_132 = arith.cmpi ne, %convert_element_type3A_130, %cond3A_131 : i32
      scf.if %cond3A_132 {
        %add3A_193 = arith.constant 4 : i32
        %add3A_194 = arith.addi %add3A_106, %add3A_193 : i32
        %mul3A_195 = arith.constant 16 : i32
        %mul3A_196 = arith.muli %add3A_194, %mul3A_195 : i32
        %add3A_197 = arith.addi %mul3A_2, %mul3A_196 : i32
        %mul3A_198 = arith.constant 16 : i32
        %mul3A_199 = arith.muli %add3A_194, %mul3A_198 : i32
        %dma_start3A_200 = tpu.memref_slice %arg7[%mul3A_199] : memref<512xi32, #tpu.memory_space<vmem>> -> memref<16xi32, #tpu.memory_space<vmem>>
        %dma_start3A_201 = arith.constant 0 : i32
        %dma_start3A_202 = arith.constant 0 : i32
        %dma_start3A_203 = tpu.memref_slice %arg5[%dma_start3A_201, %dma_start3A_202] : memref<85742x512xf32, #tpu.memory_space<hbm>> -> memref<85742x512xf32, #tpu.memory_space<hbm>>
        tpu.enqueue_indirect_dma source(%dma_start3A_203 : memref<85742x512xf32, #tpu.memory_space<hbm>>) target(%arg11 : memref<16x512xf32, #tpu.memory_space<vmem>>) offsets(%dma_start3A_200 : memref<16xi32, #tpu.memory_space<vmem>>) semaphore(%arg22 : memref<!tpu.dma_semaphore, #tpu.memory_space<semaphore_mem>>)
        %dma_start3A_204 = arith.constant 0 : i32
        %dma_start3A_205 = tpu.memref_slice %arg2[%add3A_197, %dma_start3A_204] : memref<16384x512xf32, #tpu.memory_space<hbm>> -> memref<16x512xf32, #tpu.memory_space<hbm>>
        %dma_start3A_206 = arith.constant 0 : i32
        %dma_start3A_207 = tpu.memref_slice %arg2[%add3A_197, %dma_start3A_206] : memref<16384x512xf32, #tpu.memory_space<hbm>> -> memref<16x512xf32, #tpu.memory_space<hbm>>
        tpu.enqueue_dma source(%dma_start3A_207 : memref<16x512xf32, #tpu.memory_space<hbm>>) target(%arg12 : memref<16x512xf32, #tpu.memory_space<vmem>>) target_semaphore(%arg22 : memref<!tpu.dma_semaphore, #tpu.memory_space<semaphore_mem>>)
        %dma_start3A_208 = arith.constant 0 : i32
        %dma_start3A_209 = tpu.memref_slice %arg3[%add3A_197, %dma_start3A_208] : memref<16384x512xf32, #tpu.memory_space<hbm>> -> memref<16x512xf32, #tpu.memory_space<hbm>>
        %dma_start3A_210 = arith.constant 0 : i32
        %dma_start3A_211 = tpu.memref_slice %arg3[%add3A_197, %dma_start3A_210] : memref<16384x512xf32, #tpu.memory_space<hbm>> -> memref<16x512xf32, #tpu.memory_space<hbm>>
        tpu.enqueue_dma source(%dma_start3A_211 : memref<16x512xf32, #tpu.memory_space<hbm>>) target(%arg13 : memref<16x512xf32, #tpu.memory_space<vmem>>) target_semaphore(%arg22 : memref<!tpu.dma_semaphore, #tpu.memory_space<semaphore_mem>>)
      } else {
      }
      %mul3A_133 = arith.constant 4 : i32
      %mul3A_134 = arith.muli %scan3A_72, %mul3A_133 : i32
      %add3A_135 = arith.constant 2 : i32
      %add3A_136 = arith.addi %mul3A_134, %add3A_135 : i32
      %mul3A_137 = arith.constant 16 : i32
      %mul3A_138 = arith.muli %add3A_136, %mul3A_137 : i32
      %add3A_139 = arith.addi %mul3A_2, %mul3A_138 : i32
      %mul3A_140 = arith.constant 16 : i32
      %mul3A_141 = arith.muli %add3A_136, %mul3A_140 : i32
      %dma_wait3A_142 = tpu.memref_slice %arg7[%mul3A_141] : memref<512xi32, #tpu.memory_space<vmem>> -> memref<16xi32, #tpu.memory_space<vmem>>
      %dma_wait3A_143 = arith.constant 0 : i32
      %dma_wait3A_144 = arith.constant 0 : i32
      %dma_wait3A_145 = tpu.memref_slice %arg5[%dma_wait3A_143, %dma_wait3A_144] : memref<85742x512xf32, #tpu.memory_space<hbm>> -> memref<85742x512xf32, #tpu.memory_space<hbm>>
      tpu.wait_indirect_dma semaphore(%arg23 : memref<!tpu.dma_semaphore, #tpu.memory_space<semaphore_mem>>) src(%dma_wait3A_145 : memref<85742x512xf32, #tpu.memory_space<hbm>>) dst(%arg14 : memref<16x512xf32, #tpu.memory_space<vmem>>)
      %dma_wait3A_146 = arith.constant 0 : i32
      %dma_wait3A_147 = tpu.memref_slice %arg2[%add3A_139, %dma_wait3A_146] : memref<16384x512xf32, #tpu.memory_space<hbm>> -> memref<16x512xf32, #tpu.memory_space<hbm>>
      %dma_wait3A_148 = arith.constant 0 : i32
      %dma_wait3A_149 = tpu.memref_slice %arg2[%add3A_139, %dma_wait3A_148] : memref<16384x512xf32, #tpu.memory_space<hbm>> -> memref<16x512xf32, #tpu.memory_space<hbm>>
      tpu.wait_dma2 semaphore(%arg23 : memref<!tpu.dma_semaphore, #tpu.memory_space<semaphore_mem>>) src(%dma_wait3A_149 : memref<16x512xf32, #tpu.memory_space<hbm>>) dst(%arg15 : memref<16x512xf32, #tpu.memory_space<vmem>>)
      %dma_wait3A_150 = arith.constant 0 : i32
      %dma_wait3A_151 = tpu.memref_slice %arg3[%add3A_139, %dma_wait3A_150] : memref<16384x512xf32, #tpu.memory_space<hbm>> -> memref<16x512xf32, #tpu.memory_space<hbm>>
      %dma_wait3A_152 = arith.constant 0 : i32
      %dma_wait3A_153 = tpu.memref_slice %arg3[%add3A_139, %dma_wait3A_152] : memref<16384x512xf32, #tpu.memory_space<hbm>> -> memref<16x512xf32, #tpu.memory_space<hbm>>
      tpu.wait_dma2 semaphore(%arg23 : memref<!tpu.dma_semaphore, #tpu.memory_space<semaphore_mem>>) src(%dma_wait3A_153 : memref<16x512xf32, #tpu.memory_space<hbm>>) dst(%arg16 : memref<16x512xf32, #tpu.memory_space<vmem>>)
      %scan3A_154 = arith.constant 0 : i32
      %scan3A_155 = arith.constant 16 : i32
      %scan3A_156 = arith.addi %scan3A_154, %scan3A_155 : i32
      %scan3A_157 = arith.constant 1 : i32
      %scan3A_158:2 = scf.for %scan3A_193 = %scan3A_154 to %scan3A_156 step %scan3A_157 iter_args(%scan3A_194 = %scan3A_128#0, %scan3A_195 = %scan3A_128#1) -> (vector<16xf32>, vector<16xf32>)  : i32 {
        %get3A = arith.index_cast %scan3A_193 : i32 to index
        %get3A_196 = arith.constant 0 : index
        %get3A_197 = tpu.vector_load %arg14[%get3A, %get3A_196] {strides = array<i32>} : memref<16x512xf32, #tpu.memory_space<vmem>>, vector<1x16xf32>,
        %get3A_198 = vector.shape_cast %get3A_197 : vector<1x16xf32> to vector<16xf32>
        %get3A_199 = arith.index_cast %scan3A_193 : i32 to index
        %get3A_200 = arith.constant 0 : index
        %get3A_201 = tpu.vector_load %arg15[%get3A_199, %get3A_200] {strides = array<i32>} : memref<16x512xf32, #tpu.memory_space<vmem>>, vector<1x16xf32>,
        %get3A_202 = vector.shape_cast %get3A_201 : vector<1x16xf32> to vector<16xf32>
        %get3A_203 = arith.index_cast %scan3A_193 : i32 to index
        %get3A_204 = arith.constant 0 : index
        %get3A_205 = tpu.vector_load %arg16[%get3A_203, %get3A_204] {strides = array<i32>} : memref<16x512xf32, #tpu.memory_space<vmem>>, vector<1x16xf32>,
        %get3A_206 = vector.shape_cast %get3A_205 : vector<1x16xf32> to vector<16xf32>
        %sub3A = arith.subf %get3A_198, %get3A_202 : vector<16xf32>
        %mul3A_207 = arith.mulf %sub3A, %sub3A : vector<16xf32>
        %neg3A = arith.constant 0.000000e+00 : f32
        %neg3A_208 = vector.broadcast %neg3A : f32 to vector<16xf32>
        %neg3A_209 = arith.subf %neg3A_208, %get3A_206 : vector<16xf32>
        %exp3A = math.exp %neg3A_209 : vector<16xf32>
        %mul3A_210 = arith.mulf %mul3A_207, %exp3A : vector<16xf32>
        %add3A_211 = arith.addf %scan3A_194, %mul3A_210 : vector<16xf32>
        %add3A_212 = arith.addf %scan3A_195, %get3A_206 : vector<16xf32>
        %get3A_213 = arith.index_cast %scan3A_193 : i32 to index
        %get3A_214 = arith.constant 16 : index
        %get3A_215 = tpu.vector_load %arg14[%get3A_213, %get3A_214] {strides = array<i32>} : memref<16x512xf32, #tpu.memory_space<vmem>>, vector<1x16xf32>,
        %get3A_216 = vector.shape_cast %get3A_215 : vector<1x16xf32> to vector<16xf32>
        %get3A_217 = arith.index_cast %scan3A_193 : i32 to index
        %get3A_218 = arith.constant 16 : index
        %get3A_219 = tpu.vector_load %arg15[%get3A_217, %get3A_218] {strides = array<i32>} : memref<16x512xf32, #tpu.memory_space<vmem>>, vector<1x16xf32>,
        %get3A_220 = vector.shape_cast %get3A_219 : vector<1x16xf32> to vector<16xf32>
        %get3A_221 = arith.index_cast %scan3A_193 : i32 to index
        %get3A_222 = arith.constant 16 : index
        %get3A_223 = tpu.vector_load %arg16[%get3A_221, %get3A_222] {strides = array<i32>} : memref<16x512xf32, #tpu.memory_space<vmem>>, vector<1x16xf32>,
        %get3A_224 = vector.shape_cast %get3A_223 : vector<1x16xf32> to vector<16xf32>
        %sub3A_225 = arith.subf %get3A_216, %get3A_220 : vector<16xf32>
        %mul3A_226 = arith.mulf %sub3A_225, %sub3A_225 : vector<16xf32>
        %neg3A_227 = arith.constant 0.000000e+00 : f32
        %neg3A_228 = vector.broadcast %neg3A_227 : f32 to vector<16xf32>
        %neg3A_229 = arith.subf %neg3A_228, %get3A_224 : vector<16xf32>
        %exp3A_230 = math.exp %neg3A_229 : vector<16xf32>
        %mul3A_231 = arith.mulf %mul3A_226, %exp3A_230 : vector<16xf32>
        %add3A_232 = arith.addf %add3A_211, %mul3A_231 : vector<16xf32>
        %add3A_233 = arith.addf %add3A_212, %get3A_224 : vector<16xf32>
        %get3A_234 = arith.index_cast %scan3A_193 : i32 to index
        %get3A_235 = arith.constant 32 : index
        %get3A_236 = tpu.vector_load %arg14[%get3A_234, %get3A_235] {strides = array<i32>} : memref<16x512xf32, #tpu.memory_space<vmem>>, vector<1x16xf32>,
        %get3A_237 = vector.shape_cast %get3A_236 : vector<1x16xf32> to vector<16xf32>
        %get3A_238 = arith.index_cast %scan3A_193 : i32 to index
        %get3A_239 = arith.constant 32 : index
        %get3A_240 = tpu.vector_load %arg15[%get3A_238, %get3A_239] {strides = array<i32>} : memref<16x512xf32, #tpu.memory_space<vmem>>, vector<1x16xf32>,
        %get3A_241 = vector.shape_cast %get3A_240 : vector<1x16xf32> to vector<16xf32>
        %get3A_242 = arith.index_cast %scan3A_193 : i32 to index
        %get3A_243 = arith.constant 32 : index
        %get3A_244 = tpu.vector_load %arg16[%get3A_242, %get3A_243] {strides = array<i32>} : memref<16x512xf32, #tpu.memory_space<vmem>>, vector<1x16xf32>,
        %get3A_245 = vector.shape_cast %get3A_244 : vector<1x16xf32> to vector<16xf32>
        %sub3A_246 = arith.subf %get3A_237, %get3A_241 : vector<16xf32>
        %mul3A_247 = arith.mulf %sub3A_246, %sub3A_246 : vector<16xf32>
        %neg3A_248 = arith.constant 0.000000e+00 : f32
        %neg3A_249 = vector.broadcast %neg3A_248 : f32 to vector<16xf32>
        %neg3A_250 = arith.subf %neg3A_249, %get3A_245 : vector<16xf32>
        %exp3A_251 = math.exp %neg3A_250 : vector<16xf32>
        %mul3A_252 = arith.mulf %mul3A_247, %exp3A_251 : vector<16xf32>
        %add3A_253 = arith.addf %add3A_232, %mul3A_252 : vector<16xf32>
        %add3A_254 = arith.addf %add3A_233, %get3A_245 : vector<16xf32>
        %get3A_255 = arith.index_cast %scan3A_193 : i32 to index
        %get3A_256 = arith.constant 48 : index
        %get3A_257 = tpu.vector_load %arg14[%get3A_255, %get3A_256] {strides = array<i32>} : memref<16x512xf32, #tpu.memory_space<vmem>>, vector<1x16xf32>,
        %get3A_258 = vector.shape_cast %get3A_257 : vector<1x16xf32> to vector<16xf32>
        %get3A_259 = arith.index_cast %scan3A_193 : i32 to index
        %get3A_260 = arith.constant 48 : index
        %get3A_261 = tpu.vector_load %arg15[%get3A_259, %get3A_260] {strides = array<i32>} : memref<16x512xf32, #tpu.memory_space<vmem>>, vector<1x16xf32>,
        %get3A_262 = vector.shape_cast %get3A_261 : vector<1x16xf32> to vector<16xf32>
        %get3A_263 = arith.index_cast %scan3A_193 : i32 to index
        %get3A_264 = arith.constant 48 : index
        %get3A_265 = tpu.vector_load %arg16[%get3A_263, %get3A_264] {strides = array<i32>} : memref<16x512xf32, #tpu.memory_space<vmem>>, vector<1x16xf32>,
        %get3A_266 = vector.shape_cast %get3A_265 : vector<1x16xf32> to vector<16xf32>
        %sub3A_267 = arith.subf %get3A_258, %get3A_262 : vector<16xf32>
        %mul3A_268 = arith.mulf %sub3A_267, %sub3A_267 : vector<16xf32>
        %neg3A_269 = arith.constant 0.000000e+00 : f32
        %neg3A_270 = vector.broadcast %neg3A_269 : f32 to vector<16xf32>
        %neg3A_271 = arith.subf %neg3A_270, %get3A_266 : vector<16xf32>
        %exp3A_272 = math.exp %neg3A_271 : vector<16xf32>
        %mul3A_273 = arith.mulf %mul3A_268, %exp3A_272 : vector<16xf32>
        %add3A_274 = arith.addf %add3A_253, %mul3A_273 : vector<16xf32>
        %add3A_275 = arith.addf %add3A_254, %get3A_266 : vector<16xf32>
        %get3A_276 = arith.index_cast %scan3A_193 : i32 to index
        %get3A_277 = arith.constant 64 : index
        %get3A_278 = tpu.vector_load %arg14[%get3A_276, %get3A_277] {strides = array<i32>} : memref<16x512xf32, #tpu.memory_space<vmem>>, vector<1x16xf32>,
        %get3A_279 = vector.shape_cast %get3A_278 : vector<1x16xf32> to vector<16xf32>
        %get3A_280 = arith.index_cast %scan3A_193 : i32 to index
        %get3A_281 = arith.constant 64 : index
        %get3A_282 = tpu.vector_load %arg15[%get3A_280, %get3A_281] {strides = array<i32>} : memref<16x512xf32, #tpu.memory_space<vmem>>, vector<1x16xf32>,
        %get3A_283 = vector.shape_cast %get3A_282 : vector<1x16xf32> to vector<16xf32>
        %get3A_284 = arith.index_cast %scan3A_193 : i32 to index
        %get3A_285 = arith.constant 64 : index
        %get3A_286 = tpu.vector_load %arg16[%get3A_284, %get3A_285] {strides = array<i32>} : memref<16x512xf32, #tpu.memory_space<vmem>>, vector<1x16xf32>,
        %get3A_287 = vector.shape_cast %get3A_286 : vector<1x16xf32> to vector<16xf32>
        %sub3A_288 = arith.subf %get3A_279, %get3A_283 : vector<16xf32>
        %mul3A_289 = arith.mulf %sub3A_288, %sub3A_288 : vector<16xf32>
        %neg3A_290 = arith.constant 0.000000e+00 : f32
        %neg3A_291 = vector.broadcast %neg3A_290 : f32 to vector<16xf32>
        %neg3A_292 = arith.subf %neg3A_291, %get3A_287 : vector<16xf32>
        %exp3A_293 = math.exp %neg3A_292 : vector<16xf32>
        %mul3A_294 = arith.mulf %mul3A_289, %exp3A_293 : vector<16xf32>
        %add3A_295 = arith.addf %add3A_274, %mul3A_294 : vector<16xf32>
        %add3A_296 = arith.addf %add3A_275, %get3A_287 : vector<16xf32>
        %get3A_297 = arith.index_cast %scan3A_193 : i32 to index
        %get3A_298 = arith.constant 80 : index
        %get3A_299 = tpu.vector_load %arg14[%get3A_297, %get3A_298] {strides = array<i32>} : memref<16x512xf32, #tpu.memory_space<vmem>>, vector<1x16xf32>,
        %get3A_300 = vector.shape_cast %get3A_299 : vector<1x16xf32> to vector<16xf32>
        %get3A_301 = arith.index_cast %scan3A_193 : i32 to index
        %get3A_302 = arith.constant 80 : index
        %get3A_303 = tpu.vector_load %arg15[%get3A_301, %get3A_302] {strides = array<i32>} : memref<16x512xf32, #tpu.memory_space<vmem>>, vector<1x16xf32>,
        %get3A_304 = vector.shape_cast %get3A_303 : vector<1x16xf32> to vector<16xf32>
        %get3A_305 = arith.index_cast %scan3A_193 : i32 to index
        %get3A_306 = arith.constant 80 : index
        %get3A_307 = tpu.vector_load %arg16[%get3A_305, %get3A_306] {strides = array<i32>} : memref<16x512xf32, #tpu.memory_space<vmem>>, vector<1x16xf32>,
        %get3A_308 = vector.shape_cast %get3A_307 : vector<1x16xf32> to vector<16xf32>
        %sub3A_309 = arith.subf %get3A_300, %get3A_304 : vector<16xf32>
        %mul3A_310 = arith.mulf %sub3A_309, %sub3A_309 : vector<16xf32>
        %neg3A_311 = arith.constant 0.000000e+00 : f32
        %neg3A_312 = vector.broadcast %neg3A_311 : f32 to vector<16xf32>
        %neg3A_313 = arith.subf %neg3A_312, %get3A_308 : vector<16xf32>
        %exp3A_314 = math.exp %neg3A_313 : vector<16xf32>
        %mul3A_315 = arith.mulf %mul3A_310, %exp3A_314 : vector<16xf32>
        %add3A_316 = arith.addf %add3A_295, %mul3A_315 : vector<16xf32>
        %add3A_317 = arith.addf %add3A_296, %get3A_308 : vector<16xf32>
        %get3A_318 = arith.index_cast %scan3A_193 : i32 to index
        %get3A_319 = arith.constant 96 : index
        %get3A_320 = tpu.vector_load %arg14[%get3A_318, %get3A_319] {strides = array<i32>} : memref<16x512xf32, #tpu.memory_space<vmem>>, vector<1x16xf32>,
        %get3A_321 = vector.shape_cast %get3A_320 : vector<1x16xf32> to vector<16xf32>
        %get3A_322 = arith.index_cast %scan3A_193 : i32 to index
        %get3A_323 = arith.constant 96 : index
        %get3A_324 = tpu.vector_load %arg15[%get3A_322, %get3A_323] {strides = array<i32>} : memref<16x512xf32, #tpu.memory_space<vmem>>, vector<1x16xf32>,
        %get3A_325 = vector.shape_cast %get3A_324 : vector<1x16xf32> to vector<16xf32>
        %get3A_326 = arith.index_cast %scan3A_193 : i32 to index
        %get3A_327 = arith.constant 96 : index
        %get3A_328 = tpu.vector_load %arg16[%get3A_326, %get3A_327] {strides = array<i32>} : memref<16x512xf32, #tpu.memory_space<vmem>>, vector<1x16xf32>,
        %get3A_329 = vector.shape_cast %get3A_328 : vector<1x16xf32> to vector<16xf32>
        %sub3A_330 = arith.subf %get3A_321, %get3A_325 : vector<16xf32>
        %mul3A_331 = arith.mulf %sub3A_330, %sub3A_330 : vector<16xf32>
        %neg3A_332 = arith.constant 0.000000e+00 : f32
        %neg3A_333 = vector.broadcast %neg3A_332 : f32 to vector<16xf32>
        %neg3A_334 = arith.subf %neg3A_333, %get3A_329 : vector<16xf32>
        %exp3A_335 = math.exp %neg3A_334 : vector<16xf32>
        %mul3A_336 = arith.mulf %mul3A_331, %exp3A_335 : vector<16xf32>
        %add3A_337 = arith.addf %add3A_316, %mul3A_336 : vector<16xf32>
        %add3A_338 = arith.addf %add3A_317, %get3A_329 : vector<16xf32>
        %get3A_339 = arith.index_cast %scan3A_193 : i32 to index
        %get3A_340 = arith.constant 112 : index
        %get3A_341 = tpu.vector_load %arg14[%get3A_339, %get3A_340] {strides = array<i32>} : memref<16x512xf32, #tpu.memory_space<vmem>>, vector<1x16xf32>,
        %get3A_342 = vector.shape_cast %get3A_341 : vector<1x16xf32> to vector<16xf32>
        %get3A_343 = arith.index_cast %scan3A_193 : i32 to index
        %get3A_344 = arith.constant 112 : index
        %get3A_345 = tpu.vector_load %arg15[%get3A_343, %get3A_344] {strides = array<i32>} : memref<16x512xf32, #tpu.memory_space<vmem>>, vector<1x16xf32>,
        %get3A_346 = vector.shape_cast %get3A_345 : vector<1x16xf32> to vector<16xf32>
        %get3A_347 = arith.index_cast %scan3A_193 : i32 to index
        %get3A_348 = arith.constant 112 : index
        %get3A_349 = tpu.vector_load %arg16[%get3A_347, %get3A_348] {strides = array<i32>} : memref<16x512xf32, #tpu.memory_space<vmem>>, vector<1x16xf32>,
        %get3A_350 = vector.shape_cast %get3A_349 : vector<1x16xf32> to vector<16xf32>
        %sub3A_351 = arith.subf %get3A_342, %get3A_346 : vector<16xf32>
        %mul3A_352 = arith.mulf %sub3A_351, %sub3A_351 : vector<16xf32>
        %neg3A_353 = arith.constant 0.000000e+00 : f32
        %neg3A_354 = vector.broadcast %neg3A_353 : f32 to vector<16xf32>
        %neg3A_355 = arith.subf %neg3A_354, %get3A_350 : vector<16xf32>
        %exp3A_356 = math.exp %neg3A_355 : vector<16xf32>
        %mul3A_357 = arith.mulf %mul3A_352, %exp3A_356 : vector<16xf32>
        %add3A_358 = arith.addf %add3A_337, %mul3A_357 : vector<16xf32>
        %add3A_359 = arith.addf %add3A_338, %get3A_350 : vector<16xf32>
        %get3A_360 = arith.index_cast %scan3A_193 : i32 to index
        %get3A_361 = arith.constant 128 : index
        %get3A_362 = tpu.vector_load %arg14[%get3A_360, %get3A_361] {strides = array<i32>} : memref<16x512xf32, #tpu.memory_space<vmem>>, vector<1x16xf32>,
        %get3A_363 = vector.shape_cast %get3A_362 : vector<1x16xf32> to vector<16xf32>
        %get3A_364 = arith.index_cast %scan3A_193 : i32 to index
        %get3A_365 = arith.constant 128 : index
        %get3A_366 = tpu.vector_load %arg15[%get3A_364, %get3A_365] {strides = array<i32>} : memref<16x512xf32, #tpu.memory_space<vmem>>, vector<1x16xf32>,
        %get3A_367 = vector.shape_cast %get3A_366 : vector<1x16xf32> to vector<16xf32>
        %get3A_368 = arith.index_cast %scan3A_193 : i32 to index
        %get3A_369 = arith.constant 128 : index
        %get3A_370 = tpu.vector_load %arg16[%get3A_368, %get3A_369] {strides = array<i32>} : memref<16x512xf32, #tpu.memory_space<vmem>>, vector<1x16xf32>,
        %get3A_371 = vector.shape_cast %get3A_370 : vector<1x16xf32> to vector<16xf32>
        %sub3A_372 = arith.subf %get3A_363, %get3A_367 : vector<16xf32>
        %mul3A_373 = arith.mulf %sub3A_372, %sub3A_372 : vector<16xf32>
        %neg3A_374 = arith.constant 0.000000e+00 : f32
        %neg3A_375 = vector.broadcast %neg3A_374 : f32 to vector<16xf32>
        %neg3A_376 = arith.subf %neg3A_375, %get3A_371 : vector<16xf32>
        %exp3A_377 = math.exp %neg3A_376 : vector<16xf32>
        %mul3A_378 = arith.mulf %mul3A_373, %exp3A_377 : vector<16xf32>
        %add3A_379 = arith.addf %add3A_358, %mul3A_378 : vector<16xf32>
        %add3A_380 = arith.addf %add3A_359, %get3A_371 : vector<16xf32>
        %get3A_381 = arith.index_cast %scan3A_193 : i32 to index
        %get3A_382 = arith.constant 144 : index
        %get3A_383 = tpu.vector_load %arg14[%get3A_381, %get3A_382] {strides = array<i32>} : memref<16x512xf32, #tpu.memory_space<vmem>>, vector<1x16xf32>,
        %get3A_384 = vector.shape_cast %get3A_383 : vector<1x16xf32> to vector<16xf32>
        %get3A_385 = arith.index_cast %scan3A_193 : i32 to index
        %get3A_386 = arith.constant 144 : index
        %get3A_387 = tpu.vector_load %arg15[%get3A_385, %get3A_386] {strides = array<i32>} : memref<16x512xf32, #tpu.memory_space<vmem>>, vector<1x16xf32>,
        %get3A_388 = vector.shape_cast %get3A_387 : vector<1x16xf32> to vector<16xf32>
        %get3A_389 = arith.index_cast %scan3A_193 : i32 to index
        %get3A_390 = arith.constant 144 : index
        %get3A_391 = tpu.vector_load %arg16[%get3A_389, %get3A_390] {strides = array<i32>} : memref<16x512xf32, #tpu.memory_space<vmem>>, vector<1x16xf32>,
        %get3A_392 = vector.shape_cast %get3A_391 : vector<1x16xf32> to vector<16xf32>
        %sub3A_393 = arith.subf %get3A_384, %get3A_388 : vector<16xf32>
        %mul3A_394 = arith.mulf %sub3A_393, %sub3A_393 : vector<16xf32>
        %neg3A_395 = arith.constant 0.000000e+00 : f32
        %neg3A_396 = vector.broadcast %neg3A_395 : f32 to vector<16xf32>
        %neg3A_397 = arith.subf %neg3A_396, %get3A_392 : vector<16xf32>
        %exp3A_398 = math.exp %neg3A_397 : vector<16xf32>
        %mul3A_399 = arith.mulf %mul3A_394, %exp3A_398 : vector<16xf32>
        %add3A_400 = arith.addf %add3A_379, %mul3A_399 : vector<16xf32>
        %add3A_401 = arith.addf %add3A_380, %get3A_392 : vector<16xf32>
        %get3A_402 = arith.index_cast %scan3A_193 : i32 to index
        %get3A_403 = arith.constant 160 : index
        %get3A_404 = tpu.vector_load %arg14[%get3A_402, %get3A_403] {strides = array<i32>} : memref<16x512xf32, #tpu.memory_space<vmem>>, vector<1x16xf32>,
        %get3A_405 = vector.shape_cast %get3A_404 : vector<1x16xf32> to vector<16xf32>
        %get3A_406 = arith.index_cast %scan3A_193 : i32 to index
        %get3A_407 = arith.constant 160 : index
        %get3A_408 = tpu.vector_load %arg15[%get3A_406, %get3A_407] {strides = array<i32>} : memref<16x512xf32, #tpu.memory_space<vmem>>, vector<1x16xf32>,
        %get3A_409 = vector.shape_cast %get3A_408 : vector<1x16xf32> to vector<16xf32>
        %get3A_410 = arith.index_cast %scan3A_193 : i32 to index
        %get3A_411 = arith.constant 160 : index
        %get3A_412 = tpu.vector_load %arg16[%get3A_410, %get3A_411] {strides = array<i32>} : memref<16x512xf32, #tpu.memory_space<vmem>>, vector<1x16xf32>,
        %get3A_413 = vector.shape_cast %get3A_412 : vector<1x16xf32> to vector<16xf32>
        %sub3A_414 = arith.subf %get3A_405, %get3A_409 : vector<16xf32>
        %mul3A_415 = arith.mulf %sub3A_414, %sub3A_414 : vector<16xf32>
        %neg3A_416 = arith.constant 0.000000e+00 : f32
        %neg3A_417 = vector.broadcast %neg3A_416 : f32 to vector<16xf32>
        %neg3A_418 = arith.subf %neg3A_417, %get3A_413 : vector<16xf32>
        %exp3A_419 = math.exp %neg3A_418 : vector<16xf32>
        %mul3A_420 = arith.mulf %mul3A_415, %exp3A_419 : vector<16xf32>
        %add3A_421 = arith.addf %add3A_400, %mul3A_420 : vector<16xf32>
        %add3A_422 = arith.addf %add3A_401, %get3A_413 : vector<16xf32>
        %get3A_423 = arith.index_cast %scan3A_193 : i32 to index
        %get3A_424 = arith.constant 176 : index
        %get3A_425 = tpu.vector_load %arg14[%get3A_423, %get3A_424] {strides = array<i32>} : memref<16x512xf32, #tpu.memory_space<vmem>>, vector<1x16xf32>,
        %get3A_426 = vector.shape_cast %get3A_425 : vector<1x16xf32> to vector<16xf32>
        %get3A_427 = arith.index_cast %scan3A_193 : i32 to index
        %get3A_428 = arith.constant 176 : index
        %get3A_429 = tpu.vector_load %arg15[%get3A_427, %get3A_428] {strides = array<i32>} : memref<16x512xf32, #tpu.memory_space<vmem>>, vector<1x16xf32>,
        %get3A_430 = vector.shape_cast %get3A_429 : vector<1x16xf32> to vector<16xf32>
        %get3A_431 = arith.index_cast %scan3A_193 : i32 to index
        %get3A_432 = arith.constant 176 : index
        %get3A_433 = tpu.vector_load %arg16[%get3A_431, %get3A_432] {strides = array<i32>} : memref<16x512xf32, #tpu.memory_space<vmem>>, vector<1x16xf32>,
        %get3A_434 = vector.shape_cast %get3A_433 : vector<1x16xf32> to vector<16xf32>
        %sub3A_435 = arith.subf %get3A_426, %get3A_430 : vector<16xf32>
        %mul3A_436 = arith.mulf %sub3A_435, %sub3A_435 : vector<16xf32>
        %neg3A_437 = arith.constant 0.000000e+00 : f32
        %neg3A_438 = vector.broadcast %neg3A_437 : f32 to vector<16xf32>
        %neg3A_439 = arith.subf %neg3A_438, %get3A_434 : vector<16xf32>
        %exp3A_440 = math.exp %neg3A_439 : vector<16xf32>
        %mul3A_441 = arith.mulf %mul3A_436, %exp3A_440 : vector<16xf32>
        %add3A_442 = arith.addf %add3A_421, %mul3A_441 : vector<16xf32>
        %add3A_443 = arith.addf %add3A_422, %get3A_434 : vector<16xf32>
        %get3A_444 = arith.index_cast %scan3A_193 : i32 to index
        %get3A_445 = arith.constant 192 : index
        %get3A_446 = tpu.vector_load %arg14[%get3A_444, %get3A_445] {strides = array<i32>} : memref<16x512xf32, #tpu.memory_space<vmem>>, vector<1x16xf32>,
        %get3A_447 = vector.shape_cast %get3A_446 : vector<1x16xf32> to vector<16xf32>
        %get3A_448 = arith.index_cast %scan3A_193 : i32 to index
        %get3A_449 = arith.constant 192 : index
        %get3A_450 = tpu.vector_load %arg15[%get3A_448, %get3A_449] {strides = array<i32>} : memref<16x512xf32, #tpu.memory_space<vmem>>, vector<1x16xf32>,
        %get3A_451 = vector.shape_cast %get3A_450 : vector<1x16xf32> to vector<16xf32>
        %get3A_452 = arith.index_cast %scan3A_193 : i32 to index
        %get3A_453 = arith.constant 192 : index
        %get3A_454 = tpu.vector_load %arg16[%get3A_452, %get3A_453] {strides = array<i32>} : memref<16x512xf32, #tpu.memory_space<vmem>>, vector<1x16xf32>,
        %get3A_455 = vector.shape_cast %get3A_454 : vector<1x16xf32> to vector<16xf32>
        %sub3A_456 = arith.subf %get3A_447, %get3A_451 : vector<16xf32>
        %mul3A_457 = arith.mulf %sub3A_456, %sub3A_456 : vector<16xf32>
        %neg3A_458 = arith.constant 0.000000e+00 : f32
        %neg3A_459 = vector.broadcast %neg3A_458 : f32 to vector<16xf32>
        %neg3A_460 = arith.subf %neg3A_459, %get3A_455 : vector<16xf32>
        %exp3A_461 = math.exp %neg3A_460 : vector<16xf32>
        %mul3A_462 = arith.mulf %mul3A_457, %exp3A_461 : vector<16xf32>
        %add3A_463 = arith.addf %add3A_442, %mul3A_462 : vector<16xf32>
        %add3A_464 = arith.addf %add3A_443, %get3A_455 : vector<16xf32>
        %get3A_465 = arith.index_cast %scan3A_193 : i32 to index
        %get3A_466 = arith.constant 208 : index
        %get3A_467 = tpu.vector_load %arg14[%get3A_465, %get3A_466] {strides = array<i32>} : memref<16x512xf32, #tpu.memory_space<vmem>>, vector<1x16xf32>,
        %get3A_468 = vector.shape_cast %get3A_467 : vector<1x16xf32> to vector<16xf32>
        %get3A_469 = arith.index_cast %scan3A_193 : i32 to index
        %get3A_470 = arith.constant 208 : index
        %get3A_471 = tpu.vector_load %arg15[%get3A_469, %get3A_470] {strides = array<i32>} : memref<16x512xf32, #tpu.memory_space<vmem>>, vector<1x16xf32>,
        %get3A_472 = vector.shape_cast %get3A_471 : vector<1x16xf32> to vector<16xf32>
        %get3A_473 = arith.index_cast %scan3A_193 : i32 to index
        %get3A_474 = arith.constant 208 : index
        %get3A_475 = tpu.vector_load %arg16[%get3A_473, %get3A_474] {strides = array<i32>} : memref<16x512xf32, #tpu.memory_space<vmem>>, vector<1x16xf32>,
        %get3A_476 = vector.shape_cast %get3A_475 : vector<1x16xf32> to vector<16xf32>
        %sub3A_477 = arith.subf %get3A_468, %get3A_472 : vector<16xf32>
        %mul3A_478 = arith.mulf %sub3A_477, %sub3A_477 : vector<16xf32>
        %neg3A_479 = arith.constant 0.000000e+00 : f32
        %neg3A_480 = vector.broadcast %neg3A_479 : f32 to vector<16xf32>
        %neg3A_481 = arith.subf %neg3A_480, %get3A_476 : vector<16xf32>
        %exp3A_482 = math.exp %neg3A_481 : vector<16xf32>
        %mul3A_483 = arith.mulf %mul3A_478, %exp3A_482 : vector<16xf32>
        %add3A_484 = arith.addf %add3A_463, %mul3A_483 : vector<16xf32>
        %add3A_485 = arith.addf %add3A_464, %get3A_476 : vector<16xf32>
        %get3A_486 = arith.index_cast %scan3A_193 : i32 to index
        %get3A_487 = arith.constant 224 : index
        %get3A_488 = tpu.vector_load %arg14[%get3A_486, %get3A_487] {strides = array<i32>} : memref<16x512xf32, #tpu.memory_space<vmem>>, vector<1x16xf32>,
        %get3A_489 = vector.shape_cast %get3A_488 : vector<1x16xf32> to vector<16xf32>
        %get3A_490 = arith.index_cast %scan3A_193 : i32 to index
        %get3A_491 = arith.constant 224 : index
        %get3A_492 = tpu.vector_load %arg15[%get3A_490, %get3A_491] {strides = array<i32>} : memref<16x512xf32, #tpu.memory_space<vmem>>, vector<1x16xf32>,
        %get3A_493 = vector.shape_cast %get3A_492 : vector<1x16xf32> to vector<16xf32>
        %get3A_494 = arith.index_cast %scan3A_193 : i32 to index
        %get3A_495 = arith.constant 224 : index
        %get3A_496 = tpu.vector_load %arg16[%get3A_494, %get3A_495] {strides = array<i32>} : memref<16x512xf32, #tpu.memory_space<vmem>>, vector<1x16xf32>,
        %get3A_497 = vector.shape_cast %get3A_496 : vector<1x16xf32> to vector<16xf32>
        %sub3A_498 = arith.subf %get3A_489, %get3A_493 : vector<16xf32>
        %mul3A_499 = arith.mulf %sub3A_498, %sub3A_498 : vector<16xf32>
        %neg3A_500 = arith.constant 0.000000e+00 : f32
        %neg3A_501 = vector.broadcast %neg3A_500 : f32 to vector<16xf32>
        %neg3A_502 = arith.subf %neg3A_501, %get3A_497 : vector<16xf32>
        %exp3A_503 = math.exp %neg3A_502 : vector<16xf32>
        %mul3A_504 = arith.mulf %mul3A_499, %exp3A_503 : vector<16xf32>
        %add3A_505 = arith.addf %add3A_484, %mul3A_504 : vector<16xf32>
        %add3A_506 = arith.addf %add3A_485, %get3A_497 : vector<16xf32>
        %get3A_507 = arith.index_cast %scan3A_193 : i32 to index
        %get3A_508 = arith.constant 240 : index
        %get3A_509 = tpu.vector_load %arg14[%get3A_507, %get3A_508] {strides = array<i32>} : memref<16x512xf32, #tpu.memory_space<vmem>>, vector<1x16xf32>,
        %get3A_510 = vector.shape_cast %get3A_509 : vector<1x16xf32> to vector<16xf32>
        %get3A_511 = arith.index_cast %scan3A_193 : i32 to index
        %get3A_512 = arith.constant 240 : index
        %get3A_513 = tpu.vector_load %arg15[%get3A_511, %get3A_512] {strides = array<i32>} : memref<16x512xf32, #tpu.memory_space<vmem>>, vector<1x16xf32>,
        %get3A_514 = vector.shape_cast %get3A_513 : vector<1x16xf32> to vector<16xf32>
        %get3A_515 = arith.index_cast %scan3A_193 : i32 to index
        %get3A_516 = arith.constant 240 : index
        %get3A_517 = tpu.vector_load %arg16[%get3A_515, %get3A_516] {strides = array<i32>} : memref<16x512xf32, #tpu.memory_space<vmem>>, vector<1x16xf32>,
        %get3A_518 = vector.shape_cast %get3A_517 : vector<1x16xf32> to vector<16xf32>
        %sub3A_519 = arith.subf %get3A_510, %get3A_514 : vector<16xf32>
        %mul3A_520 = arith.mulf %sub3A_519, %sub3A_519 : vector<16xf32>
        %neg3A_521 = arith.constant 0.000000e+00 : f32
        %neg3A_522 = vector.broadcast %neg3A_521 : f32 to vector<16xf32>
        %neg3A_523 = arith.subf %neg3A_522, %get3A_518 : vector<16xf32>
        %exp3A_524 = math.exp %neg3A_523 : vector<16xf32>
        %mul3A_525 = arith.mulf %mul3A_520, %exp3A_524 : vector<16xf32>
        %add3A_526 = arith.addf %add3A_505, %mul3A_525 : vector<16xf32>
        %add3A_527 = arith.addf %add3A_506, %get3A_518 : vector<16xf32>
        %get3A_528 = arith.index_cast %scan3A_193 : i32 to index
        %get3A_529 = arith.constant 256 : index
        %get3A_530 = tpu.vector_load %arg14[%get3A_528, %get3A_529] {strides = array<i32>} : memref<16x512xf32, #tpu.memory_space<vmem>>, vector<1x16xf32>,
        %get3A_531 = vector.shape_cast %get3A_530 : vector<1x16xf32> to vector<16xf32>
        %get3A_532 = arith.index_cast %scan3A_193 : i32 to index
        %get3A_533 = arith.constant 256 : index
        %get3A_534 = tpu.vector_load %arg15[%get3A_532, %get3A_533] {strides = array<i32>} : memref<16x512xf32, #tpu.memory_space<vmem>>, vector<1x16xf32>,
        %get3A_535 = vector.shape_cast %get3A_534 : vector<1x16xf32> to vector<16xf32>
        %get3A_536 = arith.index_cast %scan3A_193 : i32 to index
        %get3A_537 = arith.constant 256 : index
        %get3A_538 = tpu.vector_load %arg16[%get3A_536, %get3A_537] {strides = array<i32>} : memref<16x512xf32, #tpu.memory_space<vmem>>, vector<1x16xf32>,
        %get3A_539 = vector.shape_cast %get3A_538 : vector<1x16xf32> to vector<16xf32>
        %sub3A_540 = arith.subf %get3A_531, %get3A_535 : vector<16xf32>
        %mul3A_541 = arith.mulf %sub3A_540, %sub3A_540 : vector<16xf32>
        %neg3A_542 = arith.constant 0.000000e+00 : f32
        %neg3A_543 = vector.broadcast %neg3A_542 : f32 to vector<16xf32>
        %neg3A_544 = arith.subf %neg3A_543, %get3A_539 : vector<16xf32>
        %exp3A_545 = math.exp %neg3A_544 : vector<16xf32>
        %mul3A_546 = arith.mulf %mul3A_541, %exp3A_545 : vector<16xf32>
        %add3A_547 = arith.addf %add3A_526, %mul3A_546 : vector<16xf32>
        %add3A_548 = arith.addf %add3A_527, %get3A_539 : vector<16xf32>
        %get3A_549 = arith.index_cast %scan3A_193 : i32 to index
        %get3A_550 = arith.constant 272 : index
        %get3A_551 = tpu.vector_load %arg14[%get3A_549, %get3A_550] {strides = array<i32>} : memref<16x512xf32, #tpu.memory_space<vmem>>, vector<1x16xf32>,
        %get3A_552 = vector.shape_cast %get3A_551 : vector<1x16xf32> to vector<16xf32>
        %get3A_553 = arith.index_cast %scan3A_193 : i32 to index
        %get3A_554 = arith.constant 272 : index
        %get3A_555 = tpu.vector_load %arg15[%get3A_553, %get3A_554] {strides = array<i32>} : memref<16x512xf32, #tpu.memory_space<vmem>>, vector<1x16xf32>,
        %get3A_556 = vector.shape_cast %get3A_555 : vector<1x16xf32> to vector<16xf32>
        %get3A_557 = arith.index_cast %scan3A_193 : i32 to index
        %get3A_558 = arith.constant 272 : index
        %get3A_559 = tpu.vector_load %arg16[%get3A_557, %get3A_558] {strides = array<i32>} : memref<16x512xf32, #tpu.memory_space<vmem>>, vector<1x16xf32>,
        %get3A_560 = vector.shape_cast %get3A_559 : vector<1x16xf32> to vector<16xf32>
        %sub3A_561 = arith.subf %get3A_552, %get3A_556 : vector<16xf32>
        %mul3A_562 = arith.mulf %sub3A_561, %sub3A_561 : vector<16xf32>
        %neg3A_563 = arith.constant 0.000000e+00 : f32
        %neg3A_564 = vector.broadcast %neg3A_563 : f32 to vector<16xf32>
        %neg3A_565 = arith.subf %neg3A_564, %get3A_560 : vector<16xf32>
        %exp3A_566 = math.exp %neg3A_565 : vector<16xf32>
        %mul3A_567 = arith.mulf %mul3A_562, %exp3A_566 : vector<16xf32>
        %add3A_568 = arith.addf %add3A_547, %mul3A_567 : vector<16xf32>
        %add3A_569 = arith.addf %add3A_548, %get3A_560 : vector<16xf32>
        %get3A_570 = arith.index_cast %scan3A_193 : i32 to index
        %get3A_571 = arith.constant 288 : index
        %get3A_572 = tpu.vector_load %arg14[%get3A_570, %get3A_571] {strides = array<i32>} : memref<16x512xf32, #tpu.memory_space<vmem>>, vector<1x16xf32>,
        %get3A_573 = vector.shape_cast %get3A_572 : vector<1x16xf32> to vector<16xf32>
        %get3A_574 = arith.index_cast %scan3A_193 : i32 to index
        %get3A_575 = arith.constant 288 : index
        %get3A_576 = tpu.vector_load %arg15[%get3A_574, %get3A_575] {strides = array<i32>} : memref<16x512xf32, #tpu.memory_space<vmem>>, vector<1x16xf32>,
        %get3A_577 = vector.shape_cast %get3A_576 : vector<1x16xf32> to vector<16xf32>
        %get3A_578 = arith.index_cast %scan3A_193 : i32 to index
        %get3A_579 = arith.constant 288 : index
        %get3A_580 = tpu.vector_load %arg16[%get3A_578, %get3A_579] {strides = array<i32>} : memref<16x512xf32, #tpu.memory_space<vmem>>, vector<1x16xf32>,
        %get3A_581 = vector.shape_cast %get3A_580 : vector<1x16xf32> to vector<16xf32>
        %sub3A_582 = arith.subf %get3A_573, %get3A_577 : vector<16xf32>
        %mul3A_583 = arith.mulf %sub3A_582, %sub3A_582 : vector<16xf32>
        %neg3A_584 = arith.constant 0.000000e+00 : f32
        %neg3A_585 = vector.broadcast %neg3A_584 : f32 to vector<16xf32>
        %neg3A_586 = arith.subf %neg3A_585, %get3A_581 : vector<16xf32>
        %exp3A_587 = math.exp %neg3A_586 : vector<16xf32>
        %mul3A_588 = arith.mulf %mul3A_583, %exp3A_587 : vector<16xf32>
        %add3A_589 = arith.addf %add3A_568, %mul3A_588 : vector<16xf32>
        %add3A_590 = arith.addf %add3A_569, %get3A_581 : vector<16xf32>
        %get3A_591 = arith.index_cast %scan3A_193 : i32 to index
        %get3A_592 = arith.constant 304 : index
        %get3A_593 = tpu.vector_load %arg14[%get3A_591, %get3A_592] {strides = array<i32>} : memref<16x512xf32, #tpu.memory_space<vmem>>, vector<1x16xf32>,
        %get3A_594 = vector.shape_cast %get3A_593 : vector<1x16xf32> to vector<16xf32>
        %get3A_595 = arith.index_cast %scan3A_193 : i32 to index
        %get3A_596 = arith.constant 304 : index
        %get3A_597 = tpu.vector_load %arg15[%get3A_595, %get3A_596] {strides = array<i32>} : memref<16x512xf32, #tpu.memory_space<vmem>>, vector<1x16xf32>,
        %get3A_598 = vector.shape_cast %get3A_597 : vector<1x16xf32> to vector<16xf32>
        %get3A_599 = arith.index_cast %scan3A_193 : i32 to index
        %get3A_600 = arith.constant 304 : index
        %get3A_601 = tpu.vector_load %arg16[%get3A_599, %get3A_600] {strides = array<i32>} : memref<16x512xf32, #tpu.memory_space<vmem>>, vector<1x16xf32>,
        %get3A_602 = vector.shape_cast %get3A_601 : vector<1x16xf32> to vector<16xf32>
        %sub3A_603 = arith.subf %get3A_594, %get3A_598 : vector<16xf32>
        %mul3A_604 = arith.mulf %sub3A_603, %sub3A_603 : vector<16xf32>
        %neg3A_605 = arith.constant 0.000000e+00 : f32
        %neg3A_606 = vector.broadcast %neg3A_605 : f32 to vector<16xf32>
        %neg3A_607 = arith.subf %neg3A_606, %get3A_602 : vector<16xf32>
        %exp3A_608 = math.exp %neg3A_607 : vector<16xf32>
        %mul3A_609 = arith.mulf %mul3A_604, %exp3A_608 : vector<16xf32>
        %add3A_610 = arith.addf %add3A_589, %mul3A_609 : vector<16xf32>
        %add3A_611 = arith.addf %add3A_590, %get3A_602 : vector<16xf32>
        %get3A_612 = arith.index_cast %scan3A_193 : i32 to index
        %get3A_613 = arith.constant 320 : index
        %get3A_614 = tpu.vector_load %arg14[%get3A_612, %get3A_613] {strides = array<i32>} : memref<16x512xf32, #tpu.memory_space<vmem>>, vector<1x16xf32>,
        %get3A_615 = vector.shape_cast %get3A_614 : vector<1x16xf32> to vector<16xf32>
        %get3A_616 = arith.index_cast %scan3A_193 : i32 to index
        %get3A_617 = arith.constant 320 : index
        %get3A_618 = tpu.vector_load %arg15[%get3A_616, %get3A_617] {strides = array<i32>} : memref<16x512xf32, #tpu.memory_space<vmem>>, vector<1x16xf32>,
        %get3A_619 = vector.shape_cast %get3A_618 : vector<1x16xf32> to vector<16xf32>
        %get3A_620 = arith.index_cast %scan3A_193 : i32 to index
        %get3A_621 = arith.constant 320 : index
        %get3A_622 = tpu.vector_load %arg16[%get3A_620, %get3A_621] {strides = array<i32>} : memref<16x512xf32, #tpu.memory_space<vmem>>, vector<1x16xf32>,
        %get3A_623 = vector.shape_cast %get3A_622 : vector<1x16xf32> to vector<16xf32>
        %sub3A_624 = arith.subf %get3A_615, %get3A_619 : vector<16xf32>
        %mul3A_625 = arith.mulf %sub3A_624, %sub3A_624 : vector<16xf32>
        %neg3A_626 = arith.constant 0.000000e+00 : f32
        %neg3A_627 = vector.broadcast %neg3A_626 : f32 to vector<16xf32>
        %neg3A_628 = arith.subf %neg3A_627, %get3A_623 : vector<16xf32>
        %exp3A_629 = math.exp %neg3A_628 : vector<16xf32>
        %mul3A_630 = arith.mulf %mul3A_625, %exp3A_629 : vector<16xf32>
        %add3A_631 = arith.addf %add3A_610, %mul3A_630 : vector<16xf32>
        %add3A_632 = arith.addf %add3A_611, %get3A_623 : vector<16xf32>
        %get3A_633 = arith.index_cast %scan3A_193 : i32 to index
        %get3A_634 = arith.constant 336 : index
        %get3A_635 = tpu.vector_load %arg14[%get3A_633, %get3A_634] {strides = array<i32>} : memref<16x512xf32, #tpu.memory_space<vmem>>, vector<1x16xf32>,
        %get3A_636 = vector.shape_cast %get3A_635 : vector<1x16xf32> to vector<16xf32>
        %get3A_637 = arith.index_cast %scan3A_193 : i32 to index
        %get3A_638 = arith.constant 336 : index
        %get3A_639 = tpu.vector_load %arg15[%get3A_637, %get3A_638] {strides = array<i32>} : memref<16x512xf32, #tpu.memory_space<vmem>>, vector<1x16xf32>,
        %get3A_640 = vector.shape_cast %get3A_639 : vector<1x16xf32> to vector<16xf32>
        %get3A_641 = arith.index_cast %scan3A_193 : i32 to index
        %get3A_642 = arith.constant 336 : index
        %get3A_643 = tpu.vector_load %arg16[%get3A_641, %get3A_642] {strides = array<i32>} : memref<16x512xf32, #tpu.memory_space<vmem>>, vector<1x16xf32>,
        %get3A_644 = vector.shape_cast %get3A_643 : vector<1x16xf32> to vector<16xf32>
        %sub3A_645 = arith.subf %get3A_636, %get3A_640 : vector<16xf32>
        %mul3A_646 = arith.mulf %sub3A_645, %sub3A_645 : vector<16xf32>
        %neg3A_647 = arith.constant 0.000000e+00 : f32
        %neg3A_648 = vector.broadcast %neg3A_647 : f32 to vector<16xf32>
        %neg3A_649 = arith.subf %neg3A_648, %get3A_644 : vector<16xf32>
        %exp3A_650 = math.exp %neg3A_649 : vector<16xf32>
        %mul3A_651 = arith.mulf %mul3A_646, %exp3A_650 : vector<16xf32>
        %add3A_652 = arith.addf %add3A_631, %mul3A_651 : vector<16xf32>
        %add3A_653 = arith.addf %add3A_632, %get3A_644 : vector<16xf32>
        %get3A_654 = arith.index_cast %scan3A_193 : i32 to index
        %get3A_655 = arith.constant 352 : index
        %get3A_656 = tpu.vector_load %arg14[%get3A_654, %get3A_655] {strides = array<i32>} : memref<16x512xf32, #tpu.memory_space<vmem>>, vector<1x16xf32>,
        %get3A_657 = vector.shape_cast %get3A_656 : vector<1x16xf32> to vector<16xf32>
        %get3A_658 = arith.index_cast %scan3A_193 : i32 to index
        %get3A_659 = arith.constant 352 : index
        %get3A_660 = tpu.vector_load %arg15[%get3A_658, %get3A_659] {strides = array<i32>} : memref<16x512xf32, #tpu.memory_space<vmem>>, vector<1x16xf32>,
        %get3A_661 = vector.shape_cast %get3A_660 : vector<1x16xf32> to vector<16xf32>
        %get3A_662 = arith.index_cast %scan3A_193 : i32 to index
        %get3A_663 = arith.constant 352 : index
        %get3A_664 = tpu.vector_load %arg16[%get3A_662, %get3A_663] {strides = array<i32>} : memref<16x512xf32, #tpu.memory_space<vmem>>, vector<1x16xf32>,
        %get3A_665 = vector.shape_cast %get3A_664 : vector<1x16xf32> to vector<16xf32>
        %sub3A_666 = arith.subf %get3A_657, %get3A_661 : vector<16xf32>
        %mul3A_667 = arith.mulf %sub3A_666, %sub3A_666 : vector<16xf32>
        %neg3A_668 = arith.constant 0.000000e+00 : f32
        %neg3A_669 = vector.broadcast %neg3A_668 : f32 to vector<16xf32>
        %neg3A_670 = arith.subf %neg3A_669, %get3A_665 : vector<16xf32>
        %exp3A_671 = math.exp %neg3A_670 : vector<16xf32>
        %mul3A_672 = arith.mulf %mul3A_667, %exp3A_671 : vector<16xf32>
        %add3A_673 = arith.addf %add3A_652, %mul3A_672 : vector<16xf32>
        %add3A_674 = arith.addf %add3A_653, %get3A_665 : vector<16xf32>
        %get3A_675 = arith.index_cast %scan3A_193 : i32 to index
        %get3A_676 = arith.constant 368 : index
        %get3A_677 = tpu.vector_load %arg14[%get3A_675, %get3A_676] {strides = array<i32>} : memref<16x512xf32, #tpu.memory_space<vmem>>, vector<1x16xf32>,
        %get3A_678 = vector.shape_cast %get3A_677 : vector<1x16xf32> to vector<16xf32>
        %get3A_679 = arith.index_cast %scan3A_193 : i32 to index
        %get3A_680 = arith.constant 368 : index
        %get3A_681 = tpu.vector_load %arg15[%get3A_679, %get3A_680] {strides = array<i32>} : memref<16x512xf32, #tpu.memory_space<vmem>>, vector<1x16xf32>,
        %get3A_682 = vector.shape_cast %get3A_681 : vector<1x16xf32> to vector<16xf32>
        %get3A_683 = arith.index_cast %scan3A_193 : i32 to index
        %get3A_684 = arith.constant 368 : index
        %get3A_685 = tpu.vector_load %arg16[%get3A_683, %get3A_684] {strides = array<i32>} : memref<16x512xf32, #tpu.memory_space<vmem>>, vector<1x16xf32>,
        %get3A_686 = vector.shape_cast %get3A_685 : vector<1x16xf32> to vector<16xf32>
        %sub3A_687 = arith.subf %get3A_678, %get3A_682 : vector<16xf32>
        %mul3A_688 = arith.mulf %sub3A_687, %sub3A_687 : vector<16xf32>
        %neg3A_689 = arith.constant 0.000000e+00 : f32
        %neg3A_690 = vector.broadcast %neg3A_689 : f32 to vector<16xf32>
        %neg3A_691 = arith.subf %neg3A_690, %get3A_686 : vector<16xf32>
        %exp3A_692 = math.exp %neg3A_691 : vector<16xf32>
        %mul3A_693 = arith.mulf %mul3A_688, %exp3A_692 : vector<16xf32>
        %add3A_694 = arith.addf %add3A_673, %mul3A_693 : vector<16xf32>
        %add3A_695 = arith.addf %add3A_674, %get3A_686 : vector<16xf32>
        %get3A_696 = arith.index_cast %scan3A_193 : i32 to index
        %get3A_697 = arith.constant 384 : index
        %get3A_698 = tpu.vector_load %arg14[%get3A_696, %get3A_697] {strides = array<i32>} : memref<16x512xf32, #tpu.memory_space<vmem>>, vector<1x16xf32>,
        %get3A_699 = vector.shape_cast %get3A_698 : vector<1x16xf32> to vector<16xf32>
        %get3A_700 = arith.index_cast %scan3A_193 : i32 to index
        %get3A_701 = arith.constant 384 : index
        %get3A_702 = tpu.vector_load %arg15[%get3A_700, %get3A_701] {strides = array<i32>} : memref<16x512xf32, #tpu.memory_space<vmem>>, vector<1x16xf32>,
        %get3A_703 = vector.shape_cast %get3A_702 : vector<1x16xf32> to vector<16xf32>
        %get3A_704 = arith.index_cast %scan3A_193 : i32 to index
        %get3A_705 = arith.constant 384 : index
        %get3A_706 = tpu.vector_load %arg16[%get3A_704, %get3A_705] {strides = array<i32>} : memref<16x512xf32, #tpu.memory_space<vmem>>, vector<1x16xf32>,
        %get3A_707 = vector.shape_cast %get3A_706 : vector<1x16xf32> to vector<16xf32>
        %sub3A_708 = arith.subf %get3A_699, %get3A_703 : vector<16xf32>
        %mul3A_709 = arith.mulf %sub3A_708, %sub3A_708 : vector<16xf32>
        %neg3A_710 = arith.constant 0.000000e+00 : f32
        %neg3A_711 = vector.broadcast %neg3A_710 : f32 to vector<16xf32>
        %neg3A_712 = arith.subf %neg3A_711, %get3A_707 : vector<16xf32>
        %exp3A_713 = math.exp %neg3A_712 : vector<16xf32>
        %mul3A_714 = arith.mulf %mul3A_709, %exp3A_713 : vector<16xf32>
        %add3A_715 = arith.addf %add3A_694, %mul3A_714 : vector<16xf32>
        %add3A_716 = arith.addf %add3A_695, %get3A_707 : vector<16xf32>
        %get3A_717 = arith.index_cast %scan3A_193 : i32 to index
        %get3A_718 = arith.constant 400 : index
        %get3A_719 = tpu.vector_load %arg14[%get3A_717, %get3A_718] {strides = array<i32>} : memref<16x512xf32, #tpu.memory_space<vmem>>, vector<1x16xf32>,
        %get3A_720 = vector.shape_cast %get3A_719 : vector<1x16xf32> to vector<16xf32>
        %get3A_721 = arith.index_cast %scan3A_193 : i32 to index
        %get3A_722 = arith.constant 400 : index
        %get3A_723 = tpu.vector_load %arg15[%get3A_721, %get3A_722] {strides = array<i32>} : memref<16x512xf32, #tpu.memory_space<vmem>>, vector<1x16xf32>,
        %get3A_724 = vector.shape_cast %get3A_723 : vector<1x16xf32> to vector<16xf32>
        %get3A_725 = arith.index_cast %scan3A_193 : i32 to index
        %get3A_726 = arith.constant 400 : index
        %get3A_727 = tpu.vector_load %arg16[%get3A_725, %get3A_726] {strides = array<i32>} : memref<16x512xf32, #tpu.memory_space<vmem>>, vector<1x16xf32>,
        %get3A_728 = vector.shape_cast %get3A_727 : vector<1x16xf32> to vector<16xf32>
        %sub3A_729 = arith.subf %get3A_720, %get3A_724 : vector<16xf32>
        %mul3A_730 = arith.mulf %sub3A_729, %sub3A_729 : vector<16xf32>
        %neg3A_731 = arith.constant 0.000000e+00 : f32
        %neg3A_732 = vector.broadcast %neg3A_731 : f32 to vector<16xf32>
        %neg3A_733 = arith.subf %neg3A_732, %get3A_728 : vector<16xf32>
        %exp3A_734 = math.exp %neg3A_733 : vector<16xf32>
        %mul3A_735 = arith.mulf %mul3A_730, %exp3A_734 : vector<16xf32>
        %add3A_736 = arith.addf %add3A_715, %mul3A_735 : vector<16xf32>
        %add3A_737 = arith.addf %add3A_716, %get3A_728 : vector<16xf32>
        %get3A_738 = arith.index_cast %scan3A_193 : i32 to index
        %get3A_739 = arith.constant 416 : index
        %get3A_740 = tpu.vector_load %arg14[%get3A_738, %get3A_739] {strides = array<i32>} : memref<16x512xf32, #tpu.memory_space<vmem>>, vector<1x16xf32>,
        %get3A_741 = vector.shape_cast %get3A_740 : vector<1x16xf32> to vector<16xf32>
        %get3A_742 = arith.index_cast %scan3A_193 : i32 to index
        %get3A_743 = arith.constant 416 : index
        %get3A_744 = tpu.vector_load %arg15[%get3A_742, %get3A_743] {strides = array<i32>} : memref<16x512xf32, #tpu.memory_space<vmem>>, vector<1x16xf32>,
        %get3A_745 = vector.shape_cast %get3A_744 : vector<1x16xf32> to vector<16xf32>
        %get3A_746 = arith.index_cast %scan3A_193 : i32 to index
        %get3A_747 = arith.constant 416 : index
        %get3A_748 = tpu.vector_load %arg16[%get3A_746, %get3A_747] {strides = array<i32>} : memref<16x512xf32, #tpu.memory_space<vmem>>, vector<1x16xf32>,
        %get3A_749 = vector.shape_cast %get3A_748 : vector<1x16xf32> to vector<16xf32>
        %sub3A_750 = arith.subf %get3A_741, %get3A_745 : vector<16xf32>
        %mul3A_751 = arith.mulf %sub3A_750, %sub3A_750 : vector<16xf32>
        %neg3A_752 = arith.constant 0.000000e+00 : f32
        %neg3A_753 = vector.broadcast %neg3A_752 : f32 to vector<16xf32>
        %neg3A_754 = arith.subf %neg3A_753, %get3A_749 : vector<16xf32>
        %exp3A_755 = math.exp %neg3A_754 : vector<16xf32>
        %mul3A_756 = arith.mulf %mul3A_751, %exp3A_755 : vector<16xf32>
        %add3A_757 = arith.addf %add3A_736, %mul3A_756 : vector<16xf32>
        %add3A_758 = arith.addf %add3A_737, %get3A_749 : vector<16xf32>
        %get3A_759 = arith.index_cast %scan3A_193 : i32 to index
        %get3A_760 = arith.constant 432 : index
        %get3A_761 = tpu.vector_load %arg14[%get3A_759, %get3A_760] {strides = array<i32>} : memref<16x512xf32, #tpu.memory_space<vmem>>, vector<1x16xf32>,
        %get3A_762 = vector.shape_cast %get3A_761 : vector<1x16xf32> to vector<16xf32>
        %get3A_763 = arith.index_cast %scan3A_193 : i32 to index
        %get3A_764 = arith.constant 432 : index
        %get3A_765 = tpu.vector_load %arg15[%get3A_763, %get3A_764] {strides = array<i32>} : memref<16x512xf32, #tpu.memory_space<vmem>>, vector<1x16xf32>,
        %get3A_766 = vector.shape_cast %get3A_765 : vector<1x16xf32> to vector<16xf32>
        %get3A_767 = arith.index_cast %scan3A_193 : i32 to index
        %get3A_768 = arith.constant 432 : index
        %get3A_769 = tpu.vector_load %arg16[%get3A_767, %get3A_768] {strides = array<i32>} : memref<16x512xf32, #tpu.memory_space<vmem>>, vector<1x16xf32>,
        %get3A_770 = vector.shape_cast %get3A_769 : vector<1x16xf32> to vector<16xf32>
        %sub3A_771 = arith.subf %get3A_762, %get3A_766 : vector<16xf32>
        %mul3A_772 = arith.mulf %sub3A_771, %sub3A_771 : vector<16xf32>
        %neg3A_773 = arith.constant 0.000000e+00 : f32
        %neg3A_774 = vector.broadcast %neg3A_773 : f32 to vector<16xf32>
        %neg3A_775 = arith.subf %neg3A_774, %get3A_770 : vector<16xf32>
        %exp3A_776 = math.exp %neg3A_775 : vector<16xf32>
        %mul3A_777 = arith.mulf %mul3A_772, %exp3A_776 : vector<16xf32>
        %add3A_778 = arith.addf %add3A_757, %mul3A_777 : vector<16xf32>
        %add3A_779 = arith.addf %add3A_758, %get3A_770 : vector<16xf32>
        %get3A_780 = arith.index_cast %scan3A_193 : i32 to index
        %get3A_781 = arith.constant 448 : index
        %get3A_782 = tpu.vector_load %arg14[%get3A_780, %get3A_781] {strides = array<i32>} : memref<16x512xf32, #tpu.memory_space<vmem>>, vector<1x16xf32>,
        %get3A_783 = vector.shape_cast %get3A_782 : vector<1x16xf32> to vector<16xf32>
        %get3A_784 = arith.index_cast %scan3A_193 : i32 to index
        %get3A_785 = arith.constant 448 : index
        %get3A_786 = tpu.vector_load %arg15[%get3A_784, %get3A_785] {strides = array<i32>} : memref<16x512xf32, #tpu.memory_space<vmem>>, vector<1x16xf32>,
        %get3A_787 = vector.shape_cast %get3A_786 : vector<1x16xf32> to vector<16xf32>
        %get3A_788 = arith.index_cast %scan3A_193 : i32 to index
        %get3A_789 = arith.constant 448 : index
        %get3A_790 = tpu.vector_load %arg16[%get3A_788, %get3A_789] {strides = array<i32>} : memref<16x512xf32, #tpu.memory_space<vmem>>, vector<1x16xf32>,
        %get3A_791 = vector.shape_cast %get3A_790 : vector<1x16xf32> to vector<16xf32>
        %sub3A_792 = arith.subf %get3A_783, %get3A_787 : vector<16xf32>
        %mul3A_793 = arith.mulf %sub3A_792, %sub3A_792 : vector<16xf32>
        %neg3A_794 = arith.constant 0.000000e+00 : f32
        %neg3A_795 = vector.broadcast %neg3A_794 : f32 to vector<16xf32>
        %neg3A_796 = arith.subf %neg3A_795, %get3A_791 : vector<16xf32>
        %exp3A_797 = math.exp %neg3A_796 : vector<16xf32>
        %mul3A_798 = arith.mulf %mul3A_793, %exp3A_797 : vector<16xf32>
        %add3A_799 = arith.addf %add3A_778, %mul3A_798 : vector<16xf32>
        %add3A_800 = arith.addf %add3A_779, %get3A_791 : vector<16xf32>
        %get3A_801 = arith.index_cast %scan3A_193 : i32 to index
        %get3A_802 = arith.constant 464 : index
        %get3A_803 = tpu.vector_load %arg14[%get3A_801, %get3A_802] {strides = array<i32>} : memref<16x512xf32, #tpu.memory_space<vmem>>, vector<1x16xf32>,
        %get3A_804 = vector.shape_cast %get3A_803 : vector<1x16xf32> to vector<16xf32>
        %get3A_805 = arith.index_cast %scan3A_193 : i32 to index
        %get3A_806 = arith.constant 464 : index
        %get3A_807 = tpu.vector_load %arg15[%get3A_805, %get3A_806] {strides = array<i32>} : memref<16x512xf32, #tpu.memory_space<vmem>>, vector<1x16xf32>,
        %get3A_808 = vector.shape_cast %get3A_807 : vector<1x16xf32> to vector<16xf32>
        %get3A_809 = arith.index_cast %scan3A_193 : i32 to index
        %get3A_810 = arith.constant 464 : index
        %get3A_811 = tpu.vector_load %arg16[%get3A_809, %get3A_810] {strides = array<i32>} : memref<16x512xf32, #tpu.memory_space<vmem>>, vector<1x16xf32>,
        %get3A_812 = vector.shape_cast %get3A_811 : vector<1x16xf32> to vector<16xf32>
        %sub3A_813 = arith.subf %get3A_804, %get3A_808 : vector<16xf32>
        %mul3A_814 = arith.mulf %sub3A_813, %sub3A_813 : vector<16xf32>
        %neg3A_815 = arith.constant 0.000000e+00 : f32
        %neg3A_816 = vector.broadcast %neg3A_815 : f32 to vector<16xf32>
        %neg3A_817 = arith.subf %neg3A_816, %get3A_812 : vector<16xf32>
        %exp3A_818 = math.exp %neg3A_817 : vector<16xf32>
        %mul3A_819 = arith.mulf %mul3A_814, %exp3A_818 : vector<16xf32>
        %add3A_820 = arith.addf %add3A_799, %mul3A_819 : vector<16xf32>
        %add3A_821 = arith.addf %add3A_800, %get3A_812 : vector<16xf32>
        %get3A_822 = arith.index_cast %scan3A_193 : i32 to index
        %get3A_823 = arith.constant 480 : index
        %get3A_824 = tpu.vector_load %arg14[%get3A_822, %get3A_823] {strides = array<i32>} : memref<16x512xf32, #tpu.memory_space<vmem>>, vector<1x16xf32>,
        %get3A_825 = vector.shape_cast %get3A_824 : vector<1x16xf32> to vector<16xf32>
        %get3A_826 = arith.index_cast %scan3A_193 : i32 to index
        %get3A_827 = arith.constant 480 : index
        %get3A_828 = tpu.vector_load %arg15[%get3A_826, %get3A_827] {strides = array<i32>} : memref<16x512xf32, #tpu.memory_space<vmem>>, vector<1x16xf32>,
        %get3A_829 = vector.shape_cast %get3A_828 : vector<1x16xf32> to vector<16xf32>
        %get3A_830 = arith.index_cast %scan3A_193 : i32 to index
        %get3A_831 = arith.constant 480 : index
        %get3A_832 = tpu.vector_load %arg16[%get3A_830, %get3A_831] {strides = array<i32>} : memref<16x512xf32, #tpu.memory_space<vmem>>, vector<1x16xf32>,
        %get3A_833 = vector.shape_cast %get3A_832 : vector<1x16xf32> to vector<16xf32>
        %sub3A_834 = arith.subf %get3A_825, %get3A_829 : vector<16xf32>
        %mul3A_835 = arith.mulf %sub3A_834, %sub3A_834 : vector<16xf32>
        %neg3A_836 = arith.constant 0.000000e+00 : f32
        %neg3A_837 = vector.broadcast %neg3A_836 : f32 to vector<16xf32>
        %neg3A_838 = arith.subf %neg3A_837, %get3A_833 : vector<16xf32>
        %exp3A_839 = math.exp %neg3A_838 : vector<16xf32>
        %mul3A_840 = arith.mulf %mul3A_835, %exp3A_839 : vector<16xf32>
        %add3A_841 = arith.addf %add3A_820, %mul3A_840 : vector<16xf32>
        %add3A_842 = arith.addf %add3A_821, %get3A_833 : vector<16xf32>
        %get3A_843 = arith.index_cast %scan3A_193 : i32 to index
        %get3A_844 = arith.constant 496 : index
        %get3A_845 = tpu.vector_load %arg14[%get3A_843, %get3A_844] {strides = array<i32>} : memref<16x512xf32, #tpu.memory_space<vmem>>, vector<1x16xf32>,
        %get3A_846 = vector.shape_cast %get3A_845 : vector<1x16xf32> to vector<16xf32>
        %get3A_847 = arith.index_cast %scan3A_193 : i32 to index
        %get3A_848 = arith.constant 496 : index
        %get3A_849 = tpu.vector_load %arg15[%get3A_847, %get3A_848] {strides = array<i32>} : memref<16x512xf32, #tpu.memory_space<vmem>>, vector<1x16xf32>,
        %get3A_850 = vector.shape_cast %get3A_849 : vector<1x16xf32> to vector<16xf32>
        %get3A_851 = arith.index_cast %scan3A_193 : i32 to index
        %get3A_852 = arith.constant 496 : index
        %get3A_853 = tpu.vector_load %arg16[%get3A_851, %get3A_852] {strides = array<i32>} : memref<16x512xf32, #tpu.memory_space<vmem>>, vector<1x16xf32>,
        %get3A_854 = vector.shape_cast %get3A_853 : vector<1x16xf32> to vector<16xf32>
        %sub3A_855 = arith.subf %get3A_846, %get3A_850 : vector<16xf32>
        %mul3A_856 = arith.mulf %sub3A_855, %sub3A_855 : vector<16xf32>
        %neg3A_857 = arith.constant 0.000000e+00 : f32
        %neg3A_858 = vector.broadcast %neg3A_857 : f32 to vector<16xf32>
        %neg3A_859 = arith.subf %neg3A_858, %get3A_854 : vector<16xf32>
        %exp3A_860 = math.exp %neg3A_859 : vector<16xf32>
        %mul3A_861 = arith.mulf %mul3A_856, %exp3A_860 : vector<16xf32>
        %add3A_862 = arith.addf %add3A_841, %mul3A_861 : vector<16xf32>
        %add3A_863 = arith.addf %add3A_842, %get3A_854 : vector<16xf32>
        scf.yield %add3A_862, %add3A_863 : vector<16xf32>, vector<16xf32>
      }
      %scan3A_159 = arith.constant 16 : i32
      %convert_element_type3A_160 = arith.extui %lt3A_75 : i1 to i32
      %cond3A_161 = arith.constant 0 : i32
      %cond3A_162 = arith.cmpi ne, %convert_element_type3A_160, %cond3A_161 : i32
      scf.if %cond3A_162 {
        %add3A_193 = arith.constant 4 : i32
        %add3A_194 = arith.addi %add3A_136, %add3A_193 : i32
        %mul3A_195 = arith.constant 16 : i32
        %mul3A_196 = arith.muli %add3A_194, %mul3A_195 : i32
        %add3A_197 = arith.addi %mul3A_2, %mul3A_196 : i32
        %mul3A_198 = arith.constant 16 : i32
        %mul3A_199 = arith.muli %add3A_194, %mul3A_198 : i32
        %dma_start3A_200 = tpu.memref_slice %arg7[%mul3A_199] : memref<512xi32, #tpu.memory_space<vmem>> -> memref<16xi32, #tpu.memory_space<vmem>>
        %dma_start3A_201 = arith.constant 0 : i32
        %dma_start3A_202 = arith.constant 0 : i32
        %dma_start3A_203 = tpu.memref_slice %arg5[%dma_start3A_201, %dma_start3A_202] : memref<85742x512xf32, #tpu.memory_space<hbm>> -> memref<85742x512xf32, #tpu.memory_space<hbm>>
        tpu.enqueue_indirect_dma source(%dma_start3A_203 : memref<85742x512xf32, #tpu.memory_space<hbm>>) target(%arg14 : memref<16x512xf32, #tpu.memory_space<vmem>>) offsets(%dma_start3A_200 : memref<16xi32, #tpu.memory_space<vmem>>) semaphore(%arg23 : memref<!tpu.dma_semaphore, #tpu.memory_space<semaphore_mem>>)
        %dma_start3A_204 = arith.constant 0 : i32
        %dma_start3A_205 = tpu.memref_slice %arg2[%add3A_197, %dma_start3A_204] : memref<16384x512xf32, #tpu.memory_space<hbm>> -> memref<16x512xf32, #tpu.memory_space<hbm>>
        %dma_start3A_206 = arith.constant 0 : i32
        %dma_start3A_207 = tpu.memref_slice %arg2[%add3A_197, %dma_start3A_206] : memref<16384x512xf32, #tpu.memory_space<hbm>> -> memref<16x512xf32, #tpu.memory_space<hbm>>
        tpu.enqueue_dma source(%dma_start3A_207 : memref<16x512xf32, #tpu.memory_space<hbm>>) target(%arg15 : memref<16x512xf32, #tpu.memory_space<vmem>>) target_semaphore(%arg23 : memref<!tpu.dma_semaphore, #tpu.memory_space<semaphore_mem>>)
        %dma_start3A_208 = arith.constant 0 : i32
        %dma_start3A_209 = tpu.memref_slice %arg3[%add3A_197, %dma_start3A_208] : memref<16384x512xf32, #tpu.memory_space<hbm>> -> memref<16x512xf32, #tpu.memory_space<hbm>>
        %dma_start3A_210 = arith.constant 0 : i32
        %dma_start3A_211 = tpu.memref_slice %arg3[%add3A_197, %dma_start3A_210] : memref<16384x512xf32, #tpu.memory_space<hbm>> -> memref<16x512xf32, #tpu.memory_space<hbm>>
        tpu.enqueue_dma source(%dma_start3A_211 : memref<16x512xf32, #tpu.memory_space<hbm>>) target(%arg16 : memref<16x512xf32, #tpu.memory_space<vmem>>) target_semaphore(%arg23 : memref<!tpu.dma_semaphore, #tpu.memory_space<semaphore_mem>>)
      } else {
      }
      %mul3A_163 = arith.constant 4 : i32
      %mul3A_164 = arith.muli %scan3A_72, %mul3A_163 : i32
      %add3A_165 = arith.constant 3 : i32
      %add3A_166 = arith.addi %mul3A_164, %add3A_165 : i32
      %mul3A_167 = arith.constant 16 : i32
      %mul3A_168 = arith.muli %add3A_166, %mul3A_167 : i32
      %add3A_169 = arith.addi %mul3A_2, %mul3A_168 : i32
      %mul3A_170 = arith.constant 16 : i32
      %mul3A_171 = arith.muli %add3A_166, %mul3A_170 : i32
      %dma_wait3A_172 = tpu.memref_slice %arg7[%mul3A_171] : memref<512xi32, #tpu.memory_space<vmem>> -> memref<16xi32, #tpu.memory_space<vmem>>
      %dma_wait3A_173 = arith.constant 0 : i32
      %dma_wait3A_174 = arith.constant 0 : i32
      %dma_wait3A_175 = tpu.memref_slice %arg5[%dma_wait3A_173, %dma_wait3A_174] : memref<85742x512xf32, #tpu.memory_space<hbm>> -> memref<85742x512xf32, #tpu.memory_space<hbm>>
      tpu.wait_indirect_dma semaphore(%arg24 : memref<!tpu.dma_semaphore, #tpu.memory_space<semaphore_mem>>) src(%dma_wait3A_175 : memref<85742x512xf32, #tpu.memory_space<hbm>>) dst(%arg17 : memref<16x512xf32, #tpu.memory_space<vmem>>)
      %dma_wait3A_176 = arith.constant 0 : i32
      %dma_wait3A_177 = tpu.memref_slice %arg2[%add3A_169, %dma_wait3A_176] : memref<16384x512xf32, #tpu.memory_space<hbm>> -> memref<16x512xf32, #tpu.memory_space<hbm>>
      %dma_wait3A_178 = arith.constant 0 : i32
      %dma_wait3A_179 = tpu.memref_slice %arg2[%add3A_169, %dma_wait3A_178] : memref<16384x512xf32, #tpu.memory_space<hbm>> -> memref<16x512xf32, #tpu.memory_space<hbm>>
      tpu.wait_dma2 semaphore(%arg24 : memref<!tpu.dma_semaphore, #tpu.memory_space<semaphore_mem>>) src(%dma_wait3A_179 : memref<16x512xf32, #tpu.memory_space<hbm>>) dst(%arg18 : memref<16x512xf32, #tpu.memory_space<vmem>>)
      %dma_wait3A_180 = arith.constant 0 : i32
      %dma_wait3A_181 = tpu.memref_slice %arg3[%add3A_169, %dma_wait3A_180] : memref<16384x512xf32, #tpu.memory_space<hbm>> -> memref<16x512xf32, #tpu.memory_space<hbm>>
      %dma_wait3A_182 = arith.constant 0 : i32
      %dma_wait3A_183 = tpu.memref_slice %arg3[%add3A_169, %dma_wait3A_182] : memref<16384x512xf32, #tpu.memory_space<hbm>> -> memref<16x512xf32, #tpu.memory_space<hbm>>
      tpu.wait_dma2 semaphore(%arg24 : memref<!tpu.dma_semaphore, #tpu.memory_space<semaphore_mem>>) src(%dma_wait3A_183 : memref<16x512xf32, #tpu.memory_space<hbm>>) dst(%arg19 : memref<16x512xf32, #tpu.memory_space<vmem>>)
      %scan3A_184 = arith.constant 0 : i32
      %scan3A_185 = arith.constant 16 : i32
      %scan3A_186 = arith.addi %scan3A_184, %scan3A_185 : i32
      %scan3A_187 = arith.constant 1 : i32
      %scan3A_188:2 = scf.for %scan3A_193 = %scan3A_184 to %scan3A_186 step %scan3A_187 iter_args(%scan3A_194 = %scan3A_158#0, %scan3A_195 = %scan3A_158#1) -> (vector<16xf32>, vector<16xf32>)  : i32 {
        %get3A = arith.index_cast %scan3A_193 : i32 to index
        %get3A_196 = arith.constant 0 : index
        %get3A_197 = tpu.vector_load %arg17[%get3A, %get3A_196] {strides = array<i32>} : memref<16x512xf32, #tpu.memory_space<vmem>>, vector<1x16xf32>,
        %get3A_198 = vector.shape_cast %get3A_197 : vector<1x16xf32> to vector<16xf32>
        %get3A_199 = arith.index_cast %scan3A_193 : i32 to index
        %get3A_200 = arith.constant 0 : index
        %get3A_201 = tpu.vector_load %arg18[%get3A_199, %get3A_200] {strides = array<i32>} : memref<16x512xf32, #tpu.memory_space<vmem>>, vector<1x16xf32>,
        %get3A_202 = vector.shape_cast %get3A_201 : vector<1x16xf32> to vector<16xf32>
        %get3A_203 = arith.index_cast %scan3A_193 : i32 to index
        %get3A_204 = arith.constant 0 : index
        %get3A_205 = tpu.vector_load %arg19[%get3A_203, %get3A_204] {strides = array<i32>} : memref<16x512xf32, #tpu.memory_space<vmem>>, vector<1x16xf32>,
        %get3A_206 = vector.shape_cast %get3A_205 : vector<1x16xf32> to vector<16xf32>
        %sub3A = arith.subf %get3A_198, %get3A_202 : vector<16xf32>
        %mul3A_207 = arith.mulf %sub3A, %sub3A : vector<16xf32>
        %neg3A = arith.constant 0.000000e+00 : f32
        %neg3A_208 = vector.broadcast %neg3A : f32 to vector<16xf32>
        %neg3A_209 = arith.subf %neg3A_208, %get3A_206 : vector<16xf32>
        %exp3A = math.exp %neg3A_209 : vector<16xf32>
        %mul3A_210 = arith.mulf %mul3A_207, %exp3A : vector<16xf32>
        %add3A_211 = arith.addf %scan3A_194, %mul3A_210 : vector<16xf32>
        %add3A_212 = arith.addf %scan3A_195, %get3A_206 : vector<16xf32>
        %get3A_213 = arith.index_cast %scan3A_193 : i32 to index
        %get3A_214 = arith.constant 16 : index
        %get3A_215 = tpu.vector_load %arg17[%get3A_213, %get3A_214] {strides = array<i32>} : memref<16x512xf32, #tpu.memory_space<vmem>>, vector<1x16xf32>,
        %get3A_216 = vector.shape_cast %get3A_215 : vector<1x16xf32> to vector<16xf32>
        %get3A_217 = arith.index_cast %scan3A_193 : i32 to index
        %get3A_218 = arith.constant 16 : index
        %get3A_219 = tpu.vector_load %arg18[%get3A_217, %get3A_218] {strides = array<i32>} : memref<16x512xf32, #tpu.memory_space<vmem>>, vector<1x16xf32>,
        %get3A_220 = vector.shape_cast %get3A_219 : vector<1x16xf32> to vector<16xf32>
        %get3A_221 = arith.index_cast %scan3A_193 : i32 to index
        %get3A_222 = arith.constant 16 : index
        %get3A_223 = tpu.vector_load %arg19[%get3A_221, %get3A_222] {strides = array<i32>} : memref<16x512xf32, #tpu.memory_space<vmem>>, vector<1x16xf32>,
        %get3A_224 = vector.shape_cast %get3A_223 : vector<1x16xf32> to vector<16xf32>
        %sub3A_225 = arith.subf %get3A_216, %get3A_220 : vector<16xf32>
        %mul3A_226 = arith.mulf %sub3A_225, %sub3A_225 : vector<16xf32>
        %neg3A_227 = arith.constant 0.000000e+00 : f32
        %neg3A_228 = vector.broadcast %neg3A_227 : f32 to vector<16xf32>
        %neg3A_229 = arith.subf %neg3A_228, %get3A_224 : vector<16xf32>
        %exp3A_230 = math.exp %neg3A_229 : vector<16xf32>
        %mul3A_231 = arith.mulf %mul3A_226, %exp3A_230 : vector<16xf32>
        %add3A_232 = arith.addf %add3A_211, %mul3A_231 : vector<16xf32>
        %add3A_233 = arith.addf %add3A_212, %get3A_224 : vector<16xf32>
        %get3A_234 = arith.index_cast %scan3A_193 : i32 to index
        %get3A_235 = arith.constant 32 : index
        %get3A_236 = tpu.vector_load %arg17[%get3A_234, %get3A_235] {strides = array<i32>} : memref<16x512xf32, #tpu.memory_space<vmem>>, vector<1x16xf32>,
        %get3A_237 = vector.shape_cast %get3A_236 : vector<1x16xf32> to vector<16xf32>
        %get3A_238 = arith.index_cast %scan3A_193 : i32 to index
        %get3A_239 = arith.constant 32 : index
        %get3A_240 = tpu.vector_load %arg18[%get3A_238, %get3A_239] {strides = array<i32>} : memref<16x512xf32, #tpu.memory_space<vmem>>, vector<1x16xf32>,
        %get3A_241 = vector.shape_cast %get3A_240 : vector<1x16xf32> to vector<16xf32>
        %get3A_242 = arith.index_cast %scan3A_193 : i32 to index
        %get3A_243 = arith.constant 32 : index
        %get3A_244 = tpu.vector_load %arg19[%get3A_242, %get3A_243] {strides = array<i32>} : memref<16x512xf32, #tpu.memory_space<vmem>>, vector<1x16xf32>,
        %get3A_245 = vector.shape_cast %get3A_244 : vector<1x16xf32> to vector<16xf32>
        %sub3A_246 = arith.subf %get3A_237, %get3A_241 : vector<16xf32>
        %mul3A_247 = arith.mulf %sub3A_246, %sub3A_246 : vector<16xf32>
        %neg3A_248 = arith.constant 0.000000e+00 : f32
        %neg3A_249 = vector.broadcast %neg3A_248 : f32 to vector<16xf32>
        %neg3A_250 = arith.subf %neg3A_249, %get3A_245 : vector<16xf32>
        %exp3A_251 = math.exp %neg3A_250 : vector<16xf32>
        %mul3A_252 = arith.mulf %mul3A_247, %exp3A_251 : vector<16xf32>
        %add3A_253 = arith.addf %add3A_232, %mul3A_252 : vector<16xf32>
        %add3A_254 = arith.addf %add3A_233, %get3A_245 : vector<16xf32>
        %get3A_255 = arith.index_cast %scan3A_193 : i32 to index
        %get3A_256 = arith.constant 48 : index
        %get3A_257 = tpu.vector_load %arg17[%get3A_255, %get3A_256] {strides = array<i32>} : memref<16x512xf32, #tpu.memory_space<vmem>>, vector<1x16xf32>,
        %get3A_258 = vector.shape_cast %get3A_257 : vector<1x16xf32> to vector<16xf32>
        %get3A_259 = arith.index_cast %scan3A_193 : i32 to index
        %get3A_260 = arith.constant 48 : index
        %get3A_261 = tpu.vector_load %arg18[%get3A_259, %get3A_260] {strides = array<i32>} : memref<16x512xf32, #tpu.memory_space<vmem>>, vector<1x16xf32>,
        %get3A_262 = vector.shape_cast %get3A_261 : vector<1x16xf32> to vector<16xf32>
        %get3A_263 = arith.index_cast %scan3A_193 : i32 to index
        %get3A_264 = arith.constant 48 : index
        %get3A_265 = tpu.vector_load %arg19[%get3A_263, %get3A_264] {strides = array<i32>} : memref<16x512xf32, #tpu.memory_space<vmem>>, vector<1x16xf32>,
        %get3A_266 = vector.shape_cast %get3A_265 : vector<1x16xf32> to vector<16xf32>
        %sub3A_267 = arith.subf %get3A_258, %get3A_262 : vector<16xf32>
        %mul3A_268 = arith.mulf %sub3A_267, %sub3A_267 : vector<16xf32>
        %neg3A_269 = arith.constant 0.000000e+00 : f32
        %neg3A_270 = vector.broadcast %neg3A_269 : f32 to vector<16xf32>
        %neg3A_271 = arith.subf %neg3A_270, %get3A_266 : vector<16xf32>
        %exp3A_272 = math.exp %neg3A_271 : vector<16xf32>
        %mul3A_273 = arith.mulf %mul3A_268, %exp3A_272 : vector<16xf32>
        %add3A_274 = arith.addf %add3A_253, %mul3A_273 : vector<16xf32>
        %add3A_275 = arith.addf %add3A_254, %get3A_266 : vector<16xf32>
        %get3A_276 = arith.index_cast %scan3A_193 : i32 to index
        %get3A_277 = arith.constant 64 : index
        %get3A_278 = tpu.vector_load %arg17[%get3A_276, %get3A_277] {strides = array<i32>} : memref<16x512xf32, #tpu.memory_space<vmem>>, vector<1x16xf32>,
        %get3A_279 = vector.shape_cast %get3A_278 : vector<1x16xf32> to vector<16xf32>
        %get3A_280 = arith.index_cast %scan3A_193 : i32 to index
        %get3A_281 = arith.constant 64 : index
        %get3A_282 = tpu.vector_load %arg18[%get3A_280, %get3A_281] {strides = array<i32>} : memref<16x512xf32, #tpu.memory_space<vmem>>, vector<1x16xf32>,
        %get3A_283 = vector.shape_cast %get3A_282 : vector<1x16xf32> to vector<16xf32>
        %get3A_284 = arith.index_cast %scan3A_193 : i32 to index
        %get3A_285 = arith.constant 64 : index
        %get3A_286 = tpu.vector_load %arg19[%get3A_284, %get3A_285] {strides = array<i32>} : memref<16x512xf32, #tpu.memory_space<vmem>>, vector<1x16xf32>,
        %get3A_287 = vector.shape_cast %get3A_286 : vector<1x16xf32> to vector<16xf32>
        %sub3A_288 = arith.subf %get3A_279, %get3A_283 : vector<16xf32>
        %mul3A_289 = arith.mulf %sub3A_288, %sub3A_288 : vector<16xf32>
        %neg3A_290 = arith.constant 0.000000e+00 : f32
        %neg3A_291 = vector.broadcast %neg3A_290 : f32 to vector<16xf32>
        %neg3A_292 = arith.subf %neg3A_291, %get3A_287 : vector<16xf32>
        %exp3A_293 = math.exp %neg3A_292 : vector<16xf32>
        %mul3A_294 = arith.mulf %mul3A_289, %exp3A_293 : vector<16xf32>
        %add3A_295 = arith.addf %add3A_274, %mul3A_294 : vector<16xf32>
        %add3A_296 = arith.addf %add3A_275, %get3A_287 : vector<16xf32>
        %get3A_297 = arith.index_cast %scan3A_193 : i32 to index
        %get3A_298 = arith.constant 80 : index
        %get3A_299 = tpu.vector_load %arg17[%get3A_297, %get3A_298] {strides = array<i32>} : memref<16x512xf32, #tpu.memory_space<vmem>>, vector<1x16xf32>,
        %get3A_300 = vector.shape_cast %get3A_299 : vector<1x16xf32> to vector<16xf32>
        %get3A_301 = arith.index_cast %scan3A_193 : i32 to index
        %get3A_302 = arith.constant 80 : index
        %get3A_303 = tpu.vector_load %arg18[%get3A_301, %get3A_302] {strides = array<i32>} : memref<16x512xf32, #tpu.memory_space<vmem>>, vector<1x16xf32>,
        %get3A_304 = vector.shape_cast %get3A_303 : vector<1x16xf32> to vector<16xf32>
        %get3A_305 = arith.index_cast %scan3A_193 : i32 to index
        %get3A_306 = arith.constant 80 : index
        %get3A_307 = tpu.vector_load %arg19[%get3A_305, %get3A_306] {strides = array<i32>} : memref<16x512xf32, #tpu.memory_space<vmem>>, vector<1x16xf32>,
        %get3A_308 = vector.shape_cast %get3A_307 : vector<1x16xf32> to vector<16xf32>
        %sub3A_309 = arith.subf %get3A_300, %get3A_304 : vector<16xf32>
        %mul3A_310 = arith.mulf %sub3A_309, %sub3A_309 : vector<16xf32>
        %neg3A_311 = arith.constant 0.000000e+00 : f32
        %neg3A_312 = vector.broadcast %neg3A_311 : f32 to vector<16xf32>
        %neg3A_313 = arith.subf %neg3A_312, %get3A_308 : vector<16xf32>
        %exp3A_314 = math.exp %neg3A_313 : vector<16xf32>
        %mul3A_315 = arith.mulf %mul3A_310, %exp3A_314 : vector<16xf32>
        %add3A_316 = arith.addf %add3A_295, %mul3A_315 : vector<16xf32>
        %add3A_317 = arith.addf %add3A_296, %get3A_308 : vector<16xf32>
        %get3A_318 = arith.index_cast %scan3A_193 : i32 to index
        %get3A_319 = arith.constant 96 : index
        %get3A_320 = tpu.vector_load %arg17[%get3A_318, %get3A_319] {strides = array<i32>} : memref<16x512xf32, #tpu.memory_space<vmem>>, vector<1x16xf32>,
        %get3A_321 = vector.shape_cast %get3A_320 : vector<1x16xf32> to vector<16xf32>
        %get3A_322 = arith.index_cast %scan3A_193 : i32 to index
        %get3A_323 = arith.constant 96 : index
        %get3A_324 = tpu.vector_load %arg18[%get3A_322, %get3A_323] {strides = array<i32>} : memref<16x512xf32, #tpu.memory_space<vmem>>, vector<1x16xf32>,
        %get3A_325 = vector.shape_cast %get3A_324 : vector<1x16xf32> to vector<16xf32>
        %get3A_326 = arith.index_cast %scan3A_193 : i32 to index
        %get3A_327 = arith.constant 96 : index
        %get3A_328 = tpu.vector_load %arg19[%get3A_326, %get3A_327] {strides = array<i32>} : memref<16x512xf32, #tpu.memory_space<vmem>>, vector<1x16xf32>,
        %get3A_329 = vector.shape_cast %get3A_328 : vector<1x16xf32> to vector<16xf32>
        %sub3A_330 = arith.subf %get3A_321, %get3A_325 : vector<16xf32>
        %mul3A_331 = arith.mulf %sub3A_330, %sub3A_330 : vector<16xf32>
        %neg3A_332 = arith.constant 0.000000e+00 : f32
        %neg3A_333 = vector.broadcast %neg3A_332 : f32 to vector<16xf32>
        %neg3A_334 = arith.subf %neg3A_333, %get3A_329 : vector<16xf32>
        %exp3A_335 = math.exp %neg3A_334 : vector<16xf32>
        %mul3A_336 = arith.mulf %mul3A_331, %exp3A_335 : vector<16xf32>
        %add3A_337 = arith.addf %add3A_316, %mul3A_336 : vector<16xf32>
        %add3A_338 = arith.addf %add3A_317, %get3A_329 : vector<16xf32>
        %get3A_339 = arith.index_cast %scan3A_193 : i32 to index
        %get3A_340 = arith.constant 112 : index
        %get3A_341 = tpu.vector_load %arg17[%get3A_339, %get3A_340] {strides = array<i32>} : memref<16x512xf32, #tpu.memory_space<vmem>>, vector<1x16xf32>,
        %get3A_342 = vector.shape_cast %get3A_341 : vector<1x16xf32> to vector<16xf32>
        %get3A_343 = arith.index_cast %scan3A_193 : i32 to index
        %get3A_344 = arith.constant 112 : index
        %get3A_345 = tpu.vector_load %arg18[%get3A_343, %get3A_344] {strides = array<i32>} : memref<16x512xf32, #tpu.memory_space<vmem>>, vector<1x16xf32>,
        %get3A_346 = vector.shape_cast %get3A_345 : vector<1x16xf32> to vector<16xf32>
        %get3A_347 = arith.index_cast %scan3A_193 : i32 to index
        %get3A_348 = arith.constant 112 : index
        %get3A_349 = tpu.vector_load %arg19[%get3A_347, %get3A_348] {strides = array<i32>} : memref<16x512xf32, #tpu.memory_space<vmem>>, vector<1x16xf32>,
        %get3A_350 = vector.shape_cast %get3A_349 : vector<1x16xf32> to vector<16xf32>
        %sub3A_351 = arith.subf %get3A_342, %get3A_346 : vector<16xf32>
        %mul3A_352 = arith.mulf %sub3A_351, %sub3A_351 : vector<16xf32>
        %neg3A_353 = arith.constant 0.000000e+00 : f32
        %neg3A_354 = vector.broadcast %neg3A_353 : f32 to vector<16xf32>
        %neg3A_355 = arith.subf %neg3A_354, %get3A_350 : vector<16xf32>
        %exp3A_356 = math.exp %neg3A_355 : vector<16xf32>
        %mul3A_357 = arith.mulf %mul3A_352, %exp3A_356 : vector<16xf32>
        %add3A_358 = arith.addf %add3A_337, %mul3A_357 : vector<16xf32>
        %add3A_359 = arith.addf %add3A_338, %get3A_350 : vector<16xf32>
        %get3A_360 = arith.index_cast %scan3A_193 : i32 to index
        %get3A_361 = arith.constant 128 : index
        %get3A_362 = tpu.vector_load %arg17[%get3A_360, %get3A_361] {strides = array<i32>} : memref<16x512xf32, #tpu.memory_space<vmem>>, vector<1x16xf32>,
        %get3A_363 = vector.shape_cast %get3A_362 : vector<1x16xf32> to vector<16xf32>
        %get3A_364 = arith.index_cast %scan3A_193 : i32 to index
        %get3A_365 = arith.constant 128 : index
        %get3A_366 = tpu.vector_load %arg18[%get3A_364, %get3A_365] {strides = array<i32>} : memref<16x512xf32, #tpu.memory_space<vmem>>, vector<1x16xf32>,
        %get3A_367 = vector.shape_cast %get3A_366 : vector<1x16xf32> to vector<16xf32>
        %get3A_368 = arith.index_cast %scan3A_193 : i32 to index
        %get3A_369 = arith.constant 128 : index
        %get3A_370 = tpu.vector_load %arg19[%get3A_368, %get3A_369] {strides = array<i32>} : memref<16x512xf32, #tpu.memory_space<vmem>>, vector<1x16xf32>,
        %get3A_371 = vector.shape_cast %get3A_370 : vector<1x16xf32> to vector<16xf32>
        %sub3A_372 = arith.subf %get3A_363, %get3A_367 : vector<16xf32>
        %mul3A_373 = arith.mulf %sub3A_372, %sub3A_372 : vector<16xf32>
        %neg3A_374 = arith.constant 0.000000e+00 : f32
        %neg3A_375 = vector.broadcast %neg3A_374 : f32 to vector<16xf32>
        %neg3A_376 = arith.subf %neg3A_375, %get3A_371 : vector<16xf32>
        %exp3A_377 = math.exp %neg3A_376 : vector<16xf32>
        %mul3A_378 = arith.mulf %mul3A_373, %exp3A_377 : vector<16xf32>
        %add3A_379 = arith.addf %add3A_358, %mul3A_378 : vector<16xf32>
        %add3A_380 = arith.addf %add3A_359, %get3A_371 : vector<16xf32>
        %get3A_381 = arith.index_cast %scan3A_193 : i32 to index
        %get3A_382 = arith.constant 144 : index
        %get3A_383 = tpu.vector_load %arg17[%get3A_381, %get3A_382] {strides = array<i32>} : memref<16x512xf32, #tpu.memory_space<vmem>>, vector<1x16xf32>,
        %get3A_384 = vector.shape_cast %get3A_383 : vector<1x16xf32> to vector<16xf32>
        %get3A_385 = arith.index_cast %scan3A_193 : i32 to index
        %get3A_386 = arith.constant 144 : index
        %get3A_387 = tpu.vector_load %arg18[%get3A_385, %get3A_386] {strides = array<i32>} : memref<16x512xf32, #tpu.memory_space<vmem>>, vector<1x16xf32>,
        %get3A_388 = vector.shape_cast %get3A_387 : vector<1x16xf32> to vector<16xf32>
        %get3A_389 = arith.index_cast %scan3A_193 : i32 to index
        %get3A_390 = arith.constant 144 : index
        %get3A_391 = tpu.vector_load %arg19[%get3A_389, %get3A_390] {strides = array<i32>} : memref<16x512xf32, #tpu.memory_space<vmem>>, vector<1x16xf32>,
        %get3A_392 = vector.shape_cast %get3A_391 : vector<1x16xf32> to vector<16xf32>
        %sub3A_393 = arith.subf %get3A_384, %get3A_388 : vector<16xf32>
        %mul3A_394 = arith.mulf %sub3A_393, %sub3A_393 : vector<16xf32>
        %neg3A_395 = arith.constant 0.000000e+00 : f32
        %neg3A_396 = vector.broadcast %neg3A_395 : f32 to vector<16xf32>
        %neg3A_397 = arith.subf %neg3A_396, %get3A_392 : vector<16xf32>
        %exp3A_398 = math.exp %neg3A_397 : vector<16xf32>
        %mul3A_399 = arith.mulf %mul3A_394, %exp3A_398 : vector<16xf32>
        %add3A_400 = arith.addf %add3A_379, %mul3A_399 : vector<16xf32>
        %add3A_401 = arith.addf %add3A_380, %get3A_392 : vector<16xf32>
        %get3A_402 = arith.index_cast %scan3A_193 : i32 to index
        %get3A_403 = arith.constant 160 : index
        %get3A_404 = tpu.vector_load %arg17[%get3A_402, %get3A_403] {strides = array<i32>} : memref<16x512xf32, #tpu.memory_space<vmem>>, vector<1x16xf32>,
        %get3A_405 = vector.shape_cast %get3A_404 : vector<1x16xf32> to vector<16xf32>
        %get3A_406 = arith.index_cast %scan3A_193 : i32 to index
        %get3A_407 = arith.constant 160 : index
        %get3A_408 = tpu.vector_load %arg18[%get3A_406, %get3A_407] {strides = array<i32>} : memref<16x512xf32, #tpu.memory_space<vmem>>, vector<1x16xf32>,
        %get3A_409 = vector.shape_cast %get3A_408 : vector<1x16xf32> to vector<16xf32>
        %get3A_410 = arith.index_cast %scan3A_193 : i32 to index
        %get3A_411 = arith.constant 160 : index
        %get3A_412 = tpu.vector_load %arg19[%get3A_410, %get3A_411] {strides = array<i32>} : memref<16x512xf32, #tpu.memory_space<vmem>>, vector<1x16xf32>,
        %get3A_413 = vector.shape_cast %get3A_412 : vector<1x16xf32> to vector<16xf32>
        %sub3A_414 = arith.subf %get3A_405, %get3A_409 : vector<16xf32>
        %mul3A_415 = arith.mulf %sub3A_414, %sub3A_414 : vector<16xf32>
        %neg3A_416 = arith.constant 0.000000e+00 : f32
        %neg3A_417 = vector.broadcast %neg3A_416 : f32 to vector<16xf32>
        %neg3A_418 = arith.subf %neg3A_417, %get3A_413 : vector<16xf32>
        %exp3A_419 = math.exp %neg3A_418 : vector<16xf32>
        %mul3A_420 = arith.mulf %mul3A_415, %exp3A_419 : vector<16xf32>
        %add3A_421 = arith.addf %add3A_400, %mul3A_420 : vector<16xf32>
        %add3A_422 = arith.addf %add3A_401, %get3A_413 : vector<16xf32>
        %get3A_423 = arith.index_cast %scan3A_193 : i32 to index
        %get3A_424 = arith.constant 176 : index
        %get3A_425 = tpu.vector_load %arg17[%get3A_423, %get3A_424] {strides = array<i32>} : memref<16x512xf32, #tpu.memory_space<vmem>>, vector<1x16xf32>,
        %get3A_426 = vector.shape_cast %get3A_425 : vector<1x16xf32> to vector<16xf32>
        %get3A_427 = arith.index_cast %scan3A_193 : i32 to index
        %get3A_428 = arith.constant 176 : index
        %get3A_429 = tpu.vector_load %arg18[%get3A_427, %get3A_428] {strides = array<i32>} : memref<16x512xf32, #tpu.memory_space<vmem>>, vector<1x16xf32>,
        %get3A_430 = vector.shape_cast %get3A_429 : vector<1x16xf32> to vector<16xf32>
        %get3A_431 = arith.index_cast %scan3A_193 : i32 to index
        %get3A_432 = arith.constant 176 : index
        %get3A_433 = tpu.vector_load %arg19[%get3A_431, %get3A_432] {strides = array<i32>} : memref<16x512xf32, #tpu.memory_space<vmem>>, vector<1x16xf32>,
        %get3A_434 = vector.shape_cast %get3A_433 : vector<1x16xf32> to vector<16xf32>
        %sub3A_435 = arith.subf %get3A_426, %get3A_430 : vector<16xf32>
        %mul3A_436 = arith.mulf %sub3A_435, %sub3A_435 : vector<16xf32>
        %neg3A_437 = arith.constant 0.000000e+00 : f32
        %neg3A_438 = vector.broadcast %neg3A_437 : f32 to vector<16xf32>
        %neg3A_439 = arith.subf %neg3A_438, %get3A_434 : vector<16xf32>
        %exp3A_440 = math.exp %neg3A_439 : vector<16xf32>
        %mul3A_441 = arith.mulf %mul3A_436, %exp3A_440 : vector<16xf32>
        %add3A_442 = arith.addf %add3A_421, %mul3A_441 : vector<16xf32>
        %add3A_443 = arith.addf %add3A_422, %get3A_434 : vector<16xf32>
        %get3A_444 = arith.index_cast %scan3A_193 : i32 to index
        %get3A_445 = arith.constant 192 : index
        %get3A_446 = tpu.vector_load %arg17[%get3A_444, %get3A_445] {strides = array<i32>} : memref<16x512xf32, #tpu.memory_space<vmem>>, vector<1x16xf32>,
        %get3A_447 = vector.shape_cast %get3A_446 : vector<1x16xf32> to vector<16xf32>
        %get3A_448 = arith.index_cast %scan3A_193 : i32 to index
        %get3A_449 = arith.constant 192 : index
        %get3A_450 = tpu.vector_load %arg18[%get3A_448, %get3A_449] {strides = array<i32>} : memref<16x512xf32, #tpu.memory_space<vmem>>, vector<1x16xf32>,
        %get3A_451 = vector.shape_cast %get3A_450 : vector<1x16xf32> to vector<16xf32>
        %get3A_452 = arith.index_cast %scan3A_193 : i32 to index
        %get3A_453 = arith.constant 192 : index
        %get3A_454 = tpu.vector_load %arg19[%get3A_452, %get3A_453] {strides = array<i32>} : memref<16x512xf32, #tpu.memory_space<vmem>>, vector<1x16xf32>,
        %get3A_455 = vector.shape_cast %get3A_454 : vector<1x16xf32> to vector<16xf32>
        %sub3A_456 = arith.subf %get3A_447, %get3A_451 : vector<16xf32>
        %mul3A_457 = arith.mulf %sub3A_456, %sub3A_456 : vector<16xf32>
        %neg3A_458 = arith.constant 0.000000e+00 : f32
        %neg3A_459 = vector.broadcast %neg3A_458 : f32 to vector<16xf32>
        %neg3A_460 = arith.subf %neg3A_459, %get3A_455 : vector<16xf32>
        %exp3A_461 = math.exp %neg3A_460 : vector<16xf32>
        %mul3A_462 = arith.mulf %mul3A_457, %exp3A_461 : vector<16xf32>
        %add3A_463 = arith.addf %add3A_442, %mul3A_462 : vector<16xf32>
        %add3A_464 = arith.addf %add3A_443, %get3A_455 : vector<16xf32>
        %get3A_465 = arith.index_cast %scan3A_193 : i32 to index
        %get3A_466 = arith.constant 208 : index
        %get3A_467 = tpu.vector_load %arg17[%get3A_465, %get3A_466] {strides = array<i32>} : memref<16x512xf32, #tpu.memory_space<vmem>>, vector<1x16xf32>,
        %get3A_468 = vector.shape_cast %get3A_467 : vector<1x16xf32> to vector<16xf32>
        %get3A_469 = arith.index_cast %scan3A_193 : i32 to index
        %get3A_470 = arith.constant 208 : index
        %get3A_471 = tpu.vector_load %arg18[%get3A_469, %get3A_470] {strides = array<i32>} : memref<16x512xf32, #tpu.memory_space<vmem>>, vector<1x16xf32>,
        %get3A_472 = vector.shape_cast %get3A_471 : vector<1x16xf32> to vector<16xf32>
        %get3A_473 = arith.index_cast %scan3A_193 : i32 to index
        %get3A_474 = arith.constant 208 : index
        %get3A_475 = tpu.vector_load %arg19[%get3A_473, %get3A_474] {strides = array<i32>} : memref<16x512xf32, #tpu.memory_space<vmem>>, vector<1x16xf32>,
        %get3A_476 = vector.shape_cast %get3A_475 : vector<1x16xf32> to vector<16xf32>
        %sub3A_477 = arith.subf %get3A_468, %get3A_472 : vector<16xf32>
        %mul3A_478 = arith.mulf %sub3A_477, %sub3A_477 : vector<16xf32>
        %neg3A_479 = arith.constant 0.000000e+00 : f32
        %neg3A_480 = vector.broadcast %neg3A_479 : f32 to vector<16xf32>
        %neg3A_481 = arith.subf %neg3A_480, %get3A_476 : vector<16xf32>
        %exp3A_482 = math.exp %neg3A_481 : vector<16xf32>
        %mul3A_483 = arith.mulf %mul3A_478, %exp3A_482 : vector<16xf32>
        %add3A_484 = arith.addf %add3A_463, %mul3A_483 : vector<16xf32>
        %add3A_485 = arith.addf %add3A_464, %get3A_476 : vector<16xf32>
        %get3A_486 = arith.index_cast %scan3A_193 : i32 to index
        %get3A_487 = arith.constant 224 : index
        %get3A_488 = tpu.vector_load %arg17[%get3A_486, %get3A_487] {strides = array<i32>} : memref<16x512xf32, #tpu.memory_space<vmem>>, vector<1x16xf32>,
        %get3A_489 = vector.shape_cast %get3A_488 : vector<1x16xf32> to vector<16xf32>
        %get3A_490 = arith.index_cast %scan3A_193 : i32 to index
        %get3A_491 = arith.constant 224 : index
        %get3A_492 = tpu.vector_load %arg18[%get3A_490, %get3A_491] {strides = array<i32>} : memref<16x512xf32, #tpu.memory_space<vmem>>, vector<1x16xf32>,
        %get3A_493 = vector.shape_cast %get3A_492 : vector<1x16xf32> to vector<16xf32>
        %get3A_494 = arith.index_cast %scan3A_193 : i32 to index
        %get3A_495 = arith.constant 224 : index
        %get3A_496 = tpu.vector_load %arg19[%get3A_494, %get3A_495] {strides = array<i32>} : memref<16x512xf32, #tpu.memory_space<vmem>>, vector<1x16xf32>,
        %get3A_497 = vector.shape_cast %get3A_496 : vector<1x16xf32> to vector<16xf32>
        %sub3A_498 = arith.subf %get3A_489, %get3A_493 : vector<16xf32>
        %mul3A_499 = arith.mulf %sub3A_498, %sub3A_498 : vector<16xf32>
        %neg3A_500 = arith.constant 0.000000e+00 : f32
        %neg3A_501 = vector.broadcast %neg3A_500 : f32 to vector<16xf32>
        %neg3A_502 = arith.subf %neg3A_501, %get3A_497 : vector<16xf32>
        %exp3A_503 = math.exp %neg3A_502 : vector<16xf32>
        %mul3A_504 = arith.mulf %mul3A_499, %exp3A_503 : vector<16xf32>
        %add3A_505 = arith.addf %add3A_484, %mul3A_504 : vector<16xf32>
        %add3A_506 = arith.addf %add3A_485, %get3A_497 : vector<16xf32>
        %get3A_507 = arith.index_cast %scan3A_193 : i32 to index
        %get3A_508 = arith.constant 240 : index
        %get3A_509 = tpu.vector_load %arg17[%get3A_507, %get3A_508] {strides = array<i32>} : memref<16x512xf32, #tpu.memory_space<vmem>>, vector<1x16xf32>,
        %get3A_510 = vector.shape_cast %get3A_509 : vector<1x16xf32> to vector<16xf32>
        %get3A_511 = arith.index_cast %scan3A_193 : i32 to index
        %get3A_512 = arith.constant 240 : index
        %get3A_513 = tpu.vector_load %arg18[%get3A_511, %get3A_512] {strides = array<i32>} : memref<16x512xf32, #tpu.memory_space<vmem>>, vector<1x16xf32>,
        %get3A_514 = vector.shape_cast %get3A_513 : vector<1x16xf32> to vector<16xf32>
        %get3A_515 = arith.index_cast %scan3A_193 : i32 to index
        %get3A_516 = arith.constant 240 : index
        %get3A_517 = tpu.vector_load %arg19[%get3A_515, %get3A_516] {strides = array<i32>} : memref<16x512xf32, #tpu.memory_space<vmem>>, vector<1x16xf32>,
        %get3A_518 = vector.shape_cast %get3A_517 : vector<1x16xf32> to vector<16xf32>
        %sub3A_519 = arith.subf %get3A_510, %get3A_514 : vector<16xf32>
        %mul3A_520 = arith.mulf %sub3A_519, %sub3A_519 : vector<16xf32>
        %neg3A_521 = arith.constant 0.000000e+00 : f32
        %neg3A_522 = vector.broadcast %neg3A_521 : f32 to vector<16xf32>
        %neg3A_523 = arith.subf %neg3A_522, %get3A_518 : vector<16xf32>
        %exp3A_524 = math.exp %neg3A_523 : vector<16xf32>
        %mul3A_525 = arith.mulf %mul3A_520, %exp3A_524 : vector<16xf32>
        %add3A_526 = arith.addf %add3A_505, %mul3A_525 : vector<16xf32>
        %add3A_527 = arith.addf %add3A_506, %get3A_518 : vector<16xf32>
        %get3A_528 = arith.index_cast %scan3A_193 : i32 to index
        %get3A_529 = arith.constant 256 : index
        %get3A_530 = tpu.vector_load %arg17[%get3A_528, %get3A_529] {strides = array<i32>} : memref<16x512xf32, #tpu.memory_space<vmem>>, vector<1x16xf32>,
        %get3A_531 = vector.shape_cast %get3A_530 : vector<1x16xf32> to vector<16xf32>
        %get3A_532 = arith.index_cast %scan3A_193 : i32 to index
        %get3A_533 = arith.constant 256 : index
        %get3A_534 = tpu.vector_load %arg18[%get3A_532, %get3A_533] {strides = array<i32>} : memref<16x512xf32, #tpu.memory_space<vmem>>, vector<1x16xf32>,
        %get3A_535 = vector.shape_cast %get3A_534 : vector<1x16xf32> to vector<16xf32>
        %get3A_536 = arith.index_cast %scan3A_193 : i32 to index
        %get3A_537 = arith.constant 256 : index
        %get3A_538 = tpu.vector_load %arg19[%get3A_536, %get3A_537] {strides = array<i32>} : memref<16x512xf32, #tpu.memory_space<vmem>>, vector<1x16xf32>,
        %get3A_539 = vector.shape_cast %get3A_538 : vector<1x16xf32> to vector<16xf32>
        %sub3A_540 = arith.subf %get3A_531, %get3A_535 : vector<16xf32>
        %mul3A_541 = arith.mulf %sub3A_540, %sub3A_540 : vector<16xf32>
        %neg3A_542 = arith.constant 0.000000e+00 : f32
        %neg3A_543 = vector.broadcast %neg3A_542 : f32 to vector<16xf32>
        %neg3A_544 = arith.subf %neg3A_543, %get3A_539 : vector<16xf32>
        %exp3A_545 = math.exp %neg3A_544 : vector<16xf32>
        %mul3A_546 = arith.mulf %mul3A_541, %exp3A_545 : vector<16xf32>
        %add3A_547 = arith.addf %add3A_526, %mul3A_546 : vector<16xf32>
        %add3A_548 = arith.addf %add3A_527, %get3A_539 : vector<16xf32>
        %get3A_549 = arith.index_cast %scan3A_193 : i32 to index
        %get3A_550 = arith.constant 272 : index
        %get3A_551 = tpu.vector_load %arg17[%get3A_549, %get3A_550] {strides = array<i32>} : memref<16x512xf32, #tpu.memory_space<vmem>>, vector<1x16xf32>,
        %get3A_552 = vector.shape_cast %get3A_551 : vector<1x16xf32> to vector<16xf32>
        %get3A_553 = arith.index_cast %scan3A_193 : i32 to index
        %get3A_554 = arith.constant 272 : index
        %get3A_555 = tpu.vector_load %arg18[%get3A_553, %get3A_554] {strides = array<i32>} : memref<16x512xf32, #tpu.memory_space<vmem>>, vector<1x16xf32>,
        %get3A_556 = vector.shape_cast %get3A_555 : vector<1x16xf32> to vector<16xf32>
        %get3A_557 = arith.index_cast %scan3A_193 : i32 to index
        %get3A_558 = arith.constant 272 : index
        %get3A_559 = tpu.vector_load %arg19[%get3A_557, %get3A_558] {strides = array<i32>} : memref<16x512xf32, #tpu.memory_space<vmem>>, vector<1x16xf32>,
        %get3A_560 = vector.shape_cast %get3A_559 : vector<1x16xf32> to vector<16xf32>
        %sub3A_561 = arith.subf %get3A_552, %get3A_556 : vector<16xf32>
        %mul3A_562 = arith.mulf %sub3A_561, %sub3A_561 : vector<16xf32>
        %neg3A_563 = arith.constant 0.000000e+00 : f32
        %neg3A_564 = vector.broadcast %neg3A_563 : f32 to vector<16xf32>
        %neg3A_565 = arith.subf %neg3A_564, %get3A_560 : vector<16xf32>
        %exp3A_566 = math.exp %neg3A_565 : vector<16xf32>
        %mul3A_567 = arith.mulf %mul3A_562, %exp3A_566 : vector<16xf32>
        %add3A_568 = arith.addf %add3A_547, %mul3A_567 : vector<16xf32>
        %add3A_569 = arith.addf %add3A_548, %get3A_560 : vector<16xf32>
        %get3A_570 = arith.index_cast %scan3A_193 : i32 to index
        %get3A_571 = arith.constant 288 : index
        %get3A_572 = tpu.vector_load %arg17[%get3A_570, %get3A_571] {strides = array<i32>} : memref<16x512xf32, #tpu.memory_space<vmem>>, vector<1x16xf32>,
        %get3A_573 = vector.shape_cast %get3A_572 : vector<1x16xf32> to vector<16xf32>
        %get3A_574 = arith.index_cast %scan3A_193 : i32 to index
        %get3A_575 = arith.constant 288 : index
        %get3A_576 = tpu.vector_load %arg18[%get3A_574, %get3A_575] {strides = array<i32>} : memref<16x512xf32, #tpu.memory_space<vmem>>, vector<1x16xf32>,
        %get3A_577 = vector.shape_cast %get3A_576 : vector<1x16xf32> to vector<16xf32>
        %get3A_578 = arith.index_cast %scan3A_193 : i32 to index
        %get3A_579 = arith.constant 288 : index
        %get3A_580 = tpu.vector_load %arg19[%get3A_578, %get3A_579] {strides = array<i32>} : memref<16x512xf32, #tpu.memory_space<vmem>>, vector<1x16xf32>,
        %get3A_581 = vector.shape_cast %get3A_580 : vector<1x16xf32> to vector<16xf32>
        %sub3A_582 = arith.subf %get3A_573, %get3A_577 : vector<16xf32>
        %mul3A_583 = arith.mulf %sub3A_582, %sub3A_582 : vector<16xf32>
        %neg3A_584 = arith.constant 0.000000e+00 : f32
        %neg3A_585 = vector.broadcast %neg3A_584 : f32 to vector<16xf32>
        %neg3A_586 = arith.subf %neg3A_585, %get3A_581 : vector<16xf32>
        %exp3A_587 = math.exp %neg3A_586 : vector<16xf32>
        %mul3A_588 = arith.mulf %mul3A_583, %exp3A_587 : vector<16xf32>
        %add3A_589 = arith.addf %add3A_568, %mul3A_588 : vector<16xf32>
        %add3A_590 = arith.addf %add3A_569, %get3A_581 : vector<16xf32>
        %get3A_591 = arith.index_cast %scan3A_193 : i32 to index
        %get3A_592 = arith.constant 304 : index
        %get3A_593 = tpu.vector_load %arg17[%get3A_591, %get3A_592] {strides = array<i32>} : memref<16x512xf32, #tpu.memory_space<vmem>>, vector<1x16xf32>,
        %get3A_594 = vector.shape_cast %get3A_593 : vector<1x16xf32> to vector<16xf32>
        %get3A_595 = arith.index_cast %scan3A_193 : i32 to index
        %get3A_596 = arith.constant 304 : index
        %get3A_597 = tpu.vector_load %arg18[%get3A_595, %get3A_596] {strides = array<i32>} : memref<16x512xf32, #tpu.memory_space<vmem>>, vector<1x16xf32>,
        %get3A_598 = vector.shape_cast %get3A_597 : vector<1x16xf32> to vector<16xf32>
        %get3A_599 = arith.index_cast %scan3A_193 : i32 to index
        %get3A_600 = arith.constant 304 : index
        %get3A_601 = tpu.vector_load %arg19[%get3A_599, %get3A_600] {strides = array<i32>} : memref<16x512xf32, #tpu.memory_space<vmem>>, vector<1x16xf32>,
        %get3A_602 = vector.shape_cast %get3A_601 : vector<1x16xf32> to vector<16xf32>
        %sub3A_603 = arith.subf %get3A_594, %get3A_598 : vector<16xf32>
        %mul3A_604 = arith.mulf %sub3A_603, %sub3A_603 : vector<16xf32>
        %neg3A_605 = arith.constant 0.000000e+00 : f32
        %neg3A_606 = vector.broadcast %neg3A_605 : f32 to vector<16xf32>
        %neg3A_607 = arith.subf %neg3A_606, %get3A_602 : vector<16xf32>
        %exp3A_608 = math.exp %neg3A_607 : vector<16xf32>
        %mul3A_609 = arith.mulf %mul3A_604, %exp3A_608 : vector<16xf32>
        %add3A_610 = arith.addf %add3A_589, %mul3A_609 : vector<16xf32>
        %add3A_611 = arith.addf %add3A_590, %get3A_602 : vector<16xf32>
        %get3A_612 = arith.index_cast %scan3A_193 : i32 to index
        %get3A_613 = arith.constant 320 : index
        %get3A_614 = tpu.vector_load %arg17[%get3A_612, %get3A_613] {strides = array<i32>} : memref<16x512xf32, #tpu.memory_space<vmem>>, vector<1x16xf32>,
        %get3A_615 = vector.shape_cast %get3A_614 : vector<1x16xf32> to vector<16xf32>
        %get3A_616 = arith.index_cast %scan3A_193 : i32 to index
        %get3A_617 = arith.constant 320 : index
        %get3A_618 = tpu.vector_load %arg18[%get3A_616, %get3A_617] {strides = array<i32>} : memref<16x512xf32, #tpu.memory_space<vmem>>, vector<1x16xf32>,
        %get3A_619 = vector.shape_cast %get3A_618 : vector<1x16xf32> to vector<16xf32>
        %get3A_620 = arith.index_cast %scan3A_193 : i32 to index
        %get3A_621 = arith.constant 320 : index
        %get3A_622 = tpu.vector_load %arg19[%get3A_620, %get3A_621] {strides = array<i32>} : memref<16x512xf32, #tpu.memory_space<vmem>>, vector<1x16xf32>,
        %get3A_623 = vector.shape_cast %get3A_622 : vector<1x16xf32> to vector<16xf32>
        %sub3A_624 = arith.subf %get3A_615, %get3A_619 : vector<16xf32>
        %mul3A_625 = arith.mulf %sub3A_624, %sub3A_624 : vector<16xf32>
        %neg3A_626 = arith.constant 0.000000e+00 : f32
        %neg3A_627 = vector.broadcast %neg3A_626 : f32 to vector<16xf32>
        %neg3A_628 = arith.subf %neg3A_627, %get3A_623 : vector<16xf32>
        %exp3A_629 = math.exp %neg3A_628 : vector<16xf32>
        %mul3A_630 = arith.mulf %mul3A_625, %exp3A_629 : vector<16xf32>
        %add3A_631 = arith.addf %add3A_610, %mul3A_630 : vector<16xf32>
        %add3A_632 = arith.addf %add3A_611, %get3A_623 : vector<16xf32>
        %get3A_633 = arith.index_cast %scan3A_193 : i32 to index
        %get3A_634 = arith.constant 336 : index
        %get3A_635 = tpu.vector_load %arg17[%get3A_633, %get3A_634] {strides = array<i32>} : memref<16x512xf32, #tpu.memory_space<vmem>>, vector<1x16xf32>,
        %get3A_636 = vector.shape_cast %get3A_635 : vector<1x16xf32> to vector<16xf32>
        %get3A_637 = arith.index_cast %scan3A_193 : i32 to index
        %get3A_638 = arith.constant 336 : index
        %get3A_639 = tpu.vector_load %arg18[%get3A_637, %get3A_638] {strides = array<i32>} : memref<16x512xf32, #tpu.memory_space<vmem>>, vector<1x16xf32>,
        %get3A_640 = vector.shape_cast %get3A_639 : vector<1x16xf32> to vector<16xf32>
        %get3A_641 = arith.index_cast %scan3A_193 : i32 to index
        %get3A_642 = arith.constant 336 : index
        %get3A_643 = tpu.vector_load %arg19[%get3A_641, %get3A_642] {strides = array<i32>} : memref<16x512xf32, #tpu.memory_space<vmem>>, vector<1x16xf32>,
        %get3A_644 = vector.shape_cast %get3A_643 : vector<1x16xf32> to vector<16xf32>
        %sub3A_645 = arith.subf %get3A_636, %get3A_640 : vector<16xf32>
        %mul3A_646 = arith.mulf %sub3A_645, %sub3A_645 : vector<16xf32>
        %neg3A_647 = arith.constant 0.000000e+00 : f32
        %neg3A_648 = vector.broadcast %neg3A_647 : f32 to vector<16xf32>
        %neg3A_649 = arith.subf %neg3A_648, %get3A_644 : vector<16xf32>
        %exp3A_650 = math.exp %neg3A_649 : vector<16xf32>
        %mul3A_651 = arith.mulf %mul3A_646, %exp3A_650 : vector<16xf32>
        %add3A_652 = arith.addf %add3A_631, %mul3A_651 : vector<16xf32>
        %add3A_653 = arith.addf %add3A_632, %get3A_644 : vector<16xf32>
        %get3A_654 = arith.index_cast %scan3A_193 : i32 to index
        %get3A_655 = arith.constant 352 : index
        %get3A_656 = tpu.vector_load %arg17[%get3A_654, %get3A_655] {strides = array<i32>} : memref<16x512xf32, #tpu.memory_space<vmem>>, vector<1x16xf32>,
        %get3A_657 = vector.shape_cast %get3A_656 : vector<1x16xf32> to vector<16xf32>
        %get3A_658 = arith.index_cast %scan3A_193 : i32 to index
        %get3A_659 = arith.constant 352 : index
        %get3A_660 = tpu.vector_load %arg18[%get3A_658, %get3A_659] {strides = array<i32>} : memref<16x512xf32, #tpu.memory_space<vmem>>, vector<1x16xf32>,
        %get3A_661 = vector.shape_cast %get3A_660 : vector<1x16xf32> to vector<16xf32>
        %get3A_662 = arith.index_cast %scan3A_193 : i32 to index
        %get3A_663 = arith.constant 352 : index
        %get3A_664 = tpu.vector_load %arg19[%get3A_662, %get3A_663] {strides = array<i32>} : memref<16x512xf32, #tpu.memory_space<vmem>>, vector<1x16xf32>,
        %get3A_665 = vector.shape_cast %get3A_664 : vector<1x16xf32> to vector<16xf32>
        %sub3A_666 = arith.subf %get3A_657, %get3A_661 : vector<16xf32>
        %mul3A_667 = arith.mulf %sub3A_666, %sub3A_666 : vector<16xf32>
        %neg3A_668 = arith.constant 0.000000e+00 : f32
        %neg3A_669 = vector.broadcast %neg3A_668 : f32 to vector<16xf32>
        %neg3A_670 = arith.subf %neg3A_669, %get3A_665 : vector<16xf32>
        %exp3A_671 = math.exp %neg3A_670 : vector<16xf32>
        %mul3A_672 = arith.mulf %mul3A_667, %exp3A_671 : vector<16xf32>
        %add3A_673 = arith.addf %add3A_652, %mul3A_672 : vector<16xf32>
        %add3A_674 = arith.addf %add3A_653, %get3A_665 : vector<16xf32>
        %get3A_675 = arith.index_cast %scan3A_193 : i32 to index
        %get3A_676 = arith.constant 368 : index
        %get3A_677 = tpu.vector_load %arg17[%get3A_675, %get3A_676] {strides = array<i32>} : memref<16x512xf32, #tpu.memory_space<vmem>>, vector<1x16xf32>,
        %get3A_678 = vector.shape_cast %get3A_677 : vector<1x16xf32> to vector<16xf32>
        %get3A_679 = arith.index_cast %scan3A_193 : i32 to index
        %get3A_680 = arith.constant 368 : index
        %get3A_681 = tpu.vector_load %arg18[%get3A_679, %get3A_680] {strides = array<i32>} : memref<16x512xf32, #tpu.memory_space<vmem>>, vector<1x16xf32>,
        %get3A_682 = vector.shape_cast %get3A_681 : vector<1x16xf32> to vector<16xf32>
        %get3A_683 = arith.index_cast %scan3A_193 : i32 to index
        %get3A_684 = arith.constant 368 : index
        %get3A_685 = tpu.vector_load %arg19[%get3A_683, %get3A_684] {strides = array<i32>} : memref<16x512xf32, #tpu.memory_space<vmem>>, vector<1x16xf32>,
        %get3A_686 = vector.shape_cast %get3A_685 : vector<1x16xf32> to vector<16xf32>
        %sub3A_687 = arith.subf %get3A_678, %get3A_682 : vector<16xf32>
        %mul3A_688 = arith.mulf %sub3A_687, %sub3A_687 : vector<16xf32>
        %neg3A_689 = arith.constant 0.000000e+00 : f32
        %neg3A_690 = vector.broadcast %neg3A_689 : f32 to vector<16xf32>
        %neg3A_691 = arith.subf %neg3A_690, %get3A_686 : vector<16xf32>
        %exp3A_692 = math.exp %neg3A_691 : vector<16xf32>
        %mul3A_693 = arith.mulf %mul3A_688, %exp3A_692 : vector<16xf32>
        %add3A_694 = arith.addf %add3A_673, %mul3A_693 : vector<16xf32>
        %add3A_695 = arith.addf %add3A_674, %get3A_686 : vector<16xf32>
        %get3A_696 = arith.index_cast %scan3A_193 : i32 to index
        %get3A_697 = arith.constant 384 : index
        %get3A_698 = tpu.vector_load %arg17[%get3A_696, %get3A_697] {strides = array<i32>} : memref<16x512xf32, #tpu.memory_space<vmem>>, vector<1x16xf32>,
        %get3A_699 = vector.shape_cast %get3A_698 : vector<1x16xf32> to vector<16xf32>
        %get3A_700 = arith.index_cast %scan3A_193 : i32 to index
        %get3A_701 = arith.constant 384 : index
        %get3A_702 = tpu.vector_load %arg18[%get3A_700, %get3A_701] {strides = array<i32>} : memref<16x512xf32, #tpu.memory_space<vmem>>, vector<1x16xf32>,
        %get3A_703 = vector.shape_cast %get3A_702 : vector<1x16xf32> to vector<16xf32>
        %get3A_704 = arith.index_cast %scan3A_193 : i32 to index
        %get3A_705 = arith.constant 384 : index
        %get3A_706 = tpu.vector_load %arg19[%get3A_704, %get3A_705] {strides = array<i32>} : memref<16x512xf32, #tpu.memory_space<vmem>>, vector<1x16xf32>,
        %get3A_707 = vector.shape_cast %get3A_706 : vector<1x16xf32> to vector<16xf32>
        %sub3A_708 = arith.subf %get3A_699, %get3A_703 : vector<16xf32>
        %mul3A_709 = arith.mulf %sub3A_708, %sub3A_708 : vector<16xf32>
        %neg3A_710 = arith.constant 0.000000e+00 : f32
        %neg3A_711 = vector.broadcast %neg3A_710 : f32 to vector<16xf32>
        %neg3A_712 = arith.subf %neg3A_711, %get3A_707 : vector<16xf32>
        %exp3A_713 = math.exp %neg3A_712 : vector<16xf32>
        %mul3A_714 = arith.mulf %mul3A_709, %exp3A_713 : vector<16xf32>
        %add3A_715 = arith.addf %add3A_694, %mul3A_714 : vector<16xf32>
        %add3A_716 = arith.addf %add3A_695, %get3A_707 : vector<16xf32>
        %get3A_717 = arith.index_cast %scan3A_193 : i32 to index
        %get3A_718 = arith.constant 400 : index
        %get3A_719 = tpu.vector_load %arg17[%get3A_717, %get3A_718] {strides = array<i32>} : memref<16x512xf32, #tpu.memory_space<vmem>>, vector<1x16xf32>,
        %get3A_720 = vector.shape_cast %get3A_719 : vector<1x16xf32> to vector<16xf32>
        %get3A_721 = arith.index_cast %scan3A_193 : i32 to index
        %get3A_722 = arith.constant 400 : index
        %get3A_723 = tpu.vector_load %arg18[%get3A_721, %get3A_722] {strides = array<i32>} : memref<16x512xf32, #tpu.memory_space<vmem>>, vector<1x16xf32>,
        %get3A_724 = vector.shape_cast %get3A_723 : vector<1x16xf32> to vector<16xf32>
        %get3A_725 = arith.index_cast %scan3A_193 : i32 to index
        %get3A_726 = arith.constant 400 : index
        %get3A_727 = tpu.vector_load %arg19[%get3A_725, %get3A_726] {strides = array<i32>} : memref<16x512xf32, #tpu.memory_space<vmem>>, vector<1x16xf32>,
        %get3A_728 = vector.shape_cast %get3A_727 : vector<1x16xf32> to vector<16xf32>
        %sub3A_729 = arith.subf %get3A_720, %get3A_724 : vector<16xf32>
        %mul3A_730 = arith.mulf %sub3A_729, %sub3A_729 : vector<16xf32>
        %neg3A_731 = arith.constant 0.000000e+00 : f32
        %neg3A_732 = vector.broadcast %neg3A_731 : f32 to vector<16xf32>
        %neg3A_733 = arith.subf %neg3A_732, %get3A_728 : vector<16xf32>
        %exp3A_734 = math.exp %neg3A_733 : vector<16xf32>
        %mul3A_735 = arith.mulf %mul3A_730, %exp3A_734 : vector<16xf32>
        %add3A_736 = arith.addf %add3A_715, %mul3A_735 : vector<16xf32>
        %add3A_737 = arith.addf %add3A_716, %get3A_728 : vector<16xf32>
        %get3A_738 = arith.index_cast %scan3A_193 : i32 to index
        %get3A_739 = arith.constant 416 : index
        %get3A_740 = tpu.vector_load %arg17[%get3A_738, %get3A_739] {strides = array<i32>} : memref<16x512xf32, #tpu.memory_space<vmem>>, vector<1x16xf32>,
        %get3A_741 = vector.shape_cast %get3A_740 : vector<1x16xf32> to vector<16xf32>
        %get3A_742 = arith.index_cast %scan3A_193 : i32 to index
        %get3A_743 = arith.constant 416 : index
        %get3A_744 = tpu.vector_load %arg18[%get3A_742, %get3A_743] {strides = array<i32>} : memref<16x512xf32, #tpu.memory_space<vmem>>, vector<1x16xf32>,
        %get3A_745 = vector.shape_cast %get3A_744 : vector<1x16xf32> to vector<16xf32>
        %get3A_746 = arith.index_cast %scan3A_193 : i32 to index
        %get3A_747 = arith.constant 416 : index
        %get3A_748 = tpu.vector_load %arg19[%get3A_746, %get3A_747] {strides = array<i32>} : memref<16x512xf32, #tpu.memory_space<vmem>>, vector<1x16xf32>,
        %get3A_749 = vector.shape_cast %get3A_748 : vector<1x16xf32> to vector<16xf32>
        %sub3A_750 = arith.subf %get3A_741, %get3A_745 : vector<16xf32>
        %mul3A_751 = arith.mulf %sub3A_750, %sub3A_750 : vector<16xf32>
        %neg3A_752 = arith.constant 0.000000e+00 : f32
        %neg3A_753 = vector.broadcast %neg3A_752 : f32 to vector<16xf32>
        %neg3A_754 = arith.subf %neg3A_753, %get3A_749 : vector<16xf32>
        %exp3A_755 = math.exp %neg3A_754 : vector<16xf32>
        %mul3A_756 = arith.mulf %mul3A_751, %exp3A_755 : vector<16xf32>
        %add3A_757 = arith.addf %add3A_736, %mul3A_756 : vector<16xf32>
        %add3A_758 = arith.addf %add3A_737, %get3A_749 : vector<16xf32>
        %get3A_759 = arith.index_cast %scan3A_193 : i32 to index
        %get3A_760 = arith.constant 432 : index
        %get3A_761 = tpu.vector_load %arg17[%get3A_759, %get3A_760] {strides = array<i32>} : memref<16x512xf32, #tpu.memory_space<vmem>>, vector<1x16xf32>,
        %get3A_762 = vector.shape_cast %get3A_761 : vector<1x16xf32> to vector<16xf32>
        %get3A_763 = arith.index_cast %scan3A_193 : i32 to index
        %get3A_764 = arith.constant 432 : index
        %get3A_765 = tpu.vector_load %arg18[%get3A_763, %get3A_764] {strides = array<i32>} : memref<16x512xf32, #tpu.memory_space<vmem>>, vector<1x16xf32>,
        %get3A_766 = vector.shape_cast %get3A_765 : vector<1x16xf32> to vector<16xf32>
        %get3A_767 = arith.index_cast %scan3A_193 : i32 to index
        %get3A_768 = arith.constant 432 : index
        %get3A_769 = tpu.vector_load %arg19[%get3A_767, %get3A_768] {strides = array<i32>} : memref<16x512xf32, #tpu.memory_space<vmem>>, vector<1x16xf32>,
        %get3A_770 = vector.shape_cast %get3A_769 : vector<1x16xf32> to vector<16xf32>
        %sub3A_771 = arith.subf %get3A_762, %get3A_766 : vector<16xf32>
        %mul3A_772 = arith.mulf %sub3A_771, %sub3A_771 : vector<16xf32>
        %neg3A_773 = arith.constant 0.000000e+00 : f32
        %neg3A_774 = vector.broadcast %neg3A_773 : f32 to vector<16xf32>
        %neg3A_775 = arith.subf %neg3A_774, %get3A_770 : vector<16xf32>
        %exp3A_776 = math.exp %neg3A_775 : vector<16xf32>
        %mul3A_777 = arith.mulf %mul3A_772, %exp3A_776 : vector<16xf32>
        %add3A_778 = arith.addf %add3A_757, %mul3A_777 : vector<16xf32>
        %add3A_779 = arith.addf %add3A_758, %get3A_770 : vector<16xf32>
        %get3A_780 = arith.index_cast %scan3A_193 : i32 to index
        %get3A_781 = arith.constant 448 : index
        %get3A_782 = tpu.vector_load %arg17[%get3A_780, %get3A_781] {strides = array<i32>} : memref<16x512xf32, #tpu.memory_space<vmem>>, vector<1x16xf32>,
        %get3A_783 = vector.shape_cast %get3A_782 : vector<1x16xf32> to vector<16xf32>
        %get3A_784 = arith.index_cast %scan3A_193 : i32 to index
        %get3A_785 = arith.constant 448 : index
        %get3A_786 = tpu.vector_load %arg18[%get3A_784, %get3A_785] {strides = array<i32>} : memref<16x512xf32, #tpu.memory_space<vmem>>, vector<1x16xf32>,
        %get3A_787 = vector.shape_cast %get3A_786 : vector<1x16xf32> to vector<16xf32>
        %get3A_788 = arith.index_cast %scan3A_193 : i32 to index
        %get3A_789 = arith.constant 448 : index
        %get3A_790 = tpu.vector_load %arg19[%get3A_788, %get3A_789] {strides = array<i32>} : memref<16x512xf32, #tpu.memory_space<vmem>>, vector<1x16xf32>,
        %get3A_791 = vector.shape_cast %get3A_790 : vector<1x16xf32> to vector<16xf32>
        %sub3A_792 = arith.subf %get3A_783, %get3A_787 : vector<16xf32>
        %mul3A_793 = arith.mulf %sub3A_792, %sub3A_792 : vector<16xf32>
        %neg3A_794 = arith.constant 0.000000e+00 : f32
        %neg3A_795 = vector.broadcast %neg3A_794 : f32 to vector<16xf32>
        %neg3A_796 = arith.subf %neg3A_795, %get3A_791 : vector<16xf32>
        %exp3A_797 = math.exp %neg3A_796 : vector<16xf32>
        %mul3A_798 = arith.mulf %mul3A_793, %exp3A_797 : vector<16xf32>
        %add3A_799 = arith.addf %add3A_778, %mul3A_798 : vector<16xf32>
        %add3A_800 = arith.addf %add3A_779, %get3A_791 : vector<16xf32>
        %get3A_801 = arith.index_cast %scan3A_193 : i32 to index
        %get3A_802 = arith.constant 464 : index
        %get3A_803 = tpu.vector_load %arg17[%get3A_801, %get3A_802] {strides = array<i32>} : memref<16x512xf32, #tpu.memory_space<vmem>>, vector<1x16xf32>,
        %get3A_804 = vector.shape_cast %get3A_803 : vector<1x16xf32> to vector<16xf32>
        %get3A_805 = arith.index_cast %scan3A_193 : i32 to index
        %get3A_806 = arith.constant 464 : index
        %get3A_807 = tpu.vector_load %arg18[%get3A_805, %get3A_806] {strides = array<i32>} : memref<16x512xf32, #tpu.memory_space<vmem>>, vector<1x16xf32>,
        %get3A_808 = vector.shape_cast %get3A_807 : vector<1x16xf32> to vector<16xf32>
        %get3A_809 = arith.index_cast %scan3A_193 : i32 to index
        %get3A_810 = arith.constant 464 : index
        %get3A_811 = tpu.vector_load %arg19[%get3A_809, %get3A_810] {strides = array<i32>} : memref<16x512xf32, #tpu.memory_space<vmem>>, vector<1x16xf32>,
        %get3A_812 = vector.shape_cast %get3A_811 : vector<1x16xf32> to vector<16xf32>
        %sub3A_813 = arith.subf %get3A_804, %get3A_808 : vector<16xf32>
        %mul3A_814 = arith.mulf %sub3A_813, %sub3A_813 : vector<16xf32>
        %neg3A_815 = arith.constant 0.000000e+00 : f32
        %neg3A_816 = vector.broadcast %neg3A_815 : f32 to vector<16xf32>
        %neg3A_817 = arith.subf %neg3A_816, %get3A_812 : vector<16xf32>
        %exp3A_818 = math.exp %neg3A_817 : vector<16xf32>
        %mul3A_819 = arith.mulf %mul3A_814, %exp3A_818 : vector<16xf32>
        %add3A_820 = arith.addf %add3A_799, %mul3A_819 : vector<16xf32>
        %add3A_821 = arith.addf %add3A_800, %get3A_812 : vector<16xf32>
        %get3A_822 = arith.index_cast %scan3A_193 : i32 to index
        %get3A_823 = arith.constant 480 : index
        %get3A_824 = tpu.vector_load %arg17[%get3A_822, %get3A_823] {strides = array<i32>} : memref<16x512xf32, #tpu.memory_space<vmem>>, vector<1x16xf32>,
        %get3A_825 = vector.shape_cast %get3A_824 : vector<1x16xf32> to vector<16xf32>
        %get3A_826 = arith.index_cast %scan3A_193 : i32 to index
        %get3A_827 = arith.constant 480 : index
        %get3A_828 = tpu.vector_load %arg18[%get3A_826, %get3A_827] {strides = array<i32>} : memref<16x512xf32, #tpu.memory_space<vmem>>, vector<1x16xf32>,
        %get3A_829 = vector.shape_cast %get3A_828 : vector<1x16xf32> to vector<16xf32>
        %get3A_830 = arith.index_cast %scan3A_193 : i32 to index
        %get3A_831 = arith.constant 480 : index
        %get3A_832 = tpu.vector_load %arg19[%get3A_830, %get3A_831] {strides = array<i32>} : memref<16x512xf32, #tpu.memory_space<vmem>>, vector<1x16xf32>,
        %get3A_833 = vector.shape_cast %get3A_832 : vector<1x16xf32> to vector<16xf32>
        %sub3A_834 = arith.subf %get3A_825, %get3A_829 : vector<16xf32>
        %mul3A_835 = arith.mulf %sub3A_834, %sub3A_834 : vector<16xf32>
        %neg3A_836 = arith.constant 0.000000e+00 : f32
        %neg3A_837 = vector.broadcast %neg3A_836 : f32 to vector<16xf32>
        %neg3A_838 = arith.subf %neg3A_837, %get3A_833 : vector<16xf32>
        %exp3A_839 = math.exp %neg3A_838 : vector<16xf32>
        %mul3A_840 = arith.mulf %mul3A_835, %exp3A_839 : vector<16xf32>
        %add3A_841 = arith.addf %add3A_820, %mul3A_840 : vector<16xf32>
        %add3A_842 = arith.addf %add3A_821, %get3A_833 : vector<16xf32>
        %get3A_843 = arith.index_cast %scan3A_193 : i32 to index
        %get3A_844 = arith.constant 496 : index
        %get3A_845 = tpu.vector_load %arg17[%get3A_843, %get3A_844] {strides = array<i32>} : memref<16x512xf32, #tpu.memory_space<vmem>>, vector<1x16xf32>,
        %get3A_846 = vector.shape_cast %get3A_845 : vector<1x16xf32> to vector<16xf32>
        %get3A_847 = arith.index_cast %scan3A_193 : i32 to index
        %get3A_848 = arith.constant 496 : index
        %get3A_849 = tpu.vector_load %arg18[%get3A_847, %get3A_848] {strides = array<i32>} : memref<16x512xf32, #tpu.memory_space<vmem>>, vector<1x16xf32>,
        %get3A_850 = vector.shape_cast %get3A_849 : vector<1x16xf32> to vector<16xf32>
        %get3A_851 = arith.index_cast %scan3A_193 : i32 to index
        %get3A_852 = arith.constant 496 : index
        %get3A_853 = tpu.vector_load %arg19[%get3A_851, %get3A_852] {strides = array<i32>} : memref<16x512xf32, #tpu.memory_space<vmem>>, vector<1x16xf32>,
        %get3A_854 = vector.shape_cast %get3A_853 : vector<1x16xf32> to vector<16xf32>
        %sub3A_855 = arith.subf %get3A_846, %get3A_850 : vector<16xf32>
        %mul3A_856 = arith.mulf %sub3A_855, %sub3A_855 : vector<16xf32>
        %neg3A_857 = arith.constant 0.000000e+00 : f32
        %neg3A_858 = vector.broadcast %neg3A_857 : f32 to vector<16xf32>
        %neg3A_859 = arith.subf %neg3A_858, %get3A_854 : vector<16xf32>
        %exp3A_860 = math.exp %neg3A_859 : vector<16xf32>
        %mul3A_861 = arith.mulf %mul3A_856, %exp3A_860 : vector<16xf32>
        %add3A_862 = arith.addf %add3A_841, %mul3A_861 : vector<16xf32>
        %add3A_863 = arith.addf %add3A_842, %get3A_854 : vector<16xf32>
        scf.yield %add3A_862, %add3A_863 : vector<16xf32>, vector<16xf32>
      }
      %scan3A_189 = arith.constant 16 : i32
      %convert_element_type3A_190 = arith.extui %lt3A_75 : i1 to i32
      %cond3A_191 = arith.constant 0 : i32
      %cond3A_192 = arith.cmpi ne, %convert_element_type3A_190, %cond3A_191 : i32
      scf.if %cond3A_192 {
        %add3A_193 = arith.constant 4 : i32
        %add3A_194 = arith.addi %add3A_166, %add3A_193 : i32
        %mul3A_195 = arith.constant 16 : i32
        %mul3A_196 = arith.muli %add3A_194, %mul3A_195 : i32
        %add3A_197 = arith.addi %mul3A_2, %mul3A_196 : i32
        %mul3A_198 = arith.constant 16 : i32
        %mul3A_199 = arith.muli %add3A_194, %mul3A_198 : i32
        %dma_start3A_200 = tpu.memref_slice %arg7[%mul3A_199] : memref<512xi32, #tpu.memory_space<vmem>> -> memref<16xi32, #tpu.memory_space<vmem>>
        %dma_start3A_201 = arith.constant 0 : i32
        %dma_start3A_202 = arith.constant 0 : i32
        %dma_start3A_203 = tpu.memref_slice %arg5[%dma_start3A_201, %dma_start3A_202] : memref<85742x512xf32, #tpu.memory_space<hbm>> -> memref<85742x512xf32, #tpu.memory_space<hbm>>
        tpu.enqueue_indirect_dma source(%dma_start3A_203 : memref<85742x512xf32, #tpu.memory_space<hbm>>) target(%arg17 : memref<16x512xf32, #tpu.memory_space<vmem>>) offsets(%dma_start3A_200 : memref<16xi32, #tpu.memory_space<vmem>>) semaphore(%arg24 : memref<!tpu.dma_semaphore, #tpu.memory_space<semaphore_mem>>)
        %dma_start3A_204 = arith.constant 0 : i32
        %dma_start3A_205 = tpu.memref_slice %arg2[%add3A_197, %dma_start3A_204] : memref<16384x512xf32, #tpu.memory_space<hbm>> -> memref<16x512xf32, #tpu.memory_space<hbm>>
        %dma_start3A_206 = arith.constant 0 : i32
        %dma_start3A_207 = tpu.memref_slice %arg2[%add3A_197, %dma_start3A_206] : memref<16384x512xf32, #tpu.memory_space<hbm>> -> memref<16x512xf32, #tpu.memory_space<hbm>>
        tpu.enqueue_dma source(%dma_start3A_207 : memref<16x512xf32, #tpu.memory_space<hbm>>) target(%arg18 : memref<16x512xf32, #tpu.memory_space<vmem>>) target_semaphore(%arg24 : memref<!tpu.dma_semaphore, #tpu.memory_space<semaphore_mem>>)
        %dma_start3A_208 = arith.constant 0 : i32
        %dma_start3A_209 = tpu.memref_slice %arg3[%add3A_197, %dma_start3A_208] : memref<16384x512xf32, #tpu.memory_space<hbm>> -> memref<16x512xf32, #tpu.memory_space<hbm>>
        %dma_start3A_210 = arith.constant 0 : i32
        %dma_start3A_211 = tpu.memref_slice %arg3[%add3A_197, %dma_start3A_210] : memref<16384x512xf32, #tpu.memory_space<hbm>> -> memref<16x512xf32, #tpu.memory_space<hbm>>
        tpu.enqueue_dma source(%dma_start3A_211 : memref<16x512xf32, #tpu.memory_space<hbm>>) target(%arg19 : memref<16x512xf32, #tpu.memory_space<vmem>>) target_semaphore(%arg24 : memref<!tpu.dma_semaphore, #tpu.memory_space<semaphore_mem>>)
      } else {
      }
      scf.yield %scan3A_188#0, %scan3A_188#1 : vector<16xf32>, vector<16xf32>
    }
    %scan3A_67 = arith.constant 8 : i32
    %add3A_68 = arith.addf %scan3A_66#0, %scan3A_66#1 : vector<16xf32>
    %swap3A = arith.constant 0 : index
    %swap3A_69 = tpu.vector_load %arg20[%swap3A] {strides = array<i32>} : memref<16xf32, #tpu.memory_space<vmem>>, vector<16xf32>,
    %swap3A_70 = vector.shape_cast %swap3A_69 : vector<16xf32> to vector<16xf32>
    %swap3A_71 = vector.shape_cast %add3A_68 : vector<16xf32> to vector<16xf32>
    tpu.vector_store %arg20[%swap3A], %swap3A_71 {strides = array<i32>} : memref<16xf32, #tpu.memory_space<vmem>>, vector<16xf32>,
    "tpu.region"() ({
      %run_scoped3A = tpu.sem_alloc : memref<!tpu.dma_semaphore, #tpu.memory_space<semaphore_mem>>
      %dma_start3A_72 = arith.constant 0 : i32
      %dma_start3A_73 = tpu.memref_slice %arg6[%add3A, %dma_start3A_72] : memref<32x16xf32, #tpu.memory_space<hbm>> -> memref<1x16xf32, #tpu.memory_space<hbm>>
      %dma_start3A_74 = tpu.memref_squeeze %dma_start3A_73 : memref<1x16xf32, #tpu.memory_space<hbm>> -> memref<16xf32, #tpu.memory_space<hbm>>
      %dma_start3A_75 = arith.constant 0 : i32
      %dma_start3A_76 = tpu.memref_slice %arg6[%add3A, %dma_start3A_75] : memref<32x16xf32, #tpu.memory_space<hbm>> -> memref<1x16xf32, #tpu.memory_space<hbm>>
      %dma_start3A_77 = tpu.memref_squeeze %dma_start3A_76 : memref<1x16xf32, #tpu.memory_space<hbm>> -> memref<16xf32, #tpu.memory_space<hbm>>
      tpu.enqueue_dma source(%arg20 : memref<16xf32, #tpu.memory_space<vmem>>) target(%dma_start3A_77 : memref<16xf32, #tpu.memory_space<hbm>>) target_semaphore(%run_scoped3A : memref<!tpu.dma_semaphore, #tpu.memory_space<semaphore_mem>>)
      %dma_wait3A = arith.constant 0 : i32
      %dma_wait3A_78 = tpu.memref_slice %arg6[%add3A, %dma_wait3A] : memref<32x16xf32, #tpu.memory_space<hbm>> -> memref<1x16xf32, #tpu.memory_space<hbm>>
      %dma_wait3A_79 = tpu.memref_squeeze %dma_wait3A_78 : memref<1x16xf32, #tpu.memory_space<hbm>> -> memref<16xf32, #tpu.memory_space<hbm>>
      %dma_wait3A_80 = arith.constant 0 : i32
      %dma_wait3A_81 = tpu.memref_slice %arg6[%add3A, %dma_wait3A_80] : memref<32x16xf32, #tpu.memory_space<hbm>> -> memref<1x16xf32, #tpu.memory_space<hbm>>
      %dma_wait3A_82 = tpu.memref_squeeze %dma_wait3A_81 : memref<1x16xf32, #tpu.memory_space<hbm>> -> memref<16xf32, #tpu.memory_space<hbm>>
      tpu.wait_dma2 semaphore(%run_scoped3A : memref<!tpu.dma_semaphore, #tpu.memory_space<semaphore_mem>>) src(%arg20 : memref<16xf32, #tpu.memory_space<vmem>>) dst(%dma_wait3A_82 : memref<16xf32, #tpu.memory_space<hbm>>)
      tpu.yield
    }) : () -> ()
    return
  }
}

</mosaic_0001>

<sc_bundles>
// kernel: kernel.3.cloned.1.call-start
scs
__scs_entry_jumppad:
0x0: {  	(pc) =	sbr.rel $0x88, $3  }
0x1: {  	(tag) =	ssettag $0x0;
	lr =	simm.s32 $0x1  }
0x2: {  	[smem:$0x3F9D] =	sst lr;
	_ =	strace $0xD0000000  }
0x3: {  	_ = 	snop  }
0x4: {  	_ = 	snop  }
0x5: {  	_ = 	snop  }
0x6: {  	_ = 	snop  }
0x7: {  	_ = 	snop  }
__scs_overlays_trampoline_lowered:
0x8: {  	[smem:$0x3FAC] =	sst s0  }
0x9: {  	[smem:$0x3FAD] =	sst s1  }
0xa: {  	[smem:$0x3FAE] =	sst s2  }
0xb: {  	[smem:$0x3FAF] =	sst s3  }
0xc: {  	[smem:$0x3FB0] =	sst s4  }
0xd: {  	[smem:$0x3FB1] =	sst s5  }
0xe: {  	[smem:$0x3FB2] =	sst s6  }
0xf: {  	[smem:$0x3FB3] =	sst s7  }
0x10: {  	[smem:$0x3FB4] =	sst s8  }
0x11: {  	[smem:$0x3FB5] =	sst s9;
	s0 =	simm.s32 @!p0 $0x0  }
0x12: {  	s1 =	sld [smem:$0x3F9B];
	s0 =	simm.s32 @p0 $0x1  }
0x13: {  	[smem:$0x3FB6] =	sst s0;
	s0 =	simm.s32 @!p1 $0x0  }
0x14: {  	s2 =	sld [smem:$0x3F9A];
	s0 =	simm.s32 @p1 $0x1  }
0x15: {  	[smem:$0x3FB7] =	sst s0;
	s0 =	simm.s32 @!p2 $0x0  }
0x16: {  	s3 =	sld [smem:$0x3FDB];
	s0 =	simm.s32 @p2 $0x1  }
0x17: {  	s4 =	simm.s32 $0x1BF5;
	[smem:$0x3FB9] =	sst s0  }
0x18: {  	s0 =	sld [smem:$0x3F9C];
	_ =	swait.ge [sflag:s4], $0x0  }
0x19: {  	s7 =	sld [smem:$0x3F9D]  }
0x1a: {  	s8 =	sadd.s32 $0xFFFFE003, lr  }
0x1b: {  	s9 =	sadd.s32 $0xFFFFFEF7, lr;
	s5 =	simm.s32 $0xFFFFFFFF;
	p2 =	slt.u32 s8, $0xFFFFF086  }
0x1c: {  	p1 =	slt.u32 s9, $0xF7A;
	s5 =	simm.s32 @!p2 $0x0  }
0x1d: {  	s5 =	simm.s32 @p1 $0x1;
	p0 =	seq.s32 s7, s2  }
0x1e: {  	s7 =	smul.u32 @!p0 $0xF7A, s2;
	p2 =	seq.s32 @!p0 s5, $0x0  }
0x1f: {  	s9 =	smul.u32 $0xF7A, s1;
	s8 =	simm.s32 @!p0 $0x1BF5;
	p2 =	por !p2, p0  }
0x20: {  	[sflag:s8] =	ssyncset.s32 @!p0 $0xFFFFF086;
	s6 =	sadd.s32 @!p0 s3, s7;
	s7 =	simm.s32 @!p0 $0x108  }
0x21: {  	s3 =	sadd.s32 s3, s9;
	s6 =	sadd.s32 @!p0 $0x88, s6;
	s7 =	simm.s32 @p2 $0x1082  }
0x22: {  	[simem:s7], [sflag:s8] =	dma.local @!p0 [hbm:s6], $0xF7A  }
0x23: {  	s9 =	sor.u32 $0xD0000000, s2;
	s6 =	simm.s32 $0x108;
	_ =	swait.ge @!p0 [sflag:s8], $0x0  }
0x24: {  	s3 =	sadd.s32 $0x88, s3;
	s6 =	simm.s32 @!p1 $0x1082;
	[sflag:s4] =	ssyncset.s32 $0xFFFFF086  }
0x25: {  	[simem:s6], [sflag:s4] =	dma.local [hbm:s3], $0xF7A  }
0x26: {  	[smem:$0x3F9D] =	sst s1;
	(tag) =	ssettag s2;
	_ =	strace s9  }
0x27: {  	s1 =	sld [smem:$0x3FAD]  }
0x28: {  	s2 =	sld [smem:$0x3FAE]  }
0x29: {  	s4 =	sld [smem:$0x3FB0]  }
0x2a: {  	p0 =	seq.s32 s5, $0x0;
	s5 =	sld [smem:$0x3FB1]  }
0x2b: {  	s6 =	sld [smem:$0x3FB2]  }
0x2c: {  	s7 =	sld [smem:$0x3FB3]  }
0x2d: {  	s3 =	simm.s32 $0x108;
	s8 =	sld [smem:$0x3FB4]  }
0x2e: {  	s3 =	simm.s32 @!p0 $0x1082;
	s9 =	sld [smem:$0x3FB5]  }
0x2f: {  	lr =	sadd.s32 s0, s3;
	s0 =	sld [smem:$0x3FAC]  }
0x30: {  	s3 =	sld [smem:$0x3FAF]  }
0x31: {  	[smem:$0x3FB8] =	sst s10  }
0x32: {  	s10 =	sld [smem:$0x3FB6];
	_ =	sdelay $0x3  }
0x33: {  	p0 =	seq.s32 s10, $0x1;
	s10 =	sld [smem:$0x3FB8];
	_ =	sdelay $0x3  }
0x34: {  	[smem:$0x3FB8] =	sst s10  }
0x35: {  	s10 =	sld [smem:$0x3FB7];
	_ =	sdelay $0x3  }
0x36: {  	p1 =	seq.s32 s10, $0x1;
	s10 =	sld [smem:$0x3FB8];
	_ =	sdelay $0x3  }
0x37: {  	[smem:$0x3FB8] =	sst s10  }
0x38: {  	s10 =	sld [smem:$0x3FB9]  }
0x39: {  	_ = 	snop;
	(pc) =	sbr.ind lr, $3  }
0x3a: {  	_ = 	snop  }
0x3b: {  	_ = 	snop  }
0x3c: {  	p2 =	seq.s32 s10, $0x1;
	s10 =	sld [smem:$0x3FB8]  }
0x3d: {  	_ =	shalt  }
0x3e: {  	_ =	shalt  }
0x3f: {  	_ =	shalt  }
0x40: {  	_ =	shalt  }
0x41: {  	_ =	shalt  }
0x42: {  	_ =	shalt  }
0x43: {  	_ =	shalt  }
0x44: {  	_ =	shalt  }
0x45: {  	_ =	shalt  }
0x46: {  	_ =	shalt  }
0x47: {  	_ =	shalt  }
0x48: {  	_ =	shalt  }
0x49: {  	_ =	shalt  }
0x4a: {  	_ =	shalt  }
0x4b: {  	_ =	shalt  }
0x4c: {  	_ =	shalt  }
0x4d: {  	_ =	shalt  }
0x4e: {  	_ =	shalt  }
0x4f: {  	_ =	shalt  }
0x50: {  	_ =	shalt  }
0x51: {  	_ =	shalt  }
0x52: {  	_ =	shalt  }
0x53: {  	_ =	shalt  }
0x54: {  	_ =	shalt  }
0x55: {  	_ =	shalt  }
0x56: {  	_ =	shalt  }
0x57: {  	_ =	shalt  }
0x58: {  	_ =	shalt  }
0x59: {  	_ =	shalt  }
0x5a: {  	_ =	shalt  }
0x5b: {  	_ =	shalt  }
0x5c: {  	_ =	shalt  }
0x5d: {  	_ =	shalt  }
0x5e: {  	_ =	shalt  }
0x5f: {  	_ =	shalt  }
0x60: {  	_ =	shalt  }
0x61: {  	_ =	shalt  }
0x62: {  	_ =	shalt  }
0x63: {  	_ =	shalt  }
0x64: {  	_ =	shalt  }
0x65: {  	_ =	shalt  }
0x66: {  	_ =	shalt  }
0x67: {  	_ =	shalt  }
0x68: {  	_ =	shalt  }
0x69: {  	_ =	shalt  }
0x6a: {  	_ =	shalt  }
0x6b: {  	_ =	shalt  }
0x6c: {  	_ =	shalt  }
0x6d: {  	_ =	shalt  }
0x6e: {  	_ =	shalt  }
0x6f: {  	_ =	shalt  }
0x70: {  	_ =	shalt  }
0x71: {  	_ =	shalt  }
0x72: {  	_ =	shalt  }
0x73: {  	_ =	shalt  }
0x74: {  	_ =	shalt  }
0x75: {  	_ =	shalt  }
0x76: {  	_ =	shalt  }
0x77: {  	_ =	shalt  }
0x78: {  	_ =	shalt  }
0x79: {  	_ =	shalt  }
0x7a: {  	_ =	shalt  }
0x7b: {  	_ =	shalt  }
0x7c: {  	_ =	shalt  }
0x7d: {  	_ =	shalt  }
0x7e: {  	_ =	shalt  }
0x7f: {  	_ =	shalt  }
0x80: {  	_ =	shalt  }
0x81: {  	_ =	shalt  }
0x82: {  	_ =	shalt  }
0x83: {  	_ =	shalt  }
0x84: {  	_ =	shalt  }
0x85: {  	_ =	shalt  }
0x86: {  	_ =	shalt  }
0x87: {  	_ =	shalt  }
.Lfunc_end0:
.L_simem_size_0:
called_computation_lowered:
.L_overlay_start_0:
0x88: {  	s2 =	sld [smem:$0x3FD9]  }
0x89: {  	s3 =	sld [smem:$0x3FFE];
	_ =	sdelay $0x1  }
0x8a: {  	s1 =	srdreg.scid  }
0x8b: {  	s0 =	sand.u32 $0x1, s1  }
0x8c: {  	s17 =	sshll.u32 s0, $0xA;
	s2 =	sadd.s32 s3, s2  }
0x8d: {  	s2 =	sadd.s32 s2, s17  }
0x8e: {  	[smem:$0x3FC4] =	sst s2  }
0x8f: {  	_ = 	snop  }
0x90: {  	s2 =	sld [smem:$0x3FC9]  }
0x91: {  	s18 =	sld [smem:$0x3FC8]  }
0x92: {  	s4 =	sld [smem:$0x3FC7]  }
0x93: {  	s5 =	sld [smem:$0x3FC6];
	(tm) =	ssettm $0x1  }
0x94: {  	s6 =	sld [smem:$0x3FFB];
	_ =	sdelay $0x3  }
0x95: {  	_ =	strace s6  }
0x96: {  	s6 =	sld [smem:$0x3FFC];
	_ =	sdelay $0x3  }
0x97: {  	_ =	strace s6  }
0x98: {  	s6 =	sld [smem:$0x3FFD];
	_ =	sdelay $0x3  }
0x99: {  	_ =	strace s6  }
0x9a: {  	_ =	strace $0x8FFFFFFF  }
0x9b: {  	s19 =	sld [smem:$0x3FDB];
	_ =	sdelay $0x1  }
0x9c: {  	s7 =	simm.s32 $_scs_section_size  }
0x9d: {  	s8 =	simm.s32 $_size__tile_overlayer_lowered;
	s9 =	simm.s32 $_tile_overlayer_lowered  }
0x9e: {  	s22 =	simm.s32 $0x1BFF;
	s21 =	sshll.u32 s9, $0x1;
	s6 =	sadd.s32 s7, s19  }
0x9f: {  	s10 =	simm.s32 $0x0;
	s20 =	sshll.u32 s8, $0x1;
	s8 =	sadd.s32 s21, s6  }
0xa0: {  	[timem:s10], [sflag:s22] =	dma.local [hbm:s8], s20  }
0xa1: {  	_ =	swait.ge [sflag:s22], s20  }
0xa2: {  	s7 =	ssub.s32 $0x0, s20;
	[sflag:s22] =	ssyncset.done $0x0  }
0xa3: {  	[sflag:s22] =	ssyncadd.s32 s7;
	_ =	sdelay $0x1  }
0xa4: {  	s23 =	simm.s32 $0x1B8B  }
0xa5: {  	_ =	swait.ge [sflag:s23], $0x1  }
0xa6: {  	[sflag:s23] =	ssyncset.done $0x0  }
0xa7: {  	s25 =	simm.s32 $0x1B8E;
	s24 =	sld [smem:$0x3FFE];
	[sflag:s23] =	ssyncadd.s32 $0xFFFFFFFF  }
0xa8: {  	s26 =	simm.s32 $execute0_lowered;
	[smem:$0x3FD2] =	sst s25  }
0xa9: {  	s8 =	sshll.u32 s26, $0x1;
	_ =	strace $0x80000046;
	[dreg:$0x1] =	wrdreg $0xFFFFFFFF  }
0xaa: {  	s28 =	simm.s32 $_size_execute0_lowered;
	s6 =	sadd.s32 s6, s8;
	[dreg:$0x0] =	wrdreg $0x0  }
0xab: {  	s8 =	sshll.u32 s28, $0x1;
	[dreg:$0x2] =	wrdreg s6  }
0xac: {  	[dreg:$0x3] =	wrdreg s8  }
0xad: {  	[dreg:$0x4] =	wrdreg $0xC0  }
0xae: {  	_ =	task [dreg:s10], $0x5FFFF  }
0xaf: {  	[dreg:$0x1] =	wrdreg $0xFFFFFFFF  }
0xb0: {  	[dreg:$0x0] =	wrdreg $0x60  }
0xb1: {  	[dreg:$0x2] =	wrdreg s2  }
0xb2: {  	[dreg:$0x3] =	wrdreg s18  }
0xb3: {  	[dreg:$0x4] =	wrdreg s4  }
0xb4: {  	[dreg:$0x5] =	wrdreg s5  }
0xb5: {  	[dreg:$0x6] =	wrdreg s24  }
0xb6: {  	[dreg:$0x7] =	wrdreg $0x9  }
0xb7: {  	_ =	task.clear_ibuf [dreg:s10], $0x8FFFF;
	_ =	strace $0x90000046  }
0xb8: {  	s29 =	simm.s32 $0x9;
	_ =	strace $0x80000048  }
0xb9: {  	_ =	swait.ge [sflag:s29], $0x1  }
0xba: {  	[sflag:s29] =	ssyncadd.s32 $0xFFFFFFFF  }
0xbb: {  	_ =	strace $0x90000048  }
0xbc: {  	_ =	sfence  }
0xbd: {  	s30 =	sld [smem:$0x0];
	_ =	sdelay $0x2  }
0xbe: {  	s31 =	sshll.u32 s1, $0xD;
	s1 =	sshrl.u32 s1, $0x2  }
0xbf: {  	s3 =	sand.u32 $0x4000, s31;
	s1 =	sadd.s32 s1, s30  }
0xc0: {  	s0 =	sor.u32 s3, s0;
	s1 =	sshll.u32 s1, $0x11  }
0xc1: {  	s0 =	sor.u32 s1, s0  }
0xc2: {  	s0 =	sadd.s32 $0x8F2B, s0  }
0xc3: {  	[sflag:s0] =	ssyncadd.remote.s32 $0x1  }
0xc4: {  	_ =	sfence.sel $0xFFFF  }
0xc5: {  	[dreg:$0x0] =	wrdreg $0xFFFFFFFF;
	(pc) =	sbr.abs _section_cstart, $3  }
0xc6: {  	[dreg:$0x1] =	wrdreg $0xFFFFFFFF  }
0xc7: {  	_ =	task.clear_ibuf [dreg:s10], $0x2FFFF;
	_ =	strace $0x9FFFFFFF  }
0xc8: {  	(tm) =	ssettm $0x7FFFFFFF  }
0xc9: {  	_ =	shalt  }
tec
execute0_lowered:
.L_overlay_start_1:
0x0: {  	(tag) =	ssettag $0x1  }
0x1: {  	s1 =	rddreg [dreg:$0x0]  }
0x2: {  	s2 =	rddreg [dreg:$0x1]  }
0x3: {  	s0 =	rddreg [dreg:$0x2]  }
0x4: {  	s3 =	rddreg [dreg:$0x3]  }
0x5: {  	s4 =	rddreg [dreg:$0x4]  }
0x6: {  	s6 =	srdreg.scid;
	s5 =	simm.s32 $0x0;
	s8 =	stileid.u32  }
0x7: {  	s19 =	simm.s32 $0x5;
	s28 =	simm.s32 $0x13200;
	s29 =	simm.s32 $0x13A00  }
0x8: {  	s30 =	simm.s32 $0x14200;
	s31 =	simm.s32 $0x16200;
	s20 =	simm.s32 $0x3  }
0x9: {  	s6 =	sand.u32 $0x1, s6;
	[smem:$0x7FF] =	sst s5;
	s8 =	sshll.u32 s8, $0x1  }
0xa: {  	s7 =	ssub.s32 $0x2, s6;
	_ =	strace $0x80000047;
	s10 =	sor.u32 s6, s8  }
0xb: {  	s9 =	sshrl.u32 s7, $0x1;
	s6 =	sshll.u32 s10, $0x9;
	s8 =	sshll.u32 s10, $0x6  }
0xc: {  	s21 =	sshll.u32 s10, $0xF;
	s26 =	sshll.u32 s10, $0x4;
	s7 =	ssub.s32 s7, s9  }
0xd: {  	s0 =	sadd.s32 s0, s8;
	s8 =	sadd.s32 $0x100, s3;
	s22 =	sadd.s32 s1, s21  }
0xe: {  	s23 =	sadd.s32 s2, s21;
	s24 =	sor.u32 $0x400, s21;
	[dreg:$0x6] =	wrdreg s0  }
0xf: {  	s25 =	sor.u32 $0x800, s21;
	s17 =	sadd.s32 s4, s26;
	[dreg:$0x7] =	wrdreg s22  }
0x10: {  	s26 =	simm.s32 $0x12A00;
	s4 =	simm.s32 $0x2;
	[dreg:$0x8] =	wrdreg s23  }
.Ltmp0:
0x11: {  	v0 =	vlaneseq.u32;
	s11 =	sadd.s32 s1, s24;
	s9 =	sadd.s32 s2, s24;
	(pc) =	sbr.rel .LBB2_1-.Ltmp0, $4  }
0x12: {  	v1 =	vand.u32 $0x7, v0;
	v63 =	vshrl.u32 v0, $0x3;
	s13 =	sadd.s32 s1, s25;
	s14 =	sadd.s32 s2, s25;
	s0 =	sor.u32 $0xC00, s21  }
0x13: {  	v0 =	vor.u32 $0x8, v0;
	[tilespmem:$0x1FFD0] =	vst v1;
	v1 =	vmul.u32 $0x8, v63;
	s18 =	smax.u32 s7, $0x1;
	s25 =	simm.s32 $0x12200;
	[dreg:$0x9] =	wrdreg s11  }
0x14: {  	[tilespmem:$0x1FFF0] =	vst v0;
	s21 =	simm.s32 $0x4;
	s23 =	simm.s32 $0x0;
	[dreg:$0xa] =	wrdreg s9  }
0x15: {  	vm0 =	vmmov $0xffff;
	[tilespmem:$0x1FFE0] =	vst v1;
	s15 =	sadd.s32 s1, s0;
	s16 =	sadd.s32 s2, s0;
	s0 =	simm.s32 $0x1  }
.LBB2_12:
0x16: {  	v0 =	vadd.f32 v3, v9;
	s23 =	sadd.s32 $0x1, s23  }
0x17: {  	p0 =	sne.s32 s23, s18  }
.Ltmp1:
0x18: {  	s7 =	simm.s32 $0x18200;
	[tilespmem:$0x18200] =	vst v0;
	(pc) =	sbr.rel @!p0 .LBB2_13-.Ltmp1, $4  }
0x19: {  	[hbm4b:s17+s5] =	stream.linear.scatter [tilespmem:s7], [sflag:$0x5], $0x80, $0x38;
	[tilespmem:$0x18280] =	vst v63  }
0x1a: {  	_ =	swait.ge [sflag:s19], $0x80  }
0x1b: {  	[sflag:s19] =	ssyncset.done $0x0  }
0x1c: {  	[sflag:s19] =	ssyncadd.s32 $0xFFFFFF80  }
.LBB2_1:
0x1d: {  	s7 =	rddreg [dreg:$0x6]  }
0x1e: {  	[tilespmem:s5], [sflag:$0x5] =	stream.linear.gather [hbm4b:s7+s5], $0x200, $0x38;
	[tilespmem:$0x18280] =	vst v63  }
0x1f: {  	_ =	swait.ge [sflag:s19], $0x200  }
0x20: {  	[sflag:s19] =	ssyncset.done $0x0  }
0x21: {  	[sflag:s19] =	ssyncadd.s32 $0xFFFFFE00  }
0x22: {  	v0 =	vld [tilespmem:$0x0];
	_ =	sdelay $0x2  }
0x23: {  	v2 =	vld [tilespmem:$0x1FFD0];
	_ =	sdelay $0x1  }
0x24: {  	v3 =	vld [tilespmem:$0x1FFE0];
	v1 =	vshll.u32 v0, $0x2  }
0x25: {  	v0 =	vand.u32 $0x7, v0;
	v1 =	vand.u32 $0xFFFFFFE0, v1  }
0x26: {  	v4 =	vld [tilespmem:$0x1FFF0];
	v0 =	vor.u32 v0, v1  }
0x27: {  	v1 =	vperm.xlane v0, v2;
	_ =	sdelay $0x1  }
0x28: {  	v1 =	vadd.s32 v3, v1;
	_ =	sdelay $0x1  }
0x29: {  	v0 =	vperm.xlane v0, v4;
	_ =	sdelay $0x1  }
0x2a: {  	s12 =	simm.s32 $0x200;
	v0 =	vadd.s32 v3, v0  }
0x2b: {  	[tilespmem:s12], [sflag:$0x1] =	stream.indirect_vreg.gather [hbm4b:s3+s5], $0x80, v1, vm0, $0xb8;
	[tilespmem:$0x18280] =	vst v63  }
0x2c: {  	s22 =	simm.s32 $0xA00  }
0x2d: {  	[tilespmem:s22], [sflag:$0x1] =	stream.indirect_vreg.gather [hbm4b:s8+s5], $0x80, v1, vm0, $0xb8;
	[tilespmem:$0x18280] =	vst v63  }
0x2e: {  	s24 =	simm.s32 $0x1200  }
0x2f: {  	[tilespmem:s24], [sflag:$0x1] =	stream.indirect_vreg.gather [hbm4b:s3+s5], $0x80, v0, vm0, $0xb8;
	[tilespmem:$0x18280] =	vst v63  }
0x30: {  	s9 =	simm.s32 $0x1A00  }
0x31: {  	[tilespmem:s9], [sflag:$0x1] =	stream.indirect_vreg.gather [hbm4b:s8+s5], $0x80, v0, vm0, $0xb8;
	[tilespmem:$0x18280] =	vst v63  }
0x32: {  	s10 =	rddreg [dreg:$0x7];
	s9 =	simm.s32 $0x2200  }
0x33: {  	[tilespmem:s9], [sflag:$0x1] =	stream.linear.gather [hbm4b:s10+s5], $0x2000, $0x38;
	[tilespmem:$0x18280] =	vst v63  }
0x34: {  	s11 =	rddreg [dreg:$0x8];
	s12 =	simm.s32 $0x4200  }
0x35: {  	[tilespmem:s12], [sflag:$0x1] =	stream.linear.gather [hbm4b:s11+s5], $0x2000, $0x38;
	[tilespmem:$0x18280] =	vst v63  }
0x36: {  	v0 =	vld [tilespmem:$0x10];
	_ =	sdelay $0x4  }
0x37: {  	v1 =	vshll.u32 v0, $0x2  }
0x38: {  	v0 =	vand.u32 $0x7, v0;
	v1 =	vand.u32 $0xFFFFFFE0, v1  }
0x39: {  	v0 =	vor.u32 v0, v1  }
0x3a: {  	v1 =	vperm.xlane v0, v2;
	_ =	sdelay $0x1  }
0x3b: {  	v1 =	vadd.s32 v3, v1;
	_ =	sdelay $0x1  }
0x3c: {  	v0 =	vperm.xlane v0, v4;
	_ =	sdelay $0x1  }
0x3d: {  	s22 =	simm.s32 $0x6200;
	v0 =	vadd.s32 v3, v0  }
0x3e: {  	[tilespmem:s22], [sflag:$0x2] =	stream.indirect_vreg.gather [hbm4b:s3+s5], $0x80, v1, vm0, $0xb8;
	[tilespmem:$0x18280] =	vst v63  }
0x3f: {  	s24 =	simm.s32 $0x6A00  }
0x40: {  	[tilespmem:s24], [sflag:$0x2] =	stream.indirect_vreg.gather [hbm4b:s8+s5], $0x80, v1, vm0, $0xb8;
	[tilespmem:$0x18280] =	vst v63  }
0x41: {  	s9 =	simm.s32 $0x7200  }
0x42: {  	[tilespmem:s9], [sflag:$0x2] =	stream.indirect_vreg.gather [hbm4b:s3+s5], $0x80, v0, vm0, $0xb8;
	[tilespmem:$0x18280] =	vst v63  }
0x43: {  	s10 =	simm.s32 $0x7A00  }
0x44: {  	[tilespmem:s10], [sflag:$0x2] =	stream.indirect_vreg.gather [hbm4b:s8+s5], $0x80, v0, vm0, $0xb8;
	[tilespmem:$0x18280] =	vst v63  }
0x45: {  	s11 =	rddreg [dreg:$0x9];
	s12 =	simm.s32 $0x8200  }
0x46: {  	[tilespmem:s12], [sflag:$0x2] =	stream.linear.gather [hbm4b:s11+s5], $0x2000, $0x38;
	[tilespmem:$0x18280] =	vst v63  }
0x47: {  	s22 =	rddreg [dreg:$0xa];
	s24 =	simm.s32 $0xA200  }
0x48: {  	[tilespmem:s24], [sflag:$0x2] =	stream.linear.gather [hbm4b:s22+s5], $0x2000, $0x38;
	[tilespmem:$0x18280] =	vst v63  }
0x49: {  	v0 =	vld [tilespmem:$0x20];
	_ =	sdelay $0x4  }
0x4a: {  	v1 =	vshll.u32 v0, $0x2  }
0x4b: {  	v0 =	vand.u32 $0x7, v0;
	v1 =	vand.u32 $0xFFFFFFE0, v1  }
0x4c: {  	v0 =	vor.u32 v0, v1  }
0x4d: {  	v1 =	vperm.xlane v0, v2;
	_ =	sdelay $0x1  }
0x4e: {  	v1 =	vadd.s32 v3, v1;
	_ =	sdelay $0x1  }
0x4f: {  	v0 =	vperm.xlane v0, v4;
	_ =	sdelay $0x1  }
0x50: {  	s9 =	simm.s32 $0xC200;
	v0 =	vadd.s32 v3, v0  }
0x51: {  	[tilespmem:s9], [sflag:$0x3] =	stream.indirect_vreg.gather [hbm4b:s3+s5], $0x80, v1, vm0, $0xb8;
	[tilespmem:$0x18280] =	vst v63  }
0x52: {  	s10 =	simm.s32 $0xCA00  }
0x53: {  	[tilespmem:s10], [sflag:$0x3] =	stream.indirect_vreg.gather [hbm4b:s8+s5], $0x80, v1, vm0, $0xb8;
	[tilespmem:$0x18280] =	vst v63  }
0x54: {  	s11 =	simm.s32 $0xD200  }
0x55: {  	[tilespmem:s11], [sflag:$0x3] =	stream.indirect_vreg.gather [hbm4b:s3+s5], $0x80, v0, vm0, $0xb8;
	[tilespmem:$0x18280] =	vst v63  }
0x56: {  	s12 =	simm.s32 $0xDA00  }
0x57: {  	[tilespmem:s12], [sflag:$0x3] =	stream.indirect_vreg.gather [hbm4b:s8+s5], $0x80, v0, vm0, $0xb8;
	[tilespmem:$0x18280] =	vst v63  }
0x58: {  	s22 =	simm.s32 $0xE200  }
0x59: {  	[tilespmem:s22], [sflag:$0x3] =	stream.linear.gather [hbm4b:s13+s5], $0x2000, $0x38;
	[tilespmem:$0x18280] =	vst v63  }
0x5a: {  	s24 =	simm.s32 $0x10200  }
0x5b: {  	[tilespmem:s24], [sflag:$0x3] =	stream.linear.gather [hbm4b:s14+s5], $0x2000, $0x38;
	[tilespmem:$0x18280] =	vst v63  }
0x5c: {  	v0 =	vld [tilespmem:$0x30];
	_ =	sdelay $0x4  }
0x5d: {  	v1 =	vshll.u32 v0, $0x2  }
0x5e: {  	v0 =	vand.u32 $0x7, v0;
	v1 =	vand.u32 $0xFFFFFFE0, v1  }
0x5f: {  	v0 =	vor.u32 v0, v1  }
0x60: {  	v1 =	vperm.xlane v0, v2;
	_ =	sdelay $0x1  }
0x61: {  	v1 =	vadd.s32 v3, v1;
	_ =	sdelay $0x1  }
0x62: {  	v0 =	vperm.xlane v0, v4;
	_ =	sdelay $0x1  }
0x63: {  	v0 =	vadd.s32 v3, v0  }
0x64: {  	[tilespmem:s25], [sflag:$0x4] =	stream.indirect_vreg.gather [hbm4b:s3+s5], $0x80, v1, vm0, $0xb8;
	[tilespmem:$0x18280] =	vst v63  }
0x65: {  	_ = 	snop  }
0x66: {  	[tilespmem:s26], [sflag:$0x4] =	stream.indirect_vreg.gather [hbm4b:s8+s5], $0x80, v1, vm0, $0xb8;
	[tilespmem:$0x18280] =	vst v63  }
0x67: {  	_ = 	snop  }
0x68: {  	[tilespmem:s28], [sflag:$0x4] =	stream.indirect_vreg.gather [hbm4b:s3+s5], $0x80, v0, vm0, $0xb8;
	[tilespmem:$0x18280] =	vst v63  }
0x69: {  	_ = 	snop  }
0x6a: {  	[tilespmem:s29], [sflag:$0x4] =	stream.indirect_vreg.gather [hbm4b:s8+s5], $0x80, v0, vm0, $0xb8;
	[tilespmem:$0x18280] =	vst v63  }
0x6b: {  	_ = 	snop  }
0x6c: {  	[tilespmem:s30], [sflag:$0x4] =	stream.linear.gather [hbm4b:s15+s5], $0x2000, $0x38;
	[tilespmem:$0x18280] =	vst v63  }
0x6d: {  	s24 =	simm.s32 $0x0  }
0x6e: {  	v9 =	vimm.f32 $0.0e+00;
	v3 =	vimm.f32 $0.0e+00;
	[tilespmem:s31], [sflag:$0x4] =	stream.linear.gather [hbm4b:s16+s5], $0x2000, $0x38;
	[tilespmem:$0x18280] =	vst v63  }
.LBB2_2:
0x6f: {  	_ =	swait.ge [sflag:s0], $0x2000  }
0x70: {  	[sflag:s0] =	ssyncset.done $0x0  }
0x71: {  	[sflag:s0] =	ssyncadd.s32 $0xFFFFE000  }
0x72: {  	_ =	swait.ge [sflag:s0], $0x2000  }
0x73: {  	[sflag:s0] =	ssyncset.done $0x0  }
0x74: {  	[sflag:s0] =	ssyncadd.s32 $0xFFFFE000  }
0x75: {  	s9 =	simm.s32 $0x0;
	_ =	swait.ge [sflag:s0], $0x2000  }
0x76: {  	s7 =	sand.u32 $0x1000, s9;
	s10 =	sand.u32 $0x380, s9;
	[sflag:s0] =	ssyncset.done $0x0  }
0x77: {  	s7 =	sor.u32 s10, s7;
	[sflag:s0] =	ssyncadd.s32 $0xFFFFE000  }
0x78: {  	v0 =	vld [tilespmem:s7+$0xE20]  }
0x79: {  	v1 =	vld [tilespmem:s7+$0x2E20]  }
0x7a: {  	v5 =	vld [tilespmem:s7+$0xE10]  }
0x7b: {  	v7 =	vld [tilespmem:s7+$0x2E10]  }
0x7c: {  	v6 =	vld [tilespmem:s7+$0xE00]  }
0x7d: {  	v8 =	vld [tilespmem:s7+$0x2E00]  }
0x7e: {  	v10 =	vld [tilespmem:s7+$0xA70]  }
0x7f: {  	v11 =	vld [tilespmem:s7+$0x2A70]  }
0x80: {  	v12 =	vld [tilespmem:s7+$0xA60]  }
0x81: {  	v13 =	vld [tilespmem:s7+$0x2A60]  }
0x82: {  	v15 =	vld [tilespmem:s7+$0xA50]  }
0x83: {  	v17 =	vld [tilespmem:s7+$0x2A50]  }
0x84: {  	v18 =	vld [tilespmem:s7+$0xA40]  }
0x85: {  	v20 =	vld [tilespmem:s7+$0x2A40]  }
0x86: {  	v22 =	vld [tilespmem:s7+$0xA30]  }
0x87: {  	v25 =	vld [tilespmem:s7+$0x2A30]  }
0x88: {  	v30 =	vld [tilespmem:s7+$0xA20]  }
0x89: {  	v31 =	vld [tilespmem:s7+$0x2A20]  }
0x8a: {  	v35 =	vld [tilespmem:s7+$0xA10]  }
0x8b: {  	v36 =	vld [tilespmem:s7+$0x2A10]  }
0x8c: {  	v37 =	vld [tilespmem:s7+$0xA00]  }
0x8d: {  	v38 =	vld [tilespmem:s7+$0x2A00]  }
0x8e: {  	v39 =	vld [tilespmem:s7+$0x670]  }
0x8f: {  	v40 =	vld [tilespmem:s7+$0x2670]  }
0x90: {  	v41 =	vld [tilespmem:s7+$0x660]  }
0x91: {  	v43 =	vld [tilespmem:s7+$0x2660]  }
0x92: {  	v44 =	vld [tilespmem:s7+$0x650]  }
0x93: {  	v45 =	vld [tilespmem:s7+$0x2650]  }
0x94: {  	v46 =	vld [tilespmem:s7+$0x640]  }
0x95: {  	v47 =	vld [tilespmem:s7+$0x2640]  }
0x96: {  	v14 =	vld [tilespmem:s7+$0x630]  }
0x97: {  	v16 =	vld [tilespmem:s7+$0x2630]  }
0x98: {  	v19 =	vld [tilespmem:s7+$0x620]  }
0x99: {  	v21 =	vld [tilespmem:s7+$0x2620]  }
0x9a: {  	v23 =	vld [tilespmem:s7+$0x610]  }
0x9b: {  	v24 =	vld [tilespmem:s7+$0x2610]  }
0x9c: {  	v26 =	vld [tilespmem:s7+$0x600]  }
0x9d: {  	v27 =	vld [tilespmem:s7+$0x2600]  }
0x9e: {  	v28 =	vld [tilespmem:s7+$0x270]  }
0x9f: {  	v29 =	vld [tilespmem:s7+$0x2270]  }
0xa0: {  	v2 =	vld [tilespmem:s7+$0x260];
	v4 =	vsub.f32 v0, v1  }
0xa1: {  	v42 =	vld [tilespmem:s7+$0x2260];
	v6 =	vsub.f32 v6, v8;
	v5 =	vsub.f32 v5, v7  }
0xa2: {  	v32 =	vld [tilespmem:s7+$0x250];
	v8 =	vsub.f32 v12, v13;
	v7 =	vsub.f32 v10, v11  }
0xa3: {  	v33 =	vld [tilespmem:s7+$0x2250];
	v11 =	vsub.f32 v18, v20;
	v10 =	vsub.f32 v15, v17  }
0xa4: {  	v34 =	vld [tilespmem:s7+$0x2240];
	v13 =	vsub.f32 v30, v31;
	v12 =	vsub.f32 v22, v25  }
0xa5: {  	v1 =	vld [tilespmem:s7+$0x240];
	v17 =	vsub.f32 v37, v38;
	v15 =	vsub.f32 v35, v36  }
0xa6: {  	v37 =	vld [tilespmem:s7+$0x230];
	v20 =	vsub.f32 v41, v43;
	v18 =	vsub.f32 v39, v40  }
0xa7: {  	s22 =	simm.s32 $0x200;
	v30 =	vld [tilespmem:s7+$0x2230];
	v25 =	vsub.f32 v46, v47;
	v22 =	vsub.f32 v44, v45  }
.LBB2_3:
0xa8: {  	p0 =	sne.s32 s22, $0x1E00;
	v31 =	vld [tilespmem:s7+$0x220];
	v35 =	vsub.f32 v19, v21;
	v36 =	vsub.f32 v14, v16;
	v4 =	vmul.f32 v4, v4  }
0xa9: {  	v39 =	vsub.f32 v23, v24;
	v6 =	vmul.f32 v6, v6;
	v5 =	vmul.f32 v5, v5;
	v38 =	vld [tilespmem:s7+$0x4200]  }
0xaa: {  	v41 =	vsub.f32 v26, v27;
	v14 =	vmul.f32 v8, v8;
	v8 =	vmul.f32 v7, v7;
	v40 =	vld [tilespmem:s7+$0x2220]  }
0xab: {  	v7 =	vsub.f32 v28, v29;
	v16 =	vmul.f32 v11, v11;
	v11 =	vmul.f32 v10, v10;
	v43 =	vld [tilespmem:s7+$0x4210]  }
0xac: {  	v2 =	vsub.f32 v2, v42;
	v21 =	vmul.f32 v13, v13;
	v19 =	vmul.f32 v12, v12;
	v10 =	vld [tilespmem:s7+$0x210]  }
0xad: {  	v12 =	vsub.f32 v32, v33;
	v24 =	vmul.f32 v17, v17;
	v23 =	vmul.f32 v15, v15;
	v28 =	vld [tilespmem:s7+$0x4220]  }
0xae: {  	v27 =	vmul.f32 v20, v20;
	v26 =	vmul.f32 v18, v18;
	v13 =	vsub.f32 $0.0e+00, v38;
	v15 =	vld [tilespmem:s7+$0x2210]  }
0xaf: {  	v0 =	vmul.f32 v25, v25;
	v18 =	vsub.f32 v1, v34;
	v1 =	vmul.f32 v22, v22;
	v17 =	vld [tilespmem:s7+$0x4230]  }
0xb0: {  	v29 =	vmul.f32 v36, v36;
	v22 =	vld [tilespmem:s7+$0x200];
	v13 =	vmul.f32 $1.442695020e+00, v13;
	v25 =	vsub.f32 $0.0e+00, v43  }
0xb1: {  	v20 =	vmul.f32 v39, v39;
	v32 =	vsub.f32 v37, v30;
	v30 =	vmul.f32 v35, v35;
	v33 =	vld [tilespmem:s7+$0x4240]  }
0xb2: {  	v34 =	vld [tilespmem:s7+$0x2200];
	v35 =	vmul.f32 $1.442695020e+00, v25;
	v36 =	vsub.f32 $0.0e+00, v28;
	(erf) = vpow2.f32 v13  }
0xb3: {  	v37 =	vmul.f32 v7, v7;
	v13 =	vsub.f32 v31, v40;
	v25 =	vmul.f32 v41, v41;
	v31 =	vld [tilespmem:s7+$0x4250]  }
0xb4: {  	v36 =	vmul.f32 $1.442695020e+00, v36;
	v39 =	vsub.f32 $0.0e+00, v17;
	v40 =	vld [tilespmem:s7+$0x4260];
	(erf) = vpow2.f32 v35  }
0xb5: {  	v41 =	vmul.f32 v2, v2;
	v15 =	vsub.f32 v10, v15;
	v35 =	vmul.f32 v12, v12;
	v7 =	vld [tilespmem:s7+$0xE70]  }
0xb6: {  	v2 =	vmul.f32 $1.442695020e+00, v39;
	v12 =	vsub.f32 $0.0e+00, v33;
	v39 =	vld [tilespmem:s7+$0x4270];
	(erf) = vpow2.f32 v36  }
0xb7: {  	v18 =	vmul.f32 v18, v18;
	v32 =	vmul.f32 v32, v32;
	v22 =	vsub.f32 v22, v34;
	v10 =	vld [tilespmem:s7+$0x2E70]  }
0xb8: {  	v34 =	vmul.f32 $1.442695020e+00, v12;
	v36 =	vsub.f32 $0.0e+00, v31;
	v42 =	vld [tilespmem:s7+$0x4600];
	(erf) = vpow2.f32 v2  }
0xb9: {  	v2 =	vmul.f32 v22, v22;
	v22 =	vmul.f32 v13, v13;
	v13 =	vsub.f32 $0.0e+00, v40;
	v12 =	vld [tilespmem:s7+$0xE60]  }
0xba: {  	v36 =	vmul.f32 $1.442695020e+00, v36;
	v44 =	vld [tilespmem:s7+$0x4610];
	(erf) = vpow2.f32 v34  }
0xbb: {  	v34 =	vmul.f32 v15, v15;
	v45 =	vmul.f32 $1.442695020e+00, v13;
	v15 =	vsub.f32 $0.0e+00, v39;
	v13 =	vld [tilespmem:s7+$0x2E60];
	v46 =	vpop (erf)  }
0xbc: {  	v2 =	vmul.f32 v46, v2;
	v46 =	vld [tilespmem:s7+$0x4620];
	(erf) = vpow2.f32 v36  }
0xbd: {  	v36 =	vmul.f32 $1.442695020e+00, v15;
	v47 =	vsub.f32 $0.0e+00, v42;
	v15 =	vld [tilespmem:s7+$0xE50];
	v48 =	vpop (erf);
	(erf) = vpow2.f32 v45  }
0xbe: {  	v2 =	vadd.f32 v2, v9;
	v9 =	vadd.f32 v38, v3;
	v34 =	vmul.f32 v48, v34;
	v38 =	vld [tilespmem:s7+$0x4630]  }
0xbf: {  	v45 =	vmul.f32 $1.442695020e+00, v47;
	v47 =	vsub.f32 $0.0e+00, v44;
	v3 =	vld [tilespmem:s7+$0x2E50];
	v48 =	vpop (erf);
	(erf) = vpow2.f32 v36  }
0xc0: {  	v2 =	vadd.f32 v34, v2;
	v34 =	vadd.f32 v43, v9;
	v22 =	vmul.f32 v48, v22;
	v36 =	vld [tilespmem:s7+$0x4640]  }
0xc1: {  	v43 =	vmul.f32 $1.442695020e+00, v47;
	v47 =	vsub.f32 $0.0e+00, v46;
	v9 =	vld [tilespmem:s7+$0xE40];
	v48 =	vpop (erf);
	(erf) = vpow2.f32 v45  }
0xc2: {  	v2 =	vadd.f32 v22, v2;
	v28 =	vadd.f32 v28, v34;
	v32 =	vmul.f32 v48, v32;
	v34 =	vld [tilespmem:s7+$0x4650]  }
0xc3: {  	v49 =	vmul.f32 $1.442695020e+00, v47;
	v47 =	vsub.f32 $0.0e+00, v38;
	v22 =	vld [tilespmem:s7+$0x2E40];
	v48 =	vpop (erf);
	(erf) = vpow2.f32 v43  }
0xc4: {  	v2 =	vadd.f32 v32, v2;
	v17 =	vadd.f32 v17, v28;
	v18 =	vmul.f32 v48, v18;
	v32 =	vld [tilespmem:s7+$0x4660]  }
0xc5: {  	v50 =	vmul.f32 $1.442695020e+00, v47;
	v47 =	vsub.f32 $0.0e+00, v36;
	v28 =	vld [tilespmem:s7+$0xE30];
	v48 =	vpop (erf);
	(erf) = vpow2.f32 v49  }
0xc6: {  	s9 =	sadd.s32 $0x80, s9;
	v18 =	vadd.f32 v18, v2;
	v17 =	vadd.f32 v33, v17;
	v33 =	vmul.f32 v48, v35;
	v35 =	vld [tilespmem:s7+$0x4670];
	v45 =	vpop (erf)  }
0xc7: {  	s10 =	sand.u32 $0x1000, s22;
	s11 =	sand.u32 $0x380, s9;
	v47 =	vmul.f32 $1.442695020e+00, v47;
	v48 =	vsub.f32 $0.0e+00, v34;
	v2 =	vld [tilespmem:s7+$0x2E30];
	(erf) = vpow2.f32 v50  }
0xc8: {  	s10 =	sor.u32 s11, s10;
	v18 =	vadd.f32 v33, v18;
	v31 =	vadd.f32 v31, v17;
	v33 =	vmul.f32 v45, v41;
	v41 =	vld [tilespmem:s7+$0x4A00];
	v43 =	vpop (erf)  }
0xc9: {  	v17 =	vld [tilespmem:s10+$0xE20];
	v45 =	vmul.f32 $1.442695020e+00, v48;
	v48 =	vsub.f32 $0.0e+00, v32;
	(erf) = vpow2.f32 v47  }
0xca: {  	v37 =	vmul.f32 v43, v37;
	v33 =	vadd.f32 v33, v18;
	v31 =	vadd.f32 v40, v31;
	v40 =	vld [tilespmem:s7+$0x4A10];
	v43 =	vpop (erf)  }
0xcb: {  	v18 =	vld [tilespmem:s10+$0x2E20];
	v47 =	vmul.f32 $1.442695020e+00, v48;
	v48 =	vsub.f32 $0.0e+00, v35;
	(erf) = vpow2.f32 v45  }
0xcc: {  	v33 =	vadd.f32 v37, v33;
	v31 =	vadd.f32 v39, v31;
	v37 =	vmul.f32 v43, v25;
	v39 =	vld [tilespmem:s7+$0x4A20];
	v43 =	vpop (erf)  }
0xcd: {  	v45 =	vmul.f32 $1.442695020e+00, v48;
	v48 =	vsub.f32 $0.0e+00, v41;
	v25 =	vld [tilespmem:s7+$0x4E70];
	(erf) = vpow2.f32 v47  }
0xce: {  	v33 =	vadd.f32 v37, v33;
	v31 =	vadd.f32 v42, v31;
	v37 =	vmul.f32 v43, v20;
	v42 =	vld [tilespmem:s7+$0x4A30];
	v43 =	vpop (erf)  }
0xcf: {  	v20 =	vld [tilespmem:s10+$0xE10];
	v47 =	vmul.f32 $1.442695020e+00, v48;
	v48 =	vsub.f32 $0.0e+00, v40;
	(erf) = vpow2.f32 v45  }
0xd0: {  	v33 =	vadd.f32 v37, v33;
	v31 =	vadd.f32 v44, v31;
	v37 =	vmul.f32 v43, v30;
	v43 =	vld [tilespmem:s7+$0x4A40];
	v44 =	vpop (erf)  }
0xd1: {  	v30 =	vld [tilespmem:s10+$0x2E10];
	v45 =	vmul.f32 $1.442695020e+00, v48;
	v48 =	vsub.f32 $0.0e+00, v39;
	(erf) = vpow2.f32 v47  }
0xd2: {  	v33 =	vadd.f32 v37, v33;
	v31 =	vadd.f32 v46, v31;
	v37 =	vmul.f32 v44, v29;
	v44 =	vld [tilespmem:s7+$0x4A50];
	v46 =	vpop (erf)  }
0xd3: {  	v47 =	vmul.f32 $1.442695020e+00, v48;
	v48 =	vsub.f32 $0.0e+00, v42;
	v29 =	vld [tilespmem:s7+$0x4E60];
	(erf) = vpow2.f32 v45  }
0xd4: {  	v49 =	vmul.f32 v46, v0;
	v33 =	vadd.f32 v37, v33;
	v31 =	vadd.f32 v38, v31;
	v45 =	vld [tilespmem:s7+$0x4A60];
	v38 =	vpop (erf)  }
0xd5: {  	v0 =	vld [tilespmem:s10+$0xE00];
	v46 =	vmul.f32 $1.442695020e+00, v48;
	v48 =	vsub.f32 $0.0e+00, v43;
	(erf) = vpow2.f32 v47  }
0xd6: {  	v33 =	vadd.f32 v49, v33;
	v31 =	vadd.f32 v36, v31;
	v49 =	vmul.f32 v38, v1;
	v47 =	vld [tilespmem:s7+$0x4A70];
	v37 =	vpop (erf)  }
0xd7: {  	v1 =	vld [tilespmem:s10+$0x2E00];
	v38 =	vmul.f32 $1.442695020e+00, v48;
	v48 =	vsub.f32 $0.0e+00, v44;
	(erf) = vpow2.f32 v46  }
0xd8: {  	v50 =	vmul.f32 v37, v27;
	v33 =	vadd.f32 v49, v33;
	v31 =	vadd.f32 v34, v31;
	v46 =	vld [tilespmem:s7+$0x4E00];
	v36 =	vpop (erf)  }
0xd9: {  	v37 =	vmul.f32 $1.442695020e+00, v48;
	v48 =	vsub.f32 $0.0e+00, v45;
	v27 =	vld [tilespmem:s7+$0x4E50];
	(erf) = vpow2.f32 v38  }
0xda: {  	v26 =	vmul.f32 v36, v26;
	v33 =	vadd.f32 v50, v33;
	v32 =	vadd.f32 v32, v31;
	v49 =	vld [tilespmem:s7+$0x4E10];
	v34 =	vpop (erf)  }
0xdb: {  	v31 =	vld [tilespmem:s10+$0xA70];
	v50 =	vmul.f32 $1.442695020e+00, v48;
	v38 =	vsub.f32 $0.0e+00, v47;
	(erf) = vpow2.f32 v37  }
0xdc: {  	v24 =	vmul.f32 v34, v24;
	v26 =	vadd.f32 v26, v33;
	v32 =	vadd.f32 v35, v32;
	v48 =	vld [tilespmem:s7+$0x4E20];
	v34 =	vpop (erf)  }
0xdd: {  	v33 =	vld [tilespmem:s10+$0x2A70];
	v35 =	vmul.f32 $1.442695020e+00, v38;
	v37 =	vsub.f32 $0.0e+00, v46;
	(erf) = vpow2.f32 v50  }
0xde: {  	v23 =	vmul.f32 v34, v23;
	v24 =	vadd.f32 v24, v26;
	v41 =	vadd.f32 v41, v32;
	v32 =	vld [tilespmem:s7+$0x4E30];
	v36 =	vpop (erf)  }
0xdf: {  	v37 =	vmul.f32 $1.442695020e+00, v37;
	v38 =	vsub.f32 $0.0e+00, v49;
	v50 =	vld [tilespmem:s7+$0x4E40];
	(erf) = vpow2.f32 v35;
	s7 =	smov.u32 s10  }
0xe0: {  	v21 =	vmul.f32 v36, v21;
	v34 =	vld [tilespmem:s7+$0xA60];
	v23 =	vadd.f32 v23, v24;
	v41 =	vadd.f32 v40, v41;
	v26 =	vpop (erf)  }
0xe1: {  	v36 =	vld [tilespmem:s7+$0x2A60];
	v38 =	vmul.f32 $1.442695020e+00, v38;
	v40 =	vsub.f32 $0.0e+00, v48;
	(erf) = vpow2.f32 v37  }
0xe2: {  	v19 =	vmul.f32 v26, v19;
	v35 =	vld [tilespmem:s7+$0xA50];
	v21 =	vadd.f32 v21, v23;
	v41 =	vadd.f32 v39, v41;
	v24 =	vpop (erf)  }
0xe3: {  	v37 =	vld [tilespmem:s7+$0x2A50];
	v26 =	vmul.f32 $1.442695020e+00, v40;
	v39 =	vsub.f32 $0.0e+00, v32;
	(erf) = vpow2.f32 v38  }
0xe4: {  	v16 =	vmul.f32 v24, v16;
	v38 =	vld [tilespmem:s7+$0xA40];
	v19 =	vadd.f32 v19, v21;
	v41 =	vadd.f32 v42, v41;
	v23 =	vpop (erf)  }
0xe5: {  	v42 =	vsub.f32 $0.0e+00, v50;
	v40 =	vld [tilespmem:s7+$0x2A40];
	v24 =	vmul.f32 $1.442695020e+00, v39;
	(erf) = vpow2.f32 v26  }
0xe6: {  	v11 =	vmul.f32 v23, v11;
	v39 =	vld [tilespmem:s7+$0xA30];
	v16 =	vadd.f32 v16, v19;
	v51 =	vadd.f32 v43, v41;
	v21 =	vpop (erf)  }
0xe7: {  	v26 =	vsub.f32 $0.0e+00, v27;
	v23 =	vmul.f32 $1.442695020e+00, v42;
	v41 =	vld [tilespmem:s7+$0x2A30];
	(erf) = vpow2.f32 v24  }
0xe8: {  	v14 =	vmul.f32 v21, v14;
	v43 =	vld [tilespmem:s7+$0xA20];
	v11 =	vadd.f32 v11, v16;
	v42 =	vadd.f32 v44, v51;
	v19 =	vpop (erf)  }
0xe9: {  	v21 =	vmul.f32 $1.442695020e+00, v26;
	v24 =	vsub.f32 $0.0e+00, v29;
	v44 =	vld [tilespmem:s7+$0x2A20];
	(erf) = vpow2.f32 v23  }
0xea: {  	v8 =	vmul.f32 v19, v8;
	v51 =	vld [tilespmem:s7+$0xA10];
	v11 =	vadd.f32 v14, v11;
	v26 =	vadd.f32 v45, v42;
	v16 =	vpop (erf)  }
0xeb: {  	v19 =	vmul.f32 $1.442695020e+00, v24;
	v23 =	vsub.f32 $0.0e+00, v25;
	v45 =	vld [tilespmem:s7+$0x2A10];
	(erf) = vpow2.f32 v21  }
0xec: {  	v6 =	vmul.f32 v16, v6;
	v52 =	vld [tilespmem:s7+$0xA00];
	v8 =	vadd.f32 v8, v11;
	v21 =	vadd.f32 v47, v26;
	v14 =	vpop (erf)  }
0xed: {  	v2 =	vsub.f32 v28, v2;
	v16 =	vmul.f32 $1.442695020e+00, v23;
	v47 =	vld [tilespmem:s7+$0x2A00];
	(erf) = vpow2.f32 v19  }
0xee: {  	v5 =	vmul.f32 v14, v5;
	v53 =	vld [tilespmem:s7+$0x670];
	v6 =	vadd.f32 v6, v8;
	v19 =	vadd.f32 v46, v21;
	v11 =	vpop (erf)  }
0xef: {  	v9 =	vsub.f32 v9, v22;
	v2 =	vmul.f32 v2, v2;
	v46 =	vld [tilespmem:s7+$0x2670];
	(erf) = vpow2.f32 v16  }
0xf0: {  	v4 =	vmul.f32 v11, v4;
	v22 =	vld [tilespmem:s7+$0x660];
	v5 =	vadd.f32 v5, v6;
	v14 =	vadd.f32 v49, v19;
	v8 =	vpop (erf)  }
0xf1: {  	v3 =	vsub.f32 v15, v3;
	v9 =	vmul.f32 v9, v9;
	v49 =	vld [tilespmem:s7+$0x2660]  }
0xf2: {  	v2 =	vmul.f32 v8, v2;
	v54 =	vld [tilespmem:s7+$0x650];
	v4 =	vadd.f32 v4, v5;
	v5 =	vadd.f32 v48, v14;
	v6 =	vpop (erf)  }
0xf3: {  	v3 =	vmul.f32 v3, v3;
	v8 =	vsub.f32 v12, v13;
	v48 =	vld [tilespmem:s7+$0x2650]  }
0xf4: {  	v9 =	vmul.f32 v6, v9;
	v55 =	vld [tilespmem:s7+$0x640];
	v2 =	vadd.f32 v2, v4;
	v4 =	vadd.f32 v32, v5;
	v6 =	vpop (erf)  }
0xf5: {  	v7 =	vsub.f32 v7, v10;
	v8 =	vmul.f32 v8, v8;
	v56 =	vld [tilespmem:s7+$0x2640]  }
0xf6: {  	v3 =	vmul.f32 v6, v3;
	v14 =	vld [tilespmem:s7+$0x630];
	v2 =	vadd.f32 v9, v2;
	v4 =	vadd.f32 v50, v4;
	v5 =	vpop (erf)  }
0xf7: {  	v6 =	vmul.f32 v7, v7;
	v16 =	vld [tilespmem:s7+$0x2630]  }
0xf8: {  	v19 =	vld [tilespmem:s7+$0x620];
	v2 =	vadd.f32 v3, v2;
	v3 =	vadd.f32 v27, v4;
	v4 =	vmul.f32 v5, v8;
	v5 =	vpop (erf)  }
0xf9: {  	v21 =	vld [tilespmem:s7+$0x2620]  }
0xfa: {  	v23 =	vld [tilespmem:s7+$0x610];
	v2 =	vadd.f32 v4, v2;
	v3 =	vadd.f32 v29, v3;
	v4 =	vmul.f32 v5, v6  }
0xfb: {  	v24 =	vld [tilespmem:s7+$0x2610]  }
0xfc: {  	v26 =	vld [tilespmem:s7+$0x600];
	v9 =	vadd.f32 v4, v2;
	v3 =	vadd.f32 v25, v3  }
0xfd: {  	v27 =	vld [tilespmem:s7+$0x2600]  }
0xfe: {  	v28 =	vld [tilespmem:s7+$0x270]  }
0xff: {  	v29 =	vld [tilespmem:s7+$0x2270]  }
0x100: {  	v4 =	vsub.f32 v17, v18;
	v2 =	vld [tilespmem:s7+$0x260]  }
0x101: {  	v6 =	vsub.f32 v0, v1;
	v5 =	vsub.f32 v20, v30;
	v42 =	vld [tilespmem:s7+$0x2260]  }
0x102: {  	v7 =	vsub.f32 v31, v33;
	v8 =	vsub.f32 v34, v36;
	v32 =	vld [tilespmem:s7+$0x250]  }
.Ltmp2:
0x103: {  	v10 =	vsub.f32 v35, v37;
	v11 =	vsub.f32 v38, v40;
	v33 =	vld [tilespmem:s7+$0x2250];
	(pc) =	sbr.rel @p0 .LBB2_3-.Ltmp2, $4  }
0x104: {  	v13 =	vsub.f32 v43, v44;
	v12 =	vsub.f32 v39, v41;
	v1 =	vld [tilespmem:s7+$0x240]  }
0x105: {  	v15 =	vsub.f32 v51, v45;
	v17 =	vsub.f32 v52, v47;
	v34 =	vld [tilespmem:s7+$0x2240]  }
0x106: {  	v20 =	vsub.f32 v22, v49;
	v18 =	vsub.f32 v53, v46;
	v37 =	vld [tilespmem:s7+$0x230]  }
0x107: {  	s22 =	sadd.s32 $0x200, s22;
	v22 =	vsub.f32 v54, v48;
	v25 =	vsub.f32 v55, v56;
	v30 =	vld [tilespmem:s7+$0x2230]  }
0x108: {  	v44 =	vld [tilespmem:s7+$0x4200]  }
0x109: {  	v46 =	vld [tilespmem:s7+$0x4210]  }
0x10a: {  	v54 =	vld [tilespmem:s7+$0x4220]  }
0x10b: {  	v59 =	vld [tilespmem:s7+$0x4230];
	v0 =	vsub.f32 v2, v42;
	_ =	sdelay $0x1  }
0x10c: {  	v62 =	vld [tilespmem:s7+$0x4250];
	[tilespmem:$0x1FDE0] =	vst v0;
	v0 =	vsub.f32 v1, v34;
	v41 =	vsub.f32 $0.0e+00, v44  }
0x10d: {  	v43 =	vsub.f32 $0.0e+00, v46  }
0x10e: {  	[tilespmem:$0x1FDD0] =	vst v0;
	v0 =	vld [tilespmem:s7+$0x4630];
	v48 =	vsub.f32 $0.0e+00, v54;
	v2 =	vmul.f32 $1.442695020e+00, v41  }
0x10f: {  	v35 =	vld [tilespmem:s7+$0x220];
	v49 =	vsub.f32 $0.0e+00, v59;
	v1 =	vmul.f32 $1.442695020e+00, v43  }
0x110: {  	v39 =	vld [tilespmem:s7+$0x210];
	(erf) = vpow2.f32 v2;
	v2 =	vmul.f32 $1.442695020e+00, v48  }
0x111: {  	v40 =	vld [tilespmem:s7+$0x200];
	v52 =	vsub.f32 $0.0e+00, v62;
	(erf) = vpow2.f32 v1;
	v1 =	vmul.f32 $1.442695020e+00, v49  }
0x112: {  	v61 =	vld [tilespmem:s7+$0x4240];
	(erf) = vpow2.f32 v2  }
0x113: {  	[tilespmem:$0x1FE30] =	vst v0;
	(erf) = vpow2.f32 v1;
	v1 =	vmul.f32 $1.442695020e+00, v52;
	v52 =	vsub.f32 $0.0e+00, v0;
	v0 =	vld [tilespmem:s7+$0x4A00]  }
0x114: {  	v63 =	vld [tilespmem:s7+$0x4260]  }
0x115: {  	v45 =	vld [tilespmem:s7+$0x4270]  }
0x116: {  	v50 =	vld [tilespmem:s7+$0x4600]  }
0x117: {  	v38 =	vld [tilespmem:s7+$0x4610]  }
0x118: {  	[tilespmem:$0x1FE80] =	vst v0;
	v49 =	vsub.f32 $0.0e+00, v0;
	v0 =	vld [tilespmem:s7+$0xE70]  }
0x119: {  	v31 =	vld [tilespmem:s7+$0x4620];
	v51 =	vsub.f32 $0.0e+00, v61  }
0x11a: {  	v56 =	vld [tilespmem:s7+$0x4640]  }
0x11b: {  	v58 =	vld [tilespmem:s7+$0x4650];
	v53 =	vsub.f32 $0.0e+00, v63;
	v2 =	vmul.f32 $1.442695020e+00, v51  }
0x11c: {  	v42 =	vld [tilespmem:s7+$0x2200];
	v55 =	vsub.f32 $0.0e+00, v45  }
0x11d: {  	v57 =	vsub.f32 $0.0e+00, v50;
	(erf) = vpow2.f32 v2;
	v2 =	vmul.f32 $1.442695020e+00, v53;
	[tilespmem:$0x1FFB0] =	vst v0;
	v0 =	vld [tilespmem:s7+$0x2E70]  }
0x11e: {  	v47 =	vld [tilespmem:s7+$0x4660];
	[tilespmem:$0x1FDF0] =	vst v45;
	v60 =	vsub.f32 $0.0e+00, v38;
	(erf) = vpow2.f32 v1;
	v1 =	vmul.f32 $1.442695020e+00, v55  }
0x11f: {  	[tilespmem:$0x1FE00] =	vst v50;
	v50 =	vld [tilespmem:s7+$0x4A10];
	v51 =	vsub.f32 $0.0e+00, v31;
	(erf) = vpow2.f32 v2;
	v2 =	vmul.f32 $1.442695020e+00, v57  }
0x120: {  	[tilespmem:$0x1FE20] =	vst v31;
	v45 =	vsub.f32 v37, v30;
	v31 =	vld [tilespmem:s7+$0x4670];
	(erf) = vpow2.f32 v1;
	v1 =	vmul.f32 $1.442695020e+00, v60  }
0x121: {  	v37 =	vld [tilespmem:s7+$0x4A40];
	v53 =	vsub.f32 $0.0e+00, v56;
	(erf) = vpow2.f32 v2;
	v2 =	vmul.f32 $1.442695020e+00, v51  }
0x122: {  	v40 =	vsub.f32 v40, v42;
	(erf) = vpow2.f32 v1;
	v1 =	vmul.f32 $1.442695020e+00, v52;
	[tilespmem:$0x1FFC0] =	vst v0;
	v0 =	vld [tilespmem:s7+$0xE60]  }
0x123: {  	[tilespmem:$0x1FE10] =	vst v38;
	v48 =	vld [tilespmem:s7+$0x2210];
	v55 =	vsub.f32 $0.0e+00, v58;
	(erf) = vpow2.f32 v2;
	v2 =	vmul.f32 $1.442695020e+00, v53  }
0x124: {  	[tilespmem:$0x1FE40] =	vst v56;
	v38 =	vld [tilespmem:s7+$0x4A20];
	v40 =	vmul.f32 v40, v40;
	v56 =	vsub.f32 $0.0e+00, v47  }
0x125: {  	[tilespmem:$0x1FE70] =	vst v31;
	v57 =	vsub.f32 $0.0e+00, v31;
	v31 =	vld [tilespmem:s7+$0x4A30];
	(erf) = vpow2.f32 v1;
	v1 =	vmul.f32 $1.442695020e+00, v55  }
0x126: {  	[tilespmem:$0x1FE50] =	vst v58;
	v30 =	vld [tilespmem:s7+$0x4A50];
	v41 =	vmul.f32 $1.442695020e+00, v56;
	v43 =	vpop (erf);
	(erf) = vpow2.f32 v2  }
0x127: {  	v56 =	vsub.f32 $0.0e+00, v37;
	v2 =	vpop (erf);
	(erf) = vpow2.f32 v1;
	v1 =	vmul.f32 $1.442695020e+00, v57;
	[tilespmem:$0x1FF90] =	vst v0;
	v0 =	vld [tilespmem:s7+$0x2E60]  }
0x128: {  	v36 =	vld [tilespmem:s7+$0x2220];
	[tilespmem:$0x1FE60] =	vst v47;
	v39 =	vsub.f32 v39, v48;
	v60 =	vsub.f32 $0.0e+00, v50;
	v55 =	vpop (erf);
	(erf) = vpow2.f32 v41  }
0x129: {  	[tilespmem:$0x1FE90] =	vst v50;
	v51 =	vsub.f32 $0.0e+00, v38;
	v48 =	vmul.f32 $1.442695020e+00, v56;
	v47 =	vpop (erf);
	(erf) = vpow2.f32 v1;
	v1 =	vld [tilespmem:s7+$0x4A60]  }
0x12a: {  	v56 =	vmul.f32 v39, v39;
	v58 =	vmul.f32 $1.442695020e+00, v49;
	[tilespmem:$0x1FEB0] =	vst v31;
	v53 =	vsub.f32 $0.0e+00, v31;
	v31 =	vld [tilespmem:s7+$0x4A70]  }
0x12b: {  	v44 =	vadd.f32 v44, v3;
	v3 =	vld [tilespmem:s7+$0x2E40];
	[tilespmem:$0x1FEA0] =	vst v38;
	v52 =	vmul.f32 $1.442695020e+00, v60;
	v42 =	vmul.f32 $1.442695020e+00, v51  }
0x12c: {  	p0 =	seq.s32 s24, $0x7;
	s22 =	sshll.u32 s24, $0x6;
	v43 =	vmul.f32 v43, v40;
	v50 =	vpop (erf);
	(erf) = vpow2.f32 v58;
	v58 =	vsub.f32 $0.0e+00, v30;
	[tilespmem:$0x1FFA0] =	vst v0;
	v0 =	vld [tilespmem:s7+$0xE50]  }
0x12d: {  	[tilespmem:$0x1FEC0] =	vst v37;
	v51 =	vld @!p0 [tilespmem:s22+$0x40];
	v41 =	vmul.f32 $1.442695020e+00, v53;
	v49 =	vpop (erf);
	(erf) = vpow2.f32 v52  }
0x12e: {  	v57 =	vpop (erf);
	(erf) = vpow2.f32 v42;
	v53 =	vmul.f32 $1.442695020e+00, v58;
	[tilespmem:$0x1FEE0] =	vst v1;
	v52 =	vsub.f32 $0.0e+00, v1;
	v1 =	vld [tilespmem:s7+$0x4E10]  }
0x12f: {  	[tilespmem:$0x1FED0] =	vst v30;
	v37 =	vmul.f32 v2, v56;
	v30 =	vld [tilespmem:s7+$0x4E00];
	v34 =	vsub.f32 $0.0e+00, v31;
	v60 =	vpop (erf);
	(erf) = vpow2.f32 v41  }
0x130: {  	v35 =	vsub.f32 v35, v36;
	[tilespmem:$0x1FEF0] =	vst v31;
	v31 =	vld [tilespmem:s7+$0x4E20];
	v42 =	vpop (erf);
	(erf) = vpow2.f32 v48;
	v58 =	vmul.f32 $1.442695020e+00, v52  }
0x131: {  	v38 =	vadd.f32 v43, v9;
	v2 =	vmul.f32 $1.442695020e+00, v34;
	v48 =	vpop (erf);
	(erf) = vpow2.f32 v53;
	[tilespmem:$0x1FF60] =	vst v0;
	v0 =	vld [tilespmem:s7+$0x2E50]  }
0x132: {  	v9 =	vshll.u32 @!p0 v51, $0x2;
	v36 =	vand.u32 @!p0 $0x7, v51;
	v53 =	vpop (erf);
	(erf) = vpow2.f32 v58  }
0x133: {  	v9 =	vand.u32 @!p0 $0xFFFFFFE0, v9;
	v43 =	vpop (erf);
	(erf) = vpow2.f32 v2;
	v2 =	vsub.f32 $0.0e+00, v1  }
0x134: {  	v36 =	vor.u32 @!p0 v36, v9;
	[tilespmem:$0x1FF20] =	vst v30;
	v40 =	vsub.f32 $0.0e+00, v30;
	v30 =	vlaneseq.u32 @!p0  }
0x135: {  	[tilespmem:$0x1FF40] =	vst v3;
	v3 =	vld [tilespmem:s7+$0xE30];
	v9 =	vmul.f32 v35, v35;
	v58 =	vmul.f32 $1.442695020e+00, v2;
	v2 =	vand.u32 @!p0 $0x7, v30  }
0x136: {  	v51 =	vld [tilespmem:s7+$0x4E30];
	v35 =	vmul.f32 $1.442695020e+00, v40;
	v34 =	vperm.xlane @!p0 v36, v2;
	[tilespmem:$0x1FF70] =	vst v0;
	v0 =	vsub.f32 $0.0e+00, v31  }
0x137: {  	v52 =	vld [tilespmem:s7+$0x4E40];
	v56 =	vshrl.u32 @!p0 v30, $0x3  }
0x138: {  	v39 =	vpop (erf);
	[tilespmem:$0x1FF50] =	vst v1;
	(erf) = vpow2.f32 v35;
	v2 =	vmul.u32 @!p0 $0x8, v56;
	v1 =	vmul.f32 $1.442695020e+00, v0;
	v0 =	vld [tilespmem:s7+$0xE40]  }
0x139: {  	[tilespmem:$0x1FF80] =	vst v31;
	v40 =	vpop (erf);
	v30 =	vor.u32 @!p0 $0x8, v30;
	v56 =	vld [tilespmem:s7+$0x4E50];
	(erf) = vpow2.f32 v58;
	v31 =	vmul.f32 v55, v9  }
0x13a: {  	v58 =	vld [tilespmem:s7+$0x4E70];
	v9 =	vadd.s32 @!p0 v2, v34;
	v34 =	vpop (erf);
	(erf) = vpow2.f32 v1;
	v1 =	vperm.xlane @!p0 v36, v30  }
0x13b: {  	v41 =	vsub.f32 $0.0e+00, v51;
	v55 =	vld [tilespmem:s7+$0x4E60]  }
0x13c: {  	[tilespmem:$0x1FF00] =	vst v3;
	v3 =	vadd.s32 @!p0 v2, v1;
	v1 =	vld [tilespmem:s7+$0x2E30]  }
0x13d: {  	v35 =	vmul.f32 $1.442695020e+00, v41;
	[tilespmem:$0x1FF30] =	vst v0;
	v0 =	vsub.f32 $0.0e+00, v52;
	_ =	sdelay $0x1  }
0x13e: {  	v30 =	vpop (erf);
	(erf) = vpow2.f32 v35;
	v35 =	vsub.f32 $0.0e+00, v56;
	v0 =	vmul.f32 $1.442695020e+00, v0  }
0x13f: {  	v2 =	vsub.f32 $0.0e+00, v55  }
0x140: {  	v41 =	vpop (erf);
	[tilespmem:$0x1FF10] =	vst v1;
	(erf) = vpow2.f32 v0;
	v1 =	vmul.f32 $1.442695020e+00, v35;
	v0 =	vsub.f32 $0.0e+00, v58  }
0x141: {  	v37 =	vadd.f32 v37, v38;
	v38 =	vmul.f32 v45, v45;
	v36 =	vpop (erf);
	v45 =	vmul.f32 $1.442695020e+00, v2  }
0x142: {  	v35 =	vpop (erf);
	(erf) = vpow2.f32 v1;
	v1 =	vmul.f32 $1.442695020e+00, v0  }
0x143: {  	v2 =	vpop (erf);
	(erf) = vpow2.f32 v45  }
0x144: {  	(erf) = vpow2.f32 v1;
	v1 =	vld [tilespmem:$0x1FDD0];
	_ =	sdelay $0x1  }
0x145: {  	vm1 =	vmmov @!p0 $0xffff;
	s9 =	simm.s32 @!p0 $0x0;
	s10 =	simm.s32 @!p0 $0x200  }
0x146: {  	[tilespmem:s10], [sflag:$0x1] =	stream.indirect_vreg.gather @!p0 [hbm4b:s3+s9], $0x80, v9, vm1, $0xb8;
	[tilespmem:$0x18280] =	vst v63  }
0x147: {  	s7 =	simm.s32 @!p0 $0xA00  }
0x148: {  	[tilespmem:s7], [sflag:$0x1] =	stream.indirect_vreg.gather @!p0 [hbm4b:s8+s9], $0x80, v9, vm1, $0xb8;
	v9 =	vadd.f32 v31, v37;
	v31 =	vmul.f32 v47, v38;
	v1 =	vmul.f32 v1, v1;
	[tilespmem:$0x18280] =	vst v63  }
0x149: {  	_ = 	snop  }
0x14a: {  	v9 =	vadd.f32 v31, v9;
	v0 =	vpop (erf);
	v1 =	vmul.f32 v50, v1  }
0x14b: {  	v44 =	vadd.f32 v46, v44;
	s7 =	simm.s32 @!p0 $0x1200;
	v37 =	vpop (erf)  }
0x14c: {  	v38 =	vsub.f32 v32, v33;
	[tilespmem:s7], [sflag:$0x1] =	stream.indirect_vreg.gather @!p0 [hbm4b:s3+s9], $0x80, v3, vm1, $0xb8;
	v32 =	vpop (erf);
	v1 =	vadd.f32 v1, v9;
	v9 =	vld [tilespmem:$0x1FDE0]  }
0x14d: {  	s7 =	simm.s32 @!p0 $0x1A00;
	v33 =	vpop (erf)  }
0x14e: {  	v44 =	vadd.f32 v54, v44;
	[tilespmem:s7], [sflag:$0x1] =	stream.indirect_vreg.gather @!p0 [hbm4b:s8+s9], $0x80, v3, vm1, $0xb8;
	v31 =	vpop (erf);
	[tilespmem:$0x18280] =	vst v63  }
0x14f: {  	v54 =	vsub.f32 v28, v29;
	v3 =	vmul.f32 v38, v38;
	s7 =	sadd.s32 @!p0 $0x40, s22;
	v29 =	vpop (erf)  }
0x150: {  	v44 =	vadd.f32 v59, v44;
	s7 =	sadd.s32 @!p0 s6, s7;
	v28 =	vpop (erf)  }
0x151: {  	v59 =	vsub.f32 v26, v27;
	v3 =	vmul.f32 v49, v3;
	s7 =	sshll.u32 @!p0 s7, $0x6;
	v27 =	vpop (erf);
	v9 =	vmul.f32 v9, v9  }
0x152: {  	s11 =	simm.s32 @!p0 $0x2200;
	v44 =	vadd.f32 v61, v44;
	v61 =	vsub.f32 v23, v24;
	s10 =	sadd.s32 @!p0 s1, s7;
	v26 =	vpop (erf)  }
0x153: {  	[tilespmem:s11], [sflag:$0x1] =	stream.linear.gather @!p0 [hbm4b:s10+s9], $0x2000, $0x38;
	v24 =	vpop (erf);
	v1 =	vadd.f32 v3, v1;
	v3 =	vmul.f32 v57, v9;
	v9 =	vmul.f32 v54, v54;
	[tilespmem:$0x18280] =	vst v63  }
0x154: {  	v19 =	vsub.f32 v19, v21;
	s7 =	sadd.s32 @!p0 s2, s7;
	s10 =	simm.s32 @!p0 $0x4200;
	v23 =	vpop (erf)  }
0x155: {  	[tilespmem:s10], [sflag:$0x1] =	stream.linear.gather @!p0 [hbm4b:s7+s9], $0x2000, $0x38;
	v21 =	vpop (erf);
	v1 =	vadd.f32 v3, v1;
	v3 =	vmul.f32 v60, v9;
	v9 =	vmul.f32 v59, v59;
	[tilespmem:$0x18280] =	vst v63  }
0x156: {  	v14 =	vsub.f32 v14, v16;
	_ =	swait.ge [sflag:s4], $0x2000  }
0x157: {  	v16 =	vld [tilespmem:$0x1FDF0];
	v1 =	vadd.f32 v3, v1;
	v3 =	vmul.f32 v42, v9;
	v9 =	vmul.f32 v61, v61  }
0x158: {  	v44 =	vadd.f32 v62, v44;
	[sflag:s4] =	ssyncset.done $0x0  }
0x159: {  	[sflag:s4] =	ssyncadd.s32 $0xFFFFE000;
	v1 =	vadd.f32 v3, v1;
	v3 =	vmul.f32 v48, v9;
	v9 =	vmul.f32 v19, v19;
	v19 =	vld [tilespmem:$0x1FE00]  }
0x15a: {  	v44 =	vadd.f32 v63, v44;
	_ =	swait.ge [sflag:s4], $0x2000  }
0x15b: {  	v1 =	vadd.f32 v3, v1;
	v3 =	vmul.f32 v53, v9;
	v9 =	vmul.f32 v14, v14;
	v14 =	vld [tilespmem:$0x1FE10]  }
0x15c: {  	v16 =	vadd.f32 v16, v44  }
0x15d: {  	[sflag:s4] =	ssyncset.done $0x0  }
0x15e: {  	[sflag:s4] =	ssyncadd.s32 $0xFFFFE000;
	v16 =	vadd.f32 v19, v16  }
0x15f: {  	_ =	swait.ge [sflag:s4], $0x2000  }
0x160: {  	v14 =	vadd.f32 v14, v16;
	v16 =	vld [tilespmem:$0x1FE20];
	_ =	sdelay $0x4  }
0x161: {  	v14 =	vadd.f32 v16, v14;
	v16 =	vld [tilespmem:$0x1FE30];
	_ =	sdelay $0x4  }
0x162: {  	v14 =	vadd.f32 v16, v14;
	v16 =	vld [tilespmem:$0x1FE40]  }
0x163: {  	s9 =	simm.s32 $0x0  }
0x164: {  	s11 =	sand.u32 $0x1000, s9;
	s12 =	sand.u32 $0x380, s9;
	[sflag:s4] =	ssyncset.done $0x0  }
0x165: {  	s7 =	sor.u32 s12, s11;
	[sflag:s4] =	ssyncadd.s32 $0xFFFFE000  }
0x166: {  	v1 =	vadd.f32 v3, v1;
	v3 =	vmul.f32 v43, v9;
	v9 =	vmul.f32 v25, v25;
	v25 =	vld [tilespmem:s7+$0x6E20]  }
0x167: {  	v14 =	vadd.f32 v16, v14;
	v16 =	vld [tilespmem:$0x1FE50]  }
0x168: {  	v38 =	vld [tilespmem:s7+$0x6E10]  }
0x169: {  	v1 =	vadd.f32 v3, v1;
	v3 =	vmul.f32 v39, v9;
	v39 =	vld [tilespmem:s7+$0x6E00]  }
0x16a: {  	v9 =	vmul.f32 v22, v22;
	v43 =	vld [tilespmem:s7+$0x6A30]  }
0x16b: {  	v44 =	vld [tilespmem:s7+$0x8A30];
	v1 =	vadd.f32 v3, v1  }
0x16c: {  	v3 =	vmul.f32 v40, v9;
	v9 =	vmul.f32 v20, v20;
	v14 =	vadd.f32 v16, v14;
	v16 =	vld [tilespmem:$0x1FE60]  }
0x16d: {  	v45 =	vld [tilespmem:s7+$0x6A20]  }
0x16e: {  	v46 =	vld [tilespmem:s7+$0x6A10];
	v1 =	vadd.f32 v3, v1;
	v3 =	vmul.f32 v34, v9  }
0x16f: {  	v47 =	vld [tilespmem:s7+$0x8A10];
	v9 =	vmul.f32 v18, v18  }
0x170: {  	v48 =	vld [tilespmem:s7+$0x6A00];
	v1 =	vadd.f32 v3, v1  }
0x171: {  	v3 =	vmul.f32 v17, v17;
	v9 =	vmul.f32 v30, v9;
	v14 =	vadd.f32 v16, v14;
	v16 =	vld [tilespmem:$0x1FE70]  }
0x172: {  	v49 =	vld [tilespmem:s7+$0x8A00]  }
0x173: {  	v50 =	vld [tilespmem:s7+$0x6670];
	v1 =	vadd.f32 v9, v1;
	v3 =	vmul.f32 v41, v3  }
0x174: {  	v53 =	vld [tilespmem:s7+$0x8670];
	v9 =	vmul.f32 v15, v15  }
0x175: {  	v54 =	vld [tilespmem:s7+$0x6660];
	v1 =	vadd.f32 v3, v1  }
0x176: {  	v3 =	vmul.f32 v13, v13;
	v9 =	vmul.f32 v36, v9;
	v14 =	vadd.f32 v16, v14;
	v16 =	vld [tilespmem:$0x1FE80]  }
0x177: {  	v57 =	vld [tilespmem:s7+$0x8660]  }
0x178: {  	v1 =	vadd.f32 v9, v1;
	v9 =	vmul.f32 v12, v12;
	v3 =	vmul.f32 v35, v3;
	v12 =	vld [tilespmem:$0x1FE90]  }
0x179: {  	v59 =	vld [tilespmem:s7+$0x6650]  }
0x17a: {  	v1 =	vadd.f32 v3, v1;
	v3 =	vmul.f32 v11, v11;
	v2 =	vmul.f32 v2, v9;
	v9 =	vld [tilespmem:$0x1FEA0]  }
0x17b: {  	v60 =	vld [tilespmem:s7+$0x8650];
	v14 =	vadd.f32 v16, v14  }
0x17c: {  	v1 =	vadd.f32 v2, v1;
	v2 =	vmul.f32 v10, v10;
	v0 =	vmul.f32 v0, v3;
	v3 =	vld [tilespmem:$0x1FEB0]  }
0x17d: {  	v61 =	vld [tilespmem:s7+$0x6640];
	v12 =	vadd.f32 v12, v14  }
0x17e: {  	v0 =	vadd.f32 v0, v1;
	v1 =	vmul.f32 v8, v8;
	v2 =	vmul.f32 v37, v2;
	v8 =	vld [tilespmem:$0x1FEC0]  }
0x17f: {  	v62 =	vld [tilespmem:s7+$0x8640];
	v9 =	vadd.f32 v9, v12  }
0x180: {  	v0 =	vadd.f32 v2, v0;
	v2 =	vmul.f32 v7, v7;
	v1 =	vmul.f32 v32, v1;
	v7 =	vld [tilespmem:$0x1FED0]  }
0x181: {  	v19 =	vld [tilespmem:s7+$0x8620];
	v3 =	vadd.f32 v3, v9  }
0x182: {  	v0 =	vadd.f32 v1, v0;
	v1 =	vmul.f32 v6, v6;
	v2 =	vmul.f32 v33, v2;
	v6 =	vld [tilespmem:$0x1FEE0]  }
0x183: {  	v22 =	vld [tilespmem:s7+$0x6610];
	v3 =	vadd.f32 v8, v3  }
0x184: {  	v0 =	vadd.f32 v2, v0;
	v2 =	vmul.f32 v5, v5;
	v5 =	vld [tilespmem:$0x1FEF0]  }
0x185: {  	v42 =	vld [tilespmem:s7+$0x8260];
	v1 =	vmul.f32 v31, v1;
	v3 =	vadd.f32 v7, v3  }
0x186: {  	v20 =	vld [tilespmem:s7+$0x8E20]  }
0x187: {  	v0 =	vadd.f32 v1, v0;
	v1 =	vmul.f32 v4, v4;
	v4 =	vld [tilespmem:$0x1FF20];
	v3 =	vadd.f32 v6, v3  }
0x188: {  	v6 =	vld [tilespmem:$0x1FF10]  }
0x189: {  	v3 =	vadd.f32 v5, v3;
	v5 =	vld [tilespmem:$0x1FF00]  }
0x18a: {  	v40 =	vld [tilespmem:s7+$0x6A70]  }
0x18b: {  	v34 =	vld [tilespmem:s7+$0x8E10]  }
0x18c: {  	v17 =	vld [tilespmem:s7+$0x8E00]  }
0x18d: {  	v3 =	vadd.f32 v4, v3;
	v4 =	vld [tilespmem:$0x1FF30]  }
0x18e: {  	v5 =	vsub.f32 v5, v6;
	v6 =	vld [tilespmem:$0x1FF40]  }
0x18f: {  	v30 =	vld [tilespmem:s7+$0x8270];
	v2 =	vmul.f32 v29, v2  }
0x190: {  	v15 =	vld [tilespmem:s7+$0x8A70]  }
0x191: {  	v0 =	vadd.f32 v2, v0;
	v2 =	vmul.f32 v5, v5;
	v5 =	vld [tilespmem:$0x1FF50]  }
0x192: {  	v41 =	vld [tilespmem:s7+$0x6A60]  }
0x193: {  	v13 =	vld [tilespmem:s7+$0x8A60];
	v1 =	vmul.f32 v28, v1;
	v4 =	vsub.f32 v4, v6  }
0x194: {  	v6 =	vld [tilespmem:$0x1FF70]  }
0x195: {  	v0 =	vadd.f32 v1, v0;
	v1 =	vmul.f32 v4, v4;
	v4 =	vld [tilespmem:$0x1FF80]  }
0x196: {  	v3 =	vadd.f32 v5, v3;
	v5 =	vld [tilespmem:$0x1FF60]  }
0x197: {  	v36 =	vld [tilespmem:s7+$0x6A50]  }
0x198: {  	v11 =	vld [tilespmem:s7+$0x8A40]  }
0x199: {  	v14 =	vld [tilespmem:s7+$0x6A40]  }
0x19a: {  	v3 =	vadd.f32 v4, v3;
	v4 =	vld [tilespmem:$0x1FF90]  }
0x19b: {  	v5 =	vsub.f32 v5, v6;
	v6 =	vld [tilespmem:$0x1FFA0]  }
0x19c: {  	v35 =	vld [tilespmem:s7+$0x8A50]  }
0x19d: {  	v37 =	vld [tilespmem:s7+$0x8A20]  }
0x19e: {  	v32 =	vld [tilespmem:s7+$0x6250]  }
0x19f: {  	v33 =	vld [tilespmem:s7+$0x8250]  }
0x1a0: {  	v31 =	vld [tilespmem:s7+$0x6240];
	v10 =	vsub.f32 v14, v11;
	v2 =	vmul.f32 v27, v2;
	v4 =	vsub.f32 v4, v6  }
0x1a1: {  	v11 =	vsub.f32 v43, v44;
	v8 =	vsub.f32 v36, v35;
	v6 =	vld [tilespmem:$0x1FFC0]  }
0x1a2: {  	v0 =	vadd.f32 v2, v0;
	v2 =	vadd.f32 v51, v3;
	v3 =	vmul.f32 v4, v4;
	v4 =	vld [tilespmem:$0x1FFB0]  }
0x1a3: {  	v29 =	vld [tilespmem:s7+$0x6270];
	v7 =	vsub.f32 v41, v13;
	v1 =	vmul.f32 v26, v1;
	v5 =	vmul.f32 v5, v5  }
0x1a4: {  	v16 =	vld [tilespmem:s7+$0x6620];
	v13 =	vsub.f32 v45, v37;
	v2 =	vadd.f32 v52, v2  }
0x1a5: {  	v12 =	vld [tilespmem:s7+$0x8630];
	v0 =	vadd.f32 v1, v0;
	v1 =	vmul.f32 v24, v5;
	v5 =	vsub.f32 v39, v17  }
0x1a6: {  	v9 =	vld [tilespmem:s7+$0x6630];
	v17 =	vsub.f32 v48, v49;
	v2 =	vadd.f32 v56, v2  }
0x1a7: {  	v36 =	vld [tilespmem:s7+$0x8240];
	v0 =	vadd.f32 v1, v0;
	v4 =	vsub.f32 v4, v6  }
0x1a8: {  	v37 =	vld [tilespmem:s7+$0x8230];
	v2 =	vadd.f32 v55, v2;
	v1 =	vmul.f32 v23, v3;
	v3 =	vsub.f32 v25, v20  }
0x1a9: {  	v27 =	vld [tilespmem:s7+$0x8600];
	v20 =	vsub.f32 v50, v53;
	v25 =	vsub.f32 v61, v62;
	v4 =	vmul.f32 v4, v4  }
0x1aa: {  	v24 =	vld [tilespmem:s7+$0x8610];
	v23 =	vsub.f32 v59, v60;
	v18 =	vadd.f32 v58, v2  }
0x1ab: {  	v26 =	vld [tilespmem:s7+$0x6600];
	v0 =	vadd.f32 v1, v0;
	v6 =	vsub.f32 v40, v15;
	v1 =	vmul.f32 v21, v4  }
0x1ac: {  	v2 =	vld [tilespmem:s7+$0x6260];
	v15 =	vsub.f32 v46, v47;
	v4 =	vsub.f32 v38, v34  }
0x1ad: {  	s10 =	simm.s32 $0x200;
	v34 =	vld [tilespmem:s7+$0x6230];
	v21 =	vsub.f32 v54, v57;
	v28 =	vadd.f32 v1, v0  }
.LBB2_5:
0x1ae: {  	p1 =	sne.s32 s10, $0x1E00;
	v35 =	vld [tilespmem:s7+$0x6220];
	v38 =	vsub.f32 v16, v19;
	v12 =	vsub.f32 v9, v12;
	v3 =	vmul.f32 v3, v3  }
0x1af: {  	v24 =	vsub.f32 v22, v24;
	v5 =	vmul.f32 v5, v5;
	v4 =	vmul.f32 v4, v4;
	v39 =	vld [tilespmem:s7+$0xA200]  }
0x1b0: {  	v41 =	vsub.f32 v26, v27;
	v9 =	vmul.f32 v7, v7;
	v7 =	vmul.f32 v6, v6;
	v40 =	vld [tilespmem:s7+$0x8220]  }
0x1b1: {  	v6 =	vsub.f32 v29, v30;
	v14 =	vmul.f32 v10, v10;
	v10 =	vmul.f32 v8, v8;
	v43 =	vld [tilespmem:s7+$0xA210]  }
0x1b2: {  	v2 =	vsub.f32 v2, v42;
	v16 =	vmul.f32 v13, v13;
	v13 =	vmul.f32 v11, v11;
	v8 =	vld [tilespmem:s7+$0x6210]  }
0x1b3: {  	v11 =	vsub.f32 v32, v33;
	v22 =	vmul.f32 v17, v17;
	v19 =	vmul.f32 v15, v15;
	v42 =	vld [tilespmem:s7+$0xA220]  }
0x1b4: {  	v27 =	vmul.f32 v21, v21;
	v26 =	vmul.f32 v20, v20;
	v15 =	vsub.f32 $0.0e+00, v39;
	v17 =	vld [tilespmem:s7+$0x8210]  }
0x1b5: {  	v0 =	vmul.f32 v25, v25;
	v1 =	vmul.f32 v23, v23;
	v21 =	vsub.f32 v31, v36;
	v20 =	vld [tilespmem:s7+$0xA230]  }
0x1b6: {  	v29 =	vmul.f32 v12, v12;
	v31 =	vld [tilespmem:s7+$0x6200];
	v15 =	vmul.f32 $1.442695020e+00, v15;
	v25 =	vsub.f32 $0.0e+00, v43  }
0x1b7: {  	v23 =	vmul.f32 v24, v24;
	v30 =	vmul.f32 v38, v38;
	v12 =	vsub.f32 v34, v37;
	v32 =	vld [tilespmem:s7+$0xA240]  }
0x1b8: {  	v24 =	vld [tilespmem:s7+$0x8200];
	v33 =	vmul.f32 $1.442695020e+00, v25;
	v34 =	vsub.f32 $0.0e+00, v42;
	(erf) = vpow2.f32 v15  }
0x1b9: {  	v36 =	vmul.f32 v6, v6;
	v15 =	vsub.f32 v35, v40;
	v25 =	vmul.f32 v41, v41;
	v35 =	vld [tilespmem:s7+$0xA250]  }
0x1ba: {  	v34 =	vmul.f32 $1.442695020e+00, v34;
	v37 =	vsub.f32 $0.0e+00, v20;
	v38 =	vld [tilespmem:s7+$0xA260];
	(erf) = vpow2.f32 v33  }
0x1bb: {  	v40 =	vmul.f32 v2, v2;
	v17 =	vsub.f32 v8, v17;
	v33 =	vmul.f32 v11, v11;
	v6 =	vld [tilespmem:s7+$0x6E70]  }
0x1bc: {  	v2 =	vmul.f32 $1.442695020e+00, v37;
	v11 =	vsub.f32 $0.0e+00, v32;
	v37 =	vld [tilespmem:s7+$0xA270];
	(erf) = vpow2.f32 v34  }
0x1bd: {  	v21 =	vmul.f32 v21, v21;
	v24 =	vsub.f32 v31, v24;
	v31 =	vmul.f32 v12, v12;
	v8 =	vld [tilespmem:s7+$0x8E70]  }
0x1be: {  	v12 =	vmul.f32 $1.442695020e+00, v11;
	v34 =	vsub.f32 $0.0e+00, v35;
	v41 =	vld [tilespmem:s7+$0xA600];
	(erf) = vpow2.f32 v2  }
0x1bf: {  	v2 =	vmul.f32 v24, v24;
	v24 =	vmul.f32 v15, v15;
	v15 =	vsub.f32 $0.0e+00, v38;
	v11 =	vld [tilespmem:s7+$0x6E60]  }
0x1c0: {  	v34 =	vmul.f32 $1.442695020e+00, v34;
	v44 =	vld [tilespmem:s7+$0xA610];
	(erf) = vpow2.f32 v12  }
0x1c1: {  	v17 =	vmul.f32 v17, v17;
	v45 =	vmul.f32 $1.442695020e+00, v15;
	v15 =	vsub.f32 $0.0e+00, v37;
	v12 =	vld [tilespmem:s7+$0x8E60];
	v46 =	vpop (erf)  }
0x1c2: {  	v2 =	vmul.f32 v46, v2;
	v46 =	vld [tilespmem:s7+$0xA620];
	(erf) = vpow2.f32 v34  }
0x1c3: {  	v34 =	vmul.f32 $1.442695020e+00, v15;
	v47 =	vsub.f32 $0.0e+00, v41;
	v15 =	vld [tilespmem:s7+$0x6E50];
	v48 =	vpop (erf);
	(erf) = vpow2.f32 v45  }
0x1c4: {  	v18 =	vadd.f32 v39, v18;
	v2 =	vadd.f32 v2, v28;
	v28 =	vmul.f32 v48, v17;
	v39 =	vld [tilespmem:s7+$0xA630]  }
0x1c5: {  	v45 =	vmul.f32 $1.442695020e+00, v47;
	v47 =	vsub.f32 $0.0e+00, v44;
	v17 =	vld [tilespmem:s7+$0x8E50];
	v48 =	vpop (erf);
	(erf) = vpow2.f32 v34  }
0x1c6: {  	v2 =	vadd.f32 v28, v2;
	v28 =	vadd.f32 v43, v18;
	v24 =	vmul.f32 v48, v24;
	v34 =	vld [tilespmem:s7+$0xA640]  }
0x1c7: {  	v43 =	vmul.f32 $1.442695020e+00, v47;
	v47 =	vsub.f32 $0.0e+00, v46;
	v18 =	vld [tilespmem:s7+$0x6E40];
	v48 =	vpop (erf);
	(erf) = vpow2.f32 v45  }
0x1c8: {  	v2 =	vadd.f32 v24, v2;
	v28 =	vadd.f32 v42, v28;
	v31 =	vmul.f32 v48, v31;
	v42 =	vld [tilespmem:s7+$0xA650]  }
0x1c9: {  	v45 =	vmul.f32 $1.442695020e+00, v47;
	v47 =	vsub.f32 $0.0e+00, v39;
	v24 =	vld [tilespmem:s7+$0x8E40];
	v48 =	vpop (erf);
	(erf) = vpow2.f32 v43  }
0x1ca: {  	v2 =	vadd.f32 v31, v2;
	v20 =	vadd.f32 v20, v28;
	v21 =	vmul.f32 v48, v21;
	v43 =	vld [tilespmem:s7+$0xA660]  }
0x1cb: {  	v31 =	vmul.f32 $1.442695020e+00, v47;
	v47 =	vsub.f32 $0.0e+00, v34;
	v28 =	vld [tilespmem:s7+$0x6E30];
	v48 =	vpop (erf);
	(erf) = vpow2.f32 v45  }
0x1cc: {  	s9 =	sadd.s32 $0x80, s9;
	v21 =	vadd.f32 v21, v2;
	v20 =	vadd.f32 v32, v20;
	v32 =	vmul.f32 v48, v33;
	v45 =	vld [tilespmem:s7+$0xA670];
	v33 =	vpop (erf)  }
0x1cd: {  	s11 =	sand.u32 $0x1000, s10;
	s12 =	sand.u32 $0x380, s9;
	v47 =	vmul.f32 $1.442695020e+00, v47;
	v48 =	vsub.f32 $0.0e+00, v42;
	v2 =	vld [tilespmem:s7+$0x8E30];
	(erf) = vpow2.f32 v31  }
0x1ce: {  	s11 =	sor.u32 s12, s11;
	v21 =	vadd.f32 v32, v21;
	v31 =	vadd.f32 v35, v20;
	v32 =	vmul.f32 v33, v40;
	v35 =	vld [tilespmem:s7+$0xAA00];
	v33 =	vpop (erf)  }
0x1cf: {  	v20 =	vld [tilespmem:s11+$0x6E20];
	v40 =	vmul.f32 $1.442695020e+00, v48;
	v48 =	vsub.f32 $0.0e+00, v43;
	(erf) = vpow2.f32 v47  }
0x1d0: {  	v33 =	vmul.f32 v33, v36;
	v32 =	vadd.f32 v32, v21;
	v31 =	vadd.f32 v38, v31;
	v36 =	vld [tilespmem:s7+$0xAA10];
	v38 =	vpop (erf)  }
0x1d1: {  	v21 =	vld [tilespmem:s11+$0x8E20];
	v47 =	vmul.f32 $1.442695020e+00, v48;
	v48 =	vsub.f32 $0.0e+00, v45;
	(erf) = vpow2.f32 v40  }
0x1d2: {  	v32 =	vadd.f32 v33, v32;
	v31 =	vadd.f32 v37, v31;
	v33 =	vmul.f32 v38, v25;
	v38 =	vld [tilespmem:s7+$0xAA20];
	v37 =	vpop (erf)  }
0x1d3: {  	v40 =	vmul.f32 $1.442695020e+00, v48;
	v48 =	vsub.f32 $0.0e+00, v35;
	v25 =	vld [tilespmem:s7+$0xAE70];
	(erf) = vpow2.f32 v47  }
0x1d4: {  	v32 =	vadd.f32 v33, v32;
	v31 =	vadd.f32 v41, v31;
	v33 =	vmul.f32 v37, v23;
	v41 =	vld [tilespmem:s7+$0xAA30];
	v37 =	vpop (erf)  }
0x1d5: {  	v23 =	vld [tilespmem:s11+$0x6E10];
	v47 =	vmul.f32 $1.442695020e+00, v48;
	v48 =	vsub.f32 $0.0e+00, v36;
	(erf) = vpow2.f32 v40  }
0x1d6: {  	v30 =	vmul.f32 v37, v30;
	v32 =	vadd.f32 v33, v32;
	v33 =	vadd.f32 v44, v31;
	v40 =	vld [tilespmem:s7+$0xAA40];
	v37 =	vpop (erf)  }
0x1d7: {  	v31 =	vld [tilespmem:s11+$0x8E10];
	v44 =	vmul.f32 $1.442695020e+00, v48;
	v48 =	vsub.f32 $0.0e+00, v38;
	(erf) = vpow2.f32 v47  }
0x1d8: {  	v30 =	vadd.f32 v30, v32;
	v32 =	vadd.f32 v46, v33;
	v33 =	vmul.f32 v37, v29;
	v46 =	vld [tilespmem:s7+$0xAA50];
	v37 =	vpop (erf)  }
0x1d9: {  	v47 =	vmul.f32 $1.442695020e+00, v48;
	v48 =	vsub.f32 $0.0e+00, v41;
	v29 =	vld [tilespmem:s7+$0xAE60];
	(erf) = vpow2.f32 v44  }
0x1da: {  	v30 =	vadd.f32 v33, v30;
	v32 =	vadd.f32 v39, v32;
	v33 =	vmul.f32 v37, v0;
	v44 =	vld [tilespmem:s7+$0xAA60];
	v37 =	vpop (erf)  }
0x1db: {  	v0 =	vld [tilespmem:s11+$0x6E00];
	v39 =	vmul.f32 $1.442695020e+00, v48;
	v48 =	vsub.f32 $0.0e+00, v40;
	(erf) = vpow2.f32 v47  }
0x1dc: {  	v30 =	vadd.f32 v33, v30;
	v32 =	vadd.f32 v34, v32;
	v33 =	vmul.f32 v37, v1;
	v47 =	vld [tilespmem:s7+$0xAA70];
	v34 =	vpop (erf)  }
0x1dd: {  	v1 =	vld [tilespmem:s11+$0x8E00];
	v37 =	vmul.f32 $1.442695020e+00, v48;
	v48 =	vsub.f32 $0.0e+00, v46;
	(erf) = vpow2.f32 v39  }
0x1de: {  	v30 =	vadd.f32 v33, v30;
	v32 =	vadd.f32 v42, v32;
	v33 =	vmul.f32 v34, v27;
	v42 =	vld [tilespmem:s7+$0xAE00];
	v34 =	vpop (erf)  }
0x1df: {  	v49 =	vmul.f32 $1.442695020e+00, v48;
	v48 =	vsub.f32 $0.0e+00, v44;
	v27 =	vld [tilespmem:s7+$0xAE50];
	(erf) = vpow2.f32 v37  }
0x1e0: {  	v26 =	vmul.f32 v34, v26;
	v30 =	vadd.f32 v33, v30;
	v32 =	vadd.f32 v43, v32;
	v43 =	vld [tilespmem:s7+$0xAE10];
	v34 =	vpop (erf)  }
0x1e1: {  	v33 =	vld [tilespmem:s11+$0x6A70];
	v50 =	vmul.f32 $1.442695020e+00, v48;
	v48 =	vsub.f32 $0.0e+00, v47;
	(erf) = vpow2.f32 v49  }
0x1e2: {  	v22 =	vmul.f32 v34, v22;
	v26 =	vadd.f32 v26, v30;
	v30 =	vadd.f32 v45, v32;
	v32 =	vld [tilespmem:s7+$0xAE20];
	v39 =	vpop (erf)  }
0x1e3: {  	v34 =	vld [tilespmem:s11+$0x8A70];
	v45 =	vmul.f32 $1.442695020e+00, v48;
	v48 =	vsub.f32 $0.0e+00, v42;
	(erf) = vpow2.f32 v50  }
0x1e4: {  	v19 =	vmul.f32 v39, v19;
	v22 =	vadd.f32 v22, v26;
	v50 =	vadd.f32 v35, v30;
	v30 =	vld [tilespmem:s7+$0xAE30];
	v37 =	vpop (erf)  }
0x1e5: {  	v39 =	vmul.f32 $1.442695020e+00, v48;
	v48 =	vsub.f32 $0.0e+00, v43;
	v49 =	vld [tilespmem:s7+$0xAE40];
	(erf) = vpow2.f32 v45;
	s7 =	smov.u32 s11  }
0x1e6: {  	v16 =	vmul.f32 v37, v16;
	v35 =	vld [tilespmem:s7+$0x6A60];
	v19 =	vadd.f32 v19, v22;
	v22 =	vadd.f32 v36, v50;
	v26 =	vpop (erf)  }
0x1e7: {  	v37 =	vld [tilespmem:s7+$0x8A60];
	v45 =	vmul.f32 $1.442695020e+00, v48;
	v48 =	vsub.f32 $0.0e+00, v32;
	(erf) = vpow2.f32 v39  }
0x1e8: {  	v36 =	vld [tilespmem:s7+$0x6A50];
	v16 =	vadd.f32 v16, v19;
	v19 =	vadd.f32 v38, v22;
	v22 =	vmul.f32 v26, v13;
	v26 =	vpop (erf)  }
0x1e9: {  	v13 =	vld [tilespmem:s7+$0x8A50];
	v48 =	vmul.f32 $1.442695020e+00, v48;
	v50 =	vsub.f32 $0.0e+00, v30;
	(erf) = vpow2.f32 v45  }
0x1ea: {  	v51 =	vmul.f32 v26, v14;
	v38 =	vld [tilespmem:s7+$0x6A40];
	v16 =	vadd.f32 v22, v16;
	v19 =	vadd.f32 v41, v19;
	v26 =	vpop (erf)  }
0x1eb: {  	v45 =	vsub.f32 $0.0e+00, v49;
	v39 =	vld [tilespmem:s7+$0x8A40];
	v41 =	vmul.f32 $1.442695020e+00, v50;
	(erf) = vpow2.f32 v48  }
0x1ec: {  	v10 =	vmul.f32 v26, v10;
	v14 =	vld [tilespmem:s7+$0x6A30];
	v16 =	vadd.f32 v51, v16;
	v48 =	vadd.f32 v40, v19;
	v22 =	vpop (erf)  }
0x1ed: {  	v26 =	vmul.f32 $1.442695020e+00, v45;
	v45 =	vsub.f32 $0.0e+00, v27;
	v40 =	vld [tilespmem:s7+$0x8A30];
	(erf) = vpow2.f32 v41  }
0x1ee: {  	v9 =	vmul.f32 v22, v9;
	v41 =	vld [tilespmem:s7+$0x6A20];
	v10 =	vadd.f32 v10, v16;
	v50 =	vadd.f32 v46, v48;
	v19 =	vpop (erf)  }
0x1ef: {  	v22 =	vmul.f32 $1.442695020e+00, v45;
	v45 =	vsub.f32 $0.0e+00, v29;
	v46 =	vld [tilespmem:s7+$0x8A20];
	(erf) = vpow2.f32 v26  }
0x1f0: {  	v7 =	vmul.f32 v19, v7;
	v48 =	vld [tilespmem:s7+$0x6A10];
	v9 =	vadd.f32 v9, v10;
	v50 =	vadd.f32 v44, v50;
	v16 =	vpop (erf)  }
0x1f1: {  	v26 =	vsub.f32 $0.0e+00, v25;
	v19 =	vmul.f32 $1.442695020e+00, v45;
	v44 =	vld [tilespmem:s7+$0x8A10];
	(erf) = vpow2.f32 v22  }
0x1f2: {  	v5 =	vmul.f32 v16, v5;
	v45 =	vld [tilespmem:s7+$0x6A00];
	v7 =	vadd.f32 v7, v9;
	v22 =	vadd.f32 v47, v50;
	v10 =	vpop (erf)  }
0x1f3: {  	v2 =	vsub.f32 v28, v2;
	v16 =	vmul.f32 $1.442695020e+00, v26;
	v47 =	vld [tilespmem:s7+$0x8A00];
	(erf) = vpow2.f32 v19  }
0x1f4: {  	v4 =	vmul.f32 v10, v4;
	v50 =	vld [tilespmem:s7+$0x6670];
	v5 =	vadd.f32 v5, v7;
	v19 =	vadd.f32 v42, v22;
	v9 =	vpop (erf)  }
0x1f5: {  	v2 =	vmul.f32 v2, v2;
	v10 =	vsub.f32 v18, v24;
	v51 =	vld [tilespmem:s7+$0x8670];
	(erf) = vpow2.f32 v16  }
0x1f6: {  	v3 =	vmul.f32 v9, v3;
	v52 =	vld [tilespmem:s7+$0x6660];
	v4 =	vadd.f32 v4, v5;
	v16 =	vadd.f32 v43, v19;
	v7 =	vpop (erf)  }
0x1f7: {  	v9 =	vmul.f32 v10, v10;
	v10 =	vsub.f32 v15, v17;
	v43 =	vld [tilespmem:s7+$0x8660]  }
0x1f8: {  	v2 =	vmul.f32 v7, v2;
	v53 =	vld [tilespmem:s7+$0x6650];
	v3 =	vadd.f32 v3, v4;
	v4 =	vadd.f32 v32, v16;
	v5 =	vpop (erf)  }
0x1f9: {  	v7 =	vmul.f32 v10, v10;
	v10 =	vsub.f32 v11, v12;
	v54 =	vld [tilespmem:s7+$0x8650]  }
0x1fa: {  	v55 =	vld [tilespmem:s7+$0x6640];
	v2 =	vadd.f32 v2, v3;
	v3 =	vadd.f32 v30, v4;
	v4 =	vmul.f32 v5, v9;
	v5 =	vpop (erf)  }
0x1fb: {  	v6 =	vsub.f32 v6, v8;
	v10 =	vmul.f32 v10, v10;
	v56 =	vld [tilespmem:s7+$0x8640]  }
0x1fc: {  	v9 =	vld [tilespmem:s7+$0x6630];
	v2 =	vadd.f32 v4, v2;
	v3 =	vadd.f32 v49, v3;
	v4 =	vmul.f32 v5, v7;
	v5 =	vpop (erf)  }
0x1fd: {  	v6 =	vmul.f32 v6, v6;
	v12 =	vld [tilespmem:s7+$0x8630]  }
0x1fe: {  	v16 =	vld [tilespmem:s7+$0x6620];
	v2 =	vadd.f32 v4, v2;
	v3 =	vadd.f32 v27, v3;
	v4 =	vmul.f32 v5, v10;
	v5 =	vpop (erf)  }
0x1ff: {  	v19 =	vld [tilespmem:s7+$0x8620]  }
0x200: {  	v22 =	vld [tilespmem:s7+$0x6610];
	v2 =	vadd.f32 v4, v2;
	v3 =	vadd.f32 v29, v3;
	v4 =	vmul.f32 v5, v6  }
0x201: {  	v24 =	vld [tilespmem:s7+$0x8610]  }
0x202: {  	v26 =	vld [tilespmem:s7+$0x6600];
	v28 =	vadd.f32 v4, v2;
	v18 =	vadd.f32 v25, v3  }
0x203: {  	v27 =	vld [tilespmem:s7+$0x8600]  }
0x204: {  	v29 =	vld [tilespmem:s7+$0x6270]  }
0x205: {  	v30 =	vld [tilespmem:s7+$0x8270]  }
0x206: {  	v3 =	vsub.f32 v20, v21;
	v2 =	vld [tilespmem:s7+$0x6260]  }
0x207: {  	v5 =	vsub.f32 v0, v1;
	v4 =	vsub.f32 v23, v31;
	v42 =	vld [tilespmem:s7+$0x8260]  }
0x208: {  	v7 =	vsub.f32 v35, v37;
	v6 =	vsub.f32 v33, v34;
	v32 =	vld [tilespmem:s7+$0x6250]  }
.Ltmp3:
0x209: {  	v8 =	vsub.f32 v36, v13;
	v10 =	vsub.f32 v38, v39;
	v33 =	vld [tilespmem:s7+$0x8250];
	(pc) =	sbr.rel @p1 .LBB2_5-.Ltmp3, $4  }
0x20a: {  	v13 =	vsub.f32 v41, v46;
	v11 =	vsub.f32 v14, v40;
	v31 =	vld [tilespmem:s7+$0x6240]  }
0x20b: {  	v15 =	vsub.f32 v48, v44;
	v17 =	vsub.f32 v45, v47;
	v36 =	vld [tilespmem:s7+$0x8240]  }
0x20c: {  	v21 =	vsub.f32 v52, v43;
	v20 =	vsub.f32 v50, v51;
	v34 =	vld [tilespmem:s7+$0x6230]  }
0x20d: {  	s10 =	sadd.s32 $0x200, s10;
	v25 =	vsub.f32 v55, v56;
	v23 =	vsub.f32 v53, v54;
	v37 =	vld [tilespmem:s7+$0x8230]  }
0x20e: {  	v53 =	vld [tilespmem:s7+$0xA200]  }
0x20f: {  	v48 =	vld [tilespmem:s7+$0xA210];
	_ =	sdelay $0x3  }
0x210: {  	v14 =	vld [tilespmem:s7+$0x6220];
	v39 =	vsub.f32 $0.0e+00, v53  }
0x211: {  	v40 =	vld [tilespmem:s7+$0x6210];
	v45 =	vsub.f32 $0.0e+00, v48  }
0x212: {  	v50 =	vld [tilespmem:s7+$0xA220];
	v41 =	vmul.f32 $1.442695020e+00, v39  }
0x213: {  	v54 =	vld [tilespmem:s7+$0xA230];
	v45 =	vmul.f32 $1.442695020e+00, v45  }
0x214: {  	v60 =	vld [tilespmem:s7+$0xA240];
	(erf) = vpow2.f32 v41  }
0x215: {  	v1 =	vld [tilespmem:s7+$0xA260];
	(erf) = vpow2.f32 v45  }
0x216: {  	v43 =	vld [tilespmem:s7+$0x8210];
	v0 =	vsub.f32 v2, v42  }
0x217: {  	v44 =	vld [tilespmem:s7+$0x6200];
	v2 =	vsub.f32 $0.0e+00, v50  }
0x218: {  	v46 =	vld [tilespmem:s7+$0x8200];
	[tilespmem:$0x1FBC0] =	vst v0;
	v0 =	vsub.f32 v31, v36;
	v31 =	vsub.f32 $0.0e+00, v54  }
0x219: {  	v38 =	vld [tilespmem:s7+$0x8220];
	v51 =	vsub.f32 $0.0e+00, v60;
	v2 =	vmul.f32 $1.442695020e+00, v2  }
0x21a: {  	[tilespmem:$0x1FBD0] =	vst v1;
	v58 =	vsub.f32 $0.0e+00, v1;
	v1 =	vld [tilespmem:s7+$0xA650];
	v31 =	vmul.f32 $1.442695020e+00, v31  }
0x21b: {  	v59 =	vld [tilespmem:s7+$0xA250];
	v52 =	vsub.f32 v40, v43;
	(erf) = vpow2.f32 v2;
	v2 =	vmul.f32 $1.442695020e+00, v51  }
0x21c: {  	v61 =	vld [tilespmem:s7+$0xA270];
	(erf) = vpow2.f32 v31  }
0x21d: {  	v57 =	vld [tilespmem:s7+$0xA610];
	v55 =	vsub.f32 v44, v46;
	(erf) = vpow2.f32 v2;
	v2 =	vmul.f32 v52, v52;
	v44 =	vpop (erf)  }
0x21e: {  	[tilespmem:$0x1FBB0] =	vst v0;
	v0 =	vld [tilespmem:s7+$0x6E70];
	v46 =	vpop (erf)  }
0x21f: {  	[tilespmem:$0x1FC20] =	vst v1;
	v51 =	vmul.f32 v46, v2;
	v46 =	vsub.f32 $0.0e+00, v1;
	v1 =	vld [tilespmem:s7+$0xAA20]  }
0x220: {  	v62 =	vld [tilespmem:s7+$0xA600]  }
0x221: {  	v35 =	vld [tilespmem:s7+$0xA620]  }
0x222: {  	v63 =	vld [tilespmem:s7+$0xA630];
	[tilespmem:$0x1FBE0] =	vst v57;
	v43 =	vsub.f32 $0.0e+00, v61  }
0x223: {  	v47 =	vsub.f32 $0.0e+00, v57;
	v57 =	vld [tilespmem:s7+$0xA670];
	[tilespmem:$0x1FD90] =	vst v0;
	v0 =	vsub.f32 v34, v37  }
0x224: {  	v37 =	vmul.f32 $1.442695020e+00, v43;
	[tilespmem:$0x1FC70] =	vst v1;
	v43 =	vsub.f32 $0.0e+00, v1;
	v1 =	vld [tilespmem:s7+$0x8E70]  }
0x225: {  	v56 =	vsub.f32 $0.0e+00, v59;
	[tilespmem:$0x1FBA0] =	vst v0;
	v0 =	vsub.f32 v14, v38;
	v14 =	vld [tilespmem:s7+$0xA640]  }
0x226: {  	v42 =	vmul.f32 $1.442695020e+00, v58  }
0x227: {  	v34 =	vmul.f32 $1.442695020e+00, v56;
	v31 =	vmul.f32 v55, v55  }
0x228: {  	[tilespmem:$0x1FC00] =	vst v63;
	v36 =	vmul.f32 $1.442695020e+00, v47;
	v56 =	vsub.f32 $0.0e+00, v35;
	v45 =	vsub.f32 $0.0e+00, v62;
	v55 =	vld [tilespmem:s7+$0xA660]  }
0x229: {  	v52 =	vsub.f32 $0.0e+00, v57;
	(erf) = vpow2.f32 v34;
	v31 =	vmul.f32 v44, v31;
	[tilespmem:$0x1FDA0] =	vst v1;
	v1 =	vld [tilespmem:s7+$0x6E60]  }
0x22a: {  	[tilespmem:$0x1FC10] =	vst v14;
	(erf) = vpow2.f32 v42;
	v44 =	vsub.f32 $0.0e+00, v14;
	v14 =	vld [tilespmem:s7+$0xAA10];
	v2 =	vmul.f32 $1.442695020e+00, v45  }
0x22b: {  	v58 =	vsub.f32 $0.0e+00, v63;
	v63 =	vld [tilespmem:s7+$0xAA00];
	[tilespmem:$0x1FC40] =	vst v57;
	v57 =	vmul.f32 $1.442695020e+00, v52;
	(erf) = vpow2.f32 v37  }
0x22c: {  	(erf) = vpow2.f32 v2;
	v2 =	vmul.f32 $1.442695020e+00, v56  }
0x22d: {  	v41 =	vld [tilespmem:s7+$0xAA30];
	v45 =	vmul.f32 $1.442695020e+00, v58;
	(erf) = vpow2.f32 v36  }
0x22e: {  	v47 =	vsub.f32 $0.0e+00, v55;
	(erf) = vpow2.f32 v2;
	v2 =	vmul.f32 $1.442695020e+00, v44;
	[tilespmem:$0x1FD60] =	vst v1;
	v1 =	vld [tilespmem:s7+$0x8E60]  }
0x22f: {  	[tilespmem:$0x1FC30] =	vst v55;
	v55 =	vld [tilespmem:s7+$0xAA40];
	v49 =	vmul.f32 $1.442695020e+00, v46;
	v58 =	vsub.f32 $0.0e+00, v14;
	(erf) = vpow2.f32 v45  }
0x230: {  	[tilespmem:$0x1FBF0] =	vst v35;
	v35 =	vld [tilespmem:s7+$0xAA50];
	v56 =	vsub.f32 $0.0e+00, v63;
	(erf) = vpow2.f32 v2;
	v2 =	vmul.f32 $1.442695020e+00, v47  }
0x231: {  	[tilespmem:$0x1FC50] =	vst v63;
	v63 =	vld [tilespmem:s7+$0xAA60];
	(erf) = vpow2.f32 v49;
	v49 =	vmul.f32 $1.442695020e+00, v58  }
0x232: {  	[tilespmem:$0x1FC60] =	vst v14;
	v14 =	vld [tilespmem:s7+$0xAA70];
	v47 =	vpop (erf);
	(erf) = vpow2.f32 v2;
	v2 =	vmul.f32 $1.442695020e+00, v56  }
0x233: {  	v52 =	vsub.f32 $0.0e+00, v41;
	v42 =	vmul.f32 v0, v0;
	v39 =	vpop (erf);
	(erf) = vpow2.f32 v57;
	[tilespmem:$0x1FD70] =	vst v1;
	v1 =	vld [tilespmem:s7+$0x6E50]  }
0x234: {  	[tilespmem:$0x1FC90] =	vst v55;
	v55 =	vsub.f32 $0.0e+00, v55;
	v45 =	vpop (erf);
	(erf) = vpow2.f32 v2;
	v2 =	vmul.f32 $1.442695020e+00, v43  }
0x235: {  	v56 =	vmul.f32 $1.442695020e+00, v52;
	v46 =	vpop (erf);
	v57 =	vsub.f32 $0.0e+00, v35;
	(erf) = vpow2.f32 v49  }
0x236: {  	[tilespmem:$0x1FCA0] =	vst v35;
	v58 =	vsub.f32 $0.0e+00, v63;
	v35 =	vld [tilespmem:s7+$0xAE00];
	v49 =	vpop (erf);
	(erf) = vpow2.f32 v2;
	v2 =	vmul.f32 $1.442695020e+00, v55  }
0x237: {  	v0 =	vld [tilespmem:s7+$0x8E50];
	[tilespmem:$0x1FCB0] =	vst v63;
	v63 =	vsub.f32 $0.0e+00, v14;
	v43 =	vmul.f32 $1.442695020e+00, v57;
	v52 =	vpop (erf);
	(erf) = vpow2.f32 v56  }
0x238: {  	v55 =	vpop (erf);
	(erf) = vpow2.f32 v2;
	v2 =	vmul.f32 $1.442695020e+00, v58;
	[tilespmem:$0x1FD30] =	vst v1;
	v1 =	vld [tilespmem:s7+$0xAE20]  }
0x239: {  	v34 =	vld [tilespmem:s7+$0xAE10];
	v38 =	vadd.f32 v31, v28;
	v31 =	vmul.f32 $1.442695020e+00, v63;
	v56 =	vpop (erf);
	(erf) = vpow2.f32 v43  }
0x23a: {  	v57 =	vpop (erf);
	(erf) = vpow2.f32 v2  }
0x23b: {  	[tilespmem:$0x1FCF0] =	vst v35;
	v58 =	vpop (erf);
	(erf) = vpow2.f32 v31;
	v31 =	vsub.f32 $0.0e+00, v35;
	v35 =	vlaneseq.u32 @!p0  }
0x23c: {  	[tilespmem:$0x1FD40] =	vst v0;
	v0 =	vshrl.u32 @!p0 v35, $0x3  }
0x23d: {  	v36 =	vmul.u32 @!p0 $0x8, v0;
	v0 =	vsub.f32 $0.0e+00, v1  }
0x23e: {  	[tilespmem:$0x1FD20] =	vst v34;
	v37 =	vsub.f32 $0.0e+00, v34;
	v34 =	vld [tilespmem:s7+$0xAE40]  }
0x23f: {  	[tilespmem:$0x1FD50] =	vst v1;
	v1 =	vmul.f32 $1.442695020e+00, v0;
	v0 =	vld [tilespmem:s7+$0x6E40];
	_ =	sdelay $0x2  }
0x240: {  	v40 =	vld @!p0 [tilespmem:s22+$0x50];
	_ =	sdelay $0x1  }
0x241: {  	[tilespmem:$0x1FD00] =	vst v0;
	v0 =	vsub.f32 $0.0e+00, v34;
	_ =	sdelay $0x1  }
0x242: {  	[tilespmem:$0x1FDB0] =	vst v34;
	v34 =	vadd.f32 v53, v18;
	v18 =	vmul.f32 $1.442695020e+00, v0;
	v0 =	vld [tilespmem:s7+$0x6E30]  }
0x243: {  	[tilespmem:$0x1FC80] =	vst v41;
	v41 =	vld [tilespmem:s7+$0xAE30];
	v43 =	vshll.u32 @!p0 v40, $0x2  }
0x244: {  	v2 =	vand.u32 @!p0 $0x7, v40;
	v43 =	vand.u32 @!p0 $0xFFFFFFE0, v43  }
0x245: {  	v28 =	vor.u32 @!p0 v2, v43;
	v43 =	vld [tilespmem:s7+$0xAE60];
	v63 =	vand.u32 @!p0 $0x7, v35;
	v31 =	vmul.f32 $1.442695020e+00, v31  }
0x246: {  	[tilespmem:$0x1FCC0] =	vst v14;
	v14 =	vmul.f32 $1.442695020e+00, v37;
	v2 =	vperm.xlane @!p0 v28, v63;
	v63 =	vld [tilespmem:s7+$0xAE50]  }
0x247: {  	v37 =	vmul.f32 v47, v42;
	v40 =	vpop (erf);
	v35 =	vor.u32 @!p0 $0x8, v35;
	(erf) = vpow2.f32 v31;
	[tilespmem:$0x1FCD0] =	vst v0;
	v0 =	vld [tilespmem:s7+$0x8E30]  }
0x248: {  	v42 =	vpop (erf);
	v31 =	vadd.s32 @!p0 v36, v2;
	v2 =	vsub.f32 $0.0e+00, v41;
	(erf) = vpow2.f32 v14;
	v14 =	vld [tilespmem:s7+$0x8E40]  }
0x249: {  	v47 =	vld [tilespmem:s7+$0xAE70]  }
0x24a: {  	[tilespmem:$0x1FD80] =	vst v41;
	v41 =	vpop (erf);
	v2 =	vmul.f32 $1.442695020e+00, v2  }
0x24b: {  	v28 =	vperm.xlane @!p0 v28, v35;
	v35 =	vpop (erf);
	(erf) = vpow2.f32 v1  }
0x24c: {  	v1 =	vsub.f32 $0.0e+00, v63;
	v53 =	vpop (erf);
	(erf) = vpow2.f32 v2;
	[tilespmem:$0x1FCE0] =	vst v0;
	v0 =	vsub.f32 $0.0e+00, v43  }
0x24d: {  	[tilespmem:$0x1FD10] =	vst v14;
	v14 =	vpop (erf);
	(erf) = vpow2.f32 v18  }
0x24e: {  	v18 =	vmul.f32 $1.442695020e+00, v1;
	v1 =	vsub.f32 $0.0e+00, v47;
	v0 =	vmul.f32 $1.442695020e+00, v0  }
0x24f: {  	[tilespmem:$0x1FDC0] =	vst v43;
	v2 =	vld [tilespmem:$0x1FBA0];
	v43 =	vpop (erf)  }
0x250: {  	v1 =	vmul.f32 $1.442695020e+00, v1;
	v44 =	vpop (erf);
	(erf) = vpow2.f32 v18  }
0x251: {  	v48 =	vadd.f32 v48, v34;
	v34 =	vpop (erf);
	(erf) = vpow2.f32 v0  }
0x252: {  	v0 =	vpop (erf);
	(erf) = vpow2.f32 v1;
	v1 =	vld [tilespmem:$0x1FBB0];
	_ =	sdelay $0x1  }
0x253: {  	s9 =	simm.s32 @!p0 $0x0;
	s10 =	simm.s32 @!p0 $0x6200;
	v2 =	vmul.f32 v2, v2  }
0x254: {  	v51 =	vadd.f32 v51, v38;
	[tilespmem:s10], [sflag:$0x2] =	stream.indirect_vreg.gather @!p0 [hbm4b:s3+s9], $0x80, v31, vm1, $0xb8;
	[tilespmem:$0x18280] =	vst v63  }
0x255: {  	s7 =	simm.s32 @!p0 $0x6A00;
	v2 =	vmul.f32 v39, v2  }
0x256: {  	[tilespmem:s7], [sflag:$0x2] =	stream.indirect_vreg.gather @!p0 [hbm4b:s8+s9], $0x80, v31, vm1, $0xb8;
	v31 =	vsub.f32 v32, v33;
	v18 =	vadd.f32 v37, v51;
	v1 =	vmul.f32 v1, v1;
	[tilespmem:$0x18280] =	vst v63  }
0x257: {  	v28 =	vadd.s32 @!p0 v36, v28  }
0x258: {  	v2 =	vadd.f32 v2, v18;
	v18 =	vmul.f32 v31, v31;
	v1 =	vmul.f32 v45, v1;
	_ =	sdelay $0x1  }
0x259: {  	v1 =	vadd.f32 v1, v2;
	v2 =	vmul.f32 v46, v18;
	v18 =	vld [tilespmem:$0x1FBC0];
	_ =	sdelay $0x1  }
0x25a: {  	s7 =	simm.s32 @!p0 $0x7200  }
0x25b: {  	[tilespmem:s7], [sflag:$0x2] =	stream.indirect_vreg.gather @!p0 [hbm4b:s3+s9], $0x80, v28, vm1, $0xb8;
	[tilespmem:$0x18280] =	vst v63  }
0x25c: {  	s7 =	simm.s32 @!p0 $0x7A00  }
0x25d: {  	[tilespmem:s7], [sflag:$0x2] =	stream.indirect_vreg.gather @!p0 [hbm4b:s8+s9], $0x80, v28, vm1, $0xb8;
	v28 =	vsub.f32 v29, v30;
	v32 =	vpop (erf);
	v18 =	vmul.f32 v18, v18;
	[tilespmem:$0x18280] =	vst v63  }
0x25e: {  	v48 =	vadd.f32 v50, v48;
	v50 =	vpop (erf)  }
0x25f: {  	v31 =	vpop (erf);
	v1 =	vadd.f32 v2, v1;
	v2 =	vmul.f32 v49, v18;
	v18 =	vmul.f32 v28, v28  }
0x260: {  	v36 =	vadd.f32 v54, v48;
	s7 =	sadd.s32 @!p0 $0x50, s22;
	v30 =	vpop (erf)  }
0x261: {  	s7 =	sadd.s32 @!p0 s6, s7;
	v29 =	vpop (erf);
	v1 =	vadd.f32 v2, v1;
	v2 =	vmul.f32 v52, v18;
	v18 =	vld [tilespmem:$0x1FBD0]  }
0x262: {  	v36 =	vadd.f32 v60, v36;
	v51 =	vsub.f32 v26, v27;
	s7 =	sshll.u32 @!p0 s7, $0x6;
	v26 =	vpop (erf)  }
0x263: {  	s11 =	simm.s32 @!p0 $0x8200;
	s10 =	sadd.s32 @!p0 s1, s7;
	v27 =	vpop (erf)  }
0x264: {  	v36 =	vadd.f32 v59, v36;
	[tilespmem:s11], [sflag:$0x2] =	stream.linear.gather @!p0 [hbm4b:s10+s9], $0x2000, $0x38;
	v28 =	vsub.f32 v22, v24;
	v22 =	vpop (erf);
	[tilespmem:$0x18280] =	vst v63  }
0x265: {  	v54 =	vmul.f32 v51, v51;
	s7 =	sadd.s32 @!p0 s2, s7;
	s10 =	simm.s32 @!p0 $0xA200;
	v24 =	vpop (erf)  }
0x266: {  	v16 =	vsub.f32 v16, v19;
	[tilespmem:s10], [sflag:$0x2] =	stream.linear.gather @!p0 [hbm4b:s7+s9], $0x2000, $0x38;
	v19 =	vadd.f32 v18, v36;
	v18 =	vpop (erf);
	[tilespmem:$0x18280] =	vst v63  }
0x267: {  	v28 =	vmul.f32 v28, v28;
	v1 =	vadd.f32 v2, v1;
	v2 =	vmul.f32 v55, v54;
	_ =	swait.ge [sflag:s20], $0x2000  }
0x268: {  	[sflag:s20] =	ssyncset.done $0x0  }
0x269: {  	v16 =	vmul.f32 v16, v16;
	v1 =	vadd.f32 v2, v1;
	v2 =	vmul.f32 v56, v28;
	[sflag:s20] =	ssyncadd.s32 $0xFFFFE000  }
0x26a: {  	_ =	swait.ge [sflag:s20], $0x2000  }
0x26b: {  	v1 =	vadd.f32 v2, v1;
	v2 =	vmul.f32 v57, v16;
	v16 =	vld [tilespmem:$0x1FBE0]  }
0x26c: {  	v9 =	vsub.f32 v9, v12;
	v12 =	vadd.f32 v61, v19  }
0x26d: {  	[sflag:s20] =	ssyncset.done $0x0  }
0x26e: {  	v12 =	vadd.f32 v62, v12;
	[sflag:s20] =	ssyncadd.s32 $0xFFFFE000  }
0x26f: {  	_ =	swait.ge [sflag:s20], $0x2000  }
0x270: {  	v12 =	vadd.f32 v16, v12;
	v16 =	vld [tilespmem:$0x1FBF0];
	_ =	sdelay $0x4  }
0x271: {  	v12 =	vadd.f32 v16, v12;
	v16 =	vld [tilespmem:$0x1FC00];
	_ =	sdelay $0x1  }
0x272: {  	v9 =	vmul.f32 v9, v9;
	_ =	sdelay $0x1  }
0x273: {  	s9 =	simm.s32 $0x0;
	v1 =	vadd.f32 v2, v1;
	v2 =	vmul.f32 v58, v9;
	v9 =	vmul.f32 v25, v25  }
0x274: {  	s11 =	sand.u32 $0x1000, s9;
	s12 =	sand.u32 $0x380, s9;
	[sflag:s20] =	ssyncset.done $0x0;
	v12 =	vadd.f32 v16, v12;
	v16 =	vld [tilespmem:$0x1FC10]  }
0x275: {  	s7 =	sor.u32 s12, s11;
	v1 =	vadd.f32 v2, v1;
	v2 =	vmul.f32 v40, v9;
	v9 =	vmul.f32 v23, v23;
	[sflag:s20] =	ssyncadd.s32 $0xFFFFE000  }
0x276: {  	v23 =	vld [tilespmem:s7+$0xCE20]  }
0x277: {  	v1 =	vadd.f32 v2, v1;
	v2 =	vmul.f32 v42, v9;
	v9 =	vmul.f32 v21, v21;
	v21 =	vld [tilespmem:s7+$0xEE20]  }
0x278: {  	v25 =	vld [tilespmem:s7+$0xCE10]  }
0x279: {  	v12 =	vadd.f32 v16, v12;
	v16 =	vld [tilespmem:$0x1FC20]  }
0x27a: {  	v1 =	vadd.f32 v2, v1;
	v2 =	vmul.f32 v41, v9;
	v9 =	vmul.f32 v20, v20;
	v20 =	vld [tilespmem:s7+$0xEE10]  }
0x27b: {  	v36 =	vld [tilespmem:s7+$0xCE00]  }
0x27c: {  	v38 =	vld [tilespmem:s7+$0xCA60]  }
0x27d: {  	v39 =	vld [tilespmem:s7+$0xCA40]  }
0x27e: {  	v12 =	vadd.f32 v16, v12;
	v16 =	vld [tilespmem:$0x1FC30]  }
0x27f: {  	v37 =	vld [tilespmem:s7+$0xCA30]  }
0x280: {  	v40 =	vld [tilespmem:s7+$0xCA20]  }
0x281: {  	v41 =	vld [tilespmem:s7+$0xEA20]  }
0x282: {  	v45 =	vld [tilespmem:s7+$0xCA00];
	v1 =	vadd.f32 v2, v1;
	v9 =	vmul.f32 v35, v9  }
0x283: {  	v12 =	vadd.f32 v16, v12;
	v16 =	vld [tilespmem:$0x1FC40]  }
0x284: {  	v46 =	vld [tilespmem:s7+$0xEA00];
	v2 =	vmul.f32 v17, v17;
	v1 =	vadd.f32 v9, v1;
	v9 =	vmul.f32 v15, v15  }
0x285: {  	v48 =	vld [tilespmem:s7+$0xC670]  }
0x286: {  	v2 =	vmul.f32 v53, v2;
	v9 =	vmul.f32 v14, v9;
	v14 =	vld [tilespmem:$0x1FC50]  }
0x287: {  	v49 =	vld [tilespmem:s7+$0xE670]  }
0x288: {  	v1 =	vadd.f32 v2, v1;
	v2 =	vmul.f32 v13, v13;
	v12 =	vadd.f32 v16, v12;
	v16 =	vld [tilespmem:$0x1FC60]  }
0x289: {  	v57 =	vld [tilespmem:s7+$0xC660]  }
0x28a: {  	v58 =	vld [tilespmem:s7+$0xE660];
	v1 =	vadd.f32 v9, v1;
	v2 =	vmul.f32 v43, v2  }
0x28b: {  	v59 =	vld [tilespmem:s7+$0xC650];
	v9 =	vmul.f32 v11, v11;
	v12 =	vadd.f32 v14, v12  }
0x28c: {  	v60 =	vld [tilespmem:s7+$0xE650];
	v1 =	vadd.f32 v2, v1  }
0x28d: {  	v2 =	vmul.f32 v10, v10;
	v9 =	vmul.f32 v44, v9;
	v12 =	vadd.f32 v16, v12;
	v16 =	vld [tilespmem:$0x1FC70]  }
0x28e: {  	v61 =	vld [tilespmem:s7+$0xC640]  }
0x28f: {  	v8 =	vmul.f32 v8, v8;
	v1 =	vadd.f32 v9, v1;
	v2 =	vmul.f32 v34, v2;
	v9 =	vld [tilespmem:$0x1FC80]  }
0x290: {  	v62 =	vld [tilespmem:s7+$0xE640]  }
0x291: {  	v0 =	vmul.f32 v0, v8;
	v1 =	vadd.f32 v2, v1;
	v2 =	vmul.f32 v7, v7;
	v7 =	vld [tilespmem:$0x1FC90]  }
0x292: {  	v19 =	vld [tilespmem:s7+$0xE620];
	v12 =	vadd.f32 v16, v12  }
0x293: {  	v0 =	vadd.f32 v0, v1;
	v1 =	vmul.f32 v6, v6;
	v2 =	vmul.f32 v32, v2;
	v6 =	vld [tilespmem:$0x1FCA0]  }
0x294: {  	v42 =	vld [tilespmem:s7+$0xE260];
	v9 =	vadd.f32 v9, v12  }
0x295: {  	v0 =	vadd.f32 v2, v0;
	v2 =	vmul.f32 v5, v5;
	v1 =	vmul.f32 v50, v1;
	v5 =	vld [tilespmem:$0x1FCB0]  }
0x296: {  	v33 =	vld [tilespmem:s7+$0xE250];
	v7 =	vadd.f32 v7, v9  }
0x297: {  	v0 =	vadd.f32 v1, v0;
	v1 =	vmul.f32 v4, v4;
	v4 =	vld [tilespmem:$0x1FCC0]  }
0x298: {  	v17 =	vld [tilespmem:s7+$0xEE00];
	v2 =	vmul.f32 v31, v2;
	v6 =	vadd.f32 v6, v7  }
0x299: {  	v35 =	vld [tilespmem:s7+$0xCA70]  }
0x29a: {  	v0 =	vadd.f32 v2, v0;
	v2 =	vmul.f32 v3, v3;
	v3 =	vld [tilespmem:$0x1FCF0];
	v5 =	vadd.f32 v5, v6  }
0x29b: {  	v6 =	vld [tilespmem:$0x1FCE0]  }
0x29c: {  	v4 =	vadd.f32 v4, v5;
	v5 =	vld [tilespmem:$0x1FCD0]  }
0x29d: {  	v15 =	vld [tilespmem:s7+$0xEA70]  }
0x29e: {  	v13 =	vld [tilespmem:s7+$0xEA60]  }
0x29f: {  	v11 =	vld [tilespmem:s7+$0xEA50]  }
0x2a0: {  	v3 =	vadd.f32 v3, v4;
	v4 =	vld [tilespmem:$0x1FD00]  }
0x2a1: {  	v5 =	vsub.f32 v5, v6;
	v6 =	vld [tilespmem:$0x1FD10]  }
0x2a2: {  	v43 =	vld [tilespmem:s7+$0xCA10];
	v1 =	vmul.f32 v30, v1  }
0x2a3: {  	v10 =	vld [tilespmem:s7+$0xEA40]  }
0x2a4: {  	v0 =	vadd.f32 v1, v0;
	v1 =	vmul.f32 v5, v5;
	v5 =	vld [tilespmem:$0x1FD20]  }
0x2a5: {  	v44 =	vld [tilespmem:s7+$0xEA10]  }
0x2a6: {  	v34 =	vld [tilespmem:s7+$0xEA30];
	v2 =	vmul.f32 v29, v2;
	v4 =	vsub.f32 v4, v6  }
0x2a7: {  	v6 =	vld [tilespmem:$0x1FD40]  }
0x2a8: {  	v0 =	vadd.f32 v2, v0;
	v2 =	vmul.f32 v4, v4;
	v4 =	vld [tilespmem:$0x1FD50]  }
0x2a9: {  	v3 =	vadd.f32 v5, v3;
	v5 =	vld [tilespmem:$0x1FD30]  }
0x2aa: {  	v32 =	vld [tilespmem:s7+$0xC250]  }
0x2ab: {  	v31 =	vld [tilespmem:s7+$0xC240]  }
0x2ac: {  	v14 =	vld [tilespmem:s7+$0xCA50]  }
0x2ad: {  	v3 =	vadd.f32 v4, v3;
	v4 =	vld [tilespmem:$0x1FD60]  }
0x2ae: {  	v1 =	vmul.f32 v26, v1;
	v5 =	vsub.f32 v5, v6;
	v6 =	vld [tilespmem:$0x1FD70]  }
0x2af: {  	v30 =	vld [tilespmem:s7+$0xE270]  }
0x2b0: {  	v0 =	vadd.f32 v1, v0;
	v1 =	vmul.f32 v27, v2;
	v2 =	vld [tilespmem:$0x1FD80]  }
0x2b1: {  	v29 =	vld [tilespmem:s7+$0xC270];
	v5 =	vmul.f32 v5, v5  }
0x2b2: {  	v8 =	vsub.f32 v14, v11;
	v11 =	vsub.f32 v37, v34;
	v34 =	vld [tilespmem:s7+$0xC230]  }
0x2b3: {  	v0 =	vadd.f32 v1, v0;
	v1 =	vmul.f32 v22, v5;
	v5 =	vld [tilespmem:$0x1FDB0];
	v4 =	vsub.f32 v4, v6  }
0x2b4: {  	v6 =	vld [tilespmem:$0x1FDA0]  }
0x2b5: {  	v2 =	vadd.f32 v2, v3;
	v3 =	vmul.f32 v4, v4;
	v4 =	vld [tilespmem:$0x1FD90]  }
0x2b6: {  	v10 =	vsub.f32 v39, v10;
	v37 =	vld [tilespmem:s7+$0xE230]  }
0x2b7: {  	v7 =	vsub.f32 v38, v13;
	v0 =	vadd.f32 v1, v0;
	v1 =	vmul.f32 v24, v3;
	v3 =	vld [tilespmem:$0x1FDC0]  }
0x2b8: {  	v16 =	vld [tilespmem:s7+$0xC620];
	v13 =	vsub.f32 v40, v41;
	v2 =	vadd.f32 v5, v2  }
0x2b9: {  	v12 =	vld [tilespmem:s7+$0xE630];
	v5 =	vsub.f32 v36, v17;
	v17 =	vsub.f32 v45, v46  }
0x2ba: {  	v9 =	vld [tilespmem:s7+$0xC630];
	v2 =	vadd.f32 v63, v2;
	v4 =	vsub.f32 v4, v6  }
0x2bb: {  	v26 =	vld [tilespmem:s7+$0xC600];
	v0 =	vadd.f32 v1, v0;
	v6 =	vsub.f32 v35, v15  }
0x2bc: {  	v22 =	vld [tilespmem:s7+$0xC610];
	v15 =	vsub.f32 v43, v44;
	v4 =	vmul.f32 v4, v4;
	v2 =	vadd.f32 v3, v2  }
0x2bd: {  	v24 =	vld [tilespmem:s7+$0xE610];
	v3 =	vsub.f32 v23, v21;
	v21 =	vsub.f32 v57, v58  }
0x2be: {  	v27 =	vld [tilespmem:s7+$0xE600];
	v23 =	vsub.f32 v59, v60;
	v1 =	vmul.f32 v18, v4;
	v18 =	vadd.f32 v47, v2  }
0x2bf: {  	v36 =	vld [tilespmem:s7+$0xE240];
	v4 =	vsub.f32 v25, v20;
	v20 =	vsub.f32 v48, v49  }
0x2c0: {  	s10 =	simm.s32 $0x200;
	v2 =	vld [tilespmem:s7+$0xC260];
	v25 =	vsub.f32 v61, v62;
	v28 =	vadd.f32 v1, v0  }
.LBB2_7:
0x2c1: {  	p1 =	sne.s32 s10, $0x1E00;
	v35 =	vld [tilespmem:s7+$0xC220];
	v38 =	vsub.f32 v16, v19;
	v12 =	vsub.f32 v9, v12;
	v3 =	vmul.f32 v3, v3  }
0x2c2: {  	v24 =	vsub.f32 v22, v24;
	v5 =	vmul.f32 v5, v5;
	v4 =	vmul.f32 v4, v4;
	v39 =	vld [tilespmem:s7+$0x10200]  }
0x2c3: {  	v41 =	vsub.f32 v26, v27;
	v9 =	vmul.f32 v7, v7;
	v7 =	vmul.f32 v6, v6;
	v40 =	vld [tilespmem:s7+$0xE220]  }
0x2c4: {  	v6 =	vsub.f32 v29, v30;
	v14 =	vmul.f32 v10, v10;
	v10 =	vmul.f32 v8, v8;
	v43 =	vld [tilespmem:s7+$0x10210]  }
0x2c5: {  	v2 =	vsub.f32 v2, v42;
	v16 =	vmul.f32 v13, v13;
	v13 =	vmul.f32 v11, v11;
	v8 =	vld [tilespmem:s7+$0xC210]  }
0x2c6: {  	v11 =	vsub.f32 v32, v33;
	v22 =	vmul.f32 v17, v17;
	v19 =	vmul.f32 v15, v15;
	v42 =	vld [tilespmem:s7+$0x10220]  }
0x2c7: {  	v27 =	vmul.f32 v21, v21;
	v26 =	vmul.f32 v20, v20;
	v15 =	vsub.f32 $0.0e+00, v39;
	v17 =	vld [tilespmem:s7+$0xE210]  }
0x2c8: {  	v0 =	vmul.f32 v25, v25;
	v1 =	vmul.f32 v23, v23;
	v21 =	vsub.f32 v31, v36;
	v20 =	vld [tilespmem:s7+$0x10230]  }
0x2c9: {  	v29 =	vmul.f32 v12, v12;
	v31 =	vld [tilespmem:s7+$0xC200];
	v15 =	vmul.f32 $1.442695020e+00, v15;
	v25 =	vsub.f32 $0.0e+00, v43  }
0x2ca: {  	v23 =	vmul.f32 v24, v24;
	v30 =	vmul.f32 v38, v38;
	v12 =	vsub.f32 v34, v37;
	v32 =	vld [tilespmem:s7+$0x10240]  }
0x2cb: {  	v24 =	vld [tilespmem:s7+$0xE200];
	v33 =	vmul.f32 $1.442695020e+00, v25;
	v34 =	vsub.f32 $0.0e+00, v42;
	(erf) = vpow2.f32 v15  }
0x2cc: {  	v36 =	vmul.f32 v6, v6;
	v15 =	vsub.f32 v35, v40;
	v25 =	vmul.f32 v41, v41;
	v35 =	vld [tilespmem:s7+$0x10250]  }
0x2cd: {  	v34 =	vmul.f32 $1.442695020e+00, v34;
	v37 =	vsub.f32 $0.0e+00, v20;
	v38 =	vld [tilespmem:s7+$0x10260];
	(erf) = vpow2.f32 v33  }
0x2ce: {  	v40 =	vmul.f32 v2, v2;
	v17 =	vsub.f32 v8, v17;
	v33 =	vmul.f32 v11, v11;
	v6 =	vld [tilespmem:s7+$0xCE70]  }
0x2cf: {  	v2 =	vmul.f32 $1.442695020e+00, v37;
	v11 =	vsub.f32 $0.0e+00, v32;
	v37 =	vld [tilespmem:s7+$0x10270];
	(erf) = vpow2.f32 v34  }
0x2d0: {  	v21 =	vmul.f32 v21, v21;
	v24 =	vsub.f32 v31, v24;
	v31 =	vmul.f32 v12, v12;
	v8 =	vld [tilespmem:s7+$0xEE70]  }
0x2d1: {  	v12 =	vmul.f32 $1.442695020e+00, v11;
	v34 =	vsub.f32 $0.0e+00, v35;
	v41 =	vld [tilespmem:s7+$0x10600];
	(erf) = vpow2.f32 v2  }
0x2d2: {  	v2 =	vmul.f32 v24, v24;
	v24 =	vmul.f32 v15, v15;
	v15 =	vsub.f32 $0.0e+00, v38;
	v11 =	vld [tilespmem:s7+$0xCE60]  }
0x2d3: {  	v34 =	vmul.f32 $1.442695020e+00, v34;
	v44 =	vld [tilespmem:s7+$0x10610];
	(erf) = vpow2.f32 v12  }
0x2d4: {  	v17 =	vmul.f32 v17, v17;
	v45 =	vmul.f32 $1.442695020e+00, v15;
	v15 =	vsub.f32 $0.0e+00, v37;
	v12 =	vld [tilespmem:s7+$0xEE60];
	v46 =	vpop (erf)  }
0x2d5: {  	v2 =	vmul.f32 v46, v2;
	v46 =	vld [tilespmem:s7+$0x10620];
	(erf) = vpow2.f32 v34  }
0x2d6: {  	v34 =	vmul.f32 $1.442695020e+00, v15;
	v47 =	vsub.f32 $0.0e+00, v41;
	v15 =	vld [tilespmem:s7+$0xCE50];
	v48 =	vpop (erf);
	(erf) = vpow2.f32 v45  }
0x2d7: {  	v18 =	vadd.f32 v39, v18;
	v2 =	vadd.f32 v2, v28;
	v28 =	vmul.f32 v48, v17;
	v39 =	vld [tilespmem:s7+$0x10630]  }
0x2d8: {  	v45 =	vmul.f32 $1.442695020e+00, v47;
	v47 =	vsub.f32 $0.0e+00, v44;
	v17 =	vld [tilespmem:s7+$0xEE50];
	v48 =	vpop (erf);
	(erf) = vpow2.f32 v34  }
0x2d9: {  	v2 =	vadd.f32 v28, v2;
	v28 =	vadd.f32 v43, v18;
	v24 =	vmul.f32 v48, v24;
	v34 =	vld [tilespmem:s7+$0x10640]  }
0x2da: {  	v43 =	vmul.f32 $1.442695020e+00, v47;
	v47 =	vsub.f32 $0.0e+00, v46;
	v18 =	vld [tilespmem:s7+$0xCE40];
	v48 =	vpop (erf);
	(erf) = vpow2.f32 v45  }
0x2db: {  	v2 =	vadd.f32 v24, v2;
	v28 =	vadd.f32 v42, v28;
	v31 =	vmul.f32 v48, v31;
	v42 =	vld [tilespmem:s7+$0x10650]  }
0x2dc: {  	v45 =	vmul.f32 $1.442695020e+00, v47;
	v47 =	vsub.f32 $0.0e+00, v39;
	v24 =	vld [tilespmem:s7+$0xEE40];
	v48 =	vpop (erf);
	(erf) = vpow2.f32 v43  }
0x2dd: {  	v2 =	vadd.f32 v31, v2;
	v20 =	vadd.f32 v20, v28;
	v21 =	vmul.f32 v48, v21;
	v43 =	vld [tilespmem:s7+$0x10660]  }
0x2de: {  	v31 =	vmul.f32 $1.442695020e+00, v47;
	v47 =	vsub.f32 $0.0e+00, v34;
	v28 =	vld [tilespmem:s7+$0xCE30];
	v48 =	vpop (erf);
	(erf) = vpow2.f32 v45  }
0x2df: {  	s9 =	sadd.s32 $0x80, s9;
	v21 =	vadd.f32 v21, v2;
	v20 =	vadd.f32 v32, v20;
	v32 =	vmul.f32 v48, v33;
	v45 =	vld [tilespmem:s7+$0x10670];
	v33 =	vpop (erf)  }
0x2e0: {  	s11 =	sand.u32 $0x1000, s10;
	s12 =	sand.u32 $0x380, s9;
	v47 =	vmul.f32 $1.442695020e+00, v47;
	v48 =	vsub.f32 $0.0e+00, v42;
	v2 =	vld [tilespmem:s7+$0xEE30];
	(erf) = vpow2.f32 v31  }
0x2e1: {  	s11 =	sor.u32 s12, s11;
	v21 =	vadd.f32 v32, v21;
	v31 =	vadd.f32 v35, v20;
	v32 =	vmul.f32 v33, v40;
	v35 =	vld [tilespmem:s7+$0x10A00];
	v33 =	vpop (erf)  }
0x2e2: {  	v20 =	vld [tilespmem:s11+$0xCE20];
	v40 =	vmul.f32 $1.442695020e+00, v48;
	v48 =	vsub.f32 $0.0e+00, v43;
	(erf) = vpow2.f32 v47  }
0x2e3: {  	v33 =	vmul.f32 v33, v36;
	v32 =	vadd.f32 v32, v21;
	v31 =	vadd.f32 v38, v31;
	v36 =	vld [tilespmem:s7+$0x10A10];
	v38 =	vpop (erf)  }
0x2e4: {  	v21 =	vld [tilespmem:s11+$0xEE20];
	v47 =	vmul.f32 $1.442695020e+00, v48;
	v48 =	vsub.f32 $0.0e+00, v45;
	(erf) = vpow2.f32 v40  }
0x2e5: {  	v32 =	vadd.f32 v33, v32;
	v31 =	vadd.f32 v37, v31;
	v33 =	vmul.f32 v38, v25;
	v38 =	vld [tilespmem:s7+$0x10A20];
	v37 =	vpop (erf)  }
0x2e6: {  	v40 =	vmul.f32 $1.442695020e+00, v48;
	v48 =	vsub.f32 $0.0e+00, v35;
	v25 =	vld [tilespmem:s7+$0x10E70];
	(erf) = vpow2.f32 v47  }
0x2e7: {  	v32 =	vadd.f32 v33, v32;
	v31 =	vadd.f32 v41, v31;
	v33 =	vmul.f32 v37, v23;
	v41 =	vld [tilespmem:s7+$0x10A30];
	v37 =	vpop (erf)  }
0x2e8: {  	v23 =	vld [tilespmem:s11+$0xCE10];
	v47 =	vmul.f32 $1.442695020e+00, v48;
	v48 =	vsub.f32 $0.0e+00, v36;
	(erf) = vpow2.f32 v40  }
0x2e9: {  	v30 =	vmul.f32 v37, v30;
	v32 =	vadd.f32 v33, v32;
	v33 =	vadd.f32 v44, v31;
	v40 =	vld [tilespmem:s7+$0x10A40];
	v37 =	vpop (erf)  }
0x2ea: {  	v31 =	vld [tilespmem:s11+$0xEE10];
	v44 =	vmul.f32 $1.442695020e+00, v48;
	v48 =	vsub.f32 $0.0e+00, v38;
	(erf) = vpow2.f32 v47  }
0x2eb: {  	v30 =	vadd.f32 v30, v32;
	v32 =	vadd.f32 v46, v33;
	v33 =	vmul.f32 v37, v29;
	v46 =	vld [tilespmem:s7+$0x10A50];
	v37 =	vpop (erf)  }
0x2ec: {  	v47 =	vmul.f32 $1.442695020e+00, v48;
	v48 =	vsub.f32 $0.0e+00, v41;
	v29 =	vld [tilespmem:s7+$0x10E60];
	(erf) = vpow2.f32 v44  }
0x2ed: {  	v30 =	vadd.f32 v33, v30;
	v32 =	vadd.f32 v39, v32;
	v33 =	vmul.f32 v37, v0;
	v44 =	vld [tilespmem:s7+$0x10A60];
	v37 =	vpop (erf)  }
0x2ee: {  	v0 =	vld [tilespmem:s11+$0xCE00];
	v39 =	vmul.f32 $1.442695020e+00, v48;
	v48 =	vsub.f32 $0.0e+00, v40;
	(erf) = vpow2.f32 v47  }
0x2ef: {  	v30 =	vadd.f32 v33, v30;
	v32 =	vadd.f32 v34, v32;
	v33 =	vmul.f32 v37, v1;
	v47 =	vld [tilespmem:s7+$0x10A70];
	v34 =	vpop (erf)  }
0x2f0: {  	v1 =	vld [tilespmem:s11+$0xEE00];
	v37 =	vmul.f32 $1.442695020e+00, v48;
	v48 =	vsub.f32 $0.0e+00, v46;
	(erf) = vpow2.f32 v39  }
0x2f1: {  	v30 =	vadd.f32 v33, v30;
	v32 =	vadd.f32 v42, v32;
	v33 =	vmul.f32 v34, v27;
	v42 =	vld [tilespmem:s7+$0x10E00];
	v34 =	vpop (erf)  }
0x2f2: {  	v49 =	vmul.f32 $1.442695020e+00, v48;
	v48 =	vsub.f32 $0.0e+00, v44;
	v27 =	vld [tilespmem:s7+$0x10E50];
	(erf) = vpow2.f32 v37  }
0x2f3: {  	v26 =	vmul.f32 v34, v26;
	v30 =	vadd.f32 v33, v30;
	v32 =	vadd.f32 v43, v32;
	v43 =	vld [tilespmem:s7+$0x10E10];
	v34 =	vpop (erf)  }
0x2f4: {  	v33 =	vld [tilespmem:s11+$0xCA70];
	v50 =	vmul.f32 $1.442695020e+00, v48;
	v48 =	vsub.f32 $0.0e+00, v47;
	(erf) = vpow2.f32 v49  }
0x2f5: {  	v22 =	vmul.f32 v34, v22;
	v26 =	vadd.f32 v26, v30;
	v30 =	vadd.f32 v45, v32;
	v32 =	vld [tilespmem:s7+$0x10E20];
	v39 =	vpop (erf)  }
0x2f6: {  	v34 =	vld [tilespmem:s11+$0xEA70];
	v45 =	vmul.f32 $1.442695020e+00, v48;
	v48 =	vsub.f32 $0.0e+00, v42;
	(erf) = vpow2.f32 v50  }
0x2f7: {  	v19 =	vmul.f32 v39, v19;
	v22 =	vadd.f32 v22, v26;
	v50 =	vadd.f32 v35, v30;
	v30 =	vld [tilespmem:s7+$0x10E30];
	v37 =	vpop (erf)  }
0x2f8: {  	v39 =	vmul.f32 $1.442695020e+00, v48;
	v48 =	vsub.f32 $0.0e+00, v43;
	v49 =	vld [tilespmem:s7+$0x10E40];
	(erf) = vpow2.f32 v45;
	s7 =	smov.u32 s11  }
0x2f9: {  	v16 =	vmul.f32 v37, v16;
	v35 =	vld [tilespmem:s7+$0xCA60];
	v19 =	vadd.f32 v19, v22;
	v22 =	vadd.f32 v36, v50;
	v26 =	vpop (erf)  }
0x2fa: {  	v37 =	vld [tilespmem:s7+$0xEA60];
	v45 =	vmul.f32 $1.442695020e+00, v48;
	v48 =	vsub.f32 $0.0e+00, v32;
	(erf) = vpow2.f32 v39  }
0x2fb: {  	v36 =	vld [tilespmem:s7+$0xCA50];
	v16 =	vadd.f32 v16, v19;
	v19 =	vadd.f32 v38, v22;
	v22 =	vmul.f32 v26, v13;
	v26 =	vpop (erf)  }
0x2fc: {  	v13 =	vld [tilespmem:s7+$0xEA50];
	v48 =	vmul.f32 $1.442695020e+00, v48;
	v50 =	vsub.f32 $0.0e+00, v30;
	(erf) = vpow2.f32 v45  }
0x2fd: {  	v51 =	vmul.f32 v26, v14;
	v38 =	vld [tilespmem:s7+$0xCA40];
	v16 =	vadd.f32 v22, v16;
	v19 =	vadd.f32 v41, v19;
	v26 =	vpop (erf)  }
0x2fe: {  	v45 =	vsub.f32 $0.0e+00, v49;
	v39 =	vld [tilespmem:s7+$0xEA40];
	v41 =	vmul.f32 $1.442695020e+00, v50;
	(erf) = vpow2.f32 v48  }
0x2ff: {  	v10 =	vmul.f32 v26, v10;
	v14 =	vld [tilespmem:s7+$0xCA30];
	v16 =	vadd.f32 v51, v16;
	v48 =	vadd.f32 v40, v19;
	v22 =	vpop (erf)  }
0x300: {  	v26 =	vmul.f32 $1.442695020e+00, v45;
	v45 =	vsub.f32 $0.0e+00, v27;
	v40 =	vld [tilespmem:s7+$0xEA30];
	(erf) = vpow2.f32 v41  }
0x301: {  	v9 =	vmul.f32 v22, v9;
	v41 =	vld [tilespmem:s7+$0xCA20];
	v10 =	vadd.f32 v10, v16;
	v50 =	vadd.f32 v46, v48;
	v19 =	vpop (erf)  }
0x302: {  	v22 =	vmul.f32 $1.442695020e+00, v45;
	v45 =	vsub.f32 $0.0e+00, v29;
	v46 =	vld [tilespmem:s7+$0xEA20];
	(erf) = vpow2.f32 v26  }
0x303: {  	v7 =	vmul.f32 v19, v7;
	v48 =	vld [tilespmem:s7+$0xCA10];
	v9 =	vadd.f32 v9, v10;
	v50 =	vadd.f32 v44, v50;
	v16 =	vpop (erf)  }
0x304: {  	v26 =	vsub.f32 $0.0e+00, v25;
	v19 =	vmul.f32 $1.442695020e+00, v45;
	v44 =	vld [tilespmem:s7+$0xEA10];
	(erf) = vpow2.f32 v22  }
0x305: {  	v5 =	vmul.f32 v16, v5;
	v45 =	vld [tilespmem:s7+$0xCA00];
	v7 =	vadd.f32 v7, v9;
	v22 =	vadd.f32 v47, v50;
	v10 =	vpop (erf)  }
0x306: {  	v2 =	vsub.f32 v28, v2;
	v16 =	vmul.f32 $1.442695020e+00, v26;
	v47 =	vld [tilespmem:s7+$0xEA00];
	(erf) = vpow2.f32 v19  }
0x307: {  	v4 =	vmul.f32 v10, v4;
	v50 =	vld [tilespmem:s7+$0xC670];
	v5 =	vadd.f32 v5, v7;
	v19 =	vadd.f32 v42, v22;
	v9 =	vpop (erf)  }
0x308: {  	v2 =	vmul.f32 v2, v2;
	v10 =	vsub.f32 v18, v24;
	v51 =	vld [tilespmem:s7+$0xE670];
	(erf) = vpow2.f32 v16  }
0x309: {  	v3 =	vmul.f32 v9, v3;
	v52 =	vld [tilespmem:s7+$0xC660];
	v4 =	vadd.f32 v4, v5;
	v16 =	vadd.f32 v43, v19;
	v7 =	vpop (erf)  }
0x30a: {  	v9 =	vmul.f32 v10, v10;
	v10 =	vsub.f32 v15, v17;
	v43 =	vld [tilespmem:s7+$0xE660]  }
0x30b: {  	v2 =	vmul.f32 v7, v2;
	v53 =	vld [tilespmem:s7+$0xC650];
	v3 =	vadd.f32 v3, v4;
	v4 =	vadd.f32 v32, v16;
	v5 =	vpop (erf)  }
0x30c: {  	v7 =	vmul.f32 v10, v10;
	v10 =	vsub.f32 v11, v12;
	v54 =	vld [tilespmem:s7+$0xE650]  }
0x30d: {  	v55 =	vld [tilespmem:s7+$0xC640];
	v2 =	vadd.f32 v2, v3;
	v3 =	vadd.f32 v30, v4;
	v4 =	vmul.f32 v5, v9;
	v5 =	vpop (erf)  }
0x30e: {  	v6 =	vsub.f32 v6, v8;
	v10 =	vmul.f32 v10, v10;
	v56 =	vld [tilespmem:s7+$0xE640]  }
0x30f: {  	v9 =	vld [tilespmem:s7+$0xC630];
	v2 =	vadd.f32 v4, v2;
	v3 =	vadd.f32 v49, v3;
	v4 =	vmul.f32 v5, v7;
	v5 =	vpop (erf)  }
0x310: {  	v6 =	vmul.f32 v6, v6;
	v12 =	vld [tilespmem:s7+$0xE630]  }
0x311: {  	v16 =	vld [tilespmem:s7+$0xC620];
	v2 =	vadd.f32 v4, v2;
	v3 =	vadd.f32 v27, v3;
	v4 =	vmul.f32 v5, v10;
	v5 =	vpop (erf)  }
0x312: {  	v19 =	vld [tilespmem:s7+$0xE620]  }
0x313: {  	v22 =	vld [tilespmem:s7+$0xC610];
	v2 =	vadd.f32 v4, v2;
	v3 =	vadd.f32 v29, v3;
	v4 =	vmul.f32 v5, v6  }
0x314: {  	v24 =	vld [tilespmem:s7+$0xE610]  }
0x315: {  	v26 =	vld [tilespmem:s7+$0xC600];
	v28 =	vadd.f32 v4, v2;
	v18 =	vadd.f32 v25, v3  }
0x316: {  	v27 =	vld [tilespmem:s7+$0xE600]  }
0x317: {  	v29 =	vld [tilespmem:s7+$0xC270]  }
0x318: {  	v30 =	vld [tilespmem:s7+$0xE270]  }
0x319: {  	v3 =	vsub.f32 v20, v21;
	v2 =	vld [tilespmem:s7+$0xC260]  }
0x31a: {  	v5 =	vsub.f32 v0, v1;
	v4 =	vsub.f32 v23, v31;
	v42 =	vld [tilespmem:s7+$0xE260]  }
0x31b: {  	v7 =	vsub.f32 v35, v37;
	v6 =	vsub.f32 v33, v34;
	v32 =	vld [tilespmem:s7+$0xC250]  }
.Ltmp4:
0x31c: {  	v8 =	vsub.f32 v36, v13;
	v10 =	vsub.f32 v38, v39;
	v33 =	vld [tilespmem:s7+$0xE250];
	(pc) =	sbr.rel @p1 .LBB2_7-.Ltmp4, $4  }
0x31d: {  	v13 =	vsub.f32 v41, v46;
	v11 =	vsub.f32 v14, v40;
	v31 =	vld [tilespmem:s7+$0xC240]  }
0x31e: {  	v15 =	vsub.f32 v48, v44;
	v17 =	vsub.f32 v45, v47;
	v36 =	vld [tilespmem:s7+$0xE240]  }
0x31f: {  	v21 =	vsub.f32 v52, v43;
	v20 =	vsub.f32 v50, v51;
	v34 =	vld [tilespmem:s7+$0xC230]  }
0x320: {  	s10 =	sadd.s32 $0x200, s10;
	v25 =	vsub.f32 v55, v56;
	v23 =	vsub.f32 v53, v54;
	v37 =	vld [tilespmem:s7+$0xE230]  }
0x321: {  	v14 =	vld [tilespmem:s7+$0xC220]  }
0x322: {  	v53 =	vld [tilespmem:s7+$0x10200]  }
0x323: {  	v48 =	vld [tilespmem:s7+$0x10210]  }
0x324: {  	v40 =	vld [tilespmem:s7+$0xC210]  }
0x325: {  	v51 =	vld [tilespmem:s7+$0x10220]  }
0x326: {  	v54 =	vld [tilespmem:s7+$0x10230]  }
0x327: {  	v44 =	vld [tilespmem:s7+$0xC200]  }
0x328: {  	v57 =	vld [tilespmem:s7+$0x10240]  }
0x329: {  	v46 =	vld [tilespmem:s7+$0xE200];
	v39 =	vsub.f32 $0.0e+00, v53  }
0x32a: {  	v0 =	vsub.f32 v2, v42;
	v60 =	vld [tilespmem:s7+$0x10260];
	v45 =	vsub.f32 $0.0e+00, v48  }
0x32b: {  	v47 =	vld [tilespmem:s7+$0x10610];
	v41 =	vmul.f32 $1.442695020e+00, v39  }
0x32c: {  	v61 =	vld [tilespmem:s7+$0x10270];
	[tilespmem:$0x1F9A0] =	vst v0;
	v0 =	vsub.f32 v31, v36;
	v45 =	vmul.f32 $1.442695020e+00, v45  }
0x32d: {  	v59 =	vld [tilespmem:s7+$0x10250];
	(erf) = vpow2.f32 v41  }
0x32e: {  	[tilespmem:$0x1F990] =	vst v0;
	v0 =	vld [tilespmem:s7+$0xCE70];
	v2 =	vsub.f32 $0.0e+00, v51;
	(erf) = vpow2.f32 v45  }
0x32f: {  	v43 =	vld [tilespmem:s7+$0xE210];
	v31 =	vsub.f32 $0.0e+00, v54;
	v49 =	vsub.f32 $0.0e+00, v60  }
0x330: {  	v38 =	vld [tilespmem:s7+$0xE220];
	v56 =	vsub.f32 $0.0e+00, v57;
	v42 =	vsub.f32 $0.0e+00, v47;
	v2 =	vmul.f32 $1.442695020e+00, v2  }
0x331: {  	v62 =	vld [tilespmem:s7+$0x10600];
	v55 =	vsub.f32 $0.0e+00, v61;
	v31 =	vmul.f32 $1.442695020e+00, v31;
	v52 =	vmul.f32 $1.442695020e+00, v49  }
0x332: {  	v50 =	vld [tilespmem:s7+$0x10630];
	v36 =	vmul.f32 $1.442695020e+00, v42;
	v45 =	vsub.f32 v44, v46;
	v46 =	vsub.f32 $0.0e+00, v59  }
0x333: {  	v35 =	vld [tilespmem:s7+$0x10620];
	[tilespmem:$0x1FB60] =	vst v0;
	v0 =	vsub.f32 v34, v37;
	(erf) = vpow2.f32 v2;
	v2 =	vmul.f32 $1.442695020e+00, v56  }
0x334: {  	v1 =	vld [tilespmem:s7+$0x10650];
	v58 =	vsub.f32 v40, v43;
	(erf) = vpow2.f32 v31;
	v34 =	vmul.f32 $1.442695020e+00, v46  }
0x335: {  	v37 =	vmul.f32 $1.442695020e+00, v55;
	[tilespmem:$0x1F980] =	vst v0;
	v0 =	vsub.f32 v14, v38;
	v14 =	vld [tilespmem:s7+$0x10640];
	(erf) = vpow2.f32 v2  }
0x336: {  	v2 =	vmul.f32 v58, v58;
	v58 =	vsub.f32 $0.0e+00, v62;
	(erf) = vpow2.f32 v34;
	v56 =	vpop (erf)  }
0x337: {  	v43 =	vld [tilespmem:s7+$0x10660];
	v31 =	vmul.f32 v45, v45;
	v46 =	vsub.f32 $0.0e+00, v50;
	v63 =	vpop (erf);
	(erf) = vpow2.f32 v52  }
0x338: {  	[tilespmem:$0x1F9D0] =	vst v50;
	v44 =	vsub.f32 $0.0e+00, v35;
	v52 =	vmul.f32 v63, v2;
	v2 =	vmul.f32 $1.442695020e+00, v58  }
0x339: {  	[tilespmem:$0x1F9F0] =	vst v1;
	v55 =	vsub.f32 $0.0e+00, v1;
	v1 =	vld [tilespmem:s7+$0x10A20];
	v50 =	vmul.f32 $1.442695020e+00, v46;
	(erf) = vpow2.f32 v37  }
0x33a: {  	v49 =	vsub.f32 $0.0e+00, v14;
	(erf) = vpow2.f32 v2;
	v2 =	vmul.f32 $1.442695020e+00, v44  }
0x33b: {  	v31 =	vmul.f32 v56, v31;
	(erf) = vpow2.f32 v36  }
0x33c: {  	v56 =	vsub.f32 $0.0e+00, v43;
	(erf) = vpow2.f32 v2;
	v2 =	vmul.f32 $1.442695020e+00, v49  }
0x33d: {  	(erf) = vpow2.f32 v50  }
0x33e: {  	[tilespmem:$0x1FA40] =	vst v1;
	(erf) = vpow2.f32 v2;
	v2 =	vmul.f32 $1.442695020e+00, v56;
	v56 =	vsub.f32 $0.0e+00, v1;
	v1 =	vld [tilespmem:s7+$0xEE70];
	_ =	sdelay $0x3  }
0x33f: {  	v45 =	vld [tilespmem:s7+$0x10670]  }
0x340: {  	[tilespmem:$0x1FB70] =	vst v1;
	v1 =	vld [tilespmem:s7+$0xCE60]  }
0x341: {  	[tilespmem:$0x1F9E0] =	vst v14;
	v14 =	vld [tilespmem:s7+$0x10A10]  }
0x342: {  	[tilespmem:$0x1F9B0] =	vst v47;
	v47 =	vld [tilespmem:s7+$0x10A00]  }
0x343: {  	v41 =	vld [tilespmem:s7+$0x10A30];
	_ =	sdelay $0x1  }
0x344: {  	v63 =	vsub.f32 $0.0e+00, v45;
	[tilespmem:$0x1FB30] =	vst v1;
	v1 =	vld [tilespmem:s7+$0xEE60]  }
0x345: {  	v40 =	vld [tilespmem:s7+$0x10A40];
	v58 =	vmul.f32 $1.442695020e+00, v55;
	v55 =	vsub.f32 $0.0e+00, v14  }
0x346: {  	[tilespmem:$0x1F9C0] =	vst v35;
	v35 =	vld [tilespmem:s7+$0x10A50];
	v49 =	vsub.f32 $0.0e+00, v47;
	v50 =	vmul.f32 $1.442695020e+00, v63  }
0x347: {  	[tilespmem:$0x1FA20] =	vst v47;
	v34 =	vld [tilespmem:s7+$0x10A60];
	v63 =	vsub.f32 $0.0e+00, v41;
	(erf) = vpow2.f32 v58;
	v58 =	vmul.f32 $1.442695020e+00, v55  }
0x348: {  	[tilespmem:$0x1FA30] =	vst v14;
	v14 =	vld [tilespmem:s7+$0x10A70];
	v47 =	vpop (erf);
	(erf) = vpow2.f32 v2;
	v2 =	vmul.f32 $1.442695020e+00, v49  }
0x349: {  	v39 =	vpop (erf);
	v55 =	vmul.f32 $1.442695020e+00, v63;
	(erf) = vpow2.f32 v50;
	[tilespmem:$0x1FB40] =	vst v1;
	v1 =	vld [tilespmem:s7+$0xCE50]  }
0x34a: {  	[tilespmem:$0x1FA10] =	vst v45;
	v44 =	vsub.f32 $0.0e+00, v40;
	v45 =	vpop (erf);
	(erf) = vpow2.f32 v2;
	v2 =	vmul.f32 $1.442695020e+00, v56  }
0x34b: {  	v42 =	vmul.f32 v0, v0;
	v46 =	vpop (erf);
	v56 =	vsub.f32 $0.0e+00, v35;
	(erf) = vpow2.f32 v58  }
0x34c: {  	[tilespmem:$0x1FA70] =	vst v35;
	v49 =	vpop (erf);
	v35 =	vld [tilespmem:s7+$0x10E00];
	v58 =	vsub.f32 $0.0e+00, v34;
	(erf) = vpow2.f32 v2;
	v2 =	vmul.f32 $1.442695020e+00, v44  }
0x34d: {  	[tilespmem:$0x1FA00] =	vst v43;
	v0 =	vld [tilespmem:s7+$0xEE50];
	v63 =	vsub.f32 $0.0e+00, v14;
	v50 =	vpop (erf);
	v43 =	vmul.f32 $1.442695020e+00, v56;
	(erf) = vpow2.f32 v55  }
0x34e: {  	v55 =	vpop (erf);
	(erf) = vpow2.f32 v2;
	v2 =	vmul.f32 $1.442695020e+00, v58;
	[tilespmem:$0x1FB00] =	vst v1;
	v1 =	vld [tilespmem:s7+$0x10E20]  }
0x34f: {  	[tilespmem:$0x1FA80] =	vst v34;
	v37 =	vadd.f32 v31, v28;
	v31 =	vmul.f32 $1.442695020e+00, v63;
	v34 =	vld [tilespmem:s7+$0x10E10];
	v56 =	vpop (erf);
	(erf) = vpow2.f32 v43  }
0x350: {  	v44 =	vpop (erf);
	(erf) = vpow2.f32 v2  }
0x351: {  	[tilespmem:$0x1FAC0] =	vst v35;
	v58 =	vpop (erf);
	(erf) = vpow2.f32 v31;
	v31 =	vsub.f32 $0.0e+00, v35;
	v35 =	vlaneseq.u32 @!p0  }
0x352: {  	[tilespmem:$0x1FB10] =	vst v0;
	v0 =	vshrl.u32 @!p0 v35, $0x3  }
0x353: {  	v36 =	vmul.u32 @!p0 $0x8, v0;
	v0 =	vsub.f32 $0.0e+00, v1  }
0x354: {  	[tilespmem:$0x1FAF0] =	vst v34;
	v38 =	vsub.f32 $0.0e+00, v34;
	v34 =	vld [tilespmem:s7+$0x10E40]  }
0x355: {  	[tilespmem:$0x1FB20] =	vst v1;
	v1 =	vmul.f32 $1.442695020e+00, v0;
	v0 =	vld [tilespmem:s7+$0xCE40];
	_ =	sdelay $0x2  }
0x356: {  	[tilespmem:$0x1FA60] =	vst v40;
	v40 =	vld @!p0 [tilespmem:s22+$0x60];
	_ =	sdelay $0x1  }
0x357: {  	[tilespmem:$0x1FAD0] =	vst v0;
	v0 =	vsub.f32 $0.0e+00, v34;
	_ =	sdelay $0x1  }
0x358: {  	[tilespmem:$0x1FB80] =	vst v34;
	v34 =	vadd.f32 v53, v18;
	v18 =	vmul.f32 $1.442695020e+00, v0;
	v0 =	vld [tilespmem:s7+$0xCE30]  }
0x359: {  	[tilespmem:$0x1FA50] =	vst v41;
	v41 =	vld [tilespmem:s7+$0x10E30];
	v43 =	vshll.u32 @!p0 v40, $0x2  }
0x35a: {  	v2 =	vand.u32 @!p0 $0x7, v40;
	v43 =	vand.u32 @!p0 $0xFFFFFFE0, v43  }
0x35b: {  	v28 =	vor.u32 @!p0 v2, v43;
	v43 =	vld [tilespmem:s7+$0x10E60];
	v63 =	vand.u32 @!p0 $0x7, v35;
	v31 =	vmul.f32 $1.442695020e+00, v31  }
0x35c: {  	[tilespmem:$0x1FA90] =	vst v14;
	v14 =	vmul.f32 $1.442695020e+00, v38;
	v2 =	vperm.xlane @!p0 v28, v63;
	v63 =	vld [tilespmem:s7+$0x10E50]  }
0x35d: {  	v40 =	vpop (erf);
	v38 =	vmul.f32 v47, v42;
	v35 =	vor.u32 @!p0 $0x8, v35;
	(erf) = vpow2.f32 v31;
	[tilespmem:$0x1FAA0] =	vst v0;
	v0 =	vld [tilespmem:s7+$0xEE30]  }
0x35e: {  	v42 =	vpop (erf);
	v31 =	vadd.s32 @!p0 v36, v2;
	v2 =	vsub.f32 $0.0e+00, v41;
	(erf) = vpow2.f32 v14;
	v14 =	vld [tilespmem:s7+$0xEE40]  }
0x35f: {  	v47 =	vld [tilespmem:s7+$0x10E70]  }
0x360: {  	[tilespmem:$0x1FB50] =	vst v41;
	v41 =	vpop (erf);
	v2 =	vmul.f32 $1.442695020e+00, v2  }
0x361: {  	v28 =	vperm.xlane @!p0 v28, v35;
	v35 =	vpop (erf);
	(erf) = vpow2.f32 v1  }
0x362: {  	v1 =	vsub.f32 $0.0e+00, v63;
	v53 =	vpop (erf);
	(erf) = vpow2.f32 v2;
	[tilespmem:$0x1FAB0] =	vst v0;
	v0 =	vsub.f32 $0.0e+00, v43  }
0x363: {  	[tilespmem:$0x1FAE0] =	vst v14;
	v14 =	vpop (erf);
	(erf) = vpow2.f32 v18  }
0x364: {  	s9 =	simm.s32 @!p0 $0x0;
	s10 =	simm.s32 @!p0 $0xC200;
	[tilespmem:$0x1FB90] =	vst v43;
	v18 =	vmul.f32 $1.442695020e+00, v1;
	v1 =	vsub.f32 $0.0e+00, v47;
	v0 =	vmul.f32 $1.442695020e+00, v0  }
0x365: {  	v2 =	vld [tilespmem:$0x1F980];
	[tilespmem:s10], [sflag:$0x3] =	stream.indirect_vreg.gather @!p0 [hbm4b:s3+s9], $0x80, v31, vm1, $0xb8;
	v43 =	vpop (erf)  }
0x366: {  	v37 =	vadd.f32 v52, v37;
	v1 =	vmul.f32 $1.442695020e+00, v1;
	s7 =	simm.s32 @!p0 $0xCA00;
	v52 =	vpop (erf);
	(erf) = vpow2.f32 v18  }
0x367: {  	[tilespmem:s7], [sflag:$0x3] =	stream.indirect_vreg.gather @!p0 [hbm4b:s8+s9], $0x80, v31, vm1, $0xb8;
	v31 =	vpop (erf);
	(erf) = vpow2.f32 v0;
	[tilespmem:$0x18280] =	vst v63  }
0x368: {  	v28 =	vadd.s32 @!p0 v36, v28;
	v0 =	vpop (erf);
	(erf) = vpow2.f32 v1;
	v1 =	vld [tilespmem:$0x1F990];
	_ =	sdelay $0x1  }
0x369: {  	v2 =	vmul.f32 v2, v2;
	_ =	sdelay $0x1  }
0x36a: {  	v34 =	vadd.f32 v48, v34;
	v48 =	vsub.f32 v32, v33;
	v2 =	vmul.f32 v39, v2;
	s7 =	simm.s32 @!p0 $0xD200  }
0x36b: {  	[tilespmem:s7], [sflag:$0x3] =	stream.indirect_vreg.gather @!p0 [hbm4b:s3+s9], $0x80, v28, vm1, $0xb8;
	v18 =	vadd.f32 v38, v37;
	v1 =	vmul.f32 v1, v1;
	[tilespmem:$0x18280] =	vst v63  }
0x36c: {  	s7 =	simm.s32 @!p0 $0xDA00  }
0x36d: {  	[tilespmem:s7], [sflag:$0x3] =	stream.indirect_vreg.gather @!p0 [hbm4b:s8+s9], $0x80, v28, vm1, $0xb8;
	v28 =	vmul.f32 v48, v48;
	v2 =	vadd.f32 v2, v18;
	v1 =	vmul.f32 v45, v1;
	[tilespmem:$0x18280] =	vst v63  }
0x36e: {  	_ = 	snop  }
0x36f: {  	v1 =	vadd.f32 v1, v2;
	v2 =	vmul.f32 v46, v28;
	v28 =	vld [tilespmem:$0x1F9A0]  }
0x370: {  	v32 =	vpop (erf)  }
0x371: {  	v33 =	vpop (erf)  }
0x372: {  	v18 =	vpop (erf)  }
0x373: {  	v48 =	vsub.f32 v29, v30;
	s7 =	sadd.s32 @!p0 $0x60, s22;
	v30 =	vpop (erf)  }
0x374: {  	s7 =	sadd.s32 @!p0 s6, s7;
	v29 =	vpop (erf);
	v28 =	vmul.f32 v28, v28  }
0x375: {  	v34 =	vadd.f32 v51, v34;
	v51 =	vsub.f32 v26, v27;
	s7 =	sshll.u32 @!p0 s7, $0x6;
	v26 =	vpop (erf)  }
0x376: {  	s11 =	simm.s32 @!p0 $0xE200;
	s10 =	sadd.s32 @!p0 s1, s7;
	v27 =	vpop (erf);
	v1 =	vadd.f32 v2, v1;
	v2 =	vmul.f32 v49, v28;
	v28 =	vmul.f32 v48, v48  }
0x377: {  	v34 =	vadd.f32 v54, v34;
	v54 =	vsub.f32 v22, v24;
	[tilespmem:s11], [sflag:$0x3] =	stream.linear.gather @!p0 [hbm4b:s10+s9], $0x2000, $0x38;
	v24 =	vpop (erf);
	[tilespmem:$0x18280] =	vst v63  }
0x378: {  	s7 =	sadd.s32 @!p0 s2, s7;
	s10 =	simm.s32 @!p0 $0x10200;
	v22 =	vpop (erf);
	v1 =	vadd.f32 v2, v1;
	v2 =	vmul.f32 v50, v28;
	v28 =	vmul.f32 v51, v51  }
0x379: {  	v19 =	vsub.f32 v16, v19;
	v34 =	vadd.f32 v57, v34;
	[tilespmem:s10], [sflag:$0x3] =	stream.linear.gather @!p0 [hbm4b:s7+s9], $0x2000, $0x38;
	v16 =	vpop (erf);
	[tilespmem:$0x18280] =	vst v63  }
0x37a: {  	_ =	swait.ge [sflag:s21], $0x2000;
	v1 =	vadd.f32 v2, v1;
	v2 =	vmul.f32 v55, v28;
	v28 =	vmul.f32 v54, v54  }
0x37b: {  	v34 =	vadd.f32 v59, v34;
	[sflag:s21] =	ssyncset.done $0x0  }
0x37c: {  	v19 =	vmul.f32 v19, v19;
	[sflag:s21] =	ssyncadd.s32 $0xFFFFE000;
	v1 =	vadd.f32 v2, v1;
	v2 =	vmul.f32 v56, v28  }
0x37d: {  	v34 =	vadd.f32 v60, v34;
	_ =	swait.ge [sflag:s21], $0x2000  }
0x37e: {  	v1 =	vadd.f32 v2, v1;
	v2 =	vmul.f32 v44, v19;
	v19 =	vld [tilespmem:$0x1F9B0]  }
0x37f: {  	v9 =	vsub.f32 v9, v12;
	v12 =	vadd.f32 v61, v34  }
0x380: {  	[sflag:s21] =	ssyncset.done $0x0  }
0x381: {  	v12 =	vadd.f32 v62, v12;
	[sflag:s21] =	ssyncadd.s32 $0xFFFFE000  }
0x382: {  	_ =	swait.ge [sflag:s21], $0x2000  }
0x383: {  	v9 =	vmul.f32 v9, v9;
	v12 =	vadd.f32 v19, v12;
	v19 =	vld [tilespmem:$0x1F9C0];
	_ =	sdelay $0x1  }
0x384: {  	v1 =	vadd.f32 v2, v1;
	v2 =	vmul.f32 v58, v9  }
0x385: {  	s9 =	simm.s32 $0x0;
	v9 =	vmul.f32 v25, v25  }
0x386: {  	s11 =	sand.u32 $0x1000, s9;
	s12 =	sand.u32 $0x380, s9;
	[sflag:s21] =	ssyncset.done $0x0;
	v1 =	vadd.f32 v2, v1  }
0x387: {  	s7 =	sor.u32 s12, s11;
	[sflag:s21] =	ssyncadd.s32 $0xFFFFE000;
	v2 =	vmul.f32 v40, v9;
	v9 =	vmul.f32 v23, v23;
	v12 =	vadd.f32 v19, v12;
	v19 =	vld [tilespmem:$0x1F9D0]  }
0x388: {  	v34 =	vld [tilespmem:s7+$0x14E10]  }
0x389: {  	v23 =	vld [tilespmem:$0x1F9E0];
	v1 =	vadd.f32 v2, v1;
	v2 =	vmul.f32 v42, v9;
	v9 =	vmul.f32 v21, v21  }
0x38a: {  	v36 =	vld [tilespmem:s7+$0x12E00]  }
0x38b: {  	v1 =	vadd.f32 v2, v1;
	v2 =	vmul.f32 v41, v9;
	v9 =	vmul.f32 v20, v20;
	v20 =	vld [tilespmem:$0x1F9F0]  }
0x38c: {  	v39 =	vld [tilespmem:s7+$0x12A70];
	v12 =	vadd.f32 v19, v12  }
0x38d: {  	v1 =	vadd.f32 v2, v1;
	v2 =	vmul.f32 v17, v17;
	v17 =	vld [tilespmem:$0x1FA00]  }
0x38e: {  	v44 =	vld [tilespmem:s7+$0x12A20];
	v12 =	vadd.f32 v23, v12  }
0x38f: {  	v45 =	vld [tilespmem:s7+$0x14A20];
	v9 =	vmul.f32 v35, v9  }
0x390: {  	v46 =	vld [tilespmem:s7+$0x12A10];
	v12 =	vadd.f32 v20, v12  }
0x391: {  	v56 =	vld [tilespmem:s7+$0x12A00];
	v1 =	vadd.f32 v9, v1  }
0x392: {  	v9 =	vmul.f32 v15, v15;
	v2 =	vmul.f32 v53, v2;
	v12 =	vadd.f32 v17, v12;
	v17 =	vld [tilespmem:$0x1FA10]  }
0x393: {  	v57 =	vld [tilespmem:s7+$0x14A00]  }
0x394: {  	v1 =	vadd.f32 v2, v1;
	v9 =	vmul.f32 v14, v9;
	v14 =	vld [tilespmem:$0x1FA20]  }
0x395: {  	v58 =	vld [tilespmem:s7+$0x12670]  }
0x396: {  	v2 =	vmul.f32 v13, v13;
	v1 =	vadd.f32 v9, v1;
	v9 =	vmul.f32 v11, v11;
	v11 =	vld [tilespmem:$0x1FA30]  }
0x397: {  	v59 =	vld [tilespmem:s7+$0x14670];
	v12 =	vadd.f32 v17, v12  }
0x398: {  	v60 =	vld [tilespmem:s7+$0x12660];
	v2 =	vmul.f32 v43, v2  }
0x399: {  	v61 =	vld [tilespmem:s7+$0x12650];
	v12 =	vadd.f32 v14, v12  }
0x39a: {  	v62 =	vld [tilespmem:s7+$0x12640];
	v1 =	vadd.f32 v2, v1  }
0x39b: {  	v2 =	vmul.f32 v10, v10;
	v9 =	vmul.f32 v52, v9;
	v11 =	vadd.f32 v11, v12;
	v12 =	vld [tilespmem:$0x1FA40]  }
0x39c: {  	v28 =	vld [tilespmem:s7+$0x14600]  }
0x39d: {  	v8 =	vmul.f32 v8, v8;
	v1 =	vadd.f32 v9, v1;
	v2 =	vmul.f32 v31, v2;
	v9 =	vld [tilespmem:$0x1FA50]  }
0x39e: {  	v25 =	vld [tilespmem:s7+$0x14260]  }
0x39f: {  	v0 =	vmul.f32 v0, v8;
	v1 =	vadd.f32 v2, v1;
	v2 =	vmul.f32 v7, v7;
	v7 =	vld [tilespmem:$0x1FA60]  }
0x3a0: {  	v40 =	vld [tilespmem:s7+$0x12A60];
	v11 =	vadd.f32 v12, v11  }
0x3a1: {  	v0 =	vadd.f32 v0, v1;
	v1 =	vmul.f32 v6, v6;
	v2 =	vmul.f32 v32, v2;
	v6 =	vld [tilespmem:$0x1FA70]  }
0x3a2: {  	v21 =	vld [tilespmem:s7+$0x14E20];
	v9 =	vadd.f32 v9, v11  }
0x3a3: {  	v0 =	vadd.f32 v2, v0;
	v2 =	vmul.f32 v5, v5;
	v1 =	vmul.f32 v33, v1;
	v5 =	vld [tilespmem:$0x1FA80]  }
0x3a4: {  	v42 =	vld [tilespmem:s7+$0x12A40];
	v7 =	vadd.f32 v7, v9  }
0x3a5: {  	v0 =	vadd.f32 v1, v0;
	v1 =	vmul.f32 v4, v4;
	v4 =	vld [tilespmem:$0x1FA90]  }
0x3a6: {  	v41 =	vld [tilespmem:s7+$0x14A50];
	v2 =	vmul.f32 v18, v2;
	v6 =	vadd.f32 v6, v7  }
0x3a7: {  	v35 =	vld [tilespmem:s7+$0x14E00]  }
0x3a8: {  	v0 =	vadd.f32 v2, v0;
	v2 =	vmul.f32 v3, v3;
	v3 =	vld [tilespmem:$0x1FAC0];
	v5 =	vadd.f32 v5, v6  }
0x3a9: {  	v6 =	vld [tilespmem:$0x1FAB0]  }
0x3aa: {  	v4 =	vadd.f32 v4, v5;
	v5 =	vld [tilespmem:$0x1FAA0]  }
0x3ab: {  	v15 =	vld [tilespmem:s7+$0x14A70]  }
0x3ac: {  	v13 =	vld [tilespmem:s7+$0x14A60]  }
0x3ad: {  	v19 =	vld [tilespmem:s7+$0x12E20]  }
0x3ae: {  	v43 =	vld [tilespmem:s7+$0x12A30]  }
0x3af: {  	v1 =	vmul.f32 v30, v1;
	v3 =	vadd.f32 v3, v4;
	v4 =	vld [tilespmem:$0x1FAD0];
	v5 =	vsub.f32 v5, v6  }
0x3b0: {  	v6 =	vld [tilespmem:$0x1FAE0]  }
0x3b1: {  	v0 =	vadd.f32 v1, v0;
	v1 =	vmul.f32 v5, v5;
	v5 =	vld [tilespmem:$0x1FAF0]  }
0x3b2: {  	v23 =	vld [tilespmem:s7+$0x12E10];
	v2 =	vmul.f32 v29, v2  }
0x3b3: {  	v36 =	vsub.f32 v36, v35;
	v35 =	vsub.f32 v39, v15;
	v15 =	vld [tilespmem:s7+$0x12240]  }
0x3b4: {  	v0 =	vadd.f32 v2, v0;
	v2 =	vld [tilespmem:$0x1FB20]  }
0x3b5: {  	v4 =	vsub.f32 v4, v6;
	v6 =	vld [tilespmem:$0x1FB10]  }
0x3b6: {  	v3 =	vadd.f32 v5, v3;
	v5 =	vld [tilespmem:$0x1FB00]  }
0x3b7: {  	v10 =	vld [tilespmem:s7+$0x14A40]  }
0x3b8: {  	v31 =	vld [tilespmem:s7+$0x14A30]  }
0x3b9: {  	v38 =	vsub.f32 v19, v21;
	v21 =	vld [tilespmem:s7+$0x14250]  }
0x3ba: {  	v19 =	vld [tilespmem:s7+$0x14230]  }
0x3bb: {  	v5 =	vsub.f32 v5, v6;
	v6 =	vadd.f32 v2, v3;
	v2 =	vld [tilespmem:$0x1FB30]  }
0x3bc: {  	v3 =	vld [tilespmem:$0x1FB40]  }
0x3bd: {  	v37 =	vsub.f32 v23, v34;
	v23 =	vld [tilespmem:s7+$0x14240]  }
0x3be: {  	v32 =	vld [tilespmem:s7+$0x14A10]  }
0x3bf: {  	v14 =	vld [tilespmem:s7+$0x12A50]  }
0x3c0: {  	v18 =	vld [tilespmem:s7+$0x12230]  }
0x3c1: {  	v30 =	vld [tilespmem:s7+$0x14660];
	v7 =	vsub.f32 v2, v3  }
0x3c2: {  	v9 =	vld [tilespmem:$0x1FB70];
	v1 =	vmul.f32 v26, v1;
	v4 =	vmul.f32 v4, v4  }
0x3c3: {  	v8 =	vmul.f32 v7, v7;
	v7 =	vld [tilespmem:$0x1FB60]  }
0x3c4: {  	v0 =	vadd.f32 v1, v0;
	v1 =	vmul.f32 v27, v4;
	v4 =	vld [tilespmem:$0x1FB50]  }
0x3c5: {  	v29 =	vld [tilespmem:s7+$0x14650]  }
0x3c6: {  	v12 =	vld [tilespmem:s7+$0x12250];
	v5 =	vmul.f32 v5, v5  }
0x3c7: {  	v26 =	vld [tilespmem:s7+$0x14640]  }
0x3c8: {  	v0 =	vadd.f32 v1, v0;
	v1 =	vmul.f32 v24, v5;
	v5 =	vld [tilespmem:$0x1FB80];
	v9 =	vsub.f32 v7, v9  }
0x3c9: {  	v6 =	vadd.f32 v4, v6;
	v4 =	vld [tilespmem:s7+$0x12620]  }
0x3ca: {  	v24 =	vld [tilespmem:s7+$0x14270];
	v0 =	vadd.f32 v1, v0;
	v1 =	vmul.f32 v22, v8;
	v11 =	vmul.f32 v9, v9  }
0x3cb: {  	v34 =	vsub.f32 v40, v13;
	v2 =	vld [tilespmem:s7+$0x12630]  }
0x3cc: {  	v29 =	vsub.f32 v61, v29;
	v0 =	vadd.f32 v1, v0;
	v1 =	vmul.f32 v16, v11;
	v11 =	vld [tilespmem:$0x1FB90]  }
0x3cd: {  	v27 =	vsub.f32 v60, v30;
	v3 =	vld [tilespmem:s7+$0x14630];
	v6 =	vadd.f32 v5, v6  }
0x3ce: {  	v30 =	vsub.f32 v58, v59;
	v26 =	vsub.f32 v62, v26;
	v5 =	vld [tilespmem:s7+$0x12610]  }
0x3cf: {  	v22 =	vsub.f32 v56, v57;
	v8 =	vadd.f32 v63, v6;
	v7 =	vld [tilespmem:s7+$0x14620]  }
0x3d0: {  	v9 =	vld [tilespmem:s7+$0x14610];
	v16 =	vsub.f32 v14, v41;
	v14 =	vsub.f32 v43, v31  }
0x3d1: {  	v6 =	vld [tilespmem:s7+$0x12600];
	v31 =	vsub.f32 v46, v32;
	v11 =	vadd.f32 v11, v8  }
0x3d2: {  	v17 =	vadd.f32 v1, v0;
	v1 =	vsub.f32 v42, v10;
	v8 =	vld [tilespmem:s7+$0x12270]  }
0x3d3: {  	s10 =	simm.s32 $0x200;
	v0 =	vsub.f32 v44, v45;
	v20 =	vadd.f32 v47, v11;
	v11 =	vld [tilespmem:s7+$0x12260]  }
.LBB2_9:
0x3d4: {  	p1 =	sne.s32 s10, $0x1E00;
	v32 =	vld [tilespmem:s7+$0x12220];
	v33 =	vsub.f32 v4, v7;
	v2 =	vsub.f32 v2, v3;
	v3 =	vmul.f32 v38, v38  }
0x3d5: {  	v39 =	vsub.f32 v5, v9;
	v5 =	vmul.f32 v36, v36;
	v4 =	vmul.f32 v37, v37;
	v38 =	vld [tilespmem:s7+$0x16200]  }
0x3d6: {  	v6 =	vsub.f32 v6, v28;
	v9 =	vmul.f32 v34, v34;
	v7 =	vmul.f32 v35, v35;
	v36 =	vld [tilespmem:s7+$0x14220]  }
0x3d7: {  	v8 =	vsub.f32 v8, v24;
	v13 =	vmul.f32 v1, v1;
	v10 =	vmul.f32 v16, v16;
	v34 =	vld [tilespmem:s7+$0x16210]  }
0x3d8: {  	v11 =	vsub.f32 v11, v25;
	v16 =	vmul.f32 v0, v0;
	v14 =	vmul.f32 v14, v14;
	v24 =	vld [tilespmem:s7+$0x12210]  }
0x3d9: {  	v12 =	vsub.f32 v12, v21;
	v22 =	vmul.f32 v22, v22;
	v21 =	vmul.f32 v31, v31;
	v35 =	vld [tilespmem:s7+$0x16220]  }
0x3da: {  	v28 =	vmul.f32 v27, v27;
	v27 =	vmul.f32 v30, v30;
	v25 =	vsub.f32 $0.0e+00, v38;
	v31 =	vld [tilespmem:s7+$0x14210]  }
0x3db: {  	v0 =	vmul.f32 v26, v26;
	v1 =	vmul.f32 v29, v29;
	v15 =	vsub.f32 v15, v23;
	v37 =	vld [tilespmem:s7+$0x16230]  }
0x3dc: {  	v30 =	vmul.f32 v2, v2;
	v29 =	vld [tilespmem:s7+$0x12200];
	v25 =	vmul.f32 $1.442695020e+00, v25;
	v40 =	vsub.f32 $0.0e+00, v34  }
0x3dd: {  	v23 =	vmul.f32 v39, v39;
	v26 =	vmul.f32 v33, v33;
	v2 =	vsub.f32 v18, v19;
	v18 =	vld [tilespmem:s7+$0x16240]  }
0x3de: {  	v19 =	vld [tilespmem:s7+$0x14200];
	v33 =	vmul.f32 $1.442695020e+00, v40;
	v39 =	vsub.f32 $0.0e+00, v35;
	(erf) = vpow2.f32 v25  }
0x3df: {  	v32 =	vsub.f32 v32, v36;
	v40 =	vmul.f32 v8, v8;
	v25 =	vmul.f32 v6, v6;
	v36 =	vld [tilespmem:s7+$0x16250]  }
0x3e0: {  	v8 =	vmul.f32 $1.442695020e+00, v39;
	v39 =	vsub.f32 $0.0e+00, v37;
	v41 =	vld [tilespmem:s7+$0x16260];
	(erf) = vpow2.f32 v33  }
0x3e1: {  	v24 =	vsub.f32 v24, v31;
	v31 =	vmul.f32 v12, v12;
	v33 =	vmul.f32 v11, v11;
	v6 =	vld [tilespmem:s7+$0x12E70]  }
0x3e2: {  	v11 =	vmul.f32 $1.442695020e+00, v39;
	v12 =	vsub.f32 $0.0e+00, v18;
	v39 =	vld [tilespmem:s7+$0x16270];
	(erf) = vpow2.f32 v8  }
0x3e3: {  	v2 =	vmul.f32 v2, v2;
	v19 =	vsub.f32 v29, v19;
	v29 =	vmul.f32 v15, v15;
	v8 =	vld [tilespmem:s7+$0x14E70]  }
0x3e4: {  	v12 =	vmul.f32 $1.442695020e+00, v12;
	v15 =	vsub.f32 $0.0e+00, v36;
	v42 =	vld [tilespmem:s7+$0x16600];
	(erf) = vpow2.f32 v11  }
0x3e5: {  	v32 =	vmul.f32 v32, v32;
	v19 =	vmul.f32 v19, v19;
	v43 =	vsub.f32 $0.0e+00, v41;
	v11 =	vld [tilespmem:s7+$0x12E60]  }
0x3e6: {  	v15 =	vmul.f32 $1.442695020e+00, v15;
	v44 =	vld [tilespmem:s7+$0x16610];
	(erf) = vpow2.f32 v12  }
0x3e7: {  	v24 =	vmul.f32 v24, v24;
	v43 =	vmul.f32 $1.442695020e+00, v43;
	v45 =	vsub.f32 $0.0e+00, v39;
	v12 =	vld [tilespmem:s7+$0x14E60];
	v46 =	vpop (erf)  }
0x3e8: {  	v19 =	vmul.f32 v46, v19;
	v46 =	vld [tilespmem:s7+$0x16620];
	(erf) = vpow2.f32 v15  }
0x3e9: {  	v45 =	vmul.f32 $1.442695020e+00, v45;
	v47 =	vsub.f32 $0.0e+00, v42;
	v15 =	vld [tilespmem:s7+$0x12E50];
	v48 =	vpop (erf);
	(erf) = vpow2.f32 v43  }
0x3ea: {  	v20 =	vadd.f32 v38, v20;
	v19 =	vadd.f32 v19, v17;
	v24 =	vmul.f32 v48, v24;
	v38 =	vld [tilespmem:s7+$0x16630]  }
0x3eb: {  	v43 =	vmul.f32 $1.442695020e+00, v47;
	v47 =	vsub.f32 $0.0e+00, v44;
	v17 =	vld [tilespmem:s7+$0x14E50];
	v48 =	vpop (erf);
	(erf) = vpow2.f32 v45  }
0x3ec: {  	v19 =	vadd.f32 v24, v19;
	v24 =	vadd.f32 v34, v20;
	v32 =	vmul.f32 v48, v32;
	v34 =	vld [tilespmem:s7+$0x16640]  }
0x3ed: {  	v45 =	vmul.f32 $1.442695020e+00, v47;
	v47 =	vsub.f32 $0.0e+00, v46;
	v20 =	vld [tilespmem:s7+$0x12E40];
	v48 =	vpop (erf);
	(erf) = vpow2.f32 v43  }
0x3ee: {  	v19 =	vadd.f32 v32, v19;
	v32 =	vadd.f32 v35, v24;
	v2 =	vmul.f32 v48, v2;
	v35 =	vld [tilespmem:s7+$0x16650]  }
0x3ef: {  	v49 =	vmul.f32 $1.442695020e+00, v47;
	v47 =	vsub.f32 $0.0e+00, v38;
	v24 =	vld [tilespmem:s7+$0x14E40];
	v48 =	vpop (erf);
	(erf) = vpow2.f32 v45  }
0x3f0: {  	v2 =	vadd.f32 v2, v19;
	v19 =	vadd.f32 v37, v32;
	v32 =	vmul.f32 v48, v29;
	v37 =	vld [tilespmem:s7+$0x16660]  }
0x3f1: {  	v45 =	vmul.f32 $1.442695020e+00, v47;
	v47 =	vsub.f32 $0.0e+00, v34;
	v29 =	vld [tilespmem:s7+$0x12E30];
	v48 =	vpop (erf);
	(erf) = vpow2.f32 v49  }
0x3f2: {  	s9 =	sadd.s32 $0x80, s9;
	v32 =	vadd.f32 v32, v2;
	v18 =	vadd.f32 v18, v19;
	v19 =	vmul.f32 v48, v31;
	v31 =	vld [tilespmem:s7+$0x16670];
	v43 =	vpop (erf)  }
0x3f3: {  	s11 =	sand.u32 $0x1000, s10;
	s12 =	sand.u32 $0x380, s9;
	v47 =	vmul.f32 $1.442695020e+00, v47;
	v48 =	vsub.f32 $0.0e+00, v35;
	v2 =	vld [tilespmem:s7+$0x14E30];
	(erf) = vpow2.f32 v45  }
0x3f4: {  	s11 =	sor.u32 s12, s11;
	v33 =	vmul.f32 v43, v33;
	v19 =	vadd.f32 v19, v32;
	v32 =	vadd.f32 v36, v18;
	v36 =	vld [tilespmem:s7+$0x16A00];
	v43 =	vpop (erf)  }
0x3f5: {  	v18 =	vld [tilespmem:s11+$0x12E20];
	v45 =	vmul.f32 $1.442695020e+00, v48;
	v48 =	vsub.f32 $0.0e+00, v37;
	(erf) = vpow2.f32 v47  }
0x3f6: {  	v40 =	vmul.f32 v43, v40;
	v33 =	vadd.f32 v33, v19;
	v32 =	vadd.f32 v41, v32;
	v41 =	vld [tilespmem:s7+$0x16A10];
	v43 =	vpop (erf)  }
0x3f7: {  	v19 =	vld [tilespmem:s11+$0x14E20];
	v47 =	vmul.f32 $1.442695020e+00, v48;
	v48 =	vsub.f32 $0.0e+00, v31;
	(erf) = vpow2.f32 v45  }
0x3f8: {  	v33 =	vadd.f32 v40, v33;
	v32 =	vadd.f32 v39, v32;
	v39 =	vmul.f32 v43, v25;
	v40 =	vld [tilespmem:s7+$0x16A20];
	v43 =	vpop (erf)  }
0x3f9: {  	v45 =	vmul.f32 $1.442695020e+00, v48;
	v48 =	vsub.f32 $0.0e+00, v36;
	v25 =	vld [tilespmem:s7+$0x16E70];
	(erf) = vpow2.f32 v47  }
0x3fa: {  	v33 =	vadd.f32 v39, v33;
	v32 =	vadd.f32 v42, v32;
	v39 =	vmul.f32 v43, v23;
	v42 =	vld [tilespmem:s7+$0x16A30];
	v43 =	vpop (erf)  }
0x3fb: {  	v23 =	vld [tilespmem:s11+$0x12E10];
	v47 =	vmul.f32 $1.442695020e+00, v48;
	v48 =	vsub.f32 $0.0e+00, v41;
	(erf) = vpow2.f32 v45  }
0x3fc: {  	v33 =	vadd.f32 v39, v33;
	v32 =	vadd.f32 v44, v32;
	v39 =	vmul.f32 v43, v26;
	v43 =	vld [tilespmem:s7+$0x16A40];
	v44 =	vpop (erf)  }
0x3fd: {  	v26 =	vld [tilespmem:s11+$0x14E10];
	v49 =	vmul.f32 $1.442695020e+00, v48;
	v48 =	vsub.f32 $0.0e+00, v40;
	(erf) = vpow2.f32 v47  }
0x3fe: {  	v33 =	vadd.f32 v39, v33;
	v32 =	vadd.f32 v46, v32;
	v39 =	vmul.f32 v44, v30;
	v44 =	vld [tilespmem:s7+$0x16A50];
	v46 =	vpop (erf)  }
0x3ff: {  	v47 =	vmul.f32 $1.442695020e+00, v48;
	v48 =	vsub.f32 $0.0e+00, v42;
	v30 =	vld [tilespmem:s7+$0x16E60];
	(erf) = vpow2.f32 v49  }
0x400: {  	v33 =	vadd.f32 v39, v33;
	v32 =	vadd.f32 v38, v32;
	v38 =	vmul.f32 v46, v0;
	v39 =	vld [tilespmem:s7+$0x16A60];
	v45 =	vpop (erf)  }
0x401: {  	v0 =	vld [tilespmem:s11+$0x12E00];
	v46 =	vmul.f32 $1.442695020e+00, v48;
	v48 =	vsub.f32 $0.0e+00, v43;
	(erf) = vpow2.f32 v47  }
0x402: {  	v33 =	vadd.f32 v38, v33;
	v32 =	vadd.f32 v34, v32;
	v34 =	vmul.f32 v45, v1;
	v38 =	vld [tilespmem:s7+$0x16A70];
	v45 =	vpop (erf)  }
0x403: {  	v1 =	vld [tilespmem:s11+$0x14E00];
	v47 =	vmul.f32 $1.442695020e+00, v48;
	v48 =	vsub.f32 $0.0e+00, v44;
	(erf) = vpow2.f32 v46  }
0x404: {  	v33 =	vadd.f32 v34, v33;
	v32 =	vadd.f32 v35, v32;
	v34 =	vmul.f32 v45, v28;
	v35 =	vld [tilespmem:s7+$0x16E00];
	v45 =	vpop (erf)  }
0x405: {  	v46 =	vmul.f32 $1.442695020e+00, v48;
	v48 =	vsub.f32 $0.0e+00, v39;
	v28 =	vld [tilespmem:s7+$0x16E50];
	(erf) = vpow2.f32 v47  }
0x406: {  	v33 =	vadd.f32 v34, v33;
	v32 =	vadd.f32 v37, v32;
	v34 =	vmul.f32 v45, v27;
	v37 =	vld [tilespmem:s7+$0x16E10];
	v45 =	vpop (erf)  }
0x407: {  	v27 =	vld [tilespmem:s11+$0x12A70];
	v47 =	vmul.f32 $1.442695020e+00, v48;
	v48 =	vsub.f32 $0.0e+00, v38;
	(erf) = vpow2.f32 v46  }
0x408: {  	v33 =	vadd.f32 v34, v33;
	v31 =	vadd.f32 v31, v32;
	v32 =	vmul.f32 v45, v22;
	v34 =	vld [tilespmem:s7+$0x16E20];
	v45 =	vpop (erf)  }
0x409: {  	v22 =	vld [tilespmem:s11+$0x14A70];
	v46 =	vmul.f32 $1.442695020e+00, v48;
	v48 =	vsub.f32 $0.0e+00, v35;
	(erf) = vpow2.f32 v47  }
0x40a: {  	v32 =	vadd.f32 v32, v33;
	v31 =	vadd.f32 v36, v31;
	v33 =	vmul.f32 v45, v21;
	v36 =	vld [tilespmem:s7+$0x16E30];
	v45 =	vpop (erf)  }
0x40b: {  	v47 =	vmul.f32 $1.442695020e+00, v48;
	v48 =	vsub.f32 $0.0e+00, v37;
	v49 =	vld [tilespmem:s7+$0x16E40];
	(erf) = vpow2.f32 v46;
	s7 =	smov.u32 s11  }
0x40c: {  	v21 =	vld [tilespmem:s7+$0x12A60];
	v32 =	vadd.f32 v33, v32;
	v33 =	vadd.f32 v41, v31;
	v41 =	vmul.f32 v45, v16;
	v45 =	vpop (erf)  }
0x40d: {  	v31 =	vld [tilespmem:s7+$0x14A60];
	v46 =	vmul.f32 $1.442695020e+00, v48;
	v48 =	vsub.f32 $0.0e+00, v34;
	(erf) = vpow2.f32 v47  }
0x40e: {  	v16 =	vld [tilespmem:s7+$0x12A50];
	v41 =	vadd.f32 v41, v32;
	v33 =	vadd.f32 v40, v33;
	v40 =	vmul.f32 v45, v14;
	v45 =	vpop (erf)  }
0x40f: {  	v14 =	vld [tilespmem:s7+$0x14A50];
	v47 =	vmul.f32 $1.442695020e+00, v48;
	v48 =	vsub.f32 $0.0e+00, v36;
	(erf) = vpow2.f32 v46  }
0x410: {  	v32 =	vld [tilespmem:s7+$0x12A40];
	v40 =	vadd.f32 v40, v41;
	v41 =	vadd.f32 v42, v33;
	v42 =	vmul.f32 v45, v13;
	v45 =	vpop (erf)  }
0x411: {  	v33 =	vld [tilespmem:s7+$0x14A40];
	v46 =	vmul.f32 $1.442695020e+00, v48;
	v48 =	vsub.f32 $0.0e+00, v49;
	(erf) = vpow2.f32 v47  }
0x412: {  	v50 =	vmul.f32 v45, v10;
	v13 =	vld [tilespmem:s7+$0x12A30];
	v40 =	vadd.f32 v42, v40;
	v41 =	vadd.f32 v43, v41;
	v43 =	vpop (erf)  }
0x413: {  	v47 =	vsub.f32 $0.0e+00, v28;
	v10 =	vld [tilespmem:s7+$0x14A30];
	v45 =	vmul.f32 $1.442695020e+00, v48;
	(erf) = vpow2.f32 v46  }
0x414: {  	v9 =	vmul.f32 v43, v9;
	v46 =	vld [tilespmem:s7+$0x12A20];
	v48 =	vadd.f32 v50, v40;
	v41 =	vadd.f32 v44, v41;
	v42 =	vpop (erf)  }
0x415: {  	v44 =	vmul.f32 $1.442695020e+00, v47;
	v47 =	vsub.f32 $0.0e+00, v30;
	v43 =	vld [tilespmem:s7+$0x14A20];
	(erf) = vpow2.f32 v45  }
0x416: {  	v7 =	vmul.f32 v42, v7;
	v45 =	vld [tilespmem:s7+$0x12A10];
	v9 =	vadd.f32 v9, v48;
	v39 =	vadd.f32 v39, v41;
	v40 =	vpop (erf)  }
0x417: {  	v42 =	vmul.f32 $1.442695020e+00, v47;
	v47 =	vsub.f32 $0.0e+00, v25;
	v41 =	vld [tilespmem:s7+$0x14A10];
	(erf) = vpow2.f32 v44  }
0x418: {  	v5 =	vmul.f32 v40, v5;
	v44 =	vld [tilespmem:s7+$0x12A00];
	v7 =	vadd.f32 v7, v9;
	v48 =	vadd.f32 v38, v39;
	v38 =	vpop (erf)  }
0x419: {  	v2 =	vsub.f32 v29, v2;
	v29 =	vmul.f32 $1.442695020e+00, v47;
	v39 =	vld [tilespmem:s7+$0x14A00];
	(erf) = vpow2.f32 v42  }
0x41a: {  	v4 =	vmul.f32 v38, v4;
	v40 =	vld [tilespmem:s7+$0x12670];
	v5 =	vadd.f32 v5, v7;
	v35 =	vadd.f32 v35, v48;
	v9 =	vpop (erf)  }
0x41b: {  	v20 =	vsub.f32 v20, v24;
	v2 =	vmul.f32 v2, v2;
	v42 =	vld [tilespmem:s7+$0x14670];
	(erf) = vpow2.f32 v29  }
0x41c: {  	v3 =	vmul.f32 v9, v3;
	v29 =	vld [tilespmem:s7+$0x12660];
	v4 =	vadd.f32 v4, v5;
	v24 =	vadd.f32 v37, v35;
	v7 =	vpop (erf)  }
0x41d: {  	v15 =	vsub.f32 v15, v17;
	v20 =	vmul.f32 v20, v20;
	v47 =	vld [tilespmem:s7+$0x14660]  }
0x41e: {  	v2 =	vmul.f32 v7, v2;
	v48 =	vld [tilespmem:s7+$0x12650];
	v3 =	vadd.f32 v3, v4;
	v4 =	vadd.f32 v34, v24;
	v5 =	vpop (erf)  }
0x41f: {  	v11 =	vsub.f32 v11, v12;
	v7 =	vmul.f32 v15, v15;
	v50 =	vld [tilespmem:s7+$0x14650]  }
0x420: {  	v5 =	vmul.f32 v5, v20;
	v51 =	vld [tilespmem:s7+$0x12640];
	v3 =	vadd.f32 v2, v3;
	v4 =	vadd.f32 v36, v4;
	v9 =	vpop (erf)  }
0x421: {  	v6 =	vsub.f32 v6, v8;
	v15 =	vmul.f32 v11, v11;
	v52 =	vld [tilespmem:s7+$0x14640]  }
0x422: {  	v7 =	vmul.f32 v9, v7;
	v2 =	vld [tilespmem:s7+$0x12630];
	v5 =	vadd.f32 v5, v3;
	v8 =	vadd.f32 v49, v4;
	v9 =	vpop (erf)  }
0x423: {  	v6 =	vmul.f32 v6, v6;
	v3 =	vld [tilespmem:s7+$0x14630]  }
0x424: {  	v9 =	vmul.f32 v9, v15;
	v4 =	vld [tilespmem:s7+$0x12620];
	v12 =	vadd.f32 v7, v5;
	v8 =	vadd.f32 v28, v8;
	v11 =	vpop (erf)  }
0x425: {  	v7 =	vld [tilespmem:s7+$0x14620]  }
0x426: {  	v11 =	vmul.f32 v11, v6;
	v5 =	vld [tilespmem:s7+$0x12610];
	v12 =	vadd.f32 v9, v12;
	v8 =	vadd.f32 v30, v8  }
0x427: {  	v9 =	vld [tilespmem:s7+$0x14610]  }
0x428: {  	v6 =	vld [tilespmem:s7+$0x12600];
	v17 =	vadd.f32 v11, v12;
	v20 =	vadd.f32 v25, v8  }
0x429: {  	v28 =	vld [tilespmem:s7+$0x14600]  }
0x42a: {  	v8 =	vld [tilespmem:s7+$0x12270]  }
0x42b: {  	v24 =	vld [tilespmem:s7+$0x14270]  }
0x42c: {  	v38 =	vsub.f32 v18, v19;
	v11 =	vld [tilespmem:s7+$0x12260]  }
0x42d: {  	v37 =	vsub.f32 v23, v26;
	v36 =	vsub.f32 v0, v1;
	v25 =	vld [tilespmem:s7+$0x14260]  }
0x42e: {  	v35 =	vsub.f32 v27, v22;
	v34 =	vsub.f32 v21, v31;
	v12 =	vld [tilespmem:s7+$0x12250]  }
.Ltmp5:
0x42f: {  	v16 =	vsub.f32 v16, v14;
	v1 =	vsub.f32 v32, v33;
	v21 =	vld [tilespmem:s7+$0x14250];
	(pc) =	sbr.rel @p1 .LBB2_9-.Ltmp5, $4  }
0x430: {  	v14 =	vsub.f32 v13, v10;
	v0 =	vsub.f32 v46, v43;
	v15 =	vld [tilespmem:s7+$0x12240]  }
0x431: {  	v22 =	vsub.f32 v44, v39;
	v31 =	vsub.f32 v45, v41;
	v23 =	vld [tilespmem:s7+$0x14240]  }
0x432: {  	v27 =	vsub.f32 v29, v47;
	v30 =	vsub.f32 v40, v42;
	v18 =	vld [tilespmem:s7+$0x12230]  }
0x433: {  	s10 =	sadd.s32 $0x200, s10;
	v29 =	vsub.f32 v48, v50;
	v26 =	vsub.f32 v51, v52;
	v19 =	vld [tilespmem:s7+$0x14230]  }
0x434: {  	v32 =	vld [tilespmem:s7+$0x12220];
	v33 =	vsub.f32 v4, v7;
	v39 =	vsub.f32 v2, v3;
	v3 =	vmul.f32 v38, v38  }
0x435: {  	v61 =	vld [tilespmem:s7+$0x16200];
	v40 =	vsub.f32 v5, v9;
	v5 =	vmul.f32 v36, v36;
	v4 =	vmul.f32 v37, v37  }
0x436: {  	v62 =	vld [tilespmem:s7+$0x14220];
	v28 =	vsub.f32 v6, v28;
	v7 =	vmul.f32 v34, v34;
	v6 =	vmul.f32 v35, v35  }
0x437: {  	v63 =	vld [tilespmem:s7+$0x16210];
	v24 =	vsub.f32 v8, v24;
	v9 =	vmul.f32 v1, v1;
	v8 =	vmul.f32 v16, v16  }
0x438: {  	v44 =	vld [tilespmem:s7+$0x12210];
	v25 =	vsub.f32 v11, v25;
	v1 =	vmul.f32 v0, v0;
	v0 =	vmul.f32 v14, v14  }
0x439: {  	v35 =	vld [tilespmem:s7+$0x16220];
	v21 =	vsub.f32 v12, v21;
	v10 =	vmul.f32 v22, v22;
	v2 =	vmul.f32 v31, v31  }
0x43a: {  	v46 =	vld [tilespmem:s7+$0x14210];
	v12 =	vmul.f32 v27, v27;
	v11 =	vmul.f32 v30, v30;
	v45 =	vsub.f32 $0.0e+00, v61  }
0x43b: {  	v27 =	vld [tilespmem:s7+$0x16230];
	v14 =	vmul.f32 v26, v26;
	v13 =	vmul.f32 v29, v29  }
0x43c: {  	v47 =	vld [tilespmem:s7+$0x12200];
	v23 =	vsub.f32 v15, v23;
	v48 =	vsub.f32 $0.0e+00, v63;
	v22 =	vmul.f32 $1.442695020e+00, v45  }
0x43d: {  	v15 =	vmul.f32 v39, v39;
	v30 =	vmul.f32 v40, v40;
	v18 =	vsub.f32 v18, v19;
	v19 =	vld [tilespmem:s7+$0x16240]  }
0x43e: {  	v49 =	vld [tilespmem:s7+$0x14200];
	v50 =	vsub.f32 $0.0e+00, v35;
	v29 =	vmul.f32 $1.442695020e+00, v48;
	(erf) = vpow2.f32 v22  }
0x43f: {  	v33 =	vmul.f32 v33, v33;
	v24 =	vmul.f32 v24, v24;
	v51 =	vsub.f32 v32, v62;
	v32 =	vld [tilespmem:s7+$0x16250]  }
0x440: {  	v40 =	vld [tilespmem:s7+$0x16260];
	v53 =	vsub.f32 $0.0e+00, v27;
	v52 =	vmul.f32 $1.442695020e+00, v50;
	(erf) = vpow2.f32 v29  }
0x441: {  	v37 =	vld [tilespmem:s7+$0x16600];
	v28 =	vmul.f32 v28, v28;
	v21 =	vmul.f32 v21, v21  }
0x442: {  	v39 =	vld [tilespmem:s7+$0x16270];
	v54 =	vmul.f32 $1.442695020e+00, v53;
	v55 =	vsub.f32 $0.0e+00, v19;
	(erf) = vpow2.f32 v52  }
0x443: {  	v25 =	vmul.f32 v25, v25;
	v23 =	vmul.f32 v23, v23;
	v26 =	vsub.f32 v47, v49  }
0x444: {  	v41 =	vld [tilespmem:s7+$0x16610];
	v56 =	vsub.f32 $0.0e+00, v32;
	v31 =	vmul.f32 $1.442695020e+00, v55;
	(erf) = vpow2.f32 v54  }
0x445: {  	v16 =	vsub.f32 v44, v46;
	v26 =	vmul.f32 v26, v26;
	v57 =	vsub.f32 $0.0e+00, v40  }
0x446: {  	v59 =	vsub.f32 $0.0e+00, v37;
	v36 =	vmul.f32 $1.442695020e+00, v56;
	(erf) = vpow2.f32 v31  }
0x447: {  	v16 =	vmul.f32 v16, v16;
	v58 =	vsub.f32 $0.0e+00, v39;
	v29 =	vmul.f32 $1.442695020e+00, v57;
	v42 =	vpop (erf)  }
0x448: {  	v20 =	vadd.f32 v61, v20;
	(erf) = vpow2.f32 v36;
	v26 =	vmul.f32 v42, v26  }
0x449: {  	v61 =	vsub.f32 $0.0e+00, v41;
	v22 =	vmul.f32 v51, v51;
	v31 =	vmul.f32 $1.442695020e+00, v58;
	v42 =	vld [tilespmem:s7+$0x16620];
	v43 =	vpop (erf)  }
0x44a: {  	(erf) = vpow2.f32 v29;
	v16 =	vmul.f32 v43, v16;
	v17 =	vadd.f32 v26, v17;
	v26 =	vld [tilespmem:s7+$0x16630]  }
0x44b: {  	v60 =	vmul.f32 $1.442695020e+00, v59;
	v63 =	vadd.f32 v63, v20;
	v62 =	vpop (erf);
	(erf) = vpow2.f32 v31  }
0x44c: {  	v18 =	vmul.f32 v18, v18;
	v43 =	vmul.f32 v62, v22;
	v22 =	vld [tilespmem:s7+$0x16640];
	v16 =	vadd.f32 v16, v17  }
0x44d: {  	v44 =	vmul.f32 $1.442695020e+00, v61;
	v46 =	vpop (erf);
	(erf) = vpow2.f32 v60;
	v17 =	vadd.f32 v35, v63  }
0x44e: {  	v20 =	vld [tilespmem:s7+$0x16650];
	v18 =	vmul.f32 v46, v18;
	v45 =	vsub.f32 $0.0e+00, v42;
	v16 =	vadd.f32 v43, v16  }
0x44f: {  	v49 =	vpop (erf);
	(erf) = vpow2.f32 v44;
	v17 =	vadd.f32 v27, v17;
	v48 =	vsub.f32 $0.0e+00, v26  }
0x450: {  	v50 =	vmul.f32 v49, v23;
	v23 =	vld [tilespmem:s7+$0x16660];
	v47 =	vmul.f32 $1.442695020e+00, v45;
	v16 =	vadd.f32 v18, v16  }
0x451: {  	v52 =	vsub.f32 $0.0e+00, v22;
	v53 =	vpop (erf);
	v17 =	vadd.f32 v19, v17;
	v51 =	vmul.f32 $1.442695020e+00, v48  }
0x452: {  	v19 =	vld [tilespmem:s7+$0x16670];
	(erf) = vpow2.f32 v47;
	v54 =	vmul.f32 v53, v21;
	v16 =	vadd.f32 v50, v16  }
0x453: {  	v57 =	vsub.f32 $0.0e+00, v20;
	v55 =	vpop (erf);
	v56 =	vmul.f32 $1.442695020e+00, v52;
	v17 =	vadd.f32 v32, v17  }
0x454: {  	v21 =	vld [tilespmem:s7+$0x16A00];
	v58 =	vmul.f32 v55, v25;
	v59 =	vpop (erf);
	(erf) = vpow2.f32 v51;
	v16 =	vadd.f32 v54, v16  }
0x455: {  	v60 =	vmul.f32 $1.442695020e+00, v57;
	v61 =	vsub.f32 $0.0e+00, v23;
	v62 =	vmul.f32 v59, v24  }
0x456: {  	v24 =	vld [tilespmem:s7+$0x16A10];
	v63 =	vpop (erf);
	(erf) = vpow2.f32 v56;
	v17 =	vadd.f32 v40, v17;
	v16 =	vadd.f32 v58, v16  }
0x457: {  	v34 =	vmul.f32 $1.442695020e+00, v61;
	v36 =	vmul.f32 v63, v28;
	v35 =	vsub.f32 $0.0e+00, v19  }
0x458: {  	v38 =	vpop (erf);
	(erf) = vpow2.f32 v60;
	v17 =	vadd.f32 v39, v17;
	v16 =	vadd.f32 v62, v16  }
0x459: {  	v27 =	vld [tilespmem:s7+$0x16A30];
	v43 =	vmul.f32 v38, v30;
	v40 =	vsub.f32 $0.0e+00, v21;
	v39 =	vmul.f32 $1.442695020e+00, v35  }
0x45a: {  	v25 =	vld [tilespmem:s7+$0x16A20];
	(erf) = vpow2.f32 v34;
	v17 =	vadd.f32 v37, v17;
	v16 =	vadd.f32 v36, v16  }
0x45b: {  	v45 =	vmul.f32 $1.442695020e+00, v40;
	v46 =	vsub.f32 $0.0e+00, v24;
	v44 =	vpop (erf);
	(erf) = vpow2.f32 v39  }
0x45c: {  	v18 =	vld [tilespmem:s7+$0x16A50];
	v17 =	vadd.f32 v41, v17;
	v47 =	vmul.f32 v44, v33;
	v16 =	vadd.f32 v43, v16  }
0x45d: {  	v31 =	vmul.f32 $1.442695020e+00, v46;
	v48 =	vpop (erf);
	(erf) = vpow2.f32 v45  }
0x45e: {  	v28 =	vld [tilespmem:s7+$0x16A40];
	v17 =	vadd.f32 v42, v17;
	v15 =	vmul.f32 v48, v15;
	v16 =	vadd.f32 v47, v16  }
0x45f: {  	v52 =	vsub.f32 $0.0e+00, v27;
	v49 =	vsub.f32 $0.0e+00, v25;
	v50 =	vpop (erf);
	(erf) = vpow2.f32 v31  }
0x460: {  	v53 =	vadd.f32 v26, v17;
	v14 =	vmul.f32 v50, v14;
	v17 =	vld [tilespmem:s7+$0x16A60];
	v15 =	vadd.f32 v15, v16  }
0x461: {  	v55 =	vmul.f32 $1.442695020e+00, v52;
	v60 =	vsub.f32 $0.0e+00, v18;
	v51 =	vmul.f32 $1.442695020e+00, v49;
	v54 =	vpop (erf)  }
0x462: {  	v13 =	vmul.f32 v54, v13;
	v57 =	vadd.f32 v22, v53;
	v14 =	vadd.f32 v14, v15  }
0x463: {  	v63 =	vmul.f32 $1.442695020e+00, v60;
	v56 =	vsub.f32 $0.0e+00, v28;
	(erf) = vpow2.f32 v51;
	v58 =	vpop (erf);
	v16 =	vld [tilespmem:s7+$0x16A70]  }
0x464: {  	v12 =	vmul.f32 v58, v12;
	v61 =	vadd.f32 v20, v57;
	v15 =	vld [tilespmem:s7+$0x16E00];
	v13 =	vadd.f32 v13, v14  }
0x465: {  	v59 =	vmul.f32 $1.442695020e+00, v56;
	(erf) = vpow2.f32 v55;
	v62 =	vpop (erf);
	v32 =	vsub.f32 $0.0e+00, v17  }
0x466: {  	v34 =	vld [tilespmem:s7+$0x16E10];
	v33 =	vadd.f32 v23, v61;
	v11 =	vmul.f32 v62, v11;
	v12 =	vadd.f32 v12, v13  }
0x467: {  	(erf) = vpow2.f32 v59;
	v35 =	vpop (erf);
	v36 =	vmul.f32 $1.442695020e+00, v32  }
0x468: {  	v38 =	vadd.f32 v19, v33;
	v10 =	vmul.f32 v35, v10;
	v11 =	vadd.f32 v11, v12  }
0x469: {  	v39 =	vld [tilespmem:s7+$0x16E20];
	v37 =	vsub.f32 $0.0e+00, v16;
	(erf) = vpow2.f32 v63;
	v40 =	vpop (erf);
	v42 =	vsub.f32 $0.0e+00, v15  }
0x46a: {  	v2 =	vmul.f32 v40, v2;
	v10 =	vadd.f32 v10, v11;
	v11 =	vadd.f32 v21, v38  }
0x46b: {  	v46 =	vsub.f32 $0.0e+00, v34;
	v43 =	vld [tilespmem:s7+$0x16E30];
	v41 =	vmul.f32 $1.442695020e+00, v37;
	(erf) = vpow2.f32 v36  }
0x46c: {  	v44 =	vpop (erf);
	v45 =	vmul.f32 $1.442695020e+00, v42;
	v2 =	vadd.f32 v2, v10;
	v10 =	vadd.f32 v24, v11  }
0x46d: {  	v47 =	vld [tilespmem:s7+$0x16E40];
	v1 =	vmul.f32 v44, v1;
	(erf) = vpow2.f32 v41  }
0x46e: {  	v48 =	vmul.f32 $1.442695020e+00, v46;
	v49 =	vsub.f32 $0.0e+00, v39;
	v11 =	vpop (erf);
	(erf) = vpow2.f32 v45  }
0x46f: {  	v50 =	vld [tilespmem:s7+$0x16E50];
	v1 =	vadd.f32 v1, v2;
	v2 =	vadd.f32 v25, v10;
	v0 =	vmul.f32 v11, v0  }
0x470: {  	v51 =	vsub.f32 $0.0e+00, v43;
	v11 =	vmul.f32 $1.442695020e+00, v49;
	v10 =	vpop (erf);
	(erf) = vpow2.f32 v48  }
0x471: {  	v52 =	vld [tilespmem:s7+$0x16E60];
	v0 =	vadd.f32 v0, v1;
	v1 =	vadd.f32 v27, v2;
	v2 =	vmul.f32 v10, v9  }
0x472: {  	v53 =	vsub.f32 $0.0e+00, v47;
	v9 =	vpop (erf);
	v10 =	vmul.f32 $1.442695020e+00, v51;
	(erf) = vpow2.f32 v11  }
0x473: {  	v11 =	vld [tilespmem:s7+$0x16E70];
	v0 =	vadd.f32 v2, v0;
	v1 =	vadd.f32 v28, v1;
	v2 =	vmul.f32 v9, v8  }
0x474: {  	v54 =	vsub.f32 $0.0e+00, v50;
	v22 =	vmul.f32 $1.442695020e+00, v53;
	v8 =	vld [tilespmem:s7+$0x12E30];
	v9 =	vpop (erf);
	(erf) = vpow2.f32 v10  }
0x475: {  	v10 =	vld [tilespmem:s7+$0x14E30];
	v0 =	vadd.f32 v2, v0;
	v1 =	vadd.f32 v18, v1;
	v2 =	vmul.f32 v9, v7  }
0x476: {  	v55 =	vld [tilespmem:s7+$0x12E40];
	v57 =	vsub.f32 $0.0e+00, v52;
	v56 =	vmul.f32 $1.442695020e+00, v54;
	v9 =	vpop (erf);
	(erf) = vpow2.f32 v22  }
0x477: {  	v58 =	vld [tilespmem:s7+$0x14E40];
	v0 =	vadd.f32 v2, v0;
	v1 =	vadd.f32 v17, v1;
	v2 =	vmul.f32 v9, v6  }
0x478: {  	v59 =	vld [tilespmem:s7+$0x12E50];
	v60 =	vmul.f32 $1.442695020e+00, v57;
	v61 =	vsub.f32 $0.0e+00, v11;
	v9 =	vpop (erf);
	(erf) = vpow2.f32 v56  }
0x479: {  	v62 =	vld [tilespmem:s7+$0x14E50];
	v0 =	vadd.f32 v2, v0;
	v1 =	vadd.f32 v16, v1;
	v2 =	vmul.f32 v9, v5  }
0x47a: {  	v63 =	vld [tilespmem:s7+$0x14E60];
	v8 =	vsub.f32 v8, v10;
	v10 =	vmul.f32 $1.442695020e+00, v61;
	v9 =	vpop (erf);
	(erf) = vpow2.f32 v60  }
0x47b: {  	v5 =	vld [tilespmem:s7+$0x12E60];
	v0 =	vadd.f32 v2, v0;
	v1 =	vadd.f32 v15, v1;
	v2 =	vmul.f32 v9, v4  }
0x47c: {  	v7 =	vsub.f32 v55, v58;
	v8 =	vmul.f32 v8, v8;
	v4 =	vld [tilespmem:s7+$0x12E70];
	v9 =	vpop (erf);
	(erf) = vpow2.f32 v10  }
0x47d: {  	v10 =	vld [tilespmem:s7+$0x14E70];
	v0 =	vadd.f32 v2, v0;
	v1 =	vadd.f32 v34, v1;
	v2 =	vmul.f32 v9, v3  }
0x47e: {  	v7 =	vmul.f32 v7, v7;
	v6 =	vsub.f32 v59, v62;
	v3 =	vpop (erf)  }
0x47f: {  	v0 =	vadd.f32 v2, v0;
	v1 =	vadd.f32 v39, v1;
	v2 =	vmul.f32 v3, v8  }
0x480: {  	v6 =	vmul.f32 v6, v6;
	v5 =	vsub.f32 v5, v63;
	v3 =	vpop (erf)  }
0x481: {  	v0 =	vadd.f32 v2, v0;
	v1 =	vadd.f32 v43, v1;
	v2 =	vmul.f32 v3, v7  }
0x482: {  	v5 =	vmul.f32 v5, v5;
	v4 =	vsub.f32 v4, v10;
	v3 =	vpop (erf)  }
0x483: {  	v0 =	vadd.f32 v2, v0;
	v1 =	vadd.f32 v47, v1;
	v2 =	vmul.f32 v3, v6  }
0x484: {  	v4 =	vmul.f32 v4, v4;
	v3 =	vpop (erf)  }
0x485: {  	v0 =	vadd.f32 v2, v0;
	v1 =	vadd.f32 v50, v1;
	v2 =	vmul.f32 v3, v5  }
.Ltmp6:
0x486: {  	v3 =	vpop (erf);
	(pc) =	sbr.rel @p0 .LBB2_12-.Ltmp6, $2  }
0x487: {  	v0 =	vadd.f32 v2, v0;
	v1 =	vadd.f32 v52, v1;
	v2 =	vmul.f32 v3, v4;
	_ =	sdelay $0x1  }
0x488: {  	v9 =	vadd.f32 v2, v0;
	v3 =	vadd.f32 v11, v1;
	_ =	sdelay $0x1  }
0x489: {  	v0 =	vld [tilespmem:s22+$0x70];
	_ =	sdelay $0x4  }
0x48a: {  	v1 =	vshll.u32 v0, $0x2  }
0x48b: {  	v0 =	vand.u32 $0x7, v0;
	v1 =	vand.u32 $0xFFFFFFE0, v1  }
0x48c: {  	v0 =	vor.u32 v0, v1;
	v1 =	vld [tilespmem:$0x1FFD0];
	_ =	sdelay $0x1  }
0x48d: {  	v2 =	vld [tilespmem:$0x1FFE0];
	_ =	sdelay $0x1  }
0x48e: {  	v4 =	vld [tilespmem:$0x1FFF0]  }
0x48f: {  	v1 =	vperm.xlane v0, v1;
	_ =	sdelay $0x1  }
0x490: {  	v1 =	vadd.s32 v2, v1;
	_ =	sdelay $0x1  }
0x491: {  	v0 =	vperm.xlane v0, v4;
	_ =	sdelay $0x1  }
0x492: {  	v0 =	vadd.s32 v2, v0  }
0x493: {  	[tilespmem:s25], [sflag:$0x4] =	stream.indirect_vreg.gather [hbm4b:s3+s5], $0x80, v1, vm0, $0xb8;
	[tilespmem:$0x18280] =	vst v63  }
0x494: {  	_ = 	snop  }
0x495: {  	[tilespmem:s26], [sflag:$0x4] =	stream.indirect_vreg.gather [hbm4b:s8+s5], $0x80, v1, vm0, $0xb8;
	[tilespmem:$0x18280] =	vst v63  }
0x496: {  	s7 =	sadd.s32 $0x70, s22  }
0x497: {  	[tilespmem:s28], [sflag:$0x4] =	stream.indirect_vreg.gather [hbm4b:s3+s5], $0x80, v0, vm0, $0xb8;
	[tilespmem:$0x18280] =	vst v63  }
0x498: {  	s7 =	sadd.s32 s6, s7  }
0x499: {  	[tilespmem:s29], [sflag:$0x4] =	stream.indirect_vreg.gather [hbm4b:s8+s5], $0x80, v0, vm0, $0xb8;
	[tilespmem:$0x18280] =	vst v63  }
.Ltmp7:
0x49a: {  	s7 =	sshll.u32 s7, $0x6;
	(pc) =	sbr.rel .LBB2_2-.Ltmp7, $4  }
0x49b: {  	s9 =	sadd.s32 s1, s7  }
0x49c: {  	[tilespmem:s30], [sflag:$0x4] =	stream.linear.gather [hbm4b:s9+s5], $0x2000, $0x38;
	[tilespmem:$0x18280] =	vst v63  }
0x49d: {  	s24 =	sadd.s32 $0x1, s24;
	s7 =	sadd.s32 s2, s7  }
0x49e: {  	[tilespmem:s31], [sflag:$0x4] =	stream.linear.gather [hbm4b:s7+s5], $0x2000, $0x38;
	[tilespmem:$0x18280] =	vst v63  }
.LBB2_13:
0x49f: {  	_ =	sfence.sel $0x180000  }
0x4a0: {  	[bflag:$0x0] =	sbarrier.arrive $0xFFFF  }
0x4a1: {  	_ =	strace $0x90000047  }
0x4a2: {  	s0 =	stileid.u32;
	[bflag:$0x2] =	sbarrier.arrive $0xFFFF  }
0x4a3: {  	p0 =	sne.s32 s0, $0x0;
	s0 =	rddreg [dreg:$0x5]  }
0x4a4: {  	s0 =	sadd.s32 @!p0 $0x100000, s0  }
0x4a5: {  	[sflag:s0] =	ssyncadd.tile.s32 @!p0 $0x1;
	_ =	shalt  }
.Lfunc_end2:
_tile_overlayer_lowered:
.L_overlay_start_2:
0x4a6: {  	(tag) =	ssettag $0x2  }
0x4a7: {  	s0 =	rddreg [dreg:$0x0];
	s2 =	stileid.u32  }
0x4a8: {  	s1 =	rddreg [dreg:$0x1];
	p0 =	sne.s32 s2, $0x0  }
0x4a9: {  	s3 =	rddreg [dreg:$0x2];
	[bflag:$0x3] =	sbarrier.arrive $0xFFFF;
	s2 =	simm.s32 @!p0 $0x1C05  }
0x4aa: {  	[timem:s3], [sflag:s2] =	dma.local @!p0 [hbm:s0], s1  }
0x4ab: {  	s0 =	simm.s32 @!p0 $0x5  }
0x4ac: {  	_ =	swait.ge @!p0 [sflag:s0], s1  }
0x4ad: {  	s1 =	ssub.s32 @!p0 $0x0, s1;
	[sflag:s0] =	ssyncset.done @!p0 $0x0  }
0x4ae: {  	[sflag:s0] =	ssyncadd.s32 @!p0 s1  }
0x4af: {  	[bflag:$0x3] =	sbarrier.arrive $0xFFFF  }
0x4b0: {  	_ =	shalt  }

</sc_bundles>
